<compile_context>
chip_gen: v7x
topology: tpu7x:2x2x1
jax: 0.10.2.dev20260603
libtpu: 0.0.44.dev20260713+nightly
codegen_flags: <defaults>
</compile_context>

<pallas_src>
import functools

import jax
import jax.numpy as jnp
from jax import lax
from jax.experimental import pallas as pl
from jax.experimental.pallas import tpu as pltpu
from jax.experimental.pallas import tpu_sc as plsc

N = 10000
D = 128
H = 128
R = 8
R9 = 9
C = 16
E = 320000

NC = 2
NS = 16
NW = NC * NS
EPT = E // NW
BLK = 80
NBLK = EPT // BLK
CHK = 2000
CBLK = CHK // BLK
NP = 10240
RPT = NP // NS

_f32 = jnp.float32
_i32 = jnp.int32


def _mesh():
    return plsc.VectorSubcoreMesh(core_axis_name="c", subcore_axis_name="s")


def _sc_count(dst, et, eye16, zn16):
    @functools.partial(
        pl.kernel,
        mesh=_mesh(),
        compiler_params=pltpu.CompilerParams(
            use_tc_tiling_on_sc=False, needs_layout_passes=False),
        out_type=jax.ShapeDtypeStruct((NC, NP, C), _f32),
        scratch_types=[
            pltpu.VMEM((EPT,), _i32),
            pltpu.VMEM((EPT,), _i32),
            pltpu.VMEM((BLK, C), _f32),
            pltpu.VMEM_SHARED((NP, C), _f32),
            pltpu.SemaphoreType.DMA,
            pltpu.SemaphoreType.DMA,
        ],
    )
    def k(dst_h, et_h, eye_h, z_h, cnt_h, dbuf, tbuf, bbuf, acc, sem, sem2):
        c = lax.axis_index("c")
        s = lax.axis_index("s")
        wid = c * NS + s
        base = wid * EPT
        rows0 = s * RPT
        pltpu.sync_copy(z_h.at[pl.ds(rows0, RPT)], acc.at[pl.ds(rows0, RPT)])
        pltpu.sync_copy(dst_h.at[pl.ds(base, EPT)], dbuf)
        pltpu.sync_copy(et_h.at[pl.ds(base, EPT)], tbuf)
        plsc.subcore_barrier()

        def blk(g, carry):
            off = pl.multiple_of(g * BLK, BLK)
            cps = []
            for k2 in range(BLK // 16):
                tv = tbuf[pl.ds(off + k2 * 16, 16)]
                cps.append(pltpu.async_copy(
                    eye_h.at[tv], bbuf.at[pl.ds(k2 * 16, 16)], sem))
            for cp in cps:
                cp.wait()
            cps = []
            for k2 in range(BLK // 16):
                dv = dbuf[pl.ds(off + k2 * 16, 16)]
                cps.append(pltpu.async_copy(
                    bbuf.at[pl.ds(k2 * 16, 16)], acc.at[dv], sem2, add=True))
            for cp in cps:
                cp.wait()
            return carry

        lax.fori_loop(0, NBLK, blk, 0)
        plsc.subcore_barrier()
        pltpu.sync_copy(acc.at[pl.ds(rows0, RPT)],
                        cnt_h.at[c].at[pl.ds(rows0, RPT)])

    return k(dst, et, eye16, zn16)


def _sc_edge1(src, dst, et, y1f, invc, zn128):
    @functools.partial(
        pl.kernel,
        mesh=_mesh(),
        compiler_params=pltpu.CompilerParams(
            use_tc_tiling_on_sc=False, needs_layout_passes=False),
        out_type=jax.ShapeDtypeStruct((NC, NP, H), _f32),
        scratch_types=[
            pltpu.VMEM((CHK,), _i32),
            pltpu.VMEM((CHK,), _i32),
            pltpu.VMEM((CHK,), _i32),
            pltpu.VMEM((BLK,), _i32),
            pltpu.VMEM((BLK,), _i32),
            pltpu.VMEM((BLK,), _f32),
            pltpu.VMEM((BLK, H), _f32),
            pltpu.VMEM((BLK,), _i32),
            pltpu.VMEM((BLK,), _i32),
            pltpu.VMEM((BLK,), _f32),
            pltpu.VMEM((BLK, H), _f32),
            pltpu.VMEM_SHARED((NP, H), _f32),
            pltpu.SemaphoreType.DMA,
            pltpu.SemaphoreType.DMA,
            pltpu.SemaphoreType.DMA,
        ],
    )
    def k(src_h, dst_h, et_h, y_h, ic_h, z_h, agg_h,
          sbuf, dbuf, tbuf, fsblk0, ciblk0, ublk0, ybuf0,
          fsblk1, ciblk1, ublk1, ybuf1, acc, semg0, semg1, sems):
        c = lax.axis_index("c")
        s = lax.axis_index("s")
        wid = c * NS + s
        base = wid * EPT
        rows0 = s * RPT
        pltpu.sync_copy(z_h.at[pl.ds(rows0, RPT)], acc.at[pl.ds(rows0, RPT)])
        plsc.subcore_barrier()

        bufs = ((fsblk0, ciblk0, ublk0, ybuf0, semg0),
                (fsblk1, ciblk1, ublk1, ybuf1, semg1))

        def fire(g, b):
            fsblk, ciblk, ublk, ybuf, semg = bufs[b]
            off = pl.multiple_of(g * BLK, BLK)
            for k2 in range(BLK // 16):
                o = off + k2 * 16
                tv = tbuf[pl.ds(o, 16)]
                fsblk[pl.ds(k2 * 16, 16)] = tv * N + sbuf[pl.ds(o, 16)]
                ciblk[pl.ds(k2 * 16, 16)] = dbuf[pl.ds(o, 16)] * C + tv
            pltpu.async_copy(y_h.at[fsblk], ybuf, semg)
            pltpu.async_copy(ic_h.at[ciblk], ublk, semg)

        def drain(g, b):
            fsblk, ciblk, ublk, ybuf, semg = bufs[b]
            off = pl.multiple_of(g * BLK, BLK)
            pltpu.make_async_copy(y_h.at[fsblk], ybuf, semg).wait()
            pltpu.make_async_copy(ic_h.at[ciblk], ublk, semg).wait()

            def srow(e4, carry2):
                for q in range(4):
                    e = e4 * 4 + q
                    uvec = plsc.load_gather(ublk, [jnp.full((16,), e, _i32)])
                    for j in range(H // 16):
                        ybuf[e, pl.ds(j * 16, 16)] = (
                            ybuf[e, pl.ds(j * 16, 16)] * uvec)
                return carry2

            lax.fori_loop(0, BLK // 4, srow, 0)
            cps = []
            for k2 in range(BLK // 16):
                dv = dbuf[pl.ds(off + k2 * 16, 16)]
                cps.append(pltpu.async_copy(
                    ybuf.at[pl.ds(k2 * 16, 16)], acc.at[dv], sems, add=True))
            for cp in cps:
                cp.wait()

        def chunk(ch, carry):
            cb = base + ch * CHK
            pltpu.sync_copy(src_h.at[pl.ds(cb, CHK)], sbuf)
            pltpu.sync_copy(dst_h.at[pl.ds(cb, CHK)], dbuf)
            pltpu.sync_copy(et_h.at[pl.ds(cb, CHK)], tbuf)
            fire(0, 0)

            def blk2(i, carry2):
                g = i * 2
                fire(g + 1, 1)
                drain(g, 0)
                fire(g + 2, 0)
                drain(g + 1, 1)
                return carry2

            lax.fori_loop(0, (CBLK - 1) // 2, blk2, 0)
            drain(CBLK - 1, 0)
            return carry

        lax.fori_loop(0, EPT // CHK, chunk, 0)
        plsc.subcore_barrier()
        pltpu.sync_copy(acc.at[pl.ds(rows0, RPT)],
                        agg_h.at[c].at[pl.ds(rows0, RPT)])

    return k(src, dst, et, y1f, invc, zn128)


NP8 = NP * R
RPT8 = NP8 // NS


def _sc_edge2(src, dst, et, y2f, z8):
    @functools.partial(
        pl.kernel,
        mesh=_mesh(),
        compiler_params=pltpu.CompilerParams(
            use_tc_tiling_on_sc=False, needs_layout_passes=False),
        out_type=jax.ShapeDtypeStruct((NC, NP8, C), _f32),
        scratch_types=[
            pltpu.VMEM((EPT,), _i32),
            pltpu.VMEM((EPT,), _i32),
            pltpu.VMEM((EPT,), _i32),
            pltpu.VMEM((BLK,), _i32),
            pltpu.VMEM((BLK, C), _f32),
            pltpu.VMEM((BLK,), _i32),
            pltpu.VMEM((BLK, C), _f32),
            pltpu.VMEM_SHARED((NP8, C), _f32),
            pltpu.SemaphoreType.DMA,
            pltpu.SemaphoreType.DMA,
            pltpu.SemaphoreType.DMA,
        ],
    )
    def k(src_h, dst_h, et_h, y_h, z_h, agg_h,
          sbuf, dbuf, tbuf, fsblk0, ybuf0, fsblk1, ybuf1, acc,
          semg0, semg1, sems):
        c = lax.axis_index("c")
        s = lax.axis_index("s")
        wid = c * NS + s
        base = wid * EPT
        rows0 = s * RPT8
        pltpu.sync_copy(z_h.at[pl.ds(rows0, RPT8)], acc.at[pl.ds(rows0, RPT8)])
        pltpu.sync_copy(src_h.at[pl.ds(base, EPT)], sbuf)
        pltpu.sync_copy(dst_h.at[pl.ds(base, EPT)], dbuf)
        pltpu.sync_copy(et_h.at[pl.ds(base, EPT)], tbuf)
        plsc.subcore_barrier()

        bufs = ((fsblk0, ybuf0, semg0), (fsblk1, ybuf1, semg1))

        def fire(g, b):
            fsblk, ybuf, semg = bufs[b]
            off = pl.multiple_of(g * BLK, BLK)
            for k2 in range(BLK // 16):
                o = off + k2 * 16
                fsblk[pl.ds(k2 * 16, 16)] = (
                    tbuf[pl.ds(o, 16)] * N + sbuf[pl.ds(o, 16)])
            return pltpu.async_copy(y_h.at[fsblk], ybuf, semg)

        def drain(g, b):
            fsblk, ybuf, semg = bufs[b]
            off = pl.multiple_of(g * BLK, BLK)
            pltpu.make_async_copy(y_h.at[fsblk], ybuf, semg).wait()
            cps = []
            for k2 in range(BLK // 16):
                o = off + k2 * 16
                dv = dbuf[pl.ds(o, 16)] * R + tbuf[pl.ds(o, 16)]
                cps.append(pltpu.async_copy(
                    ybuf.at[pl.ds(k2 * 16, 16)], acc.at[dv], sems, add=True))
            for cp in cps:
                cp.wait()

        fire(0, 0)

        def blk2(i, carry):
            g = i * 2
            fire(g + 1, 1)
            drain(g, 0)
            fire(g + 2, 0)
            drain(g + 1, 1)
            return carry

        lax.fori_loop(0, (NBLK - 1) // 2, blk2, 0)
        drain(NBLK - 1, 0)
        plsc.subcore_barrier()
        pltpu.sync_copy(acc.at[pl.ds(rows0, RPT8)],
                        agg_h.at[c].at[pl.ds(rows0, RPT8)])

    return k(src, dst, et, y2f, z8)


_BN = 1000


def _tc_invc(cnt):
    def body(c_ref, o_ref):
        tot = c_ref[0] + c_ref[1]
        o_ref[...] = 1.0 / jnp.maximum(tot, 1.0)

    return pl.pallas_call(
        body,
        grid=(10,),
        in_specs=[pl.BlockSpec((NC, N // 10, C), lambda i: (0, i, 0))],
        out_specs=pl.BlockSpec((N // 10, C), lambda i: (i, 0)),
        out_shape=jax.ShapeDtypeStruct((N, C), _f32),
    )(cnt)


def _tc_relmm(x, we, dout):
    def body(x_ref, w_ref, o_ref):
        o_ref[0] = jnp.dot(x_ref[...], w_ref[0],
                           preferred_element_type=_f32)

    return pl.pallas_call(
        body,
        grid=(R9, N // _BN),
        in_specs=[
            pl.BlockSpec((_BN, x.shape[1]), lambda r, i: (i, 0)),
            pl.BlockSpec((1, we.shape[1], dout), lambda r, i: (r, 0, 0)),
        ],
        out_specs=pl.BlockSpec((1, _BN, dout), lambda r, i: (r, i, 0)),
        out_shape=jax.ShapeDtypeStruct((R9, N, dout), _f32),
    )(x, we)


def _tc_mid(rt1, bias1, agg1, w2e):
    def body(rt_ref, b_ref, a_ref, w_ref, o_ref):
        h = rt_ref[...] + b_ref[0] + a_ref[0] + a_ref[1]
        h = jnp.maximum(h, 0.0)
        o_ref[0] = jnp.dot(h, w_ref[0], preferred_element_type=_f32)

    return pl.pallas_call(
        body,
        grid=(R9, N // _BN),
        in_specs=[
            pl.BlockSpec((_BN, H), lambda r, i: (i, 0)),
            pl.BlockSpec((1, H), lambda r, i: (0, 0)),
            pl.BlockSpec((NC, _BN, H), lambda r, i: (0, i, 0)),
            pl.BlockSpec((1, H, C), lambda r, i: (r, 0, 0)),
        ],
        out_specs=pl.BlockSpec((1, _BN, C), lambda r, i: (r, i, 0)),
        out_shape=jax.ShapeDtypeStruct((R9, N, C), _f32),
    )(rt1, bias1, agg1, w2e)


def _tc_fin(rt2, bias2, agg2v, cnt):
    def body(rt_ref, b_ref, a_ref, c_ref, o_ref):
        tot = a_ref[0] + a_ref[1]
        inv = 1.0 / jnp.maximum(c_ref[0] + c_ref[1], 1.0)
        h = rt_ref[...] + b_ref[0]
        for r in range(R):
            h = h + tot[:, r * C:(r + 1) * C] * inv[:, r:r + 1]
        o_ref[...] = jax.nn.sigmoid(h)

    bn = N // 10
    return pl.pallas_call(
        body,
        grid=(10,),
        in_specs=[
            pl.BlockSpec((bn, C), lambda i: (i, 0)),
            pl.BlockSpec((1, C), lambda i: (0, 0)),
            pl.BlockSpec((NC, bn, R * C), lambda i: (0, i, 0)),
            pl.BlockSpec((NC, bn, C), lambda i: (0, i, 0)),
        ],
        out_specs=pl.BlockSpec((bn, C), lambda i: (i, 0)),
        out_shape=jax.ShapeDtypeStruct((N, C), _f32),
    )(rt2, bias2, agg2v, cnt)


def kernel(edge_index, edge_type, emb, w1, root1, bias1, w2, root2, bias2):
    src = edge_index[0].astype(_i32)
    dst = edge_index[1].astype(_i32)
    et = edge_type.astype(_i32)
    w1e = jnp.concatenate([w1, root1[None]], axis=0)
    w2e = jnp.concatenate([w2, root2[None]], axis=0)
    zn16 = jnp.zeros((NP, C), _f32)
    zn128 = jnp.zeros((NP, H), _f32)

    eye16 = jnp.eye(C, dtype=_f32)
    cnt = _sc_count(dst, et, eye16, zn16)
    invc = _tc_invc(cnt)
    y1e = _tc_relmm(emb, w1e, H)
    y1f = y1e.reshape(R9 * N, H)
    icf = invc.reshape(-1)
    agg1 = _sc_edge1(src, dst, et, y1f, icf, zn128)
    y2e = _tc_mid(y1e[8], bias1.reshape(1, H), agg1, w2e)
    y2f = y2e.reshape(R9 * N, C)
    agg2 = _sc_edge2(src, dst, et, y2f, zn128.reshape(NP8, C))
    agg2v = agg2.reshape(NC, NP, R * C)
    return _tc_fin(y2e[8], bias2.reshape(1, C), agg2v, cnt)

# --- scband reference (transcript-rebuilt; emitter-appended) ---
"""Pipeline reference for scband-rgcnmodel-87454124081943 (READ-ONLY COPY).

The authoritative reference and input builder live on the scoring server;
editing this copy changes nothing except your own understanding.
"""

import jax, jax.numpy as jnp
import numpy as np

NUM_NODES = 10000
EMB_DIM = 128
HIDDEN = 128
NUM_RELS = 8
NUM_CLASSES = 16
NUM_EDGES = 320000


def setup_inputs(seed: int = 0):
    key = jax.random.key(seed)
    ks = jax.random.split(key, 9)
    edge_index = jax.random.randint(ks[0], (2, NUM_EDGES), 0, NUM_NODES)
    edge_type = jax.random.randint(ks[1], (NUM_EDGES,), 0, NUM_RELS)
    emb = jax.random.normal(ks[2], (NUM_NODES, EMB_DIM), dtype=jnp.float32)
    # kaiming_uniform_(mode='fan_out', nonlinearity='relu'): bound = sqrt(2) * sqrt(3 / fan_out)
    b1 = float(np.sqrt(2.0) * np.sqrt(3.0 / HIDDEN))
    b2 = float(np.sqrt(2.0) * np.sqrt(3.0 / NUM_CLASSES))
    w1 = jax.random.uniform(ks[3], (NUM_RELS, EMB_DIM, HIDDEN), minval=-b1, maxval=b1, dtype=jnp.float32)
    root1 = jax.random.uniform(ks[4], (EMB_DIM, HIDDEN), minval=-b1, maxval=b1, dtype=jnp.float32)
    bias1 = jnp.zeros((HIDDEN,), dtype=jnp.float32)
    w2 = jax.random.uniform(ks[5], (NUM_RELS, HIDDEN, NUM_CLASSES), minval=-b2, maxval=b2, dtype=jnp.float32)
    root2 = jax.random.uniform(ks[6], (HIDDEN, NUM_CLASSES), minval=-b2, maxval=b2, dtype=jnp.float32)
    bias2 = jnp.zeros((NUM_CLASSES,), dtype=jnp.float32)
    return {"edge_index": edge_index, "edge_type": edge_type, "emb": emb,
            "w1": w1, "root1": root1, "bias1": bias1,
            "w2": w2, "root2": root2, "bias2": bias2}


def _rgcn_layer(x, edge_index, edge_type, weight, root, bias):
    # Faithful to PyG RGCNConv (num_bases=None): per-relation mean aggregation
    # of source features over destination nodes, then per-relation linear map,
    # plus root transform and bias.
    src = edge_index[0]
    dst = edge_index[1]
    n = x.shape[0]
    xs = x[src]  # gather: [E, d]
    out = x @ root + bias
    for r in range(weight.shape[0]):
        m = (edge_type == r).astype(x.dtype)  # [E]
        s = jax.ops.segment_sum(xs * m[:, None], dst, num_segments=n)  # scatter-add
        c = jax.ops.segment_sum(m, dst, num_segments=n)
        h = s / jnp.maximum(c, 1.0)[:, None]  # mean aggregation
        out = out + h @ weight[r]
    return out


def reference(edge_index, edge_type, emb, w1, root1, bias1, w2, root2, bias2):
    x = _rgcn_layer(emb, edge_index, edge_type, w1, root1, bias1)
    x = jax.nn.relu(x)
    x = _rgcn_layer(x, edge_index, edge_type, w2, root2, bias2)
    x = jax.nn.sigmoid(x)
    return x

if __name__ == "__main__":
    import jax
    _d = setup_inputs()
    print(jax.jit(kernel)(*tuple(_d.values())))

</pallas_src>

<mosaic_0001>
#map = affine_map<(d0, d1) -> (0)>
#map1 = affine_map<(d0, d1) -> (0, 0)>
#map2 = affine_map<(d0, d1) -> (0, 0, 0)>
module attributes {stable_mosaic.version = 14 : i64} {
  func.func @k(%arg0: i32, %arg1: i32, %arg2: memref<320000xi32, #tpu.memory_space<hbm>>, %arg3: memref<320000xi32, #tpu.memory_space<hbm>>, %arg4: memref<320000xi32, #tpu.memory_space<hbm>>, %arg5: memref<90000x128xf32, #tpu.memory_space<hbm>>, %arg6: memref<160000xf32, #tpu.memory_space<hbm>>, %arg7: memref<10240x128xf32, #tpu.memory_space<hbm>>, %arg8: memref<2x10240x128xf32, #tpu.memory_space<hbm>>, %arg9: memref<2000xi32, #tpu.memory_space<vmem>>, %arg10: memref<2000xi32, #tpu.memory_space<vmem>>, %arg11: memref<2000xi32, #tpu.memory_space<vmem>>, %arg12: memref<80xi32, #tpu.memory_space<vmem>>, %arg13: memref<80xi32, #tpu.memory_space<vmem>>, %arg14: memref<80xf32, #tpu.memory_space<vmem>>, %arg15: memref<80x128xf32, #tpu.memory_space<vmem>>, %arg16: memref<80xi32, #tpu.memory_space<vmem>>, %arg17: memref<80xi32, #tpu.memory_space<vmem>>, %arg18: memref<80xf32, #tpu.memory_space<vmem>>, %arg19: memref<80x128xf32, #tpu.memory_space<vmem>>, %arg20: memref<10240x128xf32, #tpu.memory_space<vmem_shared>>, %arg21: memref<!tpu.dma_semaphore, #tpu.memory_space<semaphore_mem>>, %arg22: memref<!tpu.dma_semaphore, #tpu.memory_space<semaphore_mem>>, %arg23: memref<!tpu.dma_semaphore, #tpu.memory_space<semaphore_mem>>) attributes {dimension_semantics = [#tpu.dimension_semantics<core_parallel>, #tpu.dimension_semantics<subcore_parallel>], iteration_bounds = array<i64: 2, 16>, scalar_prefetch = 0 : i64, scratch_operands = 15 : i64, tpu.core_type = #tpu.core_type<sc_vector_subcore>, window_params = [{transform_indices = #map}, {transform_indices = #map}, {transform_indices = #map}, {transform_indices = #map1}, {transform_indices = #map}, {transform_indices = #map1}, {transform_indices = #map2}]} {
    %mul3A = arith.constant 16 : i32
    %mul3A_0 = arith.muli %arg0, %mul3A : i32
    %add3A = arith.addi %mul3A_0, %arg1 : i32
    %mul3A_1 = arith.constant 10000 : i32
    %mul3A_2 = arith.muli %add3A, %mul3A_1 : i32
    %mul3A_3 = arith.constant 640 : i32
    %mul3A_4 = arith.muli %arg1, %mul3A_3 : i32
    "tpu.region"() ({
      %run_scoped3A = tpu.sem_alloc : memref<!tpu.dma_semaphore, #tpu.memory_space<semaphore_mem>>
      %dma_start3A = arith.constant 0 : i32
      %dma_start3A_11 = tpu.memref_slice %arg20[%mul3A_4, %dma_start3A] : memref<10240x128xf32, #tpu.memory_space<vmem_shared>> -> memref<640x128xf32, #tpu.memory_space<vmem_shared>>
      %dma_start3A_12 = arith.constant 0 : i32
      %dma_start3A_13 = tpu.memref_slice %arg7[%mul3A_4, %dma_start3A_12] : memref<10240x128xf32, #tpu.memory_space<hbm>> -> memref<640x128xf32, #tpu.memory_space<hbm>>
      tpu.enqueue_dma source(%dma_start3A_13 : memref<640x128xf32, #tpu.memory_space<hbm>>) target(%dma_start3A_11 : memref<640x128xf32, #tpu.memory_space<vmem_shared>>) target_semaphore(%run_scoped3A : memref<!tpu.dma_semaphore, #tpu.memory_space<semaphore_mem>>)
      %dma_wait3A = arith.constant 0 : i32
      %dma_wait3A_14 = tpu.memref_slice %arg20[%mul3A_4, %dma_wait3A] : memref<10240x128xf32, #tpu.memory_space<vmem_shared>> -> memref<640x128xf32, #tpu.memory_space<vmem_shared>>
      %dma_wait3A_15 = arith.constant 0 : i32
      %dma_wait3A_16 = tpu.memref_slice %arg7[%mul3A_4, %dma_wait3A_15] : memref<10240x128xf32, #tpu.memory_space<hbm>> -> memref<640x128xf32, #tpu.memory_space<hbm>>
      tpu.wait_dma2 semaphore(%run_scoped3A : memref<!tpu.dma_semaphore, #tpu.memory_space<semaphore_mem>>) src(%dma_wait3A_16 : memref<640x128xf32, #tpu.memory_space<hbm>>) dst(%dma_wait3A_14 : memref<640x128xf32, #tpu.memory_space<vmem_shared>>)
      tpu.yield
    }) : () -> ()
    %barrier3A = arith.constant 0 : index
    tpu.barrier barrier_id(%barrier3A)
    %scan3A = arith.constant 0 : i32
    %scan3A_5 = arith.constant 0 : i32
    %scan3A_6 = arith.constant 5 : i32
    %scan3A_7 = arith.addi %scan3A_5, %scan3A_6 : i32
    %scan3A_8 = arith.constant 1 : i32
    scf.for %scan3A_11 = %scan3A_5 to %scan3A_7 step %scan3A_8  : i32 {
      %mul3A_12 = arith.constant 2000 : i32
      %mul3A_13 = arith.muli %scan3A_11, %mul3A_12 : i32
      %add3A_14 = arith.addi %mul3A_2, %mul3A_13 : i32
      "tpu.region"() ({
        %run_scoped3A = tpu.sem_alloc : memref<!tpu.dma_semaphore, #tpu.memory_space<semaphore_mem>>
        %dma_start3A_216 = tpu.memref_slice %arg2[%add3A_14] : memref<320000xi32, #tpu.memory_space<hbm>> -> memref<2000xi32, #tpu.memory_space<hbm>>
        %dma_start3A_217 = tpu.memref_slice %arg2[%add3A_14] : memref<320000xi32, #tpu.memory_space<hbm>> -> memref<2000xi32, #tpu.memory_space<hbm>>
        tpu.enqueue_dma source(%dma_start3A_217 : memref<2000xi32, #tpu.memory_space<hbm>>) target(%arg9 : memref<2000xi32, #tpu.memory_space<vmem>>) target_semaphore(%run_scoped3A : memref<!tpu.dma_semaphore, #tpu.memory_space<semaphore_mem>>)
        %dma_wait3A_218 = tpu.memref_slice %arg2[%add3A_14] : memref<320000xi32, #tpu.memory_space<hbm>> -> memref<2000xi32, #tpu.memory_space<hbm>>
        %dma_wait3A_219 = tpu.memref_slice %arg2[%add3A_14] : memref<320000xi32, #tpu.memory_space<hbm>> -> memref<2000xi32, #tpu.memory_space<hbm>>
        tpu.wait_dma2 semaphore(%run_scoped3A : memref<!tpu.dma_semaphore, #tpu.memory_space<semaphore_mem>>) src(%dma_wait3A_219 : memref<2000xi32, #tpu.memory_space<hbm>>) dst(%arg9 : memref<2000xi32, #tpu.memory_space<vmem>>)
        tpu.yield
      }) : () -> ()
      "tpu.region"() ({
        %run_scoped3A = tpu.sem_alloc : memref<!tpu.dma_semaphore, #tpu.memory_space<semaphore_mem>>
        %dma_start3A_216 = tpu.memref_slice %arg3[%add3A_14] : memref<320000xi32, #tpu.memory_space<hbm>> -> memref<2000xi32, #tpu.memory_space<hbm>>
        %dma_start3A_217 = tpu.memref_slice %arg3[%add3A_14] : memref<320000xi32, #tpu.memory_space<hbm>> -> memref<2000xi32, #tpu.memory_space<hbm>>
        tpu.enqueue_dma source(%dma_start3A_217 : memref<2000xi32, #tpu.memory_space<hbm>>) target(%arg10 : memref<2000xi32, #tpu.memory_space<vmem>>) target_semaphore(%run_scoped3A : memref<!tpu.dma_semaphore, #tpu.memory_space<semaphore_mem>>)
        %dma_wait3A_218 = tpu.memref_slice %arg3[%add3A_14] : memref<320000xi32, #tpu.memory_space<hbm>> -> memref<2000xi32, #tpu.memory_space<hbm>>
        %dma_wait3A_219 = tpu.memref_slice %arg3[%add3A_14] : memref<320000xi32, #tpu.memory_space<hbm>> -> memref<2000xi32, #tpu.memory_space<hbm>>
        tpu.wait_dma2 semaphore(%run_scoped3A : memref<!tpu.dma_semaphore, #tpu.memory_space<semaphore_mem>>) src(%dma_wait3A_219 : memref<2000xi32, #tpu.memory_space<hbm>>) dst(%arg10 : memref<2000xi32, #tpu.memory_space<vmem>>)
        tpu.yield
      }) : () -> ()
      "tpu.region"() ({
        %run_scoped3A = tpu.sem_alloc : memref<!tpu.dma_semaphore, #tpu.memory_space<semaphore_mem>>
        %dma_start3A_216 = tpu.memref_slice %arg4[%add3A_14] : memref<320000xi32, #tpu.memory_space<hbm>> -> memref<2000xi32, #tpu.memory_space<hbm>>
        %dma_start3A_217 = tpu.memref_slice %arg4[%add3A_14] : memref<320000xi32, #tpu.memory_space<hbm>> -> memref<2000xi32, #tpu.memory_space<hbm>>
        tpu.enqueue_dma source(%dma_start3A_217 : memref<2000xi32, #tpu.memory_space<hbm>>) target(%arg11 : memref<2000xi32, #tpu.memory_space<vmem>>) target_semaphore(%run_scoped3A : memref<!tpu.dma_semaphore, #tpu.memory_space<semaphore_mem>>)
        %dma_wait3A_218 = tpu.memref_slice %arg4[%add3A_14] : memref<320000xi32, #tpu.memory_space<hbm>> -> memref<2000xi32, #tpu.memory_space<hbm>>
        %dma_wait3A_219 = tpu.memref_slice %arg4[%add3A_14] : memref<320000xi32, #tpu.memory_space<hbm>> -> memref<2000xi32, #tpu.memory_space<hbm>>
        tpu.wait_dma2 semaphore(%run_scoped3A : memref<!tpu.dma_semaphore, #tpu.memory_space<semaphore_mem>>) src(%dma_wait3A_219 : memref<2000xi32, #tpu.memory_space<hbm>>) dst(%arg11 : memref<2000xi32, #tpu.memory_space<vmem>>)
        tpu.yield
      }) : () -> ()
      %multiple_of3A = arith.constant 0 : i32
      %multiple_of3A_15 = tpu.assume_multiple %multiple_of3A, 80 : i32
      %add3A_16 = arith.constant 0 : i32
      %add3A_17 = arith.addi %multiple_of3A_15, %add3A_16 : i32
      %get3A = arith.index_cast %add3A_17 : i32 to index
      %get3A_18 = tpu.vector_load %arg11[%get3A] {strides = array<i32>} : memref<2000xi32, #tpu.memory_space<vmem>>, vector<16xi32>,
      %mul3A_19 = arith.constant 10000 : i32
      %mul3A_20 = vector.broadcast %mul3A_19 : i32 to vector<16xi32>
      %mul3A_21 = arith.muli %get3A_18, %mul3A_20 : vector<16xi32>
      %get3A_22 = arith.index_cast %add3A_17 : i32 to index
      %get3A_23 = tpu.vector_load %arg9[%get3A_22] {strides = array<i32>} : memref<2000xi32, #tpu.memory_space<vmem>>, vector<16xi32>,
      %add3A_24 = arith.addi %mul3A_21, %get3A_23 : vector<16xi32>
      %swap3A = arith.constant 0 : index
      %swap3A_25 = tpu.vector_load %arg12[%swap3A] {strides = array<i32>} : memref<80xi32, #tpu.memory_space<vmem>>, vector<16xi32>,
      tpu.vector_store %arg12[%swap3A], %add3A_24 {strides = array<i32>} : memref<80xi32, #tpu.memory_space<vmem>>, vector<16xi32>,
      %get3A_26 = arith.index_cast %add3A_17 : i32 to index
      %get3A_27 = tpu.vector_load %arg10[%get3A_26] {strides = array<i32>} : memref<2000xi32, #tpu.memory_space<vmem>>, vector<16xi32>,
      %mul3A_28 = arith.constant 16 : i32
      %mul3A_29 = vector.broadcast %mul3A_28 : i32 to vector<16xi32>
      %mul3A_30 = arith.muli %get3A_27, %mul3A_29 : vector<16xi32>
      %add3A_31 = arith.addi %mul3A_30, %get3A_18 : vector<16xi32>
      %swap3A_32 = arith.constant 0 : index
      %swap3A_33 = tpu.vector_load %arg13[%swap3A_32] {strides = array<i32>} : memref<80xi32, #tpu.memory_space<vmem>>, vector<16xi32>,
      tpu.vector_store %arg13[%swap3A_32], %add3A_31 {strides = array<i32>} : memref<80xi32, #tpu.memory_space<vmem>>, vector<16xi32>,
      %add3A_34 = arith.constant 16 : i32
      %add3A_35 = arith.addi %multiple_of3A_15, %add3A_34 : i32
      %get3A_36 = arith.index_cast %add3A_35 : i32 to index
      %get3A_37 = tpu.vector_load %arg11[%get3A_36] {strides = array<i32>} : memref<2000xi32, #tpu.memory_space<vmem>>, vector<16xi32>,
      %mul3A_38 = arith.constant 10000 : i32
      %mul3A_39 = vector.broadcast %mul3A_38 : i32 to vector<16xi32>
      %mul3A_40 = arith.muli %get3A_37, %mul3A_39 : vector<16xi32>
      %get3A_41 = arith.index_cast %add3A_35 : i32 to index
      %get3A_42 = tpu.vector_load %arg9[%get3A_41] {strides = array<i32>} : memref<2000xi32, #tpu.memory_space<vmem>>, vector<16xi32>,
      %add3A_43 = arith.addi %mul3A_40, %get3A_42 : vector<16xi32>
      %swap3A_44 = arith.constant 16 : index
      %swap3A_45 = tpu.vector_load %arg12[%swap3A_44] {strides = array<i32>} : memref<80xi32, #tpu.memory_space<vmem>>, vector<16xi32>,
      tpu.vector_store %arg12[%swap3A_44], %add3A_43 {strides = array<i32>} : memref<80xi32, #tpu.memory_space<vmem>>, vector<16xi32>,
      %get3A_46 = arith.index_cast %add3A_35 : i32 to index
      %get3A_47 = tpu.vector_load %arg10[%get3A_46] {strides = array<i32>} : memref<2000xi32, #tpu.memory_space<vmem>>, vector<16xi32>,
      %mul3A_48 = arith.constant 16 : i32
      %mul3A_49 = vector.broadcast %mul3A_48 : i32 to vector<16xi32>
      %mul3A_50 = arith.muli %get3A_47, %mul3A_49 : vector<16xi32>
      %add3A_51 = arith.addi %mul3A_50, %get3A_37 : vector<16xi32>
      %swap3A_52 = arith.constant 16 : index
      %swap3A_53 = tpu.vector_load %arg13[%swap3A_52] {strides = array<i32>} : memref<80xi32, #tpu.memory_space<vmem>>, vector<16xi32>,
      tpu.vector_store %arg13[%swap3A_52], %add3A_51 {strides = array<i32>} : memref<80xi32, #tpu.memory_space<vmem>>, vector<16xi32>,
      %add3A_54 = arith.constant 32 : i32
      %add3A_55 = arith.addi %multiple_of3A_15, %add3A_54 : i32
      %get3A_56 = arith.index_cast %add3A_55 : i32 to index
      %get3A_57 = tpu.vector_load %arg11[%get3A_56] {strides = array<i32>} : memref<2000xi32, #tpu.memory_space<vmem>>, vector<16xi32>,
      %mul3A_58 = arith.constant 10000 : i32
      %mul3A_59 = vector.broadcast %mul3A_58 : i32 to vector<16xi32>
      %mul3A_60 = arith.muli %get3A_57, %mul3A_59 : vector<16xi32>
      %get3A_61 = arith.index_cast %add3A_55 : i32 to index
      %get3A_62 = tpu.vector_load %arg9[%get3A_61] {strides = array<i32>} : memref<2000xi32, #tpu.memory_space<vmem>>, vector<16xi32>,
      %add3A_63 = arith.addi %mul3A_60, %get3A_62 : vector<16xi32>
      %swap3A_64 = arith.constant 32 : index
      %swap3A_65 = tpu.vector_load %arg12[%swap3A_64] {strides = array<i32>} : memref<80xi32, #tpu.memory_space<vmem>>, vector<16xi32>,
      tpu.vector_store %arg12[%swap3A_64], %add3A_63 {strides = array<i32>} : memref<80xi32, #tpu.memory_space<vmem>>, vector<16xi32>,
      %get3A_66 = arith.index_cast %add3A_55 : i32 to index
      %get3A_67 = tpu.vector_load %arg10[%get3A_66] {strides = array<i32>} : memref<2000xi32, #tpu.memory_space<vmem>>, vector<16xi32>,
      %mul3A_68 = arith.constant 16 : i32
      %mul3A_69 = vector.broadcast %mul3A_68 : i32 to vector<16xi32>
      %mul3A_70 = arith.muli %get3A_67, %mul3A_69 : vector<16xi32>
      %add3A_71 = arith.addi %mul3A_70, %get3A_57 : vector<16xi32>
      %swap3A_72 = arith.constant 32 : index
      %swap3A_73 = tpu.vector_load %arg13[%swap3A_72] {strides = array<i32>} : memref<80xi32, #tpu.memory_space<vmem>>, vector<16xi32>,
      tpu.vector_store %arg13[%swap3A_72], %add3A_71 {strides = array<i32>} : memref<80xi32, #tpu.memory_space<vmem>>, vector<16xi32>,
      %add3A_74 = arith.constant 48 : i32
      %add3A_75 = arith.addi %multiple_of3A_15, %add3A_74 : i32
      %get3A_76 = arith.index_cast %add3A_75 : i32 to index
      %get3A_77 = tpu.vector_load %arg11[%get3A_76] {strides = array<i32>} : memref<2000xi32, #tpu.memory_space<vmem>>, vector<16xi32>,
      %mul3A_78 = arith.constant 10000 : i32
      %mul3A_79 = vector.broadcast %mul3A_78 : i32 to vector<16xi32>
      %mul3A_80 = arith.muli %get3A_77, %mul3A_79 : vector<16xi32>
      %get3A_81 = arith.index_cast %add3A_75 : i32 to index
      %get3A_82 = tpu.vector_load %arg9[%get3A_81] {strides = array<i32>} : memref<2000xi32, #tpu.memory_space<vmem>>, vector<16xi32>,
      %add3A_83 = arith.addi %mul3A_80, %get3A_82 : vector<16xi32>
      %swap3A_84 = arith.constant 48 : index
      %swap3A_85 = tpu.vector_load %arg12[%swap3A_84] {strides = array<i32>} : memref<80xi32, #tpu.memory_space<vmem>>, vector<16xi32>,
      tpu.vector_store %arg12[%swap3A_84], %add3A_83 {strides = array<i32>} : memref<80xi32, #tpu.memory_space<vmem>>, vector<16xi32>,
      %get3A_86 = arith.index_cast %add3A_75 : i32 to index
      %get3A_87 = tpu.vector_load %arg10[%get3A_86] {strides = array<i32>} : memref<2000xi32, #tpu.memory_space<vmem>>, vector<16xi32>,
      %mul3A_88 = arith.constant 16 : i32
      %mul3A_89 = vector.broadcast %mul3A_88 : i32 to vector<16xi32>
      %mul3A_90 = arith.muli %get3A_87, %mul3A_89 : vector<16xi32>
      %add3A_91 = arith.addi %mul3A_90, %get3A_77 : vector<16xi32>
      %swap3A_92 = arith.constant 48 : index
      %swap3A_93 = tpu.vector_load %arg13[%swap3A_92] {strides = array<i32>} : memref<80xi32, #tpu.memory_space<vmem>>, vector<16xi32>,
      tpu.vector_store %arg13[%swap3A_92], %add3A_91 {strides = array<i32>} : memref<80xi32, #tpu.memory_space<vmem>>, vector<16xi32>,
      %add3A_94 = arith.constant 64 : i32
      %add3A_95 = arith.addi %multiple_of3A_15, %add3A_94 : i32
      %get3A_96 = arith.index_cast %add3A_95 : i32 to index
      %get3A_97 = tpu.vector_load %arg11[%get3A_96] {strides = array<i32>} : memref<2000xi32, #tpu.memory_space<vmem>>, vector<16xi32>,
      %mul3A_98 = arith.constant 10000 : i32
      %mul3A_99 = vector.broadcast %mul3A_98 : i32 to vector<16xi32>
      %mul3A_100 = arith.muli %get3A_97, %mul3A_99 : vector<16xi32>
      %get3A_101 = arith.index_cast %add3A_95 : i32 to index
      %get3A_102 = tpu.vector_load %arg9[%get3A_101] {strides = array<i32>} : memref<2000xi32, #tpu.memory_space<vmem>>, vector<16xi32>,
      %add3A_103 = arith.addi %mul3A_100, %get3A_102 : vector<16xi32>
      %swap3A_104 = arith.constant 64 : index
      %swap3A_105 = tpu.vector_load %arg12[%swap3A_104] {strides = array<i32>} : memref<80xi32, #tpu.memory_space<vmem>>, vector<16xi32>,
      tpu.vector_store %arg12[%swap3A_104], %add3A_103 {strides = array<i32>} : memref<80xi32, #tpu.memory_space<vmem>>, vector<16xi32>,
      %get3A_106 = arith.index_cast %add3A_95 : i32 to index
      %get3A_107 = tpu.vector_load %arg10[%get3A_106] {strides = array<i32>} : memref<2000xi32, #tpu.memory_space<vmem>>, vector<16xi32>,
      %mul3A_108 = arith.constant 16 : i32
      %mul3A_109 = vector.broadcast %mul3A_108 : i32 to vector<16xi32>
      %mul3A_110 = arith.muli %get3A_107, %mul3A_109 : vector<16xi32>
      %add3A_111 = arith.addi %mul3A_110, %get3A_97 : vector<16xi32>
      %swap3A_112 = arith.constant 64 : index
      %swap3A_113 = tpu.vector_load %arg13[%swap3A_112] {strides = array<i32>} : memref<80xi32, #tpu.memory_space<vmem>>, vector<16xi32>,
      tpu.vector_store %arg13[%swap3A_112], %add3A_111 {strides = array<i32>} : memref<80xi32, #tpu.memory_space<vmem>>, vector<16xi32>,
      %dma_start3A = arith.constant 0 : i32
      %dma_start3A_114 = arith.constant 0 : i32
      %dma_start3A_115 = tpu.memref_slice %arg5[%dma_start3A, %dma_start3A_114] : memref<90000x128xf32, #tpu.memory_space<hbm>> -> memref<90000x128xf32, #tpu.memory_space<hbm>>
      tpu.enqueue_indirect_dma source(%dma_start3A_115 : memref<90000x128xf32, #tpu.memory_space<hbm>>) target(%arg15 : memref<80x128xf32, #tpu.memory_space<vmem>>) offsets(%arg12 : memref<80xi32, #tpu.memory_space<vmem>>) semaphore(%arg21 : memref<!tpu.dma_semaphore, #tpu.memory_space<semaphore_mem>>)
      %dma_start3A_116 = arith.constant 0 : i32
      %dma_start3A_117 = tpu.memref_slice %arg6[%dma_start3A_116] : memref<160000xf32, #tpu.memory_space<hbm>> -> memref<160000xf32, #tpu.memory_space<hbm>>
      tpu.enqueue_indirect_dma source(%dma_start3A_117 : memref<160000xf32, #tpu.memory_space<hbm>>) target(%arg14 : memref<80xf32, #tpu.memory_space<vmem>>) offsets(%arg13 : memref<80xi32, #tpu.memory_space<vmem>>) semaphore(%arg21 : memref<!tpu.dma_semaphore, #tpu.memory_space<semaphore_mem>>)
      %scan3A_118 = arith.constant 0 : i32
      %scan3A_119 = arith.constant 0 : i32
      %scan3A_120 = arith.constant 12 : i32
      %scan3A_121 = arith.addi %scan3A_119, %scan3A_120 : i32
      %scan3A_122 = arith.constant 1 : i32
      scf.for %scan3A_216 = %scan3A_119 to %scan3A_121 step %scan3A_122  : i32 {
        %mul3A_217 = arith.constant 2 : i32
        %mul3A_218 = arith.muli %scan3A_216, %mul3A_217 : i32
        %add3A_219 = arith.constant 1 : i32
        %add3A_220 = arith.addi %mul3A_218, %add3A_219 : i32
        %mul3A_221 = arith.constant 80 : i32
        %mul3A_222 = arith.muli %add3A_220, %mul3A_221 : i32
        %multiple_of3A_223 = tpu.assume_multiple %mul3A_222, 80 : i32
        %add3A_224 = arith.constant 0 : i32
        %add3A_225 = arith.addi %multiple_of3A_223, %add3A_224 : i32
        %get3A_226 = arith.index_cast %add3A_225 : i32 to index
        %get3A_227 = tpu.vector_load %arg11[%get3A_226] {strides = array<i32>} : memref<2000xi32, #tpu.memory_space<vmem>>, vector<16xi32>,
        %mul3A_228 = arith.constant 10000 : i32
        %mul3A_229 = vector.broadcast %mul3A_228 : i32 to vector<16xi32>
        %mul3A_230 = arith.muli %get3A_227, %mul3A_229 : vector<16xi32>
        %get3A_231 = arith.index_cast %add3A_225 : i32 to index
        %get3A_232 = tpu.vector_load %arg9[%get3A_231] {strides = array<i32>} : memref<2000xi32, #tpu.memory_space<vmem>>, vector<16xi32>,
        %add3A_233 = arith.addi %mul3A_230, %get3A_232 : vector<16xi32>
        %swap3A_234 = arith.constant 0 : index
        %swap3A_235 = tpu.vector_load %arg16[%swap3A_234] {strides = array<i32>} : memref<80xi32, #tpu.memory_space<vmem>>, vector<16xi32>,
        tpu.vector_store %arg16[%swap3A_234], %add3A_233 {strides = array<i32>} : memref<80xi32, #tpu.memory_space<vmem>>, vector<16xi32>,
        %get3A_236 = arith.index_cast %add3A_225 : i32 to index
        %get3A_237 = tpu.vector_load %arg10[%get3A_236] {strides = array<i32>} : memref<2000xi32, #tpu.memory_space<vmem>>, vector<16xi32>,
        %mul3A_238 = arith.constant 16 : i32
        %mul3A_239 = vector.broadcast %mul3A_238 : i32 to vector<16xi32>
        %mul3A_240 = arith.muli %get3A_237, %mul3A_239 : vector<16xi32>
        %add3A_241 = arith.addi %mul3A_240, %get3A_227 : vector<16xi32>
        %swap3A_242 = arith.constant 0 : index
        %swap3A_243 = tpu.vector_load %arg17[%swap3A_242] {strides = array<i32>} : memref<80xi32, #tpu.memory_space<vmem>>, vector<16xi32>,
        tpu.vector_store %arg17[%swap3A_242], %add3A_241 {strides = array<i32>} : memref<80xi32, #tpu.memory_space<vmem>>, vector<16xi32>,
        %add3A_244 = arith.constant 16 : i32
        %add3A_245 = arith.addi %multiple_of3A_223, %add3A_244 : i32
        %get3A_246 = arith.index_cast %add3A_245 : i32 to index
        %get3A_247 = tpu.vector_load %arg11[%get3A_246] {strides = array<i32>} : memref<2000xi32, #tpu.memory_space<vmem>>, vector<16xi32>,
        %mul3A_248 = arith.constant 10000 : i32
        %mul3A_249 = vector.broadcast %mul3A_248 : i32 to vector<16xi32>
        %mul3A_250 = arith.muli %get3A_247, %mul3A_249 : vector<16xi32>
        %get3A_251 = arith.index_cast %add3A_245 : i32 to index
        %get3A_252 = tpu.vector_load %arg9[%get3A_251] {strides = array<i32>} : memref<2000xi32, #tpu.memory_space<vmem>>, vector<16xi32>,
        %add3A_253 = arith.addi %mul3A_250, %get3A_252 : vector<16xi32>
        %swap3A_254 = arith.constant 16 : index
        %swap3A_255 = tpu.vector_load %arg16[%swap3A_254] {strides = array<i32>} : memref<80xi32, #tpu.memory_space<vmem>>, vector<16xi32>,
        tpu.vector_store %arg16[%swap3A_254], %add3A_253 {strides = array<i32>} : memref<80xi32, #tpu.memory_space<vmem>>, vector<16xi32>,
        %get3A_256 = arith.index_cast %add3A_245 : i32 to index
        %get3A_257 = tpu.vector_load %arg10[%get3A_256] {strides = array<i32>} : memref<2000xi32, #tpu.memory_space<vmem>>, vector<16xi32>,
        %mul3A_258 = arith.constant 16 : i32
        %mul3A_259 = vector.broadcast %mul3A_258 : i32 to vector<16xi32>
        %mul3A_260 = arith.muli %get3A_257, %mul3A_259 : vector<16xi32>
        %add3A_261 = arith.addi %mul3A_260, %get3A_247 : vector<16xi32>
        %swap3A_262 = arith.constant 16 : index
        %swap3A_263 = tpu.vector_load %arg17[%swap3A_262] {strides = array<i32>} : memref<80xi32, #tpu.memory_space<vmem>>, vector<16xi32>,
        tpu.vector_store %arg17[%swap3A_262], %add3A_261 {strides = array<i32>} : memref<80xi32, #tpu.memory_space<vmem>>, vector<16xi32>,
        %add3A_264 = arith.constant 32 : i32
        %add3A_265 = arith.addi %multiple_of3A_223, %add3A_264 : i32
        %get3A_266 = arith.index_cast %add3A_265 : i32 to index
        %get3A_267 = tpu.vector_load %arg11[%get3A_266] {strides = array<i32>} : memref<2000xi32, #tpu.memory_space<vmem>>, vector<16xi32>,
        %mul3A_268 = arith.constant 10000 : i32
        %mul3A_269 = vector.broadcast %mul3A_268 : i32 to vector<16xi32>
        %mul3A_270 = arith.muli %get3A_267, %mul3A_269 : vector<16xi32>
        %get3A_271 = arith.index_cast %add3A_265 : i32 to index
        %get3A_272 = tpu.vector_load %arg9[%get3A_271] {strides = array<i32>} : memref<2000xi32, #tpu.memory_space<vmem>>, vector<16xi32>,
        %add3A_273 = arith.addi %mul3A_270, %get3A_272 : vector<16xi32>
        %swap3A_274 = arith.constant 32 : index
        %swap3A_275 = tpu.vector_load %arg16[%swap3A_274] {strides = array<i32>} : memref<80xi32, #tpu.memory_space<vmem>>, vector<16xi32>,
        tpu.vector_store %arg16[%swap3A_274], %add3A_273 {strides = array<i32>} : memref<80xi32, #tpu.memory_space<vmem>>, vector<16xi32>,
        %get3A_276 = arith.index_cast %add3A_265 : i32 to index
        %get3A_277 = tpu.vector_load %arg10[%get3A_276] {strides = array<i32>} : memref<2000xi32, #tpu.memory_space<vmem>>, vector<16xi32>,
        %mul3A_278 = arith.constant 16 : i32
        %mul3A_279 = vector.broadcast %mul3A_278 : i32 to vector<16xi32>
        %mul3A_280 = arith.muli %get3A_277, %mul3A_279 : vector<16xi32>
        %add3A_281 = arith.addi %mul3A_280, %get3A_267 : vector<16xi32>
        %swap3A_282 = arith.constant 32 : index
        %swap3A_283 = tpu.vector_load %arg17[%swap3A_282] {strides = array<i32>} : memref<80xi32, #tpu.memory_space<vmem>>, vector<16xi32>,
        tpu.vector_store %arg17[%swap3A_282], %add3A_281 {strides = array<i32>} : memref<80xi32, #tpu.memory_space<vmem>>, vector<16xi32>,
        %add3A_284 = arith.constant 48 : i32
        %add3A_285 = arith.addi %multiple_of3A_223, %add3A_284 : i32
        %get3A_286 = arith.index_cast %add3A_285 : i32 to index
        %get3A_287 = tpu.vector_load %arg11[%get3A_286] {strides = array<i32>} : memref<2000xi32, #tpu.memory_space<vmem>>, vector<16xi32>,
        %mul3A_288 = arith.constant 10000 : i32
        %mul3A_289 = vector.broadcast %mul3A_288 : i32 to vector<16xi32>
        %mul3A_290 = arith.muli %get3A_287, %mul3A_289 : vector<16xi32>
        %get3A_291 = arith.index_cast %add3A_285 : i32 to index
        %get3A_292 = tpu.vector_load %arg9[%get3A_291] {strides = array<i32>} : memref<2000xi32, #tpu.memory_space<vmem>>, vector<16xi32>,
        %add3A_293 = arith.addi %mul3A_290, %get3A_292 : vector<16xi32>
        %swap3A_294 = arith.constant 48 : index
        %swap3A_295 = tpu.vector_load %arg16[%swap3A_294] {strides = array<i32>} : memref<80xi32, #tpu.memory_space<vmem>>, vector<16xi32>,
        tpu.vector_store %arg16[%swap3A_294], %add3A_293 {strides = array<i32>} : memref<80xi32, #tpu.memory_space<vmem>>, vector<16xi32>,
        %get3A_296 = arith.index_cast %add3A_285 : i32 to index
        %get3A_297 = tpu.vector_load %arg10[%get3A_296] {strides = array<i32>} : memref<2000xi32, #tpu.memory_space<vmem>>, vector<16xi32>,
        %mul3A_298 = arith.constant 16 : i32
        %mul3A_299 = vector.broadcast %mul3A_298 : i32 to vector<16xi32>
        %mul3A_300 = arith.muli %get3A_297, %mul3A_299 : vector<16xi32>
        %add3A_301 = arith.addi %mul3A_300, %get3A_287 : vector<16xi32>
        %swap3A_302 = arith.constant 48 : index
        %swap3A_303 = tpu.vector_load %arg17[%swap3A_302] {strides = array<i32>} : memref<80xi32, #tpu.memory_space<vmem>>, vector<16xi32>,
        tpu.vector_store %arg17[%swap3A_302], %add3A_301 {strides = array<i32>} : memref<80xi32, #tpu.memory_space<vmem>>, vector<16xi32>,
        %add3A_304 = arith.constant 64 : i32
        %add3A_305 = arith.addi %multiple_of3A_223, %add3A_304 : i32
        %get3A_306 = arith.index_cast %add3A_305 : i32 to index
        %get3A_307 = tpu.vector_load %arg11[%get3A_306] {strides = array<i32>} : memref<2000xi32, #tpu.memory_space<vmem>>, vector<16xi32>,
        %mul3A_308 = arith.constant 10000 : i32
        %mul3A_309 = vector.broadcast %mul3A_308 : i32 to vector<16xi32>
        %mul3A_310 = arith.muli %get3A_307, %mul3A_309 : vector<16xi32>
        %get3A_311 = arith.index_cast %add3A_305 : i32 to index
        %get3A_312 = tpu.vector_load %arg9[%get3A_311] {strides = array<i32>} : memref<2000xi32, #tpu.memory_space<vmem>>, vector<16xi32>,
        %add3A_313 = arith.addi %mul3A_310, %get3A_312 : vector<16xi32>
        %swap3A_314 = arith.constant 64 : index
        %swap3A_315 = tpu.vector_load %arg16[%swap3A_314] {strides = array<i32>} : memref<80xi32, #tpu.memory_space<vmem>>, vector<16xi32>,
        tpu.vector_store %arg16[%swap3A_314], %add3A_313 {strides = array<i32>} : memref<80xi32, #tpu.memory_space<vmem>>, vector<16xi32>,
        %get3A_316 = arith.index_cast %add3A_305 : i32 to index
        %get3A_317 = tpu.vector_load %arg10[%get3A_316] {strides = array<i32>} : memref<2000xi32, #tpu.memory_space<vmem>>, vector<16xi32>,
        %mul3A_318 = arith.constant 16 : i32
        %mul3A_319 = vector.broadcast %mul3A_318 : i32 to vector<16xi32>
        %mul3A_320 = arith.muli %get3A_317, %mul3A_319 : vector<16xi32>
        %add3A_321 = arith.addi %mul3A_320, %get3A_307 : vector<16xi32>
        %swap3A_322 = arith.constant 64 : index
        %swap3A_323 = tpu.vector_load %arg17[%swap3A_322] {strides = array<i32>} : memref<80xi32, #tpu.memory_space<vmem>>, vector<16xi32>,
        tpu.vector_store %arg17[%swap3A_322], %add3A_321 {strides = array<i32>} : memref<80xi32, #tpu.memory_space<vmem>>, vector<16xi32>,
        %dma_start3A_324 = arith.constant 0 : i32
        %dma_start3A_325 = arith.constant 0 : i32
        %dma_start3A_326 = tpu.memref_slice %arg5[%dma_start3A_324, %dma_start3A_325] : memref<90000x128xf32, #tpu.memory_space<hbm>> -> memref<90000x128xf32, #tpu.memory_space<hbm>>
        tpu.enqueue_indirect_dma source(%dma_start3A_326 : memref<90000x128xf32, #tpu.memory_space<hbm>>) target(%arg19 : memref<80x128xf32, #tpu.memory_space<vmem>>) offsets(%arg16 : memref<80xi32, #tpu.memory_space<vmem>>) semaphore(%arg22 : memref<!tpu.dma_semaphore, #tpu.memory_space<semaphore_mem>>)
        %dma_start3A_327 = arith.constant 0 : i32
        %dma_start3A_328 = tpu.memref_slice %arg6[%dma_start3A_327] : memref<160000xf32, #tpu.memory_space<hbm>> -> memref<160000xf32, #tpu.memory_space<hbm>>
        tpu.enqueue_indirect_dma source(%dma_start3A_328 : memref<160000xf32, #tpu.memory_space<hbm>>) target(%arg18 : memref<80xf32, #tpu.memory_space<vmem>>) offsets(%arg17 : memref<80xi32, #tpu.memory_space<vmem>>) semaphore(%arg22 : memref<!tpu.dma_semaphore, #tpu.memory_space<semaphore_mem>>)
        %mul3A_329 = arith.constant 80 : i32
        %mul3A_330 = arith.muli %mul3A_218, %mul3A_329 : i32
        %multiple_of3A_331 = tpu.assume_multiple %mul3A_330, 80 : i32
        %dma_wait3A_332 = arith.constant 0 : i32
        %dma_wait3A_333 = arith.constant 0 : i32
        %dma_wait3A_334 = tpu.memref_slice %arg5[%dma_wait3A_332, %dma_wait3A_333] : memref<90000x128xf32, #tpu.memory_space<hbm>> -> memref<90000x128xf32, #tpu.memory_space<hbm>>
        tpu.wait_indirect_dma semaphore(%arg21 : memref<!tpu.dma_semaphore, #tpu.memory_space<semaphore_mem>>) src(%dma_wait3A_334 : memref<90000x128xf32, #tpu.memory_space<hbm>>) dst(%arg15 : memref<80x128xf32, #tpu.memory_space<vmem>>)
        %dma_wait3A_335 = arith.constant 0 : i32
        %dma_wait3A_336 = tpu.memref_slice %arg6[%dma_wait3A_335] : memref<160000xf32, #tpu.memory_space<hbm>> -> memref<160000xf32, #tpu.memory_space<hbm>>
        tpu.wait_indirect_dma semaphore(%arg21 : memref<!tpu.dma_semaphore, #tpu.memory_space<semaphore_mem>>) src(%dma_wait3A_336 : memref<160000xf32, #tpu.memory_space<hbm>>) dst(%arg14 : memref<80xf32, #tpu.memory_space<vmem>>)
        %scan3A_337 = arith.constant 0 : i32
        %scan3A_338 = arith.constant 0 : i32
        %scan3A_339 = arith.constant 20 : i32
        %scan3A_340 = arith.addi %scan3A_338, %scan3A_339 : i32
        %scan3A_341 = arith.constant 1 : i32
        scf.for %scan3A_629 = %scan3A_338 to %scan3A_340 step %scan3A_341  : i32 {
          %mul3A_630 = arith.constant 4 : i32
          %mul3A_631 = arith.muli %scan3A_629, %mul3A_630 : i32
          %add3A_632 = arith.constant 0 : i32
          %add3A_633 = arith.addi %mul3A_631, %add3A_632 : i32
          %broadcast_in_dim3A = vector.broadcast %add3A_633 : i32 to vector<16xi32>
          %gather3A = tpu.vector_load_idx %arg14[%broadcast_in_dim3A] : memref<80xf32, #tpu.memory_space<vmem>>[vector<16xi32>], vector<16xf32>,
          %get3A_634 = arith.index_cast %add3A_633 : i32 to index
          %get3A_635 = arith.constant 0 : index
          %get3A_636 = tpu.vector_load %arg15[%get3A_634, %get3A_635] {strides = array<i32>} : memref<80x128xf32, #tpu.memory_space<vmem>>, vector<16xf32>,
          %mul3A_637 = arith.mulf %get3A_636, %gather3A : vector<16xf32>
          %swap3A_638 = arith.index_cast %add3A_633 : i32 to index
          %swap3A_639 = arith.constant 0 : index
          %swap3A_640 = tpu.vector_load %arg15[%swap3A_638, %swap3A_639] {strides = array<i32>} : memref<80x128xf32, #tpu.memory_space<vmem>>, vector<16xf32>,
          tpu.vector_store %arg15[%swap3A_638, %swap3A_639], %mul3A_637 {strides = array<i32>} : memref<80x128xf32, #tpu.memory_space<vmem>>, vector<16xf32>,
          %get3A_641 = arith.index_cast %add3A_633 : i32 to index
          %get3A_642 = arith.constant 16 : index
          %get3A_643 = tpu.vector_load %arg15[%get3A_641, %get3A_642] {strides = array<i32>} : memref<80x128xf32, #tpu.memory_space<vmem>>, vector<16xf32>,
          %mul3A_644 = arith.mulf %get3A_643, %gather3A : vector<16xf32>
          %swap3A_645 = arith.index_cast %add3A_633 : i32 to index
          %swap3A_646 = arith.constant 16 : index
          %swap3A_647 = tpu.vector_load %arg15[%swap3A_645, %swap3A_646] {strides = array<i32>} : memref<80x128xf32, #tpu.memory_space<vmem>>, vector<16xf32>,
          tpu.vector_store %arg15[%swap3A_645, %swap3A_646], %mul3A_644 {strides = array<i32>} : memref<80x128xf32, #tpu.memory_space<vmem>>, vector<16xf32>,
          %get3A_648 = arith.index_cast %add3A_633 : i32 to index
          %get3A_649 = arith.constant 32 : index
          %get3A_650 = tpu.vector_load %arg15[%get3A_648, %get3A_649] {strides = array<i32>} : memref<80x128xf32, #tpu.memory_space<vmem>>, vector<16xf32>,
          %mul3A_651 = arith.mulf %get3A_650, %gather3A : vector<16xf32>
          %swap3A_652 = arith.index_cast %add3A_633 : i32 to index
          %swap3A_653 = arith.constant 32 : index
          %swap3A_654 = tpu.vector_load %arg15[%swap3A_652, %swap3A_653] {strides = array<i32>} : memref<80x128xf32, #tpu.memory_space<vmem>>, vector<16xf32>,
          tpu.vector_store %arg15[%swap3A_652, %swap3A_653], %mul3A_651 {strides = array<i32>} : memref<80x128xf32, #tpu.memory_space<vmem>>, vector<16xf32>,
          %get3A_655 = arith.index_cast %add3A_633 : i32 to index
          %get3A_656 = arith.constant 48 : index
          %get3A_657 = tpu.vector_load %arg15[%get3A_655, %get3A_656] {strides = array<i32>} : memref<80x128xf32, #tpu.memory_space<vmem>>, vector<16xf32>,
          %mul3A_658 = arith.mulf %get3A_657, %gather3A : vector<16xf32>
          %swap3A_659 = arith.index_cast %add3A_633 : i32 to index
          %swap3A_660 = arith.constant 48 : index
          %swap3A_661 = tpu.vector_load %arg15[%swap3A_659, %swap3A_660] {strides = array<i32>} : memref<80x128xf32, #tpu.memory_space<vmem>>, vector<16xf32>,
          tpu.vector_store %arg15[%swap3A_659, %swap3A_660], %mul3A_658 {strides = array<i32>} : memref<80x128xf32, #tpu.memory_space<vmem>>, vector<16xf32>,
          %get3A_662 = arith.index_cast %add3A_633 : i32 to index
          %get3A_663 = arith.constant 64 : index
          %get3A_664 = tpu.vector_load %arg15[%get3A_662, %get3A_663] {strides = array<i32>} : memref<80x128xf32, #tpu.memory_space<vmem>>, vector<16xf32>,
          %mul3A_665 = arith.mulf %get3A_664, %gather3A : vector<16xf32>
          %swap3A_666 = arith.index_cast %add3A_633 : i32 to index
          %swap3A_667 = arith.constant 64 : index
          %swap3A_668 = tpu.vector_load %arg15[%swap3A_666, %swap3A_667] {strides = array<i32>} : memref<80x128xf32, #tpu.memory_space<vmem>>, vector<16xf32>,
          tpu.vector_store %arg15[%swap3A_666, %swap3A_667], %mul3A_665 {strides = array<i32>} : memref<80x128xf32, #tpu.memory_space<vmem>>, vector<16xf32>,
          %get3A_669 = arith.index_cast %add3A_633 : i32 to index
          %get3A_670 = arith.constant 80 : index
          %get3A_671 = tpu.vector_load %arg15[%get3A_669, %get3A_670] {strides = array<i32>} : memref<80x128xf32, #tpu.memory_space<vmem>>, vector<16xf32>,
          %mul3A_672 = arith.mulf %get3A_671, %gather3A : vector<16xf32>
          %swap3A_673 = arith.index_cast %add3A_633 : i32 to index
          %swap3A_674 = arith.constant 80 : index
          %swap3A_675 = tpu.vector_load %arg15[%swap3A_673, %swap3A_674] {strides = array<i32>} : memref<80x128xf32, #tpu.memory_space<vmem>>, vector<16xf32>,
          tpu.vector_store %arg15[%swap3A_673, %swap3A_674], %mul3A_672 {strides = array<i32>} : memref<80x128xf32, #tpu.memory_space<vmem>>, vector<16xf32>,
          %get3A_676 = arith.index_cast %add3A_633 : i32 to index
          %get3A_677 = arith.constant 96 : index
          %get3A_678 = tpu.vector_load %arg15[%get3A_676, %get3A_677] {strides = array<i32>} : memref<80x128xf32, #tpu.memory_space<vmem>>, vector<16xf32>,
          %mul3A_679 = arith.mulf %get3A_678, %gather3A : vector<16xf32>
          %swap3A_680 = arith.index_cast %add3A_633 : i32 to index
          %swap3A_681 = arith.constant 96 : index
          %swap3A_682 = tpu.vector_load %arg15[%swap3A_680, %swap3A_681] {strides = array<i32>} : memref<80x128xf32, #tpu.memory_space<vmem>>, vector<16xf32>,
          tpu.vector_store %arg15[%swap3A_680, %swap3A_681], %mul3A_679 {strides = array<i32>} : memref<80x128xf32, #tpu.memory_space<vmem>>, vector<16xf32>,
          %get3A_683 = arith.index_cast %add3A_633 : i32 to index
          %get3A_684 = arith.constant 112 : index
          %get3A_685 = tpu.vector_load %arg15[%get3A_683, %get3A_684] {strides = array<i32>} : memref<80x128xf32, #tpu.memory_space<vmem>>, vector<16xf32>,
          %mul3A_686 = arith.mulf %get3A_685, %gather3A : vector<16xf32>
          %swap3A_687 = arith.index_cast %add3A_633 : i32 to index
          %swap3A_688 = arith.constant 112 : index
          %swap3A_689 = tpu.vector_load %arg15[%swap3A_687, %swap3A_688] {strides = array<i32>} : memref<80x128xf32, #tpu.memory_space<vmem>>, vector<16xf32>,
          tpu.vector_store %arg15[%swap3A_687, %swap3A_688], %mul3A_686 {strides = array<i32>} : memref<80x128xf32, #tpu.memory_space<vmem>>, vector<16xf32>,
          %mul3A_690 = arith.constant 4 : i32
          %mul3A_691 = arith.muli %scan3A_629, %mul3A_690 : i32
          %add3A_692 = arith.constant 1 : i32
          %add3A_693 = arith.addi %mul3A_691, %add3A_692 : i32
          %broadcast_in_dim3A_694 = vector.broadcast %add3A_693 : i32 to vector<16xi32>
          %gather3A_695 = tpu.vector_load_idx %arg14[%broadcast_in_dim3A_694] : memref<80xf32, #tpu.memory_space<vmem>>[vector<16xi32>], vector<16xf32>,
          %get3A_696 = arith.index_cast %add3A_693 : i32 to index
          %get3A_697 = arith.constant 0 : index
          %get3A_698 = tpu.vector_load %arg15[%get3A_696, %get3A_697] {strides = array<i32>} : memref<80x128xf32, #tpu.memory_space<vmem>>, vector<16xf32>,
          %mul3A_699 = arith.mulf %get3A_698, %gather3A_695 : vector<16xf32>
          %swap3A_700 = arith.index_cast %add3A_693 : i32 to index
          %swap3A_701 = arith.constant 0 : index
          %swap3A_702 = tpu.vector_load %arg15[%swap3A_700, %swap3A_701] {strides = array<i32>} : memref<80x128xf32, #tpu.memory_space<vmem>>, vector<16xf32>,
          tpu.vector_store %arg15[%swap3A_700, %swap3A_701], %mul3A_699 {strides = array<i32>} : memref<80x128xf32, #tpu.memory_space<vmem>>, vector<16xf32>,
          %get3A_703 = arith.index_cast %add3A_693 : i32 to index
          %get3A_704 = arith.constant 16 : index
          %get3A_705 = tpu.vector_load %arg15[%get3A_703, %get3A_704] {strides = array<i32>} : memref<80x128xf32, #tpu.memory_space<vmem>>, vector<16xf32>,
          %mul3A_706 = arith.mulf %get3A_705, %gather3A_695 : vector<16xf32>
          %swap3A_707 = arith.index_cast %add3A_693 : i32 to index
          %swap3A_708 = arith.constant 16 : index
          %swap3A_709 = tpu.vector_load %arg15[%swap3A_707, %swap3A_708] {strides = array<i32>} : memref<80x128xf32, #tpu.memory_space<vmem>>, vector<16xf32>,
          tpu.vector_store %arg15[%swap3A_707, %swap3A_708], %mul3A_706 {strides = array<i32>} : memref<80x128xf32, #tpu.memory_space<vmem>>, vector<16xf32>,
          %get3A_710 = arith.index_cast %add3A_693 : i32 to index
          %get3A_711 = arith.constant 32 : index
          %get3A_712 = tpu.vector_load %arg15[%get3A_710, %get3A_711] {strides = array<i32>} : memref<80x128xf32, #tpu.memory_space<vmem>>, vector<16xf32>,
          %mul3A_713 = arith.mulf %get3A_712, %gather3A_695 : vector<16xf32>
          %swap3A_714 = arith.index_cast %add3A_693 : i32 to index
          %swap3A_715 = arith.constant 32 : index
          %swap3A_716 = tpu.vector_load %arg15[%swap3A_714, %swap3A_715] {strides = array<i32>} : memref<80x128xf32, #tpu.memory_space<vmem>>, vector<16xf32>,
          tpu.vector_store %arg15[%swap3A_714, %swap3A_715], %mul3A_713 {strides = array<i32>} : memref<80x128xf32, #tpu.memory_space<vmem>>, vector<16xf32>,
          %get3A_717 = arith.index_cast %add3A_693 : i32 to index
          %get3A_718 = arith.constant 48 : index
          %get3A_719 = tpu.vector_load %arg15[%get3A_717, %get3A_718] {strides = array<i32>} : memref<80x128xf32, #tpu.memory_space<vmem>>, vector<16xf32>,
          %mul3A_720 = arith.mulf %get3A_719, %gather3A_695 : vector<16xf32>
          %swap3A_721 = arith.index_cast %add3A_693 : i32 to index
          %swap3A_722 = arith.constant 48 : index
          %swap3A_723 = tpu.vector_load %arg15[%swap3A_721, %swap3A_722] {strides = array<i32>} : memref<80x128xf32, #tpu.memory_space<vmem>>, vector<16xf32>,
          tpu.vector_store %arg15[%swap3A_721, %swap3A_722], %mul3A_720 {strides = array<i32>} : memref<80x128xf32, #tpu.memory_space<vmem>>, vector<16xf32>,
          %get3A_724 = arith.index_cast %add3A_693 : i32 to index
          %get3A_725 = arith.constant 64 : index
          %get3A_726 = tpu.vector_load %arg15[%get3A_724, %get3A_725] {strides = array<i32>} : memref<80x128xf32, #tpu.memory_space<vmem>>, vector<16xf32>,
          %mul3A_727 = arith.mulf %get3A_726, %gather3A_695 : vector<16xf32>
          %swap3A_728 = arith.index_cast %add3A_693 : i32 to index
          %swap3A_729 = arith.constant 64 : index
          %swap3A_730 = tpu.vector_load %arg15[%swap3A_728, %swap3A_729] {strides = array<i32>} : memref<80x128xf32, #tpu.memory_space<vmem>>, vector<16xf32>,
          tpu.vector_store %arg15[%swap3A_728, %swap3A_729], %mul3A_727 {strides = array<i32>} : memref<80x128xf32, #tpu.memory_space<vmem>>, vector<16xf32>,
          %get3A_731 = arith.index_cast %add3A_693 : i32 to index
          %get3A_732 = arith.constant 80 : index
          %get3A_733 = tpu.vector_load %arg15[%get3A_731, %get3A_732] {strides = array<i32>} : memref<80x128xf32, #tpu.memory_space<vmem>>, vector<16xf32>,
          %mul3A_734 = arith.mulf %get3A_733, %gather3A_695 : vector<16xf32>
          %swap3A_735 = arith.index_cast %add3A_693 : i32 to index
          %swap3A_736 = arith.constant 80 : index
          %swap3A_737 = tpu.vector_load %arg15[%swap3A_735, %swap3A_736] {strides = array<i32>} : memref<80x128xf32, #tpu.memory_space<vmem>>, vector<16xf32>,
          tpu.vector_store %arg15[%swap3A_735, %swap3A_736], %mul3A_734 {strides = array<i32>} : memref<80x128xf32, #tpu.memory_space<vmem>>, vector<16xf32>,
          %get3A_738 = arith.index_cast %add3A_693 : i32 to index
          %get3A_739 = arith.constant 96 : index
          %get3A_740 = tpu.vector_load %arg15[%get3A_738, %get3A_739] {strides = array<i32>} : memref<80x128xf32, #tpu.memory_space<vmem>>, vector<16xf32>,
          %mul3A_741 = arith.mulf %get3A_740, %gather3A_695 : vector<16xf32>
          %swap3A_742 = arith.index_cast %add3A_693 : i32 to index
          %swap3A_743 = arith.constant 96 : index
          %swap3A_744 = tpu.vector_load %arg15[%swap3A_742, %swap3A_743] {strides = array<i32>} : memref<80x128xf32, #tpu.memory_space<vmem>>, vector<16xf32>,
          tpu.vector_store %arg15[%swap3A_742, %swap3A_743], %mul3A_741 {strides = array<i32>} : memref<80x128xf32, #tpu.memory_space<vmem>>, vector<16xf32>,
          %get3A_745 = arith.index_cast %add3A_693 : i32 to index
          %get3A_746 = arith.constant 112 : index
          %get3A_747 = tpu.vector_load %arg15[%get3A_745, %get3A_746] {strides = array<i32>} : memref<80x128xf32, #tpu.memory_space<vmem>>, vector<16xf32>,
          %mul3A_748 = arith.mulf %get3A_747, %gather3A_695 : vector<16xf32>
          %swap3A_749 = arith.index_cast %add3A_693 : i32 to index
          %swap3A_750 = arith.constant 112 : index
          %swap3A_751 = tpu.vector_load %arg15[%swap3A_749, %swap3A_750] {strides = array<i32>} : memref<80x128xf32, #tpu.memory_space<vmem>>, vector<16xf32>,
          tpu.vector_store %arg15[%swap3A_749, %swap3A_750], %mul3A_748 {strides = array<i32>} : memref<80x128xf32, #tpu.memory_space<vmem>>, vector<16xf32>,
          %mul3A_752 = arith.constant 4 : i32
          %mul3A_753 = arith.muli %scan3A_629, %mul3A_752 : i32
          %add3A_754 = arith.constant 2 : i32
          %add3A_755 = arith.addi %mul3A_753, %add3A_754 : i32
          %broadcast_in_dim3A_756 = vector.broadcast %add3A_755 : i32 to vector<16xi32>
          %gather3A_757 = tpu.vector_load_idx %arg14[%broadcast_in_dim3A_756] : memref<80xf32, #tpu.memory_space<vmem>>[vector<16xi32>], vector<16xf32>,
          %get3A_758 = arith.index_cast %add3A_755 : i32 to index
          %get3A_759 = arith.constant 0 : index
          %get3A_760 = tpu.vector_load %arg15[%get3A_758, %get3A_759] {strides = array<i32>} : memref<80x128xf32, #tpu.memory_space<vmem>>, vector<16xf32>,
          %mul3A_761 = arith.mulf %get3A_760, %gather3A_757 : vector<16xf32>
          %swap3A_762 = arith.index_cast %add3A_755 : i32 to index
          %swap3A_763 = arith.constant 0 : index
          %swap3A_764 = tpu.vector_load %arg15[%swap3A_762, %swap3A_763] {strides = array<i32>} : memref<80x128xf32, #tpu.memory_space<vmem>>, vector<16xf32>,
          tpu.vector_store %arg15[%swap3A_762, %swap3A_763], %mul3A_761 {strides = array<i32>} : memref<80x128xf32, #tpu.memory_space<vmem>>, vector<16xf32>,
          %get3A_765 = arith.index_cast %add3A_755 : i32 to index
          %get3A_766 = arith.constant 16 : index
          %get3A_767 = tpu.vector_load %arg15[%get3A_765, %get3A_766] {strides = array<i32>} : memref<80x128xf32, #tpu.memory_space<vmem>>, vector<16xf32>,
          %mul3A_768 = arith.mulf %get3A_767, %gather3A_757 : vector<16xf32>
          %swap3A_769 = arith.index_cast %add3A_755 : i32 to index
          %swap3A_770 = arith.constant 16 : index
          %swap3A_771 = tpu.vector_load %arg15[%swap3A_769, %swap3A_770] {strides = array<i32>} : memref<80x128xf32, #tpu.memory_space<vmem>>, vector<16xf32>,
          tpu.vector_store %arg15[%swap3A_769, %swap3A_770], %mul3A_768 {strides = array<i32>} : memref<80x128xf32, #tpu.memory_space<vmem>>, vector<16xf32>,
          %get3A_772 = arith.index_cast %add3A_755 : i32 to index
          %get3A_773 = arith.constant 32 : index
          %get3A_774 = tpu.vector_load %arg15[%get3A_772, %get3A_773] {strides = array<i32>} : memref<80x128xf32, #tpu.memory_space<vmem>>, vector<16xf32>,
          %mul3A_775 = arith.mulf %get3A_774, %gather3A_757 : vector<16xf32>
          %swap3A_776 = arith.index_cast %add3A_755 : i32 to index
          %swap3A_777 = arith.constant 32 : index
          %swap3A_778 = tpu.vector_load %arg15[%swap3A_776, %swap3A_777] {strides = array<i32>} : memref<80x128xf32, #tpu.memory_space<vmem>>, vector<16xf32>,
          tpu.vector_store %arg15[%swap3A_776, %swap3A_777], %mul3A_775 {strides = array<i32>} : memref<80x128xf32, #tpu.memory_space<vmem>>, vector<16xf32>,
          %get3A_779 = arith.index_cast %add3A_755 : i32 to index
          %get3A_780 = arith.constant 48 : index
          %get3A_781 = tpu.vector_load %arg15[%get3A_779, %get3A_780] {strides = array<i32>} : memref<80x128xf32, #tpu.memory_space<vmem>>, vector<16xf32>,
          %mul3A_782 = arith.mulf %get3A_781, %gather3A_757 : vector<16xf32>
          %swap3A_783 = arith.index_cast %add3A_755 : i32 to index
          %swap3A_784 = arith.constant 48 : index
          %swap3A_785 = tpu.vector_load %arg15[%swap3A_783, %swap3A_784] {strides = array<i32>} : memref<80x128xf32, #tpu.memory_space<vmem>>, vector<16xf32>,
          tpu.vector_store %arg15[%swap3A_783, %swap3A_784], %mul3A_782 {strides = array<i32>} : memref<80x128xf32, #tpu.memory_space<vmem>>, vector<16xf32>,
          %get3A_786 = arith.index_cast %add3A_755 : i32 to index
          %get3A_787 = arith.constant 64 : index
          %get3A_788 = tpu.vector_load %arg15[%get3A_786, %get3A_787] {strides = array<i32>} : memref<80x128xf32, #tpu.memory_space<vmem>>, vector<16xf32>,
          %mul3A_789 = arith.mulf %get3A_788, %gather3A_757 : vector<16xf32>
          %swap3A_790 = arith.index_cast %add3A_755 : i32 to index
          %swap3A_791 = arith.constant 64 : index
          %swap3A_792 = tpu.vector_load %arg15[%swap3A_790, %swap3A_791] {strides = array<i32>} : memref<80x128xf32, #tpu.memory_space<vmem>>, vector<16xf32>,
          tpu.vector_store %arg15[%swap3A_790, %swap3A_791], %mul3A_789 {strides = array<i32>} : memref<80x128xf32, #tpu.memory_space<vmem>>, vector<16xf32>,
          %get3A_793 = arith.index_cast %add3A_755 : i32 to index
          %get3A_794 = arith.constant 80 : index
          %get3A_795 = tpu.vector_load %arg15[%get3A_793, %get3A_794] {strides = array<i32>} : memref<80x128xf32, #tpu.memory_space<vmem>>, vector<16xf32>,
          %mul3A_796 = arith.mulf %get3A_795, %gather3A_757 : vector<16xf32>
          %swap3A_797 = arith.index_cast %add3A_755 : i32 to index
          %swap3A_798 = arith.constant 80 : index
          %swap3A_799 = tpu.vector_load %arg15[%swap3A_797, %swap3A_798] {strides = array<i32>} : memref<80x128xf32, #tpu.memory_space<vmem>>, vector<16xf32>,
          tpu.vector_store %arg15[%swap3A_797, %swap3A_798], %mul3A_796 {strides = array<i32>} : memref<80x128xf32, #tpu.memory_space<vmem>>, vector<16xf32>,
          %get3A_800 = arith.index_cast %add3A_755 : i32 to index
          %get3A_801 = arith.constant 96 : index
          %get3A_802 = tpu.vector_load %arg15[%get3A_800, %get3A_801] {strides = array<i32>} : memref<80x128xf32, #tpu.memory_space<vmem>>, vector<16xf32>,
          %mul3A_803 = arith.mulf %get3A_802, %gather3A_757 : vector<16xf32>
          %swap3A_804 = arith.index_cast %add3A_755 : i32 to index
          %swap3A_805 = arith.constant 96 : index
          %swap3A_806 = tpu.vector_load %arg15[%swap3A_804, %swap3A_805] {strides = array<i32>} : memref<80x128xf32, #tpu.memory_space<vmem>>, vector<16xf32>,
          tpu.vector_store %arg15[%swap3A_804, %swap3A_805], %mul3A_803 {strides = array<i32>} : memref<80x128xf32, #tpu.memory_space<vmem>>, vector<16xf32>,
          %get3A_807 = arith.index_cast %add3A_755 : i32 to index
          %get3A_808 = arith.constant 112 : index
          %get3A_809 = tpu.vector_load %arg15[%get3A_807, %get3A_808] {strides = array<i32>} : memref<80x128xf32, #tpu.memory_space<vmem>>, vector<16xf32>,
          %mul3A_810 = arith.mulf %get3A_809, %gather3A_757 : vector<16xf32>
          %swap3A_811 = arith.index_cast %add3A_755 : i32 to index
          %swap3A_812 = arith.constant 112 : index
          %swap3A_813 = tpu.vector_load %arg15[%swap3A_811, %swap3A_812] {strides = array<i32>} : memref<80x128xf32, #tpu.memory_space<vmem>>, vector<16xf32>,
          tpu.vector_store %arg15[%swap3A_811, %swap3A_812], %mul3A_810 {strides = array<i32>} : memref<80x128xf32, #tpu.memory_space<vmem>>, vector<16xf32>,
          %mul3A_814 = arith.constant 4 : i32
          %mul3A_815 = arith.muli %scan3A_629, %mul3A_814 : i32
          %add3A_816 = arith.constant 3 : i32
          %add3A_817 = arith.addi %mul3A_815, %add3A_816 : i32
          %broadcast_in_dim3A_818 = vector.broadcast %add3A_817 : i32 to vector<16xi32>
          %gather3A_819 = tpu.vector_load_idx %arg14[%broadcast_in_dim3A_818] : memref<80xf32, #tpu.memory_space<vmem>>[vector<16xi32>], vector<16xf32>,
          %get3A_820 = arith.index_cast %add3A_817 : i32 to index
          %get3A_821 = arith.constant 0 : index
          %get3A_822 = tpu.vector_load %arg15[%get3A_820, %get3A_821] {strides = array<i32>} : memref<80x128xf32, #tpu.memory_space<vmem>>, vector<16xf32>,
          %mul3A_823 = arith.mulf %get3A_822, %gather3A_819 : vector<16xf32>
          %swap3A_824 = arith.index_cast %add3A_817 : i32 to index
          %swap3A_825 = arith.constant 0 : index
          %swap3A_826 = tpu.vector_load %arg15[%swap3A_824, %swap3A_825] {strides = array<i32>} : memref<80x128xf32, #tpu.memory_space<vmem>>, vector<16xf32>,
          tpu.vector_store %arg15[%swap3A_824, %swap3A_825], %mul3A_823 {strides = array<i32>} : memref<80x128xf32, #tpu.memory_space<vmem>>, vector<16xf32>,
          %get3A_827 = arith.index_cast %add3A_817 : i32 to index
          %get3A_828 = arith.constant 16 : index
          %get3A_829 = tpu.vector_load %arg15[%get3A_827, %get3A_828] {strides = array<i32>} : memref<80x128xf32, #tpu.memory_space<vmem>>, vector<16xf32>,
          %mul3A_830 = arith.mulf %get3A_829, %gather3A_819 : vector<16xf32>
          %swap3A_831 = arith.index_cast %add3A_817 : i32 to index
          %swap3A_832 = arith.constant 16 : index
          %swap3A_833 = tpu.vector_load %arg15[%swap3A_831, %swap3A_832] {strides = array<i32>} : memref<80x128xf32, #tpu.memory_space<vmem>>, vector<16xf32>,
          tpu.vector_store %arg15[%swap3A_831, %swap3A_832], %mul3A_830 {strides = array<i32>} : memref<80x128xf32, #tpu.memory_space<vmem>>, vector<16xf32>,
          %get3A_834 = arith.index_cast %add3A_817 : i32 to index
          %get3A_835 = arith.constant 32 : index
          %get3A_836 = tpu.vector_load %arg15[%get3A_834, %get3A_835] {strides = array<i32>} : memref<80x128xf32, #tpu.memory_space<vmem>>, vector<16xf32>,
          %mul3A_837 = arith.mulf %get3A_836, %gather3A_819 : vector<16xf32>
          %swap3A_838 = arith.index_cast %add3A_817 : i32 to index
          %swap3A_839 = arith.constant 32 : index
          %swap3A_840 = tpu.vector_load %arg15[%swap3A_838, %swap3A_839] {strides = array<i32>} : memref<80x128xf32, #tpu.memory_space<vmem>>, vector<16xf32>,
          tpu.vector_store %arg15[%swap3A_838, %swap3A_839], %mul3A_837 {strides = array<i32>} : memref<80x128xf32, #tpu.memory_space<vmem>>, vector<16xf32>,
          %get3A_841 = arith.index_cast %add3A_817 : i32 to index
          %get3A_842 = arith.constant 48 : index
          %get3A_843 = tpu.vector_load %arg15[%get3A_841, %get3A_842] {strides = array<i32>} : memref<80x128xf32, #tpu.memory_space<vmem>>, vector<16xf32>,
          %mul3A_844 = arith.mulf %get3A_843, %gather3A_819 : vector<16xf32>
          %swap3A_845 = arith.index_cast %add3A_817 : i32 to index
          %swap3A_846 = arith.constant 48 : index
          %swap3A_847 = tpu.vector_load %arg15[%swap3A_845, %swap3A_846] {strides = array<i32>} : memref<80x128xf32, #tpu.memory_space<vmem>>, vector<16xf32>,
          tpu.vector_store %arg15[%swap3A_845, %swap3A_846], %mul3A_844 {strides = array<i32>} : memref<80x128xf32, #tpu.memory_space<vmem>>, vector<16xf32>,
          %get3A_848 = arith.index_cast %add3A_817 : i32 to index
          %get3A_849 = arith.constant 64 : index
          %get3A_850 = tpu.vector_load %arg15[%get3A_848, %get3A_849] {strides = array<i32>} : memref<80x128xf32, #tpu.memory_space<vmem>>, vector<16xf32>,
          %mul3A_851 = arith.mulf %get3A_850, %gather3A_819 : vector<16xf32>
          %swap3A_852 = arith.index_cast %add3A_817 : i32 to index
          %swap3A_853 = arith.constant 64 : index
          %swap3A_854 = tpu.vector_load %arg15[%swap3A_852, %swap3A_853] {strides = array<i32>} : memref<80x128xf32, #tpu.memory_space<vmem>>, vector<16xf32>,
          tpu.vector_store %arg15[%swap3A_852, %swap3A_853], %mul3A_851 {strides = array<i32>} : memref<80x128xf32, #tpu.memory_space<vmem>>, vector<16xf32>,
          %get3A_855 = arith.index_cast %add3A_817 : i32 to index
          %get3A_856 = arith.constant 80 : index
          %get3A_857 = tpu.vector_load %arg15[%get3A_855, %get3A_856] {strides = array<i32>} : memref<80x128xf32, #tpu.memory_space<vmem>>, vector<16xf32>,
          %mul3A_858 = arith.mulf %get3A_857, %gather3A_819 : vector<16xf32>
          %swap3A_859 = arith.index_cast %add3A_817 : i32 to index
          %swap3A_860 = arith.constant 80 : index
          %swap3A_861 = tpu.vector_load %arg15[%swap3A_859, %swap3A_860] {strides = array<i32>} : memref<80x128xf32, #tpu.memory_space<vmem>>, vector<16xf32>,
          tpu.vector_store %arg15[%swap3A_859, %swap3A_860], %mul3A_858 {strides = array<i32>} : memref<80x128xf32, #tpu.memory_space<vmem>>, vector<16xf32>,
          %get3A_862 = arith.index_cast %add3A_817 : i32 to index
          %get3A_863 = arith.constant 96 : index
          %get3A_864 = tpu.vector_load %arg15[%get3A_862, %get3A_863] {strides = array<i32>} : memref<80x128xf32, #tpu.memory_space<vmem>>, vector<16xf32>,
          %mul3A_865 = arith.mulf %get3A_864, %gather3A_819 : vector<16xf32>
          %swap3A_866 = arith.index_cast %add3A_817 : i32 to index
          %swap3A_867 = arith.constant 96 : index
          %swap3A_868 = tpu.vector_load %arg15[%swap3A_866, %swap3A_867] {strides = array<i32>} : memref<80x128xf32, #tpu.memory_space<vmem>>, vector<16xf32>,
          tpu.vector_store %arg15[%swap3A_866, %swap3A_867], %mul3A_865 {strides = array<i32>} : memref<80x128xf32, #tpu.memory_space<vmem>>, vector<16xf32>,
          %get3A_869 = arith.index_cast %add3A_817 : i32 to index
          %get3A_870 = arith.constant 112 : index
          %get3A_871 = tpu.vector_load %arg15[%get3A_869, %get3A_870] {strides = array<i32>} : memref<80x128xf32, #tpu.memory_space<vmem>>, vector<16xf32>,
          %mul3A_872 = arith.mulf %get3A_871, %gather3A_819 : vector<16xf32>
          %swap3A_873 = arith.index_cast %add3A_817 : i32 to index
          %swap3A_874 = arith.constant 112 : index
          %swap3A_875 = tpu.vector_load %arg15[%swap3A_873, %swap3A_874] {strides = array<i32>} : memref<80x128xf32, #tpu.memory_space<vmem>>, vector<16xf32>,
          tpu.vector_store %arg15[%swap3A_873, %swap3A_874], %mul3A_872 {strides = array<i32>} : memref<80x128xf32, #tpu.memory_space<vmem>>, vector<16xf32>,
        }
        %scan3A_342 = arith.constant 20 : i32
        %add3A_343 = arith.constant 0 : i32
        %add3A_344 = arith.addi %multiple_of3A_331, %add3A_343 : i32
        %get3A_345 = arith.index_cast %add3A_344 : i32 to index
        %get3A_346 = tpu.vector_load %arg10[%get3A_345] {strides = array<i32>} : memref<2000xi32, #tpu.memory_space<vmem>>, vector<16xi32>,
        %dma_start3A_347 = arith.constant 0 : i32
        %dma_start3A_348 = arith.constant 0 : i32
        %dma_start3A_349 = tpu.memref_slice %arg15[%dma_start3A_347, %dma_start3A_348] : memref<80x128xf32, #tpu.memory_space<vmem>> -> memref<16x128xf32, #tpu.memory_space<vmem>>
        %dma_start3A_350 = arith.constant 0 : i32
        %dma_start3A_351 = arith.constant 0 : i32
        %dma_start3A_352 = tpu.memref_slice %arg20[%dma_start3A_350, %dma_start3A_351] : memref<10240x128xf32, #tpu.memory_space<vmem_shared>> -> memref<10240x128xf32, #tpu.memory_space<vmem_shared>>
        tpu.enqueue_indirect_dma source(%dma_start3A_349 : memref<16x128xf32, #tpu.memory_space<vmem>>) target(%dma_start3A_352 : memref<10240x128xf32, #tpu.memory_space<vmem_shared>>) offsets(%get3A_346 : vector<16xi32>) semaphore(%arg23 : memref<!tpu.dma_semaphore, #tpu.memory_space<semaphore_mem>>) {add = true}
        %add3A_353 = arith.constant 16 : i32
        %add3A_354 = arith.addi %multiple_of3A_331, %add3A_353 : i32
        %get3A_355 = arith.index_cast %add3A_354 : i32 to index
        %get3A_356 = tpu.vector_load %arg10[%get3A_355] {strides = array<i32>} : memref<2000xi32, #tpu.memory_space<vmem>>, vector<16xi32>,
        %dma_start3A_357 = arith.constant 16 : i32
        %dma_start3A_358 = arith.constant 0 : i32
        %dma_start3A_359 = tpu.memref_slice %arg15[%dma_start3A_357, %dma_start3A_358] : memref<80x128xf32, #tpu.memory_space<vmem>> -> memref<16x128xf32, #tpu.memory_space<vmem>>
        %dma_start3A_360 = arith.constant 0 : i32
        %dma_start3A_361 = arith.constant 0 : i32
        %dma_start3A_362 = tpu.memref_slice %arg20[%dma_start3A_360, %dma_start3A_361] : memref<10240x128xf32, #tpu.memory_space<vmem_shared>> -> memref<10240x128xf32, #tpu.memory_space<vmem_shared>>
        tpu.enqueue_indirect_dma source(%dma_start3A_359 : memref<16x128xf32, #tpu.memory_space<vmem>>) target(%dma_start3A_362 : memref<10240x128xf32, #tpu.memory_space<vmem_shared>>) offsets(%get3A_356 : vector<16xi32>) semaphore(%arg23 : memref<!tpu.dma_semaphore, #tpu.memory_space<semaphore_mem>>) {add = true}
        %add3A_363 = arith.constant 32 : i32
        %add3A_364 = arith.addi %multiple_of3A_331, %add3A_363 : i32
        %get3A_365 = arith.index_cast %add3A_364 : i32 to index
        %get3A_366 = tpu.vector_load %arg10[%get3A_365] {strides = array<i32>} : memref<2000xi32, #tpu.memory_space<vmem>>, vector<16xi32>,
        %dma_start3A_367 = arith.constant 32 : i32
        %dma_start3A_368 = arith.constant 0 : i32
        %dma_start3A_369 = tpu.memref_slice %arg15[%dma_start3A_367, %dma_start3A_368] : memref<80x128xf32, #tpu.memory_space<vmem>> -> memref<16x128xf32, #tpu.memory_space<vmem>>
        %dma_start3A_370 = arith.constant 0 : i32
        %dma_start3A_371 = arith.constant 0 : i32
        %dma_start3A_372 = tpu.memref_slice %arg20[%dma_start3A_370, %dma_start3A_371] : memref<10240x128xf32, #tpu.memory_space<vmem_shared>> -> memref<10240x128xf32, #tpu.memory_space<vmem_shared>>
        tpu.enqueue_indirect_dma source(%dma_start3A_369 : memref<16x128xf32, #tpu.memory_space<vmem>>) target(%dma_start3A_372 : memref<10240x128xf32, #tpu.memory_space<vmem_shared>>) offsets(%get3A_366 : vector<16xi32>) semaphore(%arg23 : memref<!tpu.dma_semaphore, #tpu.memory_space<semaphore_mem>>) {add = true}
        %add3A_373 = arith.constant 48 : i32
        %add3A_374 = arith.addi %multiple_of3A_331, %add3A_373 : i32
        %get3A_375 = arith.index_cast %add3A_374 : i32 to index
        %get3A_376 = tpu.vector_load %arg10[%get3A_375] {strides = array<i32>} : memref<2000xi32, #tpu.memory_space<vmem>>, vector<16xi32>,
        %dma_start3A_377 = arith.constant 48 : i32
        %dma_start3A_378 = arith.constant 0 : i32
        %dma_start3A_379 = tpu.memref_slice %arg15[%dma_start3A_377, %dma_start3A_378] : memref<80x128xf32, #tpu.memory_space<vmem>> -> memref<16x128xf32, #tpu.memory_space<vmem>>
        %dma_start3A_380 = arith.constant 0 : i32
        %dma_start3A_381 = arith.constant 0 : i32
        %dma_start3A_382 = tpu.memref_slice %arg20[%dma_start3A_380, %dma_start3A_381] : memref<10240x128xf32, #tpu.memory_space<vmem_shared>> -> memref<10240x128xf32, #tpu.memory_space<vmem_shared>>
        tpu.enqueue_indirect_dma source(%dma_start3A_379 : memref<16x128xf32, #tpu.memory_space<vmem>>) target(%dma_start3A_382 : memref<10240x128xf32, #tpu.memory_space<vmem_shared>>) offsets(%get3A_376 : vector<16xi32>) semaphore(%arg23 : memref<!tpu.dma_semaphore, #tpu.memory_space<semaphore_mem>>) {add = true}
        %add3A_383 = arith.constant 64 : i32
        %add3A_384 = arith.addi %multiple_of3A_331, %add3A_383 : i32
        %get3A_385 = arith.index_cast %add3A_384 : i32 to index
        %get3A_386 = tpu.vector_load %arg10[%get3A_385] {strides = array<i32>} : memref<2000xi32, #tpu.memory_space<vmem>>, vector<16xi32>,
        %dma_start3A_387 = arith.constant 64 : i32
        %dma_start3A_388 = arith.constant 0 : i32
        %dma_start3A_389 = tpu.memref_slice %arg15[%dma_start3A_387, %dma_start3A_388] : memref<80x128xf32, #tpu.memory_space<vmem>> -> memref<16x128xf32, #tpu.memory_space<vmem>>
        %dma_start3A_390 = arith.constant 0 : i32
        %dma_start3A_391 = arith.constant 0 : i32
        %dma_start3A_392 = tpu.memref_slice %arg20[%dma_start3A_390, %dma_start3A_391] : memref<10240x128xf32, #tpu.memory_space<vmem_shared>> -> memref<10240x128xf32, #tpu.memory_space<vmem_shared>>
        tpu.enqueue_indirect_dma source(%dma_start3A_389 : memref<16x128xf32, #tpu.memory_space<vmem>>) target(%dma_start3A_392 : memref<10240x128xf32, #tpu.memory_space<vmem_shared>>) offsets(%get3A_386 : vector<16xi32>) semaphore(%arg23 : memref<!tpu.dma_semaphore, #tpu.memory_space<semaphore_mem>>) {add = true}
        %dma_wait3A_393 = arith.constant 0 : i32
        %dma_wait3A_394 = arith.constant 0 : i32
        %dma_wait3A_395 = tpu.memref_slice %arg15[%dma_wait3A_393, %dma_wait3A_394] : memref<80x128xf32, #tpu.memory_space<vmem>> -> memref<16x128xf32, #tpu.memory_space<vmem>>
        %dma_wait3A_396 = arith.constant 0 : i32
        %dma_wait3A_397 = arith.constant 0 : i32
        %dma_wait3A_398 = tpu.memref_slice %arg20[%dma_wait3A_396, %dma_wait3A_397] : memref<10240x128xf32, #tpu.memory_space<vmem_shared>> -> memref<10240x128xf32, #tpu.memory_space<vmem_shared>>
        tpu.wait_indirect_dma semaphore(%arg23 : memref<!tpu.dma_semaphore, #tpu.memory_space<semaphore_mem>>) src(%dma_wait3A_395 : memref<16x128xf32, #tpu.memory_space<vmem>>) dst(%dma_wait3A_398 : memref<10240x128xf32, #tpu.memory_space<vmem_shared>>)
        %dma_wait3A_399 = arith.constant 16 : i32
        %dma_wait3A_400 = arith.constant 0 : i32
        %dma_wait3A_401 = tpu.memref_slice %arg15[%dma_wait3A_399, %dma_wait3A_400] : memref<80x128xf32, #tpu.memory_space<vmem>> -> memref<16x128xf32, #tpu.memory_space<vmem>>
        %dma_wait3A_402 = arith.constant 0 : i32
        %dma_wait3A_403 = arith.constant 0 : i32
        %dma_wait3A_404 = tpu.memref_slice %arg20[%dma_wait3A_402, %dma_wait3A_403] : memref<10240x128xf32, #tpu.memory_space<vmem_shared>> -> memref<10240x128xf32, #tpu.memory_space<vmem_shared>>
        tpu.wait_indirect_dma semaphore(%arg23 : memref<!tpu.dma_semaphore, #tpu.memory_space<semaphore_mem>>) src(%dma_wait3A_401 : memref<16x128xf32, #tpu.memory_space<vmem>>) dst(%dma_wait3A_404 : memref<10240x128xf32, #tpu.memory_space<vmem_shared>>)
        %dma_wait3A_405 = arith.constant 32 : i32
        %dma_wait3A_406 = arith.constant 0 : i32
        %dma_wait3A_407 = tpu.memref_slice %arg15[%dma_wait3A_405, %dma_wait3A_406] : memref<80x128xf32, #tpu.memory_space<vmem>> -> memref<16x128xf32, #tpu.memory_space<vmem>>
        %dma_wait3A_408 = arith.constant 0 : i32
        %dma_wait3A_409 = arith.constant 0 : i32
        %dma_wait3A_410 = tpu.memref_slice %arg20[%dma_wait3A_408, %dma_wait3A_409] : memref<10240x128xf32, #tpu.memory_space<vmem_shared>> -> memref<10240x128xf32, #tpu.memory_space<vmem_shared>>
        tpu.wait_indirect_dma semaphore(%arg23 : memref<!tpu.dma_semaphore, #tpu.memory_space<semaphore_mem>>) src(%dma_wait3A_407 : memref<16x128xf32, #tpu.memory_space<vmem>>) dst(%dma_wait3A_410 : memref<10240x128xf32, #tpu.memory_space<vmem_shared>>)
        %dma_wait3A_411 = arith.constant 48 : i32
        %dma_wait3A_412 = arith.constant 0 : i32
        %dma_wait3A_413 = tpu.memref_slice %arg15[%dma_wait3A_411, %dma_wait3A_412] : memref<80x128xf32, #tpu.memory_space<vmem>> -> memref<16x128xf32, #tpu.memory_space<vmem>>
        %dma_wait3A_414 = arith.constant 0 : i32
        %dma_wait3A_415 = arith.constant 0 : i32
        %dma_wait3A_416 = tpu.memref_slice %arg20[%dma_wait3A_414, %dma_wait3A_415] : memref<10240x128xf32, #tpu.memory_space<vmem_shared>> -> memref<10240x128xf32, #tpu.memory_space<vmem_shared>>
        tpu.wait_indirect_dma semaphore(%arg23 : memref<!tpu.dma_semaphore, #tpu.memory_space<semaphore_mem>>) src(%dma_wait3A_413 : memref<16x128xf32, #tpu.memory_space<vmem>>) dst(%dma_wait3A_416 : memref<10240x128xf32, #tpu.memory_space<vmem_shared>>)
        %dma_wait3A_417 = arith.constant 64 : i32
        %dma_wait3A_418 = arith.constant 0 : i32
        %dma_wait3A_419 = tpu.memref_slice %arg15[%dma_wait3A_417, %dma_wait3A_418] : memref<80x128xf32, #tpu.memory_space<vmem>> -> memref<16x128xf32, #tpu.memory_space<vmem>>
        %dma_wait3A_420 = arith.constant 0 : i32
        %dma_wait3A_421 = arith.constant 0 : i32
        %dma_wait3A_422 = tpu.memref_slice %arg20[%dma_wait3A_420, %dma_wait3A_421] : memref<10240x128xf32, #tpu.memory_space<vmem_shared>> -> memref<10240x128xf32, #tpu.memory_space<vmem_shared>>
        tpu.wait_indirect_dma semaphore(%arg23 : memref<!tpu.dma_semaphore, #tpu.memory_space<semaphore_mem>>) src(%dma_wait3A_419 : memref<16x128xf32, #tpu.memory_space<vmem>>) dst(%dma_wait3A_422 : memref<10240x128xf32, #tpu.memory_space<vmem_shared>>)
        %add3A_423 = arith.constant 2 : i32
        %add3A_424 = arith.addi %mul3A_218, %add3A_423 : i32
        %mul3A_425 = arith.constant 80 : i32
        %mul3A_426 = arith.muli %add3A_424, %mul3A_425 : i32
        %multiple_of3A_427 = tpu.assume_multiple %mul3A_426, 80 : i32
        %add3A_428 = arith.constant 0 : i32
        %add3A_429 = arith.addi %multiple_of3A_427, %add3A_428 : i32
        %get3A_430 = arith.index_cast %add3A_429 : i32 to index
        %get3A_431 = tpu.vector_load %arg11[%get3A_430] {strides = array<i32>} : memref<2000xi32, #tpu.memory_space<vmem>>, vector<16xi32>,
        %mul3A_432 = arith.constant 10000 : i32
        %mul3A_433 = vector.broadcast %mul3A_432 : i32 to vector<16xi32>
        %mul3A_434 = arith.muli %get3A_431, %mul3A_433 : vector<16xi32>
        %get3A_435 = arith.index_cast %add3A_429 : i32 to index
        %get3A_436 = tpu.vector_load %arg9[%get3A_435] {strides = array<i32>} : memref<2000xi32, #tpu.memory_space<vmem>>, vector<16xi32>,
        %add3A_437 = arith.addi %mul3A_434, %get3A_436 : vector<16xi32>
        %swap3A_438 = arith.constant 0 : index
        %swap3A_439 = tpu.vector_load %arg12[%swap3A_438] {strides = array<i32>} : memref<80xi32, #tpu.memory_space<vmem>>, vector<16xi32>,
        tpu.vector_store %arg12[%swap3A_438], %add3A_437 {strides = array<i32>} : memref<80xi32, #tpu.memory_space<vmem>>, vector<16xi32>,
        %get3A_440 = arith.index_cast %add3A_429 : i32 to index
        %get3A_441 = tpu.vector_load %arg10[%get3A_440] {strides = array<i32>} : memref<2000xi32, #tpu.memory_space<vmem>>, vector<16xi32>,
        %mul3A_442 = arith.constant 16 : i32
        %mul3A_443 = vector.broadcast %mul3A_442 : i32 to vector<16xi32>
        %mul3A_444 = arith.muli %get3A_441, %mul3A_443 : vector<16xi32>
        %add3A_445 = arith.addi %mul3A_444, %get3A_431 : vector<16xi32>
        %swap3A_446 = arith.constant 0 : index
        %swap3A_447 = tpu.vector_load %arg13[%swap3A_446] {strides = array<i32>} : memref<80xi32, #tpu.memory_space<vmem>>, vector<16xi32>,
        tpu.vector_store %arg13[%swap3A_446], %add3A_445 {strides = array<i32>} : memref<80xi32, #tpu.memory_space<vmem>>, vector<16xi32>,
        %add3A_448 = arith.constant 16 : i32
        %add3A_449 = arith.addi %multiple_of3A_427, %add3A_448 : i32
        %get3A_450 = arith.index_cast %add3A_449 : i32 to index
        %get3A_451 = tpu.vector_load %arg11[%get3A_450] {strides = array<i32>} : memref<2000xi32, #tpu.memory_space<vmem>>, vector<16xi32>,
        %mul3A_452 = arith.constant 10000 : i32
        %mul3A_453 = vector.broadcast %mul3A_452 : i32 to vector<16xi32>
        %mul3A_454 = arith.muli %get3A_451, %mul3A_453 : vector<16xi32>
        %get3A_455 = arith.index_cast %add3A_449 : i32 to index
        %get3A_456 = tpu.vector_load %arg9[%get3A_455] {strides = array<i32>} : memref<2000xi32, #tpu.memory_space<vmem>>, vector<16xi32>,
        %add3A_457 = arith.addi %mul3A_454, %get3A_456 : vector<16xi32>
        %swap3A_458 = arith.constant 16 : index
        %swap3A_459 = tpu.vector_load %arg12[%swap3A_458] {strides = array<i32>} : memref<80xi32, #tpu.memory_space<vmem>>, vector<16xi32>,
        tpu.vector_store %arg12[%swap3A_458], %add3A_457 {strides = array<i32>} : memref<80xi32, #tpu.memory_space<vmem>>, vector<16xi32>,
        %get3A_460 = arith.index_cast %add3A_449 : i32 to index
        %get3A_461 = tpu.vector_load %arg10[%get3A_460] {strides = array<i32>} : memref<2000xi32, #tpu.memory_space<vmem>>, vector<16xi32>,
        %mul3A_462 = arith.constant 16 : i32
        %mul3A_463 = vector.broadcast %mul3A_462 : i32 to vector<16xi32>
        %mul3A_464 = arith.muli %get3A_461, %mul3A_463 : vector<16xi32>
        %add3A_465 = arith.addi %mul3A_464, %get3A_451 : vector<16xi32>
        %swap3A_466 = arith.constant 16 : index
        %swap3A_467 = tpu.vector_load %arg13[%swap3A_466] {strides = array<i32>} : memref<80xi32, #tpu.memory_space<vmem>>, vector<16xi32>,
        tpu.vector_store %arg13[%swap3A_466], %add3A_465 {strides = array<i32>} : memref<80xi32, #tpu.memory_space<vmem>>, vector<16xi32>,
        %add3A_468 = arith.constant 32 : i32
        %add3A_469 = arith.addi %multiple_of3A_427, %add3A_468 : i32
        %get3A_470 = arith.index_cast %add3A_469 : i32 to index
        %get3A_471 = tpu.vector_load %arg11[%get3A_470] {strides = array<i32>} : memref<2000xi32, #tpu.memory_space<vmem>>, vector<16xi32>,
        %mul3A_472 = arith.constant 10000 : i32
        %mul3A_473 = vector.broadcast %mul3A_472 : i32 to vector<16xi32>
        %mul3A_474 = arith.muli %get3A_471, %mul3A_473 : vector<16xi32>
        %get3A_475 = arith.index_cast %add3A_469 : i32 to index
        %get3A_476 = tpu.vector_load %arg9[%get3A_475] {strides = array<i32>} : memref<2000xi32, #tpu.memory_space<vmem>>, vector<16xi32>,
        %add3A_477 = arith.addi %mul3A_474, %get3A_476 : vector<16xi32>
        %swap3A_478 = arith.constant 32 : index
        %swap3A_479 = tpu.vector_load %arg12[%swap3A_478] {strides = array<i32>} : memref<80xi32, #tpu.memory_space<vmem>>, vector<16xi32>,
        tpu.vector_store %arg12[%swap3A_478], %add3A_477 {strides = array<i32>} : memref<80xi32, #tpu.memory_space<vmem>>, vector<16xi32>,
        %get3A_480 = arith.index_cast %add3A_469 : i32 to index
        %get3A_481 = tpu.vector_load %arg10[%get3A_480] {strides = array<i32>} : memref<2000xi32, #tpu.memory_space<vmem>>, vector<16xi32>,
        %mul3A_482 = arith.constant 16 : i32
        %mul3A_483 = vector.broadcast %mul3A_482 : i32 to vector<16xi32>
        %mul3A_484 = arith.muli %get3A_481, %mul3A_483 : vector<16xi32>
        %add3A_485 = arith.addi %mul3A_484, %get3A_471 : vector<16xi32>
        %swap3A_486 = arith.constant 32 : index
        %swap3A_487 = tpu.vector_load %arg13[%swap3A_486] {strides = array<i32>} : memref<80xi32, #tpu.memory_space<vmem>>, vector<16xi32>,
        tpu.vector_store %arg13[%swap3A_486], %add3A_485 {strides = array<i32>} : memref<80xi32, #tpu.memory_space<vmem>>, vector<16xi32>,
        %add3A_488 = arith.constant 48 : i32
        %add3A_489 = arith.addi %multiple_of3A_427, %add3A_488 : i32
        %get3A_490 = arith.index_cast %add3A_489 : i32 to index
        %get3A_491 = tpu.vector_load %arg11[%get3A_490] {strides = array<i32>} : memref<2000xi32, #tpu.memory_space<vmem>>, vector<16xi32>,
        %mul3A_492 = arith.constant 10000 : i32
        %mul3A_493 = vector.broadcast %mul3A_492 : i32 to vector<16xi32>
        %mul3A_494 = arith.muli %get3A_491, %mul3A_493 : vector<16xi32>
        %get3A_495 = arith.index_cast %add3A_489 : i32 to index
        %get3A_496 = tpu.vector_load %arg9[%get3A_495] {strides = array<i32>} : memref<2000xi32, #tpu.memory_space<vmem>>, vector<16xi32>,
        %add3A_497 = arith.addi %mul3A_494, %get3A_496 : vector<16xi32>
        %swap3A_498 = arith.constant 48 : index
        %swap3A_499 = tpu.vector_load %arg12[%swap3A_498] {strides = array<i32>} : memref<80xi32, #tpu.memory_space<vmem>>, vector<16xi32>,
        tpu.vector_store %arg12[%swap3A_498], %add3A_497 {strides = array<i32>} : memref<80xi32, #tpu.memory_space<vmem>>, vector<16xi32>,
        %get3A_500 = arith.index_cast %add3A_489 : i32 to index
        %get3A_501 = tpu.vector_load %arg10[%get3A_500] {strides = array<i32>} : memref<2000xi32, #tpu.memory_space<vmem>>, vector<16xi32>,
        %mul3A_502 = arith.constant 16 : i32
        %mul3A_503 = vector.broadcast %mul3A_502 : i32 to vector<16xi32>
        %mul3A_504 = arith.muli %get3A_501, %mul3A_503 : vector<16xi32>
        %add3A_505 = arith.addi %mul3A_504, %get3A_491 : vector<16xi32>
        %swap3A_506 = arith.constant 48 : index
        %swap3A_507 = tpu.vector_load %arg13[%swap3A_506] {strides = array<i32>} : memref<80xi32, #tpu.memory_space<vmem>>, vector<16xi32>,
        tpu.vector_store %arg13[%swap3A_506], %add3A_505 {strides = array<i32>} : memref<80xi32, #tpu.memory_space<vmem>>, vector<16xi32>,
        %add3A_508 = arith.constant 64 : i32
        %add3A_509 = arith.addi %multiple_of3A_427, %add3A_508 : i32
        %get3A_510 = arith.index_cast %add3A_509 : i32 to index
        %get3A_511 = tpu.vector_load %arg11[%get3A_510] {strides = array<i32>} : memref<2000xi32, #tpu.memory_space<vmem>>, vector<16xi32>,
        %mul3A_512 = arith.constant 10000 : i32
        %mul3A_513 = vector.broadcast %mul3A_512 : i32 to vector<16xi32>
        %mul3A_514 = arith.muli %get3A_511, %mul3A_513 : vector<16xi32>
        %get3A_515 = arith.index_cast %add3A_509 : i32 to index
        %get3A_516 = tpu.vector_load %arg9[%get3A_515] {strides = array<i32>} : memref<2000xi32, #tpu.memory_space<vmem>>, vector<16xi32>,
        %add3A_517 = arith.addi %mul3A_514, %get3A_516 : vector<16xi32>
        %swap3A_518 = arith.constant 64 : index
        %swap3A_519 = tpu.vector_load %arg12[%swap3A_518] {strides = array<i32>} : memref<80xi32, #tpu.memory_space<vmem>>, vector<16xi32>,
        tpu.vector_store %arg12[%swap3A_518], %add3A_517 {strides = array<i32>} : memref<80xi32, #tpu.memory_space<vmem>>, vector<16xi32>,
        %get3A_520 = arith.index_cast %add3A_509 : i32 to index
        %get3A_521 = tpu.vector_load %arg10[%get3A_520] {strides = array<i32>} : memref<2000xi32, #tpu.memory_space<vmem>>, vector<16xi32>,
        %mul3A_522 = arith.constant 16 : i32
        %mul3A_523 = vector.broadcast %mul3A_522 : i32 to vector<16xi32>
        %mul3A_524 = arith.muli %get3A_521, %mul3A_523 : vector<16xi32>
        %add3A_525 = arith.addi %mul3A_524, %get3A_511 : vector<16xi32>
        %swap3A_526 = arith.constant 64 : index
        %swap3A_527 = tpu.vector_load %arg13[%swap3A_526] {strides = array<i32>} : memref<80xi32, #tpu.memory_space<vmem>>, vector<16xi32>,
        tpu.vector_store %arg13[%swap3A_526], %add3A_525 {strides = array<i32>} : memref<80xi32, #tpu.memory_space<vmem>>, vector<16xi32>,
        %dma_start3A_528 = arith.constant 0 : i32
        %dma_start3A_529 = arith.constant 0 : i32
        %dma_start3A_530 = tpu.memref_slice %arg5[%dma_start3A_528, %dma_start3A_529] : memref<90000x128xf32, #tpu.memory_space<hbm>> -> memref<90000x128xf32, #tpu.memory_space<hbm>>
        tpu.enqueue_indirect_dma source(%dma_start3A_530 : memref<90000x128xf32, #tpu.memory_space<hbm>>) target(%arg15 : memref<80x128xf32, #tpu.memory_space<vmem>>) offsets(%arg12 : memref<80xi32, #tpu.memory_space<vmem>>) semaphore(%arg21 : memref<!tpu.dma_semaphore, #tpu.memory_space<semaphore_mem>>)
        %dma_start3A_531 = arith.constant 0 : i32
        %dma_start3A_532 = tpu.memref_slice %arg6[%dma_start3A_531] : memref<160000xf32, #tpu.memory_space<hbm>> -> memref<160000xf32, #tpu.memory_space<hbm>>
        tpu.enqueue_indirect_dma source(%dma_start3A_532 : memref<160000xf32, #tpu.memory_space<hbm>>) target(%arg14 : memref<80xf32, #tpu.memory_space<vmem>>) offsets(%arg13 : memref<80xi32, #tpu.memory_space<vmem>>) semaphore(%arg21 : memref<!tpu.dma_semaphore, #tpu.memory_space<semaphore_mem>>)
        %add3A_533 = arith.constant 1 : i32
        %add3A_534 = arith.addi %mul3A_218, %add3A_533 : i32
        %mul3A_535 = arith.constant 80 : i32
        %mul3A_536 = arith.muli %add3A_534, %mul3A_535 : i32
        %multiple_of3A_537 = tpu.assume_multiple %mul3A_536, 80 : i32
        %dma_wait3A_538 = arith.constant 0 : i32
        %dma_wait3A_539 = arith.constant 0 : i32
        %dma_wait3A_540 = tpu.memref_slice %arg5[%dma_wait3A_538, %dma_wait3A_539] : memref<90000x128xf32, #tpu.memory_space<hbm>> -> memref<90000x128xf32, #tpu.memory_space<hbm>>
        tpu.wait_indirect_dma semaphore(%arg22 : memref<!tpu.dma_semaphore, #tpu.memory_space<semaphore_mem>>) src(%dma_wait3A_540 : memref<90000x128xf32, #tpu.memory_space<hbm>>) dst(%arg19 : memref<80x128xf32, #tpu.memory_space<vmem>>)
        %dma_wait3A_541 = arith.constant 0 : i32
        %dma_wait3A_542 = tpu.memref_slice %arg6[%dma_wait3A_541] : memref<160000xf32, #tpu.memory_space<hbm>> -> memref<160000xf32, #tpu.memory_space<hbm>>
        tpu.wait_indirect_dma semaphore(%arg22 : memref<!tpu.dma_semaphore, #tpu.memory_space<semaphore_mem>>) src(%dma_wait3A_542 : memref<160000xf32, #tpu.memory_space<hbm>>) dst(%arg18 : memref<80xf32, #tpu.memory_space<vmem>>)
        %scan3A_543 = arith.constant 0 : i32
        %scan3A_544 = arith.constant 0 : i32
        %scan3A_545 = arith.constant 20 : i32
        %scan3A_546 = arith.addi %scan3A_544, %scan3A_545 : i32
        %scan3A_547 = arith.constant 1 : i32
        scf.for %scan3A_629 = %scan3A_544 to %scan3A_546 step %scan3A_547  : i32 {
          %mul3A_630 = arith.constant 4 : i32
          %mul3A_631 = arith.muli %scan3A_629, %mul3A_630 : i32
          %add3A_632 = arith.constant 0 : i32
          %add3A_633 = arith.addi %mul3A_631, %add3A_632 : i32
          %broadcast_in_dim3A = vector.broadcast %add3A_633 : i32 to vector<16xi32>
          %gather3A = tpu.vector_load_idx %arg18[%broadcast_in_dim3A] : memref<80xf32, #tpu.memory_space<vmem>>[vector<16xi32>], vector<16xf32>,
          %get3A_634 = arith.index_cast %add3A_633 : i32 to index
          %get3A_635 = arith.constant 0 : index
          %get3A_636 = tpu.vector_load %arg19[%get3A_634, %get3A_635] {strides = array<i32>} : memref<80x128xf32, #tpu.memory_space<vmem>>, vector<16xf32>,
          %mul3A_637 = arith.mulf %get3A_636, %gather3A : vector<16xf32>
          %swap3A_638 = arith.index_cast %add3A_633 : i32 to index
          %swap3A_639 = arith.constant 0 : index
          %swap3A_640 = tpu.vector_load %arg19[%swap3A_638, %swap3A_639] {strides = array<i32>} : memref<80x128xf32, #tpu.memory_space<vmem>>, vector<16xf32>,
          tpu.vector_store %arg19[%swap3A_638, %swap3A_639], %mul3A_637 {strides = array<i32>} : memref<80x128xf32, #tpu.memory_space<vmem>>, vector<16xf32>,
          %get3A_641 = arith.index_cast %add3A_633 : i32 to index
          %get3A_642 = arith.constant 16 : index
          %get3A_643 = tpu.vector_load %arg19[%get3A_641, %get3A_642] {strides = array<i32>} : memref<80x128xf32, #tpu.memory_space<vmem>>, vector<16xf32>,
          %mul3A_644 = arith.mulf %get3A_643, %gather3A : vector<16xf32>
          %swap3A_645 = arith.index_cast %add3A_633 : i32 to index
          %swap3A_646 = arith.constant 16 : index
          %swap3A_647 = tpu.vector_load %arg19[%swap3A_645, %swap3A_646] {strides = array<i32>} : memref<80x128xf32, #tpu.memory_space<vmem>>, vector<16xf32>,
          tpu.vector_store %arg19[%swap3A_645, %swap3A_646], %mul3A_644 {strides = array<i32>} : memref<80x128xf32, #tpu.memory_space<vmem>>, vector<16xf32>,
          %get3A_648 = arith.index_cast %add3A_633 : i32 to index
          %get3A_649 = arith.constant 32 : index
          %get3A_650 = tpu.vector_load %arg19[%get3A_648, %get3A_649] {strides = array<i32>} : memref<80x128xf32, #tpu.memory_space<vmem>>, vector<16xf32>,
          %mul3A_651 = arith.mulf %get3A_650, %gather3A : vector<16xf32>
          %swap3A_652 = arith.index_cast %add3A_633 : i32 to index
          %swap3A_653 = arith.constant 32 : index
          %swap3A_654 = tpu.vector_load %arg19[%swap3A_652, %swap3A_653] {strides = array<i32>} : memref<80x128xf32, #tpu.memory_space<vmem>>, vector<16xf32>,
          tpu.vector_store %arg19[%swap3A_652, %swap3A_653], %mul3A_651 {strides = array<i32>} : memref<80x128xf32, #tpu.memory_space<vmem>>, vector<16xf32>,
          %get3A_655 = arith.index_cast %add3A_633 : i32 to index
          %get3A_656 = arith.constant 48 : index
          %get3A_657 = tpu.vector_load %arg19[%get3A_655, %get3A_656] {strides = array<i32>} : memref<80x128xf32, #tpu.memory_space<vmem>>, vector<16xf32>,
          %mul3A_658 = arith.mulf %get3A_657, %gather3A : vector<16xf32>
          %swap3A_659 = arith.index_cast %add3A_633 : i32 to index
          %swap3A_660 = arith.constant 48 : index
          %swap3A_661 = tpu.vector_load %arg19[%swap3A_659, %swap3A_660] {strides = array<i32>} : memref<80x128xf32, #tpu.memory_space<vmem>>, vector<16xf32>,
          tpu.vector_store %arg19[%swap3A_659, %swap3A_660], %mul3A_658 {strides = array<i32>} : memref<80x128xf32, #tpu.memory_space<vmem>>, vector<16xf32>,
          %get3A_662 = arith.index_cast %add3A_633 : i32 to index
          %get3A_663 = arith.constant 64 : index
          %get3A_664 = tpu.vector_load %arg19[%get3A_662, %get3A_663] {strides = array<i32>} : memref<80x128xf32, #tpu.memory_space<vmem>>, vector<16xf32>,
          %mul3A_665 = arith.mulf %get3A_664, %gather3A : vector<16xf32>
          %swap3A_666 = arith.index_cast %add3A_633 : i32 to index
          %swap3A_667 = arith.constant 64 : index
          %swap3A_668 = tpu.vector_load %arg19[%swap3A_666, %swap3A_667] {strides = array<i32>} : memref<80x128xf32, #tpu.memory_space<vmem>>, vector<16xf32>,
          tpu.vector_store %arg19[%swap3A_666, %swap3A_667], %mul3A_665 {strides = array<i32>} : memref<80x128xf32, #tpu.memory_space<vmem>>, vector<16xf32>,
          %get3A_669 = arith.index_cast %add3A_633 : i32 to index
          %get3A_670 = arith.constant 80 : index
          %get3A_671 = tpu.vector_load %arg19[%get3A_669, %get3A_670] {strides = array<i32>} : memref<80x128xf32, #tpu.memory_space<vmem>>, vector<16xf32>,
          %mul3A_672 = arith.mulf %get3A_671, %gather3A : vector<16xf32>
          %swap3A_673 = arith.index_cast %add3A_633 : i32 to index
          %swap3A_674 = arith.constant 80 : index
          %swap3A_675 = tpu.vector_load %arg19[%swap3A_673, %swap3A_674] {strides = array<i32>} : memref<80x128xf32, #tpu.memory_space<vmem>>, vector<16xf32>,
          tpu.vector_store %arg19[%swap3A_673, %swap3A_674], %mul3A_672 {strides = array<i32>} : memref<80x128xf32, #tpu.memory_space<vmem>>, vector<16xf32>,
          %get3A_676 = arith.index_cast %add3A_633 : i32 to index
          %get3A_677 = arith.constant 96 : index
          %get3A_678 = tpu.vector_load %arg19[%get3A_676, %get3A_677] {strides = array<i32>} : memref<80x128xf32, #tpu.memory_space<vmem>>, vector<16xf32>,
          %mul3A_679 = arith.mulf %get3A_678, %gather3A : vector<16xf32>
          %swap3A_680 = arith.index_cast %add3A_633 : i32 to index
          %swap3A_681 = arith.constant 96 : index
          %swap3A_682 = tpu.vector_load %arg19[%swap3A_680, %swap3A_681] {strides = array<i32>} : memref<80x128xf32, #tpu.memory_space<vmem>>, vector<16xf32>,
          tpu.vector_store %arg19[%swap3A_680, %swap3A_681], %mul3A_679 {strides = array<i32>} : memref<80x128xf32, #tpu.memory_space<vmem>>, vector<16xf32>,
          %get3A_683 = arith.index_cast %add3A_633 : i32 to index
          %get3A_684 = arith.constant 112 : index
          %get3A_685 = tpu.vector_load %arg19[%get3A_683, %get3A_684] {strides = array<i32>} : memref<80x128xf32, #tpu.memory_space<vmem>>, vector<16xf32>,
          %mul3A_686 = arith.mulf %get3A_685, %gather3A : vector<16xf32>
          %swap3A_687 = arith.index_cast %add3A_633 : i32 to index
          %swap3A_688 = arith.constant 112 : index
          %swap3A_689 = tpu.vector_load %arg19[%swap3A_687, %swap3A_688] {strides = array<i32>} : memref<80x128xf32, #tpu.memory_space<vmem>>, vector<16xf32>,
          tpu.vector_store %arg19[%swap3A_687, %swap3A_688], %mul3A_686 {strides = array<i32>} : memref<80x128xf32, #tpu.memory_space<vmem>>, vector<16xf32>,
          %mul3A_690 = arith.constant 4 : i32
          %mul3A_691 = arith.muli %scan3A_629, %mul3A_690 : i32
          %add3A_692 = arith.constant 1 : i32
          %add3A_693 = arith.addi %mul3A_691, %add3A_692 : i32
          %broadcast_in_dim3A_694 = vector.broadcast %add3A_693 : i32 to vector<16xi32>
          %gather3A_695 = tpu.vector_load_idx %arg18[%broadcast_in_dim3A_694] : memref<80xf32, #tpu.memory_space<vmem>>[vector<16xi32>], vector<16xf32>,
          %get3A_696 = arith.index_cast %add3A_693 : i32 to index
          %get3A_697 = arith.constant 0 : index
          %get3A_698 = tpu.vector_load %arg19[%get3A_696, %get3A_697] {strides = array<i32>} : memref<80x128xf32, #tpu.memory_space<vmem>>, vector<16xf32>,
          %mul3A_699 = arith.mulf %get3A_698, %gather3A_695 : vector<16xf32>
          %swap3A_700 = arith.index_cast %add3A_693 : i32 to index
          %swap3A_701 = arith.constant 0 : index
          %swap3A_702 = tpu.vector_load %arg19[%swap3A_700, %swap3A_701] {strides = array<i32>} : memref<80x128xf32, #tpu.memory_space<vmem>>, vector<16xf32>,
          tpu.vector_store %arg19[%swap3A_700, %swap3A_701], %mul3A_699 {strides = array<i32>} : memref<80x128xf32, #tpu.memory_space<vmem>>, vector<16xf32>,
          %get3A_703 = arith.index_cast %add3A_693 : i32 to index
          %get3A_704 = arith.constant 16 : index
          %get3A_705 = tpu.vector_load %arg19[%get3A_703, %get3A_704] {strides = array<i32>} : memref<80x128xf32, #tpu.memory_space<vmem>>, vector<16xf32>,
          %mul3A_706 = arith.mulf %get3A_705, %gather3A_695 : vector<16xf32>
          %swap3A_707 = arith.index_cast %add3A_693 : i32 to index
          %swap3A_708 = arith.constant 16 : index
          %swap3A_709 = tpu.vector_load %arg19[%swap3A_707, %swap3A_708] {strides = array<i32>} : memref<80x128xf32, #tpu.memory_space<vmem>>, vector<16xf32>,
          tpu.vector_store %arg19[%swap3A_707, %swap3A_708], %mul3A_706 {strides = array<i32>} : memref<80x128xf32, #tpu.memory_space<vmem>>, vector<16xf32>,
          %get3A_710 = arith.index_cast %add3A_693 : i32 to index
          %get3A_711 = arith.constant 32 : index
          %get3A_712 = tpu.vector_load %arg19[%get3A_710, %get3A_711] {strides = array<i32>} : memref<80x128xf32, #tpu.memory_space<vmem>>, vector<16xf32>,
          %mul3A_713 = arith.mulf %get3A_712, %gather3A_695 : vector<16xf32>
          %swap3A_714 = arith.index_cast %add3A_693 : i32 to index
          %swap3A_715 = arith.constant 32 : index
          %swap3A_716 = tpu.vector_load %arg19[%swap3A_714, %swap3A_715] {strides = array<i32>} : memref<80x128xf32, #tpu.memory_space<vmem>>, vector<16xf32>,
          tpu.vector_store %arg19[%swap3A_714, %swap3A_715], %mul3A_713 {strides = array<i32>} : memref<80x128xf32, #tpu.memory_space<vmem>>, vector<16xf32>,
          %get3A_717 = arith.index_cast %add3A_693 : i32 to index
          %get3A_718 = arith.constant 48 : index
          %get3A_719 = tpu.vector_load %arg19[%get3A_717, %get3A_718] {strides = array<i32>} : memref<80x128xf32, #tpu.memory_space<vmem>>, vector<16xf32>,
          %mul3A_720 = arith.mulf %get3A_719, %gather3A_695 : vector<16xf32>
          %swap3A_721 = arith.index_cast %add3A_693 : i32 to index
          %swap3A_722 = arith.constant 48 : index
          %swap3A_723 = tpu.vector_load %arg19[%swap3A_721, %swap3A_722] {strides = array<i32>} : memref<80x128xf32, #tpu.memory_space<vmem>>, vector<16xf32>,
          tpu.vector_store %arg19[%swap3A_721, %swap3A_722], %mul3A_720 {strides = array<i32>} : memref<80x128xf32, #tpu.memory_space<vmem>>, vector<16xf32>,
          %get3A_724 = arith.index_cast %add3A_693 : i32 to index
          %get3A_725 = arith.constant 64 : index
          %get3A_726 = tpu.vector_load %arg19[%get3A_724, %get3A_725] {strides = array<i32>} : memref<80x128xf32, #tpu.memory_space<vmem>>, vector<16xf32>,
          %mul3A_727 = arith.mulf %get3A_726, %gather3A_695 : vector<16xf32>
          %swap3A_728 = arith.index_cast %add3A_693 : i32 to index
          %swap3A_729 = arith.constant 64 : index
          %swap3A_730 = tpu.vector_load %arg19[%swap3A_728, %swap3A_729] {strides = array<i32>} : memref<80x128xf32, #tpu.memory_space<vmem>>, vector<16xf32>,
          tpu.vector_store %arg19[%swap3A_728, %swap3A_729], %mul3A_727 {strides = array<i32>} : memref<80x128xf32, #tpu.memory_space<vmem>>, vector<16xf32>,
          %get3A_731 = arith.index_cast %add3A_693 : i32 to index
          %get3A_732 = arith.constant 80 : index
          %get3A_733 = tpu.vector_load %arg19[%get3A_731, %get3A_732] {strides = array<i32>} : memref<80x128xf32, #tpu.memory_space<vmem>>, vector<16xf32>,
          %mul3A_734 = arith.mulf %get3A_733, %gather3A_695 : vector<16xf32>
          %swap3A_735 = arith.index_cast %add3A_693 : i32 to index
          %swap3A_736 = arith.constant 80 : index
          %swap3A_737 = tpu.vector_load %arg19[%swap3A_735, %swap3A_736] {strides = array<i32>} : memref<80x128xf32, #tpu.memory_space<vmem>>, vector<16xf32>,
          tpu.vector_store %arg19[%swap3A_735, %swap3A_736], %mul3A_734 {strides = array<i32>} : memref<80x128xf32, #tpu.memory_space<vmem>>, vector<16xf32>,
          %get3A_738 = arith.index_cast %add3A_693 : i32 to index
          %get3A_739 = arith.constant 96 : index
          %get3A_740 = tpu.vector_load %arg19[%get3A_738, %get3A_739] {strides = array<i32>} : memref<80x128xf32, #tpu.memory_space<vmem>>, vector<16xf32>,
          %mul3A_741 = arith.mulf %get3A_740, %gather3A_695 : vector<16xf32>
          %swap3A_742 = arith.index_cast %add3A_693 : i32 to index
          %swap3A_743 = arith.constant 96 : index
          %swap3A_744 = tpu.vector_load %arg19[%swap3A_742, %swap3A_743] {strides = array<i32>} : memref<80x128xf32, #tpu.memory_space<vmem>>, vector<16xf32>,
          tpu.vector_store %arg19[%swap3A_742, %swap3A_743], %mul3A_741 {strides = array<i32>} : memref<80x128xf32, #tpu.memory_space<vmem>>, vector<16xf32>,
          %get3A_745 = arith.index_cast %add3A_693 : i32 to index
          %get3A_746 = arith.constant 112 : index
          %get3A_747 = tpu.vector_load %arg19[%get3A_745, %get3A_746] {strides = array<i32>} : memref<80x128xf32, #tpu.memory_space<vmem>>, vector<16xf32>,
          %mul3A_748 = arith.mulf %get3A_747, %gather3A_695 : vector<16xf32>
          %swap3A_749 = arith.index_cast %add3A_693 : i32 to index
          %swap3A_750 = arith.constant 112 : index
          %swap3A_751 = tpu.vector_load %arg19[%swap3A_749, %swap3A_750] {strides = array<i32>} : memref<80x128xf32, #tpu.memory_space<vmem>>, vector<16xf32>,
          tpu.vector_store %arg19[%swap3A_749, %swap3A_750], %mul3A_748 {strides = array<i32>} : memref<80x128xf32, #tpu.memory_space<vmem>>, vector<16xf32>,
          %mul3A_752 = arith.constant 4 : i32
          %mul3A_753 = arith.muli %scan3A_629, %mul3A_752 : i32
          %add3A_754 = arith.constant 2 : i32
          %add3A_755 = arith.addi %mul3A_753, %add3A_754 : i32
          %broadcast_in_dim3A_756 = vector.broadcast %add3A_755 : i32 to vector<16xi32>
          %gather3A_757 = tpu.vector_load_idx %arg18[%broadcast_in_dim3A_756] : memref<80xf32, #tpu.memory_space<vmem>>[vector<16xi32>], vector<16xf32>,
          %get3A_758 = arith.index_cast %add3A_755 : i32 to index
          %get3A_759 = arith.constant 0 : index
          %get3A_760 = tpu.vector_load %arg19[%get3A_758, %get3A_759] {strides = array<i32>} : memref<80x128xf32, #tpu.memory_space<vmem>>, vector<16xf32>,
          %mul3A_761 = arith.mulf %get3A_760, %gather3A_757 : vector<16xf32>
          %swap3A_762 = arith.index_cast %add3A_755 : i32 to index
          %swap3A_763 = arith.constant 0 : index
          %swap3A_764 = tpu.vector_load %arg19[%swap3A_762, %swap3A_763] {strides = array<i32>} : memref<80x128xf32, #tpu.memory_space<vmem>>, vector<16xf32>,
          tpu.vector_store %arg19[%swap3A_762, %swap3A_763], %mul3A_761 {strides = array<i32>} : memref<80x128xf32, #tpu.memory_space<vmem>>, vector<16xf32>,
          %get3A_765 = arith.index_cast %add3A_755 : i32 to index
          %get3A_766 = arith.constant 16 : index
          %get3A_767 = tpu.vector_load %arg19[%get3A_765, %get3A_766] {strides = array<i32>} : memref<80x128xf32, #tpu.memory_space<vmem>>, vector<16xf32>,
          %mul3A_768 = arith.mulf %get3A_767, %gather3A_757 : vector<16xf32>
          %swap3A_769 = arith.index_cast %add3A_755 : i32 to index
          %swap3A_770 = arith.constant 16 : index
          %swap3A_771 = tpu.vector_load %arg19[%swap3A_769, %swap3A_770] {strides = array<i32>} : memref<80x128xf32, #tpu.memory_space<vmem>>, vector<16xf32>,
          tpu.vector_store %arg19[%swap3A_769, %swap3A_770], %mul3A_768 {strides = array<i32>} : memref<80x128xf32, #tpu.memory_space<vmem>>, vector<16xf32>,
          %get3A_772 = arith.index_cast %add3A_755 : i32 to index
          %get3A_773 = arith.constant 32 : index
          %get3A_774 = tpu.vector_load %arg19[%get3A_772, %get3A_773] {strides = array<i32>} : memref<80x128xf32, #tpu.memory_space<vmem>>, vector<16xf32>,
          %mul3A_775 = arith.mulf %get3A_774, %gather3A_757 : vector<16xf32>
          %swap3A_776 = arith.index_cast %add3A_755 : i32 to index
          %swap3A_777 = arith.constant 32 : index
          %swap3A_778 = tpu.vector_load %arg19[%swap3A_776, %swap3A_777] {strides = array<i32>} : memref<80x128xf32, #tpu.memory_space<vmem>>, vector<16xf32>,
          tpu.vector_store %arg19[%swap3A_776, %swap3A_777], %mul3A_775 {strides = array<i32>} : memref<80x128xf32, #tpu.memory_space<vmem>>, vector<16xf32>,
          %get3A_779 = arith.index_cast %add3A_755 : i32 to index
          %get3A_780 = arith.constant 48 : index
          %get3A_781 = tpu.vector_load %arg19[%get3A_779, %get3A_780] {strides = array<i32>} : memref<80x128xf32, #tpu.memory_space<vmem>>, vector<16xf32>,
          %mul3A_782 = arith.mulf %get3A_781, %gather3A_757 : vector<16xf32>
          %swap3A_783 = arith.index_cast %add3A_755 : i32 to index
          %swap3A_784 = arith.constant 48 : index
          %swap3A_785 = tpu.vector_load %arg19[%swap3A_783, %swap3A_784] {strides = array<i32>} : memref<80x128xf32, #tpu.memory_space<vmem>>, vector<16xf32>,
          tpu.vector_store %arg19[%swap3A_783, %swap3A_784], %mul3A_782 {strides = array<i32>} : memref<80x128xf32, #tpu.memory_space<vmem>>, vector<16xf32>,
          %get3A_786 = arith.index_cast %add3A_755 : i32 to index
          %get3A_787 = arith.constant 64 : index
          %get3A_788 = tpu.vector_load %arg19[%get3A_786, %get3A_787] {strides = array<i32>} : memref<80x128xf32, #tpu.memory_space<vmem>>, vector<16xf32>,
          %mul3A_789 = arith.mulf %get3A_788, %gather3A_757 : vector<16xf32>
          %swap3A_790 = arith.index_cast %add3A_755 : i32 to index
          %swap3A_791 = arith.constant 64 : index
          %swap3A_792 = tpu.vector_load %arg19[%swap3A_790, %swap3A_791] {strides = array<i32>} : memref<80x128xf32, #tpu.memory_space<vmem>>, vector<16xf32>,
          tpu.vector_store %arg19[%swap3A_790, %swap3A_791], %mul3A_789 {strides = array<i32>} : memref<80x128xf32, #tpu.memory_space<vmem>>, vector<16xf32>,
          %get3A_793 = arith.index_cast %add3A_755 : i32 to index
          %get3A_794 = arith.constant 80 : index
          %get3A_795 = tpu.vector_load %arg19[%get3A_793, %get3A_794] {strides = array<i32>} : memref<80x128xf32, #tpu.memory_space<vmem>>, vector<16xf32>,
          %mul3A_796 = arith.mulf %get3A_795, %gather3A_757 : vector<16xf32>
          %swap3A_797 = arith.index_cast %add3A_755 : i32 to index
          %swap3A_798 = arith.constant 80 : index
          %swap3A_799 = tpu.vector_load %arg19[%swap3A_797, %swap3A_798] {strides = array<i32>} : memref<80x128xf32, #tpu.memory_space<vmem>>, vector<16xf32>,
          tpu.vector_store %arg19[%swap3A_797, %swap3A_798], %mul3A_796 {strides = array<i32>} : memref<80x128xf32, #tpu.memory_space<vmem>>, vector<16xf32>,
          %get3A_800 = arith.index_cast %add3A_755 : i32 to index
          %get3A_801 = arith.constant 96 : index
          %get3A_802 = tpu.vector_load %arg19[%get3A_800, %get3A_801] {strides = array<i32>} : memref<80x128xf32, #tpu.memory_space<vmem>>, vector<16xf32>,
          %mul3A_803 = arith.mulf %get3A_802, %gather3A_757 : vector<16xf32>
          %swap3A_804 = arith.index_cast %add3A_755 : i32 to index
          %swap3A_805 = arith.constant 96 : index
          %swap3A_806 = tpu.vector_load %arg19[%swap3A_804, %swap3A_805] {strides = array<i32>} : memref<80x128xf32, #tpu.memory_space<vmem>>, vector<16xf32>,
          tpu.vector_store %arg19[%swap3A_804, %swap3A_805], %mul3A_803 {strides = array<i32>} : memref<80x128xf32, #tpu.memory_space<vmem>>, vector<16xf32>,
          %get3A_807 = arith.index_cast %add3A_755 : i32 to index
          %get3A_808 = arith.constant 112 : index
          %get3A_809 = tpu.vector_load %arg19[%get3A_807, %get3A_808] {strides = array<i32>} : memref<80x128xf32, #tpu.memory_space<vmem>>, vector<16xf32>,
          %mul3A_810 = arith.mulf %get3A_809, %gather3A_757 : vector<16xf32>
          %swap3A_811 = arith.index_cast %add3A_755 : i32 to index
          %swap3A_812 = arith.constant 112 : index
          %swap3A_813 = tpu.vector_load %arg19[%swap3A_811, %swap3A_812] {strides = array<i32>} : memref<80x128xf32, #tpu.memory_space<vmem>>, vector<16xf32>,
          tpu.vector_store %arg19[%swap3A_811, %swap3A_812], %mul3A_810 {strides = array<i32>} : memref<80x128xf32, #tpu.memory_space<vmem>>, vector<16xf32>,
          %mul3A_814 = arith.constant 4 : i32
          %mul3A_815 = arith.muli %scan3A_629, %mul3A_814 : i32
          %add3A_816 = arith.constant 3 : i32
          %add3A_817 = arith.addi %mul3A_815, %add3A_816 : i32
          %broadcast_in_dim3A_818 = vector.broadcast %add3A_817 : i32 to vector<16xi32>
          %gather3A_819 = tpu.vector_load_idx %arg18[%broadcast_in_dim3A_818] : memref<80xf32, #tpu.memory_space<vmem>>[vector<16xi32>], vector<16xf32>,
          %get3A_820 = arith.index_cast %add3A_817 : i32 to index
          %get3A_821 = arith.constant 0 : index
          %get3A_822 = tpu.vector_load %arg19[%get3A_820, %get3A_821] {strides = array<i32>} : memref<80x128xf32, #tpu.memory_space<vmem>>, vector<16xf32>,
          %mul3A_823 = arith.mulf %get3A_822, %gather3A_819 : vector<16xf32>
          %swap3A_824 = arith.index_cast %add3A_817 : i32 to index
          %swap3A_825 = arith.constant 0 : index
          %swap3A_826 = tpu.vector_load %arg19[%swap3A_824, %swap3A_825] {strides = array<i32>} : memref<80x128xf32, #tpu.memory_space<vmem>>, vector<16xf32>,
          tpu.vector_store %arg19[%swap3A_824, %swap3A_825], %mul3A_823 {strides = array<i32>} : memref<80x128xf32, #tpu.memory_space<vmem>>, vector<16xf32>,
          %get3A_827 = arith.index_cast %add3A_817 : i32 to index
          %get3A_828 = arith.constant 16 : index
          %get3A_829 = tpu.vector_load %arg19[%get3A_827, %get3A_828] {strides = array<i32>} : memref<80x128xf32, #tpu.memory_space<vmem>>, vector<16xf32>,
          %mul3A_830 = arith.mulf %get3A_829, %gather3A_819 : vector<16xf32>
          %swap3A_831 = arith.index_cast %add3A_817 : i32 to index
          %swap3A_832 = arith.constant 16 : index
          %swap3A_833 = tpu.vector_load %arg19[%swap3A_831, %swap3A_832] {strides = array<i32>} : memref<80x128xf32, #tpu.memory_space<vmem>>, vector<16xf32>,
          tpu.vector_store %arg19[%swap3A_831, %swap3A_832], %mul3A_830 {strides = array<i32>} : memref<80x128xf32, #tpu.memory_space<vmem>>, vector<16xf32>,
          %get3A_834 = arith.index_cast %add3A_817 : i32 to index
          %get3A_835 = arith.constant 32 : index
          %get3A_836 = tpu.vector_load %arg19[%get3A_834, %get3A_835] {strides = array<i32>} : memref<80x128xf32, #tpu.memory_space<vmem>>, vector<16xf32>,
          %mul3A_837 = arith.mulf %get3A_836, %gather3A_819 : vector<16xf32>
          %swap3A_838 = arith.index_cast %add3A_817 : i32 to index
          %swap3A_839 = arith.constant 32 : index
          %swap3A_840 = tpu.vector_load %arg19[%swap3A_838, %swap3A_839] {strides = array<i32>} : memref<80x128xf32, #tpu.memory_space<vmem>>, vector<16xf32>,
          tpu.vector_store %arg19[%swap3A_838, %swap3A_839], %mul3A_837 {strides = array<i32>} : memref<80x128xf32, #tpu.memory_space<vmem>>, vector<16xf32>,
          %get3A_841 = arith.index_cast %add3A_817 : i32 to index
          %get3A_842 = arith.constant 48 : index
          %get3A_843 = tpu.vector_load %arg19[%get3A_841, %get3A_842] {strides = array<i32>} : memref<80x128xf32, #tpu.memory_space<vmem>>, vector<16xf32>,
          %mul3A_844 = arith.mulf %get3A_843, %gather3A_819 : vector<16xf32>
          %swap3A_845 = arith.index_cast %add3A_817 : i32 to index
          %swap3A_846 = arith.constant 48 : index
          %swap3A_847 = tpu.vector_load %arg19[%swap3A_845, %swap3A_846] {strides = array<i32>} : memref<80x128xf32, #tpu.memory_space<vmem>>, vector<16xf32>,
          tpu.vector_store %arg19[%swap3A_845, %swap3A_846], %mul3A_844 {strides = array<i32>} : memref<80x128xf32, #tpu.memory_space<vmem>>, vector<16xf32>,
          %get3A_848 = arith.index_cast %add3A_817 : i32 to index
          %get3A_849 = arith.constant 64 : index
          %get3A_850 = tpu.vector_load %arg19[%get3A_848, %get3A_849] {strides = array<i32>} : memref<80x128xf32, #tpu.memory_space<vmem>>, vector<16xf32>,
          %mul3A_851 = arith.mulf %get3A_850, %gather3A_819 : vector<16xf32>
          %swap3A_852 = arith.index_cast %add3A_817 : i32 to index
          %swap3A_853 = arith.constant 64 : index
          %swap3A_854 = tpu.vector_load %arg19[%swap3A_852, %swap3A_853] {strides = array<i32>} : memref<80x128xf32, #tpu.memory_space<vmem>>, vector<16xf32>,
          tpu.vector_store %arg19[%swap3A_852, %swap3A_853], %mul3A_851 {strides = array<i32>} : memref<80x128xf32, #tpu.memory_space<vmem>>, vector<16xf32>,
          %get3A_855 = arith.index_cast %add3A_817 : i32 to index
          %get3A_856 = arith.constant 80 : index
          %get3A_857 = tpu.vector_load %arg19[%get3A_855, %get3A_856] {strides = array<i32>} : memref<80x128xf32, #tpu.memory_space<vmem>>, vector<16xf32>,
          %mul3A_858 = arith.mulf %get3A_857, %gather3A_819 : vector<16xf32>
          %swap3A_859 = arith.index_cast %add3A_817 : i32 to index
          %swap3A_860 = arith.constant 80 : index
          %swap3A_861 = tpu.vector_load %arg19[%swap3A_859, %swap3A_860] {strides = array<i32>} : memref<80x128xf32, #tpu.memory_space<vmem>>, vector<16xf32>,
          tpu.vector_store %arg19[%swap3A_859, %swap3A_860], %mul3A_858 {strides = array<i32>} : memref<80x128xf32, #tpu.memory_space<vmem>>, vector<16xf32>,
          %get3A_862 = arith.index_cast %add3A_817 : i32 to index
          %get3A_863 = arith.constant 96 : index
          %get3A_864 = tpu.vector_load %arg19[%get3A_862, %get3A_863] {strides = array<i32>} : memref<80x128xf32, #tpu.memory_space<vmem>>, vector<16xf32>,
          %mul3A_865 = arith.mulf %get3A_864, %gather3A_819 : vector<16xf32>
          %swap3A_866 = arith.index_cast %add3A_817 : i32 to index
          %swap3A_867 = arith.constant 96 : index
          %swap3A_868 = tpu.vector_load %arg19[%swap3A_866, %swap3A_867] {strides = array<i32>} : memref<80x128xf32, #tpu.memory_space<vmem>>, vector<16xf32>,
          tpu.vector_store %arg19[%swap3A_866, %swap3A_867], %mul3A_865 {strides = array<i32>} : memref<80x128xf32, #tpu.memory_space<vmem>>, vector<16xf32>,
          %get3A_869 = arith.index_cast %add3A_817 : i32 to index
          %get3A_870 = arith.constant 112 : index
          %get3A_871 = tpu.vector_load %arg19[%get3A_869, %get3A_870] {strides = array<i32>} : memref<80x128xf32, #tpu.memory_space<vmem>>, vector<16xf32>,
          %mul3A_872 = arith.mulf %get3A_871, %gather3A_819 : vector<16xf32>
          %swap3A_873 = arith.index_cast %add3A_817 : i32 to index
          %swap3A_874 = arith.constant 112 : index
          %swap3A_875 = tpu.vector_load %arg19[%swap3A_873, %swap3A_874] {strides = array<i32>} : memref<80x128xf32, #tpu.memory_space<vmem>>, vector<16xf32>,
          tpu.vector_store %arg19[%swap3A_873, %swap3A_874], %mul3A_872 {strides = array<i32>} : memref<80x128xf32, #tpu.memory_space<vmem>>, vector<16xf32>,
        }
        %scan3A_548 = arith.constant 20 : i32
        %add3A_549 = arith.constant 0 : i32
        %add3A_550 = arith.addi %multiple_of3A_537, %add3A_549 : i32
        %get3A_551 = arith.index_cast %add3A_550 : i32 to index
        %get3A_552 = tpu.vector_load %arg10[%get3A_551] {strides = array<i32>} : memref<2000xi32, #tpu.memory_space<vmem>>, vector<16xi32>,
        %dma_start3A_553 = arith.constant 0 : i32
        %dma_start3A_554 = arith.constant 0 : i32
        %dma_start3A_555 = tpu.memref_slice %arg19[%dma_start3A_553, %dma_start3A_554] : memref<80x128xf32, #tpu.memory_space<vmem>> -> memref<16x128xf32, #tpu.memory_space<vmem>>
        %dma_start3A_556 = arith.constant 0 : i32
        %dma_start3A_557 = arith.constant 0 : i32
        %dma_start3A_558 = tpu.memref_slice %arg20[%dma_start3A_556, %dma_start3A_557] : memref<10240x128xf32, #tpu.memory_space<vmem_shared>> -> memref<10240x128xf32, #tpu.memory_space<vmem_shared>>
        tpu.enqueue_indirect_dma source(%dma_start3A_555 : memref<16x128xf32, #tpu.memory_space<vmem>>) target(%dma_start3A_558 : memref<10240x128xf32, #tpu.memory_space<vmem_shared>>) offsets(%get3A_552 : vector<16xi32>) semaphore(%arg23 : memref<!tpu.dma_semaphore, #tpu.memory_space<semaphore_mem>>) {add = true}
        %add3A_559 = arith.constant 16 : i32
        %add3A_560 = arith.addi %multiple_of3A_537, %add3A_559 : i32
        %get3A_561 = arith.index_cast %add3A_560 : i32 to index
        %get3A_562 = tpu.vector_load %arg10[%get3A_561] {strides = array<i32>} : memref<2000xi32, #tpu.memory_space<vmem>>, vector<16xi32>,
        %dma_start3A_563 = arith.constant 16 : i32
        %dma_start3A_564 = arith.constant 0 : i32
        %dma_start3A_565 = tpu.memref_slice %arg19[%dma_start3A_563, %dma_start3A_564] : memref<80x128xf32, #tpu.memory_space<vmem>> -> memref<16x128xf32, #tpu.memory_space<vmem>>
        %dma_start3A_566 = arith.constant 0 : i32
        %dma_start3A_567 = arith.constant 0 : i32
        %dma_start3A_568 = tpu.memref_slice %arg20[%dma_start3A_566, %dma_start3A_567] : memref<10240x128xf32, #tpu.memory_space<vmem_shared>> -> memref<10240x128xf32, #tpu.memory_space<vmem_shared>>
        tpu.enqueue_indirect_dma source(%dma_start3A_565 : memref<16x128xf32, #tpu.memory_space<vmem>>) target(%dma_start3A_568 : memref<10240x128xf32, #tpu.memory_space<vmem_shared>>) offsets(%get3A_562 : vector<16xi32>) semaphore(%arg23 : memref<!tpu.dma_semaphore, #tpu.memory_space<semaphore_mem>>) {add = true}
        %add3A_569 = arith.constant 32 : i32
        %add3A_570 = arith.addi %multiple_of3A_537, %add3A_569 : i32
        %get3A_571 = arith.index_cast %add3A_570 : i32 to index
        %get3A_572 = tpu.vector_load %arg10[%get3A_571] {strides = array<i32>} : memref<2000xi32, #tpu.memory_space<vmem>>, vector<16xi32>,
        %dma_start3A_573 = arith.constant 32 : i32
        %dma_start3A_574 = arith.constant 0 : i32
        %dma_start3A_575 = tpu.memref_slice %arg19[%dma_start3A_573, %dma_start3A_574] : memref<80x128xf32, #tpu.memory_space<vmem>> -> memref<16x128xf32, #tpu.memory_space<vmem>>
        %dma_start3A_576 = arith.constant 0 : i32
        %dma_start3A_577 = arith.constant 0 : i32
        %dma_start3A_578 = tpu.memref_slice %arg20[%dma_start3A_576, %dma_start3A_577] : memref<10240x128xf32, #tpu.memory_space<vmem_shared>> -> memref<10240x128xf32, #tpu.memory_space<vmem_shared>>
        tpu.enqueue_indirect_dma source(%dma_start3A_575 : memref<16x128xf32, #tpu.memory_space<vmem>>) target(%dma_start3A_578 : memref<10240x128xf32, #tpu.memory_space<vmem_shared>>) offsets(%get3A_572 : vector<16xi32>) semaphore(%arg23 : memref<!tpu.dma_semaphore, #tpu.memory_space<semaphore_mem>>) {add = true}
        %add3A_579 = arith.constant 48 : i32
        %add3A_580 = arith.addi %multiple_of3A_537, %add3A_579 : i32
        %get3A_581 = arith.index_cast %add3A_580 : i32 to index
        %get3A_582 = tpu.vector_load %arg10[%get3A_581] {strides = array<i32>} : memref<2000xi32, #tpu.memory_space<vmem>>, vector<16xi32>,
        %dma_start3A_583 = arith.constant 48 : i32
        %dma_start3A_584 = arith.constant 0 : i32
        %dma_start3A_585 = tpu.memref_slice %arg19[%dma_start3A_583, %dma_start3A_584] : memref<80x128xf32, #tpu.memory_space<vmem>> -> memref<16x128xf32, #tpu.memory_space<vmem>>
        %dma_start3A_586 = arith.constant 0 : i32
        %dma_start3A_587 = arith.constant 0 : i32
        %dma_start3A_588 = tpu.memref_slice %arg20[%dma_start3A_586, %dma_start3A_587] : memref<10240x128xf32, #tpu.memory_space<vmem_shared>> -> memref<10240x128xf32, #tpu.memory_space<vmem_shared>>
        tpu.enqueue_indirect_dma source(%dma_start3A_585 : memref<16x128xf32, #tpu.memory_space<vmem>>) target(%dma_start3A_588 : memref<10240x128xf32, #tpu.memory_space<vmem_shared>>) offsets(%get3A_582 : vector<16xi32>) semaphore(%arg23 : memref<!tpu.dma_semaphore, #tpu.memory_space<semaphore_mem>>) {add = true}
        %add3A_589 = arith.constant 64 : i32
        %add3A_590 = arith.addi %multiple_of3A_537, %add3A_589 : i32
        %get3A_591 = arith.index_cast %add3A_590 : i32 to index
        %get3A_592 = tpu.vector_load %arg10[%get3A_591] {strides = array<i32>} : memref<2000xi32, #tpu.memory_space<vmem>>, vector<16xi32>,
        %dma_start3A_593 = arith.constant 64 : i32
        %dma_start3A_594 = arith.constant 0 : i32
        %dma_start3A_595 = tpu.memref_slice %arg19[%dma_start3A_593, %dma_start3A_594] : memref<80x128xf32, #tpu.memory_space<vmem>> -> memref<16x128xf32, #tpu.memory_space<vmem>>
        %dma_start3A_596 = arith.constant 0 : i32
        %dma_start3A_597 = arith.constant 0 : i32
        %dma_start3A_598 = tpu.memref_slice %arg20[%dma_start3A_596, %dma_start3A_597] : memref<10240x128xf32, #tpu.memory_space<vmem_shared>> -> memref<10240x128xf32, #tpu.memory_space<vmem_shared>>
        tpu.enqueue_indirect_dma source(%dma_start3A_595 : memref<16x128xf32, #tpu.memory_space<vmem>>) target(%dma_start3A_598 : memref<10240x128xf32, #tpu.memory_space<vmem_shared>>) offsets(%get3A_592 : vector<16xi32>) semaphore(%arg23 : memref<!tpu.dma_semaphore, #tpu.memory_space<semaphore_mem>>) {add = true}
        %dma_wait3A_599 = arith.constant 0 : i32
        %dma_wait3A_600 = arith.constant 0 : i32
        %dma_wait3A_601 = tpu.memref_slice %arg19[%dma_wait3A_599, %dma_wait3A_600] : memref<80x128xf32, #tpu.memory_space<vmem>> -> memref<16x128xf32, #tpu.memory_space<vmem>>
        %dma_wait3A_602 = arith.constant 0 : i32
        %dma_wait3A_603 = arith.constant 0 : i32
        %dma_wait3A_604 = tpu.memref_slice %arg20[%dma_wait3A_602, %dma_wait3A_603] : memref<10240x128xf32, #tpu.memory_space<vmem_shared>> -> memref<10240x128xf32, #tpu.memory_space<vmem_shared>>
        tpu.wait_indirect_dma semaphore(%arg23 : memref<!tpu.dma_semaphore, #tpu.memory_space<semaphore_mem>>) src(%dma_wait3A_601 : memref<16x128xf32, #tpu.memory_space<vmem>>) dst(%dma_wait3A_604 : memref<10240x128xf32, #tpu.memory_space<vmem_shared>>)
        %dma_wait3A_605 = arith.constant 16 : i32
        %dma_wait3A_606 = arith.constant 0 : i32
        %dma_wait3A_607 = tpu.memref_slice %arg19[%dma_wait3A_605, %dma_wait3A_606] : memref<80x128xf32, #tpu.memory_space<vmem>> -> memref<16x128xf32, #tpu.memory_space<vmem>>
        %dma_wait3A_608 = arith.constant 0 : i32
        %dma_wait3A_609 = arith.constant 0 : i32
        %dma_wait3A_610 = tpu.memref_slice %arg20[%dma_wait3A_608, %dma_wait3A_609] : memref<10240x128xf32, #tpu.memory_space<vmem_shared>> -> memref<10240x128xf32, #tpu.memory_space<vmem_shared>>
        tpu.wait_indirect_dma semaphore(%arg23 : memref<!tpu.dma_semaphore, #tpu.memory_space<semaphore_mem>>) src(%dma_wait3A_607 : memref<16x128xf32, #tpu.memory_space<vmem>>) dst(%dma_wait3A_610 : memref<10240x128xf32, #tpu.memory_space<vmem_shared>>)
        %dma_wait3A_611 = arith.constant 32 : i32
        %dma_wait3A_612 = arith.constant 0 : i32
        %dma_wait3A_613 = tpu.memref_slice %arg19[%dma_wait3A_611, %dma_wait3A_612] : memref<80x128xf32, #tpu.memory_space<vmem>> -> memref<16x128xf32, #tpu.memory_space<vmem>>
        %dma_wait3A_614 = arith.constant 0 : i32
        %dma_wait3A_615 = arith.constant 0 : i32
        %dma_wait3A_616 = tpu.memref_slice %arg20[%dma_wait3A_614, %dma_wait3A_615] : memref<10240x128xf32, #tpu.memory_space<vmem_shared>> -> memref<10240x128xf32, #tpu.memory_space<vmem_shared>>
        tpu.wait_indirect_dma semaphore(%arg23 : memref<!tpu.dma_semaphore, #tpu.memory_space<semaphore_mem>>) src(%dma_wait3A_613 : memref<16x128xf32, #tpu.memory_space<vmem>>) dst(%dma_wait3A_616 : memref<10240x128xf32, #tpu.memory_space<vmem_shared>>)
        %dma_wait3A_617 = arith.constant 48 : i32
        %dma_wait3A_618 = arith.constant 0 : i32
        %dma_wait3A_619 = tpu.memref_slice %arg19[%dma_wait3A_617, %dma_wait3A_618] : memref<80x128xf32, #tpu.memory_space<vmem>> -> memref<16x128xf32, #tpu.memory_space<vmem>>
        %dma_wait3A_620 = arith.constant 0 : i32
        %dma_wait3A_621 = arith.constant 0 : i32
        %dma_wait3A_622 = tpu.memref_slice %arg20[%dma_wait3A_620, %dma_wait3A_621] : memref<10240x128xf32, #tpu.memory_space<vmem_shared>> -> memref<10240x128xf32, #tpu.memory_space<vmem_shared>>
        tpu.wait_indirect_dma semaphore(%arg23 : memref<!tpu.dma_semaphore, #tpu.memory_space<semaphore_mem>>) src(%dma_wait3A_619 : memref<16x128xf32, #tpu.memory_space<vmem>>) dst(%dma_wait3A_622 : memref<10240x128xf32, #tpu.memory_space<vmem_shared>>)
        %dma_wait3A_623 = arith.constant 64 : i32
        %dma_wait3A_624 = arith.constant 0 : i32
        %dma_wait3A_625 = tpu.memref_slice %arg19[%dma_wait3A_623, %dma_wait3A_624] : memref<80x128xf32, #tpu.memory_space<vmem>> -> memref<16x128xf32, #tpu.memory_space<vmem>>
        %dma_wait3A_626 = arith.constant 0 : i32
        %dma_wait3A_627 = arith.constant 0 : i32
        %dma_wait3A_628 = tpu.memref_slice %arg20[%dma_wait3A_626, %dma_wait3A_627] : memref<10240x128xf32, #tpu.memory_space<vmem_shared>> -> memref<10240x128xf32, #tpu.memory_space<vmem_shared>>
        tpu.wait_indirect_dma semaphore(%arg23 : memref<!tpu.dma_semaphore, #tpu.memory_space<semaphore_mem>>) src(%dma_wait3A_625 : memref<16x128xf32, #tpu.memory_space<vmem>>) dst(%dma_wait3A_628 : memref<10240x128xf32, #tpu.memory_space<vmem_shared>>)
      }
      %scan3A_123 = arith.constant 12 : i32
      %multiple_of3A_124 = arith.constant 1920 : i32
      %multiple_of3A_125 = tpu.assume_multiple %multiple_of3A_124, 80 : i32
      %dma_wait3A = arith.constant 0 : i32
      %dma_wait3A_126 = arith.constant 0 : i32
      %dma_wait3A_127 = tpu.memref_slice %arg5[%dma_wait3A, %dma_wait3A_126] : memref<90000x128xf32, #tpu.memory_space<hbm>> -> memref<90000x128xf32, #tpu.memory_space<hbm>>
      tpu.wait_indirect_dma semaphore(%arg21 : memref<!tpu.dma_semaphore, #tpu.memory_space<semaphore_mem>>) src(%dma_wait3A_127 : memref<90000x128xf32, #tpu.memory_space<hbm>>) dst(%arg15 : memref<80x128xf32, #tpu.memory_space<vmem>>)
      %dma_wait3A_128 = arith.constant 0 : i32
      %dma_wait3A_129 = tpu.memref_slice %arg6[%dma_wait3A_128] : memref<160000xf32, #tpu.memory_space<hbm>> -> memref<160000xf32, #tpu.memory_space<hbm>>
      tpu.wait_indirect_dma semaphore(%arg21 : memref<!tpu.dma_semaphore, #tpu.memory_space<semaphore_mem>>) src(%dma_wait3A_129 : memref<160000xf32, #tpu.memory_space<hbm>>) dst(%arg14 : memref<80xf32, #tpu.memory_space<vmem>>)
      %scan3A_130 = arith.constant 0 : i32
      %scan3A_131 = arith.constant 0 : i32
      %scan3A_132 = arith.constant 20 : i32
      %scan3A_133 = arith.addi %scan3A_131, %scan3A_132 : i32
      %scan3A_134 = arith.constant 1 : i32
      scf.for %scan3A_216 = %scan3A_131 to %scan3A_133 step %scan3A_134  : i32 {
        %mul3A_217 = arith.constant 4 : i32
        %mul3A_218 = arith.muli %scan3A_216, %mul3A_217 : i32
        %add3A_219 = arith.constant 0 : i32
        %add3A_220 = arith.addi %mul3A_218, %add3A_219 : i32
        %broadcast_in_dim3A = vector.broadcast %add3A_220 : i32 to vector<16xi32>
        %gather3A = tpu.vector_load_idx %arg14[%broadcast_in_dim3A] : memref<80xf32, #tpu.memory_space<vmem>>[vector<16xi32>], vector<16xf32>,
        %get3A_221 = arith.index_cast %add3A_220 : i32 to index
        %get3A_222 = arith.constant 0 : index
        %get3A_223 = tpu.vector_load %arg15[%get3A_221, %get3A_222] {strides = array<i32>} : memref<80x128xf32, #tpu.memory_space<vmem>>, vector<16xf32>,
        %mul3A_224 = arith.mulf %get3A_223, %gather3A : vector<16xf32>
        %swap3A_225 = arith.index_cast %add3A_220 : i32 to index
        %swap3A_226 = arith.constant 0 : index
        %swap3A_227 = tpu.vector_load %arg15[%swap3A_225, %swap3A_226] {strides = array<i32>} : memref<80x128xf32, #tpu.memory_space<vmem>>, vector<16xf32>,
        tpu.vector_store %arg15[%swap3A_225, %swap3A_226], %mul3A_224 {strides = array<i32>} : memref<80x128xf32, #tpu.memory_space<vmem>>, vector<16xf32>,
        %get3A_228 = arith.index_cast %add3A_220 : i32 to index
        %get3A_229 = arith.constant 16 : index
        %get3A_230 = tpu.vector_load %arg15[%get3A_228, %get3A_229] {strides = array<i32>} : memref<80x128xf32, #tpu.memory_space<vmem>>, vector<16xf32>,
        %mul3A_231 = arith.mulf %get3A_230, %gather3A : vector<16xf32>
        %swap3A_232 = arith.index_cast %add3A_220 : i32 to index
        %swap3A_233 = arith.constant 16 : index
        %swap3A_234 = tpu.vector_load %arg15[%swap3A_232, %swap3A_233] {strides = array<i32>} : memref<80x128xf32, #tpu.memory_space<vmem>>, vector<16xf32>,
        tpu.vector_store %arg15[%swap3A_232, %swap3A_233], %mul3A_231 {strides = array<i32>} : memref<80x128xf32, #tpu.memory_space<vmem>>, vector<16xf32>,
        %get3A_235 = arith.index_cast %add3A_220 : i32 to index
        %get3A_236 = arith.constant 32 : index
        %get3A_237 = tpu.vector_load %arg15[%get3A_235, %get3A_236] {strides = array<i32>} : memref<80x128xf32, #tpu.memory_space<vmem>>, vector<16xf32>,
        %mul3A_238 = arith.mulf %get3A_237, %gather3A : vector<16xf32>
        %swap3A_239 = arith.index_cast %add3A_220 : i32 to index
        %swap3A_240 = arith.constant 32 : index
        %swap3A_241 = tpu.vector_load %arg15[%swap3A_239, %swap3A_240] {strides = array<i32>} : memref<80x128xf32, #tpu.memory_space<vmem>>, vector<16xf32>,
        tpu.vector_store %arg15[%swap3A_239, %swap3A_240], %mul3A_238 {strides = array<i32>} : memref<80x128xf32, #tpu.memory_space<vmem>>, vector<16xf32>,
        %get3A_242 = arith.index_cast %add3A_220 : i32 to index
        %get3A_243 = arith.constant 48 : index
        %get3A_244 = tpu.vector_load %arg15[%get3A_242, %get3A_243] {strides = array<i32>} : memref<80x128xf32, #tpu.memory_space<vmem>>, vector<16xf32>,
        %mul3A_245 = arith.mulf %get3A_244, %gather3A : vector<16xf32>
        %swap3A_246 = arith.index_cast %add3A_220 : i32 to index
        %swap3A_247 = arith.constant 48 : index
        %swap3A_248 = tpu.vector_load %arg15[%swap3A_246, %swap3A_247] {strides = array<i32>} : memref<80x128xf32, #tpu.memory_space<vmem>>, vector<16xf32>,
        tpu.vector_store %arg15[%swap3A_246, %swap3A_247], %mul3A_245 {strides = array<i32>} : memref<80x128xf32, #tpu.memory_space<vmem>>, vector<16xf32>,
        %get3A_249 = arith.index_cast %add3A_220 : i32 to index
        %get3A_250 = arith.constant 64 : index
        %get3A_251 = tpu.vector_load %arg15[%get3A_249, %get3A_250] {strides = array<i32>} : memref<80x128xf32, #tpu.memory_space<vmem>>, vector<16xf32>,
        %mul3A_252 = arith.mulf %get3A_251, %gather3A : vector<16xf32>
        %swap3A_253 = arith.index_cast %add3A_220 : i32 to index
        %swap3A_254 = arith.constant 64 : index
        %swap3A_255 = tpu.vector_load %arg15[%swap3A_253, %swap3A_254] {strides = array<i32>} : memref<80x128xf32, #tpu.memory_space<vmem>>, vector<16xf32>,
        tpu.vector_store %arg15[%swap3A_253, %swap3A_254], %mul3A_252 {strides = array<i32>} : memref<80x128xf32, #tpu.memory_space<vmem>>, vector<16xf32>,
        %get3A_256 = arith.index_cast %add3A_220 : i32 to index
        %get3A_257 = arith.constant 80 : index
        %get3A_258 = tpu.vector_load %arg15[%get3A_256, %get3A_257] {strides = array<i32>} : memref<80x128xf32, #tpu.memory_space<vmem>>, vector<16xf32>,
        %mul3A_259 = arith.mulf %get3A_258, %gather3A : vector<16xf32>
        %swap3A_260 = arith.index_cast %add3A_220 : i32 to index
        %swap3A_261 = arith.constant 80 : index
        %swap3A_262 = tpu.vector_load %arg15[%swap3A_260, %swap3A_261] {strides = array<i32>} : memref<80x128xf32, #tpu.memory_space<vmem>>, vector<16xf32>,
        tpu.vector_store %arg15[%swap3A_260, %swap3A_261], %mul3A_259 {strides = array<i32>} : memref<80x128xf32, #tpu.memory_space<vmem>>, vector<16xf32>,
        %get3A_263 = arith.index_cast %add3A_220 : i32 to index
        %get3A_264 = arith.constant 96 : index
        %get3A_265 = tpu.vector_load %arg15[%get3A_263, %get3A_264] {strides = array<i32>} : memref<80x128xf32, #tpu.memory_space<vmem>>, vector<16xf32>,
        %mul3A_266 = arith.mulf %get3A_265, %gather3A : vector<16xf32>
        %swap3A_267 = arith.index_cast %add3A_220 : i32 to index
        %swap3A_268 = arith.constant 96 : index
        %swap3A_269 = tpu.vector_load %arg15[%swap3A_267, %swap3A_268] {strides = array<i32>} : memref<80x128xf32, #tpu.memory_space<vmem>>, vector<16xf32>,
        tpu.vector_store %arg15[%swap3A_267, %swap3A_268], %mul3A_266 {strides = array<i32>} : memref<80x128xf32, #tpu.memory_space<vmem>>, vector<16xf32>,
        %get3A_270 = arith.index_cast %add3A_220 : i32 to index
        %get3A_271 = arith.constant 112 : index
        %get3A_272 = tpu.vector_load %arg15[%get3A_270, %get3A_271] {strides = array<i32>} : memref<80x128xf32, #tpu.memory_space<vmem>>, vector<16xf32>,
        %mul3A_273 = arith.mulf %get3A_272, %gather3A : vector<16xf32>
        %swap3A_274 = arith.index_cast %add3A_220 : i32 to index
        %swap3A_275 = arith.constant 112 : index
        %swap3A_276 = tpu.vector_load %arg15[%swap3A_274, %swap3A_275] {strides = array<i32>} : memref<80x128xf32, #tpu.memory_space<vmem>>, vector<16xf32>,
        tpu.vector_store %arg15[%swap3A_274, %swap3A_275], %mul3A_273 {strides = array<i32>} : memref<80x128xf32, #tpu.memory_space<vmem>>, vector<16xf32>,
        %mul3A_277 = arith.constant 4 : i32
        %mul3A_278 = arith.muli %scan3A_216, %mul3A_277 : i32
        %add3A_279 = arith.constant 1 : i32
        %add3A_280 = arith.addi %mul3A_278, %add3A_279 : i32
        %broadcast_in_dim3A_281 = vector.broadcast %add3A_280 : i32 to vector<16xi32>
        %gather3A_282 = tpu.vector_load_idx %arg14[%broadcast_in_dim3A_281] : memref<80xf32, #tpu.memory_space<vmem>>[vector<16xi32>], vector<16xf32>,
        %get3A_283 = arith.index_cast %add3A_280 : i32 to index
        %get3A_284 = arith.constant 0 : index
        %get3A_285 = tpu.vector_load %arg15[%get3A_283, %get3A_284] {strides = array<i32>} : memref<80x128xf32, #tpu.memory_space<vmem>>, vector<16xf32>,
        %mul3A_286 = arith.mulf %get3A_285, %gather3A_282 : vector<16xf32>
        %swap3A_287 = arith.index_cast %add3A_280 : i32 to index
        %swap3A_288 = arith.constant 0 : index
        %swap3A_289 = tpu.vector_load %arg15[%swap3A_287, %swap3A_288] {strides = array<i32>} : memref<80x128xf32, #tpu.memory_space<vmem>>, vector<16xf32>,
        tpu.vector_store %arg15[%swap3A_287, %swap3A_288], %mul3A_286 {strides = array<i32>} : memref<80x128xf32, #tpu.memory_space<vmem>>, vector<16xf32>,
        %get3A_290 = arith.index_cast %add3A_280 : i32 to index
        %get3A_291 = arith.constant 16 : index
        %get3A_292 = tpu.vector_load %arg15[%get3A_290, %get3A_291] {strides = array<i32>} : memref<80x128xf32, #tpu.memory_space<vmem>>, vector<16xf32>,
        %mul3A_293 = arith.mulf %get3A_292, %gather3A_282 : vector<16xf32>
        %swap3A_294 = arith.index_cast %add3A_280 : i32 to index
        %swap3A_295 = arith.constant 16 : index
        %swap3A_296 = tpu.vector_load %arg15[%swap3A_294, %swap3A_295] {strides = array<i32>} : memref<80x128xf32, #tpu.memory_space<vmem>>, vector<16xf32>,
        tpu.vector_store %arg15[%swap3A_294, %swap3A_295], %mul3A_293 {strides = array<i32>} : memref<80x128xf32, #tpu.memory_space<vmem>>, vector<16xf32>,
        %get3A_297 = arith.index_cast %add3A_280 : i32 to index
        %get3A_298 = arith.constant 32 : index
        %get3A_299 = tpu.vector_load %arg15[%get3A_297, %get3A_298] {strides = array<i32>} : memref<80x128xf32, #tpu.memory_space<vmem>>, vector<16xf32>,
        %mul3A_300 = arith.mulf %get3A_299, %gather3A_282 : vector<16xf32>
        %swap3A_301 = arith.index_cast %add3A_280 : i32 to index
        %swap3A_302 = arith.constant 32 : index
        %swap3A_303 = tpu.vector_load %arg15[%swap3A_301, %swap3A_302] {strides = array<i32>} : memref<80x128xf32, #tpu.memory_space<vmem>>, vector<16xf32>,
        tpu.vector_store %arg15[%swap3A_301, %swap3A_302], %mul3A_300 {strides = array<i32>} : memref<80x128xf32, #tpu.memory_space<vmem>>, vector<16xf32>,
        %get3A_304 = arith.index_cast %add3A_280 : i32 to index
        %get3A_305 = arith.constant 48 : index
        %get3A_306 = tpu.vector_load %arg15[%get3A_304, %get3A_305] {strides = array<i32>} : memref<80x128xf32, #tpu.memory_space<vmem>>, vector<16xf32>,
        %mul3A_307 = arith.mulf %get3A_306, %gather3A_282 : vector<16xf32>
        %swap3A_308 = arith.index_cast %add3A_280 : i32 to index
        %swap3A_309 = arith.constant 48 : index
        %swap3A_310 = tpu.vector_load %arg15[%swap3A_308, %swap3A_309] {strides = array<i32>} : memref<80x128xf32, #tpu.memory_space<vmem>>, vector<16xf32>,
        tpu.vector_store %arg15[%swap3A_308, %swap3A_309], %mul3A_307 {strides = array<i32>} : memref<80x128xf32, #tpu.memory_space<vmem>>, vector<16xf32>,
        %get3A_311 = arith.index_cast %add3A_280 : i32 to index
        %get3A_312 = arith.constant 64 : index
        %get3A_313 = tpu.vector_load %arg15[%get3A_311, %get3A_312] {strides = array<i32>} : memref<80x128xf32, #tpu.memory_space<vmem>>, vector<16xf32>,
        %mul3A_314 = arith.mulf %get3A_313, %gather3A_282 : vector<16xf32>
        %swap3A_315 = arith.index_cast %add3A_280 : i32 to index
        %swap3A_316 = arith.constant 64 : index
        %swap3A_317 = tpu.vector_load %arg15[%swap3A_315, %swap3A_316] {strides = array<i32>} : memref<80x128xf32, #tpu.memory_space<vmem>>, vector<16xf32>,
        tpu.vector_store %arg15[%swap3A_315, %swap3A_316], %mul3A_314 {strides = array<i32>} : memref<80x128xf32, #tpu.memory_space<vmem>>, vector<16xf32>,
        %get3A_318 = arith.index_cast %add3A_280 : i32 to index
        %get3A_319 = arith.constant 80 : index
        %get3A_320 = tpu.vector_load %arg15[%get3A_318, %get3A_319] {strides = array<i32>} : memref<80x128xf32, #tpu.memory_space<vmem>>, vector<16xf32>,
        %mul3A_321 = arith.mulf %get3A_320, %gather3A_282 : vector<16xf32>
        %swap3A_322 = arith.index_cast %add3A_280 : i32 to index
        %swap3A_323 = arith.constant 80 : index
        %swap3A_324 = tpu.vector_load %arg15[%swap3A_322, %swap3A_323] {strides = array<i32>} : memref<80x128xf32, #tpu.memory_space<vmem>>, vector<16xf32>,
        tpu.vector_store %arg15[%swap3A_322, %swap3A_323], %mul3A_321 {strides = array<i32>} : memref<80x128xf32, #tpu.memory_space<vmem>>, vector<16xf32>,
        %get3A_325 = arith.index_cast %add3A_280 : i32 to index
        %get3A_326 = arith.constant 96 : index
        %get3A_327 = tpu.vector_load %arg15[%get3A_325, %get3A_326] {strides = array<i32>} : memref<80x128xf32, #tpu.memory_space<vmem>>, vector<16xf32>,
        %mul3A_328 = arith.mulf %get3A_327, %gather3A_282 : vector<16xf32>
        %swap3A_329 = arith.index_cast %add3A_280 : i32 to index
        %swap3A_330 = arith.constant 96 : index
        %swap3A_331 = tpu.vector_load %arg15[%swap3A_329, %swap3A_330] {strides = array<i32>} : memref<80x128xf32, #tpu.memory_space<vmem>>, vector<16xf32>,
        tpu.vector_store %arg15[%swap3A_329, %swap3A_330], %mul3A_328 {strides = array<i32>} : memref<80x128xf32, #tpu.memory_space<vmem>>, vector<16xf32>,
        %get3A_332 = arith.index_cast %add3A_280 : i32 to index
        %get3A_333 = arith.constant 112 : index
        %get3A_334 = tpu.vector_load %arg15[%get3A_332, %get3A_333] {strides = array<i32>} : memref<80x128xf32, #tpu.memory_space<vmem>>, vector<16xf32>,
        %mul3A_335 = arith.mulf %get3A_334, %gather3A_282 : vector<16xf32>
        %swap3A_336 = arith.index_cast %add3A_280 : i32 to index
        %swap3A_337 = arith.constant 112 : index
        %swap3A_338 = tpu.vector_load %arg15[%swap3A_336, %swap3A_337] {strides = array<i32>} : memref<80x128xf32, #tpu.memory_space<vmem>>, vector<16xf32>,
        tpu.vector_store %arg15[%swap3A_336, %swap3A_337], %mul3A_335 {strides = array<i32>} : memref<80x128xf32, #tpu.memory_space<vmem>>, vector<16xf32>,
        %mul3A_339 = arith.constant 4 : i32
        %mul3A_340 = arith.muli %scan3A_216, %mul3A_339 : i32
        %add3A_341 = arith.constant 2 : i32
        %add3A_342 = arith.addi %mul3A_340, %add3A_341 : i32
        %broadcast_in_dim3A_343 = vector.broadcast %add3A_342 : i32 to vector<16xi32>
        %gather3A_344 = tpu.vector_load_idx %arg14[%broadcast_in_dim3A_343] : memref<80xf32, #tpu.memory_space<vmem>>[vector<16xi32>], vector<16xf32>,
        %get3A_345 = arith.index_cast %add3A_342 : i32 to index
        %get3A_346 = arith.constant 0 : index
        %get3A_347 = tpu.vector_load %arg15[%get3A_345, %get3A_346] {strides = array<i32>} : memref<80x128xf32, #tpu.memory_space<vmem>>, vector<16xf32>,
        %mul3A_348 = arith.mulf %get3A_347, %gather3A_344 : vector<16xf32>
        %swap3A_349 = arith.index_cast %add3A_342 : i32 to index
        %swap3A_350 = arith.constant 0 : index
        %swap3A_351 = tpu.vector_load %arg15[%swap3A_349, %swap3A_350] {strides = array<i32>} : memref<80x128xf32, #tpu.memory_space<vmem>>, vector<16xf32>,
        tpu.vector_store %arg15[%swap3A_349, %swap3A_350], %mul3A_348 {strides = array<i32>} : memref<80x128xf32, #tpu.memory_space<vmem>>, vector<16xf32>,
        %get3A_352 = arith.index_cast %add3A_342 : i32 to index
        %get3A_353 = arith.constant 16 : index
        %get3A_354 = tpu.vector_load %arg15[%get3A_352, %get3A_353] {strides = array<i32>} : memref<80x128xf32, #tpu.memory_space<vmem>>, vector<16xf32>,
        %mul3A_355 = arith.mulf %get3A_354, %gather3A_344 : vector<16xf32>
        %swap3A_356 = arith.index_cast %add3A_342 : i32 to index
        %swap3A_357 = arith.constant 16 : index
        %swap3A_358 = tpu.vector_load %arg15[%swap3A_356, %swap3A_357] {strides = array<i32>} : memref<80x128xf32, #tpu.memory_space<vmem>>, vector<16xf32>,
        tpu.vector_store %arg15[%swap3A_356, %swap3A_357], %mul3A_355 {strides = array<i32>} : memref<80x128xf32, #tpu.memory_space<vmem>>, vector<16xf32>,
        %get3A_359 = arith.index_cast %add3A_342 : i32 to index
        %get3A_360 = arith.constant 32 : index
        %get3A_361 = tpu.vector_load %arg15[%get3A_359, %get3A_360] {strides = array<i32>} : memref<80x128xf32, #tpu.memory_space<vmem>>, vector<16xf32>,
        %mul3A_362 = arith.mulf %get3A_361, %gather3A_344 : vector<16xf32>
        %swap3A_363 = arith.index_cast %add3A_342 : i32 to index
        %swap3A_364 = arith.constant 32 : index
        %swap3A_365 = tpu.vector_load %arg15[%swap3A_363, %swap3A_364] {strides = array<i32>} : memref<80x128xf32, #tpu.memory_space<vmem>>, vector<16xf32>,
        tpu.vector_store %arg15[%swap3A_363, %swap3A_364], %mul3A_362 {strides = array<i32>} : memref<80x128xf32, #tpu.memory_space<vmem>>, vector<16xf32>,
        %get3A_366 = arith.index_cast %add3A_342 : i32 to index
        %get3A_367 = arith.constant 48 : index
        %get3A_368 = tpu.vector_load %arg15[%get3A_366, %get3A_367] {strides = array<i32>} : memref<80x128xf32, #tpu.memory_space<vmem>>, vector<16xf32>,
        %mul3A_369 = arith.mulf %get3A_368, %gather3A_344 : vector<16xf32>
        %swap3A_370 = arith.index_cast %add3A_342 : i32 to index
        %swap3A_371 = arith.constant 48 : index
        %swap3A_372 = tpu.vector_load %arg15[%swap3A_370, %swap3A_371] {strides = array<i32>} : memref<80x128xf32, #tpu.memory_space<vmem>>, vector<16xf32>,
        tpu.vector_store %arg15[%swap3A_370, %swap3A_371], %mul3A_369 {strides = array<i32>} : memref<80x128xf32, #tpu.memory_space<vmem>>, vector<16xf32>,
        %get3A_373 = arith.index_cast %add3A_342 : i32 to index
        %get3A_374 = arith.constant 64 : index
        %get3A_375 = tpu.vector_load %arg15[%get3A_373, %get3A_374] {strides = array<i32>} : memref<80x128xf32, #tpu.memory_space<vmem>>, vector<16xf32>,
        %mul3A_376 = arith.mulf %get3A_375, %gather3A_344 : vector<16xf32>
        %swap3A_377 = arith.index_cast %add3A_342 : i32 to index
        %swap3A_378 = arith.constant 64 : index
        %swap3A_379 = tpu.vector_load %arg15[%swap3A_377, %swap3A_378] {strides = array<i32>} : memref<80x128xf32, #tpu.memory_space<vmem>>, vector<16xf32>,
        tpu.vector_store %arg15[%swap3A_377, %swap3A_378], %mul3A_376 {strides = array<i32>} : memref<80x128xf32, #tpu.memory_space<vmem>>, vector<16xf32>,
        %get3A_380 = arith.index_cast %add3A_342 : i32 to index
        %get3A_381 = arith.constant 80 : index
        %get3A_382 = tpu.vector_load %arg15[%get3A_380, %get3A_381] {strides = array<i32>} : memref<80x128xf32, #tpu.memory_space<vmem>>, vector<16xf32>,
        %mul3A_383 = arith.mulf %get3A_382, %gather3A_344 : vector<16xf32>
        %swap3A_384 = arith.index_cast %add3A_342 : i32 to index
        %swap3A_385 = arith.constant 80 : index
        %swap3A_386 = tpu.vector_load %arg15[%swap3A_384, %swap3A_385] {strides = array<i32>} : memref<80x128xf32, #tpu.memory_space<vmem>>, vector<16xf32>,
        tpu.vector_store %arg15[%swap3A_384, %swap3A_385], %mul3A_383 {strides = array<i32>} : memref<80x128xf32, #tpu.memory_space<vmem>>, vector<16xf32>,
        %get3A_387 = arith.index_cast %add3A_342 : i32 to index
        %get3A_388 = arith.constant 96 : index
        %get3A_389 = tpu.vector_load %arg15[%get3A_387, %get3A_388] {strides = array<i32>} : memref<80x128xf32, #tpu.memory_space<vmem>>, vector<16xf32>,
        %mul3A_390 = arith.mulf %get3A_389, %gather3A_344 : vector<16xf32>
        %swap3A_391 = arith.index_cast %add3A_342 : i32 to index
        %swap3A_392 = arith.constant 96 : index
        %swap3A_393 = tpu.vector_load %arg15[%swap3A_391, %swap3A_392] {strides = array<i32>} : memref<80x128xf32, #tpu.memory_space<vmem>>, vector<16xf32>,
        tpu.vector_store %arg15[%swap3A_391, %swap3A_392], %mul3A_390 {strides = array<i32>} : memref<80x128xf32, #tpu.memory_space<vmem>>, vector<16xf32>,
        %get3A_394 = arith.index_cast %add3A_342 : i32 to index
        %get3A_395 = arith.constant 112 : index
        %get3A_396 = tpu.vector_load %arg15[%get3A_394, %get3A_395] {strides = array<i32>} : memref<80x128xf32, #tpu.memory_space<vmem>>, vector<16xf32>,
        %mul3A_397 = arith.mulf %get3A_396, %gather3A_344 : vector<16xf32>
        %swap3A_398 = arith.index_cast %add3A_342 : i32 to index
        %swap3A_399 = arith.constant 112 : index
        %swap3A_400 = tpu.vector_load %arg15[%swap3A_398, %swap3A_399] {strides = array<i32>} : memref<80x128xf32, #tpu.memory_space<vmem>>, vector<16xf32>,
        tpu.vector_store %arg15[%swap3A_398, %swap3A_399], %mul3A_397 {strides = array<i32>} : memref<80x128xf32, #tpu.memory_space<vmem>>, vector<16xf32>,
        %mul3A_401 = arith.constant 4 : i32
        %mul3A_402 = arith.muli %scan3A_216, %mul3A_401 : i32
        %add3A_403 = arith.constant 3 : i32
        %add3A_404 = arith.addi %mul3A_402, %add3A_403 : i32
        %broadcast_in_dim3A_405 = vector.broadcast %add3A_404 : i32 to vector<16xi32>
        %gather3A_406 = tpu.vector_load_idx %arg14[%broadcast_in_dim3A_405] : memref<80xf32, #tpu.memory_space<vmem>>[vector<16xi32>], vector<16xf32>,
        %get3A_407 = arith.index_cast %add3A_404 : i32 to index
        %get3A_408 = arith.constant 0 : index
        %get3A_409 = tpu.vector_load %arg15[%get3A_407, %get3A_408] {strides = array<i32>} : memref<80x128xf32, #tpu.memory_space<vmem>>, vector<16xf32>,
        %mul3A_410 = arith.mulf %get3A_409, %gather3A_406 : vector<16xf32>
        %swap3A_411 = arith.index_cast %add3A_404 : i32 to index
        %swap3A_412 = arith.constant 0 : index
        %swap3A_413 = tpu.vector_load %arg15[%swap3A_411, %swap3A_412] {strides = array<i32>} : memref<80x128xf32, #tpu.memory_space<vmem>>, vector<16xf32>,
        tpu.vector_store %arg15[%swap3A_411, %swap3A_412], %mul3A_410 {strides = array<i32>} : memref<80x128xf32, #tpu.memory_space<vmem>>, vector<16xf32>,
        %get3A_414 = arith.index_cast %add3A_404 : i32 to index
        %get3A_415 = arith.constant 16 : index
        %get3A_416 = tpu.vector_load %arg15[%get3A_414, %get3A_415] {strides = array<i32>} : memref<80x128xf32, #tpu.memory_space<vmem>>, vector<16xf32>,
        %mul3A_417 = arith.mulf %get3A_416, %gather3A_406 : vector<16xf32>
        %swap3A_418 = arith.index_cast %add3A_404 : i32 to index
        %swap3A_419 = arith.constant 16 : index
        %swap3A_420 = tpu.vector_load %arg15[%swap3A_418, %swap3A_419] {strides = array<i32>} : memref<80x128xf32, #tpu.memory_space<vmem>>, vector<16xf32>,
        tpu.vector_store %arg15[%swap3A_418, %swap3A_419], %mul3A_417 {strides = array<i32>} : memref<80x128xf32, #tpu.memory_space<vmem>>, vector<16xf32>,
        %get3A_421 = arith.index_cast %add3A_404 : i32 to index
        %get3A_422 = arith.constant 32 : index
        %get3A_423 = tpu.vector_load %arg15[%get3A_421, %get3A_422] {strides = array<i32>} : memref<80x128xf32, #tpu.memory_space<vmem>>, vector<16xf32>,
        %mul3A_424 = arith.mulf %get3A_423, %gather3A_406 : vector<16xf32>
        %swap3A_425 = arith.index_cast %add3A_404 : i32 to index
        %swap3A_426 = arith.constant 32 : index
        %swap3A_427 = tpu.vector_load %arg15[%swap3A_425, %swap3A_426] {strides = array<i32>} : memref<80x128xf32, #tpu.memory_space<vmem>>, vector<16xf32>,
        tpu.vector_store %arg15[%swap3A_425, %swap3A_426], %mul3A_424 {strides = array<i32>} : memref<80x128xf32, #tpu.memory_space<vmem>>, vector<16xf32>,
        %get3A_428 = arith.index_cast %add3A_404 : i32 to index
        %get3A_429 = arith.constant 48 : index
        %get3A_430 = tpu.vector_load %arg15[%get3A_428, %get3A_429] {strides = array<i32>} : memref<80x128xf32, #tpu.memory_space<vmem>>, vector<16xf32>,
        %mul3A_431 = arith.mulf %get3A_430, %gather3A_406 : vector<16xf32>
        %swap3A_432 = arith.index_cast %add3A_404 : i32 to index
        %swap3A_433 = arith.constant 48 : index
        %swap3A_434 = tpu.vector_load %arg15[%swap3A_432, %swap3A_433] {strides = array<i32>} : memref<80x128xf32, #tpu.memory_space<vmem>>, vector<16xf32>,
        tpu.vector_store %arg15[%swap3A_432, %swap3A_433], %mul3A_431 {strides = array<i32>} : memref<80x128xf32, #tpu.memory_space<vmem>>, vector<16xf32>,
        %get3A_435 = arith.index_cast %add3A_404 : i32 to index
        %get3A_436 = arith.constant 64 : index
        %get3A_437 = tpu.vector_load %arg15[%get3A_435, %get3A_436] {strides = array<i32>} : memref<80x128xf32, #tpu.memory_space<vmem>>, vector<16xf32>,
        %mul3A_438 = arith.mulf %get3A_437, %gather3A_406 : vector<16xf32>
        %swap3A_439 = arith.index_cast %add3A_404 : i32 to index
        %swap3A_440 = arith.constant 64 : index
        %swap3A_441 = tpu.vector_load %arg15[%swap3A_439, %swap3A_440] {strides = array<i32>} : memref<80x128xf32, #tpu.memory_space<vmem>>, vector<16xf32>,
        tpu.vector_store %arg15[%swap3A_439, %swap3A_440], %mul3A_438 {strides = array<i32>} : memref<80x128xf32, #tpu.memory_space<vmem>>, vector<16xf32>,
        %get3A_442 = arith.index_cast %add3A_404 : i32 to index
        %get3A_443 = arith.constant 80 : index
        %get3A_444 = tpu.vector_load %arg15[%get3A_442, %get3A_443] {strides = array<i32>} : memref<80x128xf32, #tpu.memory_space<vmem>>, vector<16xf32>,
        %mul3A_445 = arith.mulf %get3A_444, %gather3A_406 : vector<16xf32>
        %swap3A_446 = arith.index_cast %add3A_404 : i32 to index
        %swap3A_447 = arith.constant 80 : index
        %swap3A_448 = tpu.vector_load %arg15[%swap3A_446, %swap3A_447] {strides = array<i32>} : memref<80x128xf32, #tpu.memory_space<vmem>>, vector<16xf32>,
        tpu.vector_store %arg15[%swap3A_446, %swap3A_447], %mul3A_445 {strides = array<i32>} : memref<80x128xf32, #tpu.memory_space<vmem>>, vector<16xf32>,
        %get3A_449 = arith.index_cast %add3A_404 : i32 to index
        %get3A_450 = arith.constant 96 : index
        %get3A_451 = tpu.vector_load %arg15[%get3A_449, %get3A_450] {strides = array<i32>} : memref<80x128xf32, #tpu.memory_space<vmem>>, vector<16xf32>,
        %mul3A_452 = arith.mulf %get3A_451, %gather3A_406 : vector<16xf32>
        %swap3A_453 = arith.index_cast %add3A_404 : i32 to index
        %swap3A_454 = arith.constant 96 : index
        %swap3A_455 = tpu.vector_load %arg15[%swap3A_453, %swap3A_454] {strides = array<i32>} : memref<80x128xf32, #tpu.memory_space<vmem>>, vector<16xf32>,
        tpu.vector_store %arg15[%swap3A_453, %swap3A_454], %mul3A_452 {strides = array<i32>} : memref<80x128xf32, #tpu.memory_space<vmem>>, vector<16xf32>,
        %get3A_456 = arith.index_cast %add3A_404 : i32 to index
        %get3A_457 = arith.constant 112 : index
        %get3A_458 = tpu.vector_load %arg15[%get3A_456, %get3A_457] {strides = array<i32>} : memref<80x128xf32, #tpu.memory_space<vmem>>, vector<16xf32>,
        %mul3A_459 = arith.mulf %get3A_458, %gather3A_406 : vector<16xf32>
        %swap3A_460 = arith.index_cast %add3A_404 : i32 to index
        %swap3A_461 = arith.constant 112 : index
        %swap3A_462 = tpu.vector_load %arg15[%swap3A_460, %swap3A_461] {strides = array<i32>} : memref<80x128xf32, #tpu.memory_space<vmem>>, vector<16xf32>,
        tpu.vector_store %arg15[%swap3A_460, %swap3A_461], %mul3A_459 {strides = array<i32>} : memref<80x128xf32, #tpu.memory_space<vmem>>, vector<16xf32>,
      }
      %scan3A_135 = arith.constant 20 : i32
      %add3A_136 = arith.constant 0 : i32
      %add3A_137 = arith.addi %multiple_of3A_125, %add3A_136 : i32
      %get3A_138 = arith.index_cast %add3A_137 : i32 to index
      %get3A_139 = tpu.vector_load %arg10[%get3A_138] {strides = array<i32>} : memref<2000xi32, #tpu.memory_space<vmem>>, vector<16xi32>,
      %dma_start3A_140 = arith.constant 0 : i32
      %dma_start3A_141 = arith.constant 0 : i32
      %dma_start3A_142 = tpu.memref_slice %arg15[%dma_start3A_140, %dma_start3A_141] : memref<80x128xf32, #tpu.memory_space<vmem>> -> memref<16x128xf32, #tpu.memory_space<vmem>>
      %dma_start3A_143 = arith.constant 0 : i32
      %dma_start3A_144 = arith.constant 0 : i32
      %dma_start3A_145 = tpu.memref_slice %arg20[%dma_start3A_143, %dma_start3A_144] : memref<10240x128xf32, #tpu.memory_space<vmem_shared>> -> memref<10240x128xf32, #tpu.memory_space<vmem_shared>>
      tpu.enqueue_indirect_dma source(%dma_start3A_142 : memref<16x128xf32, #tpu.memory_space<vmem>>) target(%dma_start3A_145 : memref<10240x128xf32, #tpu.memory_space<vmem_shared>>) offsets(%get3A_139 : vector<16xi32>) semaphore(%arg23 : memref<!tpu.dma_semaphore, #tpu.memory_space<semaphore_mem>>) {add = true}
      %add3A_146 = arith.constant 16 : i32
      %add3A_147 = arith.addi %multiple_of3A_125, %add3A_146 : i32
      %get3A_148 = arith.index_cast %add3A_147 : i32 to index
      %get3A_149 = tpu.vector_load %arg10[%get3A_148] {strides = array<i32>} : memref<2000xi32, #tpu.memory_space<vmem>>, vector<16xi32>,
      %dma_start3A_150 = arith.constant 16 : i32
      %dma_start3A_151 = arith.constant 0 : i32
      %dma_start3A_152 = tpu.memref_slice %arg15[%dma_start3A_150, %dma_start3A_151] : memref<80x128xf32, #tpu.memory_space<vmem>> -> memref<16x128xf32, #tpu.memory_space<vmem>>
      %dma_start3A_153 = arith.constant 0 : i32
      %dma_start3A_154 = arith.constant 0 : i32
      %dma_start3A_155 = tpu.memref_slice %arg20[%dma_start3A_153, %dma_start3A_154] : memref<10240x128xf32, #tpu.memory_space<vmem_shared>> -> memref<10240x128xf32, #tpu.memory_space<vmem_shared>>
      tpu.enqueue_indirect_dma source(%dma_start3A_152 : memref<16x128xf32, #tpu.memory_space<vmem>>) target(%dma_start3A_155 : memref<10240x128xf32, #tpu.memory_space<vmem_shared>>) offsets(%get3A_149 : vector<16xi32>) semaphore(%arg23 : memref<!tpu.dma_semaphore, #tpu.memory_space<semaphore_mem>>) {add = true}
      %add3A_156 = arith.constant 32 : i32
      %add3A_157 = arith.addi %multiple_of3A_125, %add3A_156 : i32
      %get3A_158 = arith.index_cast %add3A_157 : i32 to index
      %get3A_159 = tpu.vector_load %arg10[%get3A_158] {strides = array<i32>} : memref<2000xi32, #tpu.memory_space<vmem>>, vector<16xi32>,
      %dma_start3A_160 = arith.constant 32 : i32
      %dma_start3A_161 = arith.constant 0 : i32
      %dma_start3A_162 = tpu.memref_slice %arg15[%dma_start3A_160, %dma_start3A_161] : memref<80x128xf32, #tpu.memory_space<vmem>> -> memref<16x128xf32, #tpu.memory_space<vmem>>
      %dma_start3A_163 = arith.constant 0 : i32
      %dma_start3A_164 = arith.constant 0 : i32
      %dma_start3A_165 = tpu.memref_slice %arg20[%dma_start3A_163, %dma_start3A_164] : memref<10240x128xf32, #tpu.memory_space<vmem_shared>> -> memref<10240x128xf32, #tpu.memory_space<vmem_shared>>
      tpu.enqueue_indirect_dma source(%dma_start3A_162 : memref<16x128xf32, #tpu.memory_space<vmem>>) target(%dma_start3A_165 : memref<10240x128xf32, #tpu.memory_space<vmem_shared>>) offsets(%get3A_159 : vector<16xi32>) semaphore(%arg23 : memref<!tpu.dma_semaphore, #tpu.memory_space<semaphore_mem>>) {add = true}
      %add3A_166 = arith.constant 48 : i32
      %add3A_167 = arith.addi %multiple_of3A_125, %add3A_166 : i32
      %get3A_168 = arith.index_cast %add3A_167 : i32 to index
      %get3A_169 = tpu.vector_load %arg10[%get3A_168] {strides = array<i32>} : memref<2000xi32, #tpu.memory_space<vmem>>, vector<16xi32>,
      %dma_start3A_170 = arith.constant 48 : i32
      %dma_start3A_171 = arith.constant 0 : i32
      %dma_start3A_172 = tpu.memref_slice %arg15[%dma_start3A_170, %dma_start3A_171] : memref<80x128xf32, #tpu.memory_space<vmem>> -> memref<16x128xf32, #tpu.memory_space<vmem>>
      %dma_start3A_173 = arith.constant 0 : i32
      %dma_start3A_174 = arith.constant 0 : i32
      %dma_start3A_175 = tpu.memref_slice %arg20[%dma_start3A_173, %dma_start3A_174] : memref<10240x128xf32, #tpu.memory_space<vmem_shared>> -> memref<10240x128xf32, #tpu.memory_space<vmem_shared>>
      tpu.enqueue_indirect_dma source(%dma_start3A_172 : memref<16x128xf32, #tpu.memory_space<vmem>>) target(%dma_start3A_175 : memref<10240x128xf32, #tpu.memory_space<vmem_shared>>) offsets(%get3A_169 : vector<16xi32>) semaphore(%arg23 : memref<!tpu.dma_semaphore, #tpu.memory_space<semaphore_mem>>) {add = true}
      %add3A_176 = arith.constant 64 : i32
      %add3A_177 = arith.addi %multiple_of3A_125, %add3A_176 : i32
      %get3A_178 = arith.index_cast %add3A_177 : i32 to index
      %get3A_179 = tpu.vector_load %arg10[%get3A_178] {strides = array<i32>} : memref<2000xi32, #tpu.memory_space<vmem>>, vector<16xi32>,
      %dma_start3A_180 = arith.constant 64 : i32
      %dma_start3A_181 = arith.constant 0 : i32
      %dma_start3A_182 = tpu.memref_slice %arg15[%dma_start3A_180, %dma_start3A_181] : memref<80x128xf32, #tpu.memory_space<vmem>> -> memref<16x128xf32, #tpu.memory_space<vmem>>
      %dma_start3A_183 = arith.constant 0 : i32
      %dma_start3A_184 = arith.constant 0 : i32
      %dma_start3A_185 = tpu.memref_slice %arg20[%dma_start3A_183, %dma_start3A_184] : memref<10240x128xf32, #tpu.memory_space<vmem_shared>> -> memref<10240x128xf32, #tpu.memory_space<vmem_shared>>
      tpu.enqueue_indirect_dma source(%dma_start3A_182 : memref<16x128xf32, #tpu.memory_space<vmem>>) target(%dma_start3A_185 : memref<10240x128xf32, #tpu.memory_space<vmem_shared>>) offsets(%get3A_179 : vector<16xi32>) semaphore(%arg23 : memref<!tpu.dma_semaphore, #tpu.memory_space<semaphore_mem>>) {add = true}
      %dma_wait3A_186 = arith.constant 0 : i32
      %dma_wait3A_187 = arith.constant 0 : i32
      %dma_wait3A_188 = tpu.memref_slice %arg15[%dma_wait3A_186, %dma_wait3A_187] : memref<80x128xf32, #tpu.memory_space<vmem>> -> memref<16x128xf32, #tpu.memory_space<vmem>>
      %dma_wait3A_189 = arith.constant 0 : i32
      %dma_wait3A_190 = arith.constant 0 : i32
      %dma_wait3A_191 = tpu.memref_slice %arg20[%dma_wait3A_189, %dma_wait3A_190] : memref<10240x128xf32, #tpu.memory_space<vmem_shared>> -> memref<10240x128xf32, #tpu.memory_space<vmem_shared>>
      tpu.wait_indirect_dma semaphore(%arg23 : memref<!tpu.dma_semaphore, #tpu.memory_space<semaphore_mem>>) src(%dma_wait3A_188 : memref<16x128xf32, #tpu.memory_space<vmem>>) dst(%dma_wait3A_191 : memref<10240x128xf32, #tpu.memory_space<vmem_shared>>)
      %dma_wait3A_192 = arith.constant 16 : i32
      %dma_wait3A_193 = arith.constant 0 : i32
      %dma_wait3A_194 = tpu.memref_slice %arg15[%dma_wait3A_192, %dma_wait3A_193] : memref<80x128xf32, #tpu.memory_space<vmem>> -> memref<16x128xf32, #tpu.memory_space<vmem>>
      %dma_wait3A_195 = arith.constant 0 : i32
      %dma_wait3A_196 = arith.constant 0 : i32
      %dma_wait3A_197 = tpu.memref_slice %arg20[%dma_wait3A_195, %dma_wait3A_196] : memref<10240x128xf32, #tpu.memory_space<vmem_shared>> -> memref<10240x128xf32, #tpu.memory_space<vmem_shared>>
      tpu.wait_indirect_dma semaphore(%arg23 : memref<!tpu.dma_semaphore, #tpu.memory_space<semaphore_mem>>) src(%dma_wait3A_194 : memref<16x128xf32, #tpu.memory_space<vmem>>) dst(%dma_wait3A_197 : memref<10240x128xf32, #tpu.memory_space<vmem_shared>>)
      %dma_wait3A_198 = arith.constant 32 : i32
      %dma_wait3A_199 = arith.constant 0 : i32
      %dma_wait3A_200 = tpu.memref_slice %arg15[%dma_wait3A_198, %dma_wait3A_199] : memref<80x128xf32, #tpu.memory_space<vmem>> -> memref<16x128xf32, #tpu.memory_space<vmem>>
      %dma_wait3A_201 = arith.constant 0 : i32
      %dma_wait3A_202 = arith.constant 0 : i32
      %dma_wait3A_203 = tpu.memref_slice %arg20[%dma_wait3A_201, %dma_wait3A_202] : memref<10240x128xf32, #tpu.memory_space<vmem_shared>> -> memref<10240x128xf32, #tpu.memory_space<vmem_shared>>
      tpu.wait_indirect_dma semaphore(%arg23 : memref<!tpu.dma_semaphore, #tpu.memory_space<semaphore_mem>>) src(%dma_wait3A_200 : memref<16x128xf32, #tpu.memory_space<vmem>>) dst(%dma_wait3A_203 : memref<10240x128xf32, #tpu.memory_space<vmem_shared>>)
      %dma_wait3A_204 = arith.constant 48 : i32
      %dma_wait3A_205 = arith.constant 0 : i32
      %dma_wait3A_206 = tpu.memref_slice %arg15[%dma_wait3A_204, %dma_wait3A_205] : memref<80x128xf32, #tpu.memory_space<vmem>> -> memref<16x128xf32, #tpu.memory_space<vmem>>
      %dma_wait3A_207 = arith.constant 0 : i32
      %dma_wait3A_208 = arith.constant 0 : i32
      %dma_wait3A_209 = tpu.memref_slice %arg20[%dma_wait3A_207, %dma_wait3A_208] : memref<10240x128xf32, #tpu.memory_space<vmem_shared>> -> memref<10240x128xf32, #tpu.memory_space<vmem_shared>>
      tpu.wait_indirect_dma semaphore(%arg23 : memref<!tpu.dma_semaphore, #tpu.memory_space<semaphore_mem>>) src(%dma_wait3A_206 : memref<16x128xf32, #tpu.memory_space<vmem>>) dst(%dma_wait3A_209 : memref<10240x128xf32, #tpu.memory_space<vmem_shared>>)
      %dma_wait3A_210 = arith.constant 64 : i32
      %dma_wait3A_211 = arith.constant 0 : i32
      %dma_wait3A_212 = tpu.memref_slice %arg15[%dma_wait3A_210, %dma_wait3A_211] : memref<80x128xf32, #tpu.memory_space<vmem>> -> memref<16x128xf32, #tpu.memory_space<vmem>>
      %dma_wait3A_213 = arith.constant 0 : i32
      %dma_wait3A_214 = arith.constant 0 : i32
      %dma_wait3A_215 = tpu.memref_slice %arg20[%dma_wait3A_213, %dma_wait3A_214] : memref<10240x128xf32, #tpu.memory_space<vmem_shared>> -> memref<10240x128xf32, #tpu.memory_space<vmem_shared>>
      tpu.wait_indirect_dma semaphore(%arg23 : memref<!tpu.dma_semaphore, #tpu.memory_space<semaphore_mem>>) src(%dma_wait3A_212 : memref<16x128xf32, #tpu.memory_space<vmem>>) dst(%dma_wait3A_215 : memref<10240x128xf32, #tpu.memory_space<vmem_shared>>)
    }
    %scan3A_9 = arith.constant 5 : i32
    %barrier3A_10 = arith.constant 0 : index
    tpu.barrier barrier_id(%barrier3A_10)
    "tpu.region"() ({
      %run_scoped3A = tpu.sem_alloc : memref<!tpu.dma_semaphore, #tpu.memory_space<semaphore_mem>>
      %dma_start3A = arith.constant 0 : i32
      %dma_start3A_11 = arith.constant 0 : i32
      %dma_start3A_12 = tpu.memref_slice %arg8[%arg0, %dma_start3A, %dma_start3A_11] : memref<2x10240x128xf32, #tpu.memory_space<hbm>> -> memref<1x10240x128xf32, #tpu.memory_space<hbm>>
      %dma_start3A_13 = tpu.memref_squeeze %dma_start3A_12 : memref<1x10240x128xf32, #tpu.memory_space<hbm>> -> memref<10240x128xf32, #tpu.memory_space<hbm>>
      %dma_start3A_14 = arith.constant 0 : i32
      %dma_start3A_15 = tpu.memref_slice %dma_start3A_13[%mul3A_4, %dma_start3A_14] : memref<10240x128xf32, #tpu.memory_space<hbm>> -> memref<640x128xf32, #tpu.memory_space<hbm>>
      %dma_start3A_16 = arith.constant 0 : i32
      %dma_start3A_17 = tpu.memref_slice %arg20[%mul3A_4, %dma_start3A_16] : memref<10240x128xf32, #tpu.memory_space<vmem_shared>> -> memref<640x128xf32, #tpu.memory_space<vmem_shared>>
      tpu.enqueue_dma source(%dma_start3A_17 : memref<640x128xf32, #tpu.memory_space<vmem_shared>>) target(%dma_start3A_15 : memref<640x128xf32, #tpu.memory_space<hbm>>) target_semaphore(%run_scoped3A : memref<!tpu.dma_semaphore, #tpu.memory_space<semaphore_mem>>)
      %dma_wait3A = arith.constant 0 : i32
      %dma_wait3A_18 = arith.constant 0 : i32
      %dma_wait3A_19 = tpu.memref_slice %arg8[%arg0, %dma_wait3A, %dma_wait3A_18] : memref<2x10240x128xf32, #tpu.memory_space<hbm>> -> memref<1x10240x128xf32, #tpu.memory_space<hbm>>
      %dma_wait3A_20 = tpu.memref_squeeze %dma_wait3A_19 : memref<1x10240x128xf32, #tpu.memory_space<hbm>> -> memref<10240x128xf32, #tpu.memory_space<hbm>>
      %dma_wait3A_21 = arith.constant 0 : i32
      %dma_wait3A_22 = tpu.memref_slice %dma_wait3A_20[%mul3A_4, %dma_wait3A_21] : memref<10240x128xf32, #tpu.memory_space<hbm>> -> memref<640x128xf32, #tpu.memory_space<hbm>>
      %dma_wait3A_23 = arith.constant 0 : i32
      %dma_wait3A_24 = tpu.memref_slice %arg20[%mul3A_4, %dma_wait3A_23] : memref<10240x128xf32, #tpu.memory_space<vmem_shared>> -> memref<640x128xf32, #tpu.memory_space<vmem_shared>>
      tpu.wait_dma2 semaphore(%run_scoped3A : memref<!tpu.dma_semaphore, #tpu.memory_space<semaphore_mem>>) src(%dma_wait3A_24 : memref<640x128xf32, #tpu.memory_space<vmem_shared>>) dst(%dma_wait3A_22 : memref<640x128xf32, #tpu.memory_space<hbm>>)
      tpu.yield
    }) : () -> ()
    return
  }
}

#map = affine_map<(d0, d1) -> (0)>
#map1 = affine_map<(d0, d1) -> (0, 0)>
#map2 = affine_map<(d0, d1) -> (0, 0, 0)>
module attributes {stable_mosaic.version = 14 : i64} {
  func.func @k(%arg0: i32, %arg1: i32, %arg2: memref<320000xi32, #tpu.memory_space<hbm>>, %arg3: memref<320000xi32, #tpu.memory_space<hbm>>, %arg4: memref<320000xi32, #tpu.memory_space<hbm>>, %arg5: memref<90000x16xf32, #tpu.memory_space<hbm>>, %arg6: memref<81920x16xf32, #tpu.memory_space<hbm>>, %arg7: memref<2x81920x16xf32, #tpu.memory_space<hbm>>, %arg8: memref<10000xi32, #tpu.memory_space<vmem>>, %arg9: memref<10000xi32, #tpu.memory_space<vmem>>, %arg10: memref<10000xi32, #tpu.memory_space<vmem>>, %arg11: memref<80xi32, #tpu.memory_space<vmem>>, %arg12: memref<80x16xf32, #tpu.memory_space<vmem>>, %arg13: memref<80xi32, #tpu.memory_space<vmem>>, %arg14: memref<80x16xf32, #tpu.memory_space<vmem>>, %arg15: memref<81920x16xf32, #tpu.memory_space<vmem_shared>>, %arg16: memref<!tpu.dma_semaphore, #tpu.memory_space<semaphore_mem>>, %arg17: memref<!tpu.dma_semaphore, #tpu.memory_space<semaphore_mem>>, %arg18: memref<!tpu.dma_semaphore, #tpu.memory_space<semaphore_mem>>) attributes {dimension_semantics = [#tpu.dimension_semantics<core_parallel>, #tpu.dimension_semantics<subcore_parallel>], iteration_bounds = array<i64: 2, 16>, scalar_prefetch = 0 : i64, scratch_operands = 11 : i64, tpu.core_type = #tpu.core_type<sc_vector_subcore>, window_params = [{transform_indices = #map}, {transform_indices = #map}, {transform_indices = #map}, {transform_indices = #map1}, {transform_indices = #map1}, {transform_indices = #map2}]} {
    %mul3A = arith.constant 16 : i32
    %mul3A_0 = arith.muli %arg0, %mul3A : i32
    %add3A = arith.addi %mul3A_0, %arg1 : i32
    %mul3A_1 = arith.constant 10000 : i32
    %mul3A_2 = arith.muli %add3A, %mul3A_1 : i32
    %mul3A_3 = arith.constant 5120 : i32
    %mul3A_4 = arith.muli %arg1, %mul3A_3 : i32
    "tpu.region"() ({
      %run_scoped3A = tpu.sem_alloc : memref<!tpu.dma_semaphore, #tpu.memory_space<semaphore_mem>>
      %dma_start3A_186 = arith.constant 0 : i32
      %dma_start3A_187 = tpu.memref_slice %arg15[%mul3A_4, %dma_start3A_186] : memref<81920x16xf32, #tpu.memory_space<vmem_shared>> -> memref<5120x16xf32, #tpu.memory_space<vmem_shared>>
      %dma_start3A_188 = arith.constant 0 : i32
      %dma_start3A_189 = tpu.memref_slice %arg6[%mul3A_4, %dma_start3A_188] : memref<81920x16xf32, #tpu.memory_space<hbm>> -> memref<5120x16xf32, #tpu.memory_space<hbm>>
      tpu.enqueue_dma source(%dma_start3A_189 : memref<5120x16xf32, #tpu.memory_space<hbm>>) target(%dma_start3A_187 : memref<5120x16xf32, #tpu.memory_space<vmem_shared>>) target_semaphore(%run_scoped3A : memref<!tpu.dma_semaphore, #tpu.memory_space<semaphore_mem>>)
      %dma_wait3A_190 = arith.constant 0 : i32
      %dma_wait3A_191 = tpu.memref_slice %arg15[%mul3A_4, %dma_wait3A_190] : memref<81920x16xf32, #tpu.memory_space<vmem_shared>> -> memref<5120x16xf32, #tpu.memory_space<vmem_shared>>
      %dma_wait3A_192 = arith.constant 0 : i32
      %dma_wait3A_193 = tpu.memref_slice %arg6[%mul3A_4, %dma_wait3A_192] : memref<81920x16xf32, #tpu.memory_space<hbm>> -> memref<5120x16xf32, #tpu.memory_space<hbm>>
      tpu.wait_dma2 semaphore(%run_scoped3A : memref<!tpu.dma_semaphore, #tpu.memory_space<semaphore_mem>>) src(%dma_wait3A_193 : memref<5120x16xf32, #tpu.memory_space<hbm>>) dst(%dma_wait3A_191 : memref<5120x16xf32, #tpu.memory_space<vmem_shared>>)
      tpu.yield
    }) : () -> ()
    "tpu.region"() ({
      %run_scoped3A = tpu.sem_alloc : memref<!tpu.dma_semaphore, #tpu.memory_space<semaphore_mem>>
      %dma_start3A_186 = tpu.memref_slice %arg2[%mul3A_2] : memref<320000xi32, #tpu.memory_space<hbm>> -> memref<10000xi32, #tpu.memory_space<hbm>>
      %dma_start3A_187 = tpu.memref_slice %arg2[%mul3A_2] : memref<320000xi32, #tpu.memory_space<hbm>> -> memref<10000xi32, #tpu.memory_space<hbm>>
      tpu.enqueue_dma source(%dma_start3A_187 : memref<10000xi32, #tpu.memory_space<hbm>>) target(%arg8 : memref<10000xi32, #tpu.memory_space<vmem>>) target_semaphore(%run_scoped3A : memref<!tpu.dma_semaphore, #tpu.memory_space<semaphore_mem>>)
      %dma_wait3A_188 = tpu.memref_slice %arg2[%mul3A_2] : memref<320000xi32, #tpu.memory_space<hbm>> -> memref<10000xi32, #tpu.memory_space<hbm>>
      %dma_wait3A_189 = tpu.memref_slice %arg2[%mul3A_2] : memref<320000xi32, #tpu.memory_space<hbm>> -> memref<10000xi32, #tpu.memory_space<hbm>>
      tpu.wait_dma2 semaphore(%run_scoped3A : memref<!tpu.dma_semaphore, #tpu.memory_space<semaphore_mem>>) src(%dma_wait3A_189 : memref<10000xi32, #tpu.memory_space<hbm>>) dst(%arg8 : memref<10000xi32, #tpu.memory_space<vmem>>)
      tpu.yield
    }) : () -> ()
    "tpu.region"() ({
      %run_scoped3A = tpu.sem_alloc : memref<!tpu.dma_semaphore, #tpu.memory_space<semaphore_mem>>
      %dma_start3A_186 = tpu.memref_slice %arg3[%mul3A_2] : memref<320000xi32, #tpu.memory_space<hbm>> -> memref<10000xi32, #tpu.memory_space<hbm>>
      %dma_start3A_187 = tpu.memref_slice %arg3[%mul3A_2] : memref<320000xi32, #tpu.memory_space<hbm>> -> memref<10000xi32, #tpu.memory_space<hbm>>
      tpu.enqueue_dma source(%dma_start3A_187 : memref<10000xi32, #tpu.memory_space<hbm>>) target(%arg9 : memref<10000xi32, #tpu.memory_space<vmem>>) target_semaphore(%run_scoped3A : memref<!tpu.dma_semaphore, #tpu.memory_space<semaphore_mem>>)
      %dma_wait3A_188 = tpu.memref_slice %arg3[%mul3A_2] : memref<320000xi32, #tpu.memory_space<hbm>> -> memref<10000xi32, #tpu.memory_space<hbm>>
      %dma_wait3A_189 = tpu.memref_slice %arg3[%mul3A_2] : memref<320000xi32, #tpu.memory_space<hbm>> -> memref<10000xi32, #tpu.memory_space<hbm>>
      tpu.wait_dma2 semaphore(%run_scoped3A : memref<!tpu.dma_semaphore, #tpu.memory_space<semaphore_mem>>) src(%dma_wait3A_189 : memref<10000xi32, #tpu.memory_space<hbm>>) dst(%arg9 : memref<10000xi32, #tpu.memory_space<vmem>>)
      tpu.yield
    }) : () -> ()
    "tpu.region"() ({
      %run_scoped3A = tpu.sem_alloc : memref<!tpu.dma_semaphore, #tpu.memory_space<semaphore_mem>>
      %dma_start3A_186 = tpu.memref_slice %arg4[%mul3A_2] : memref<320000xi32, #tpu.memory_space<hbm>> -> memref<10000xi32, #tpu.memory_space<hbm>>
      %dma_start3A_187 = tpu.memref_slice %arg4[%mul3A_2] : memref<320000xi32, #tpu.memory_space<hbm>> -> memref<10000xi32, #tpu.memory_space<hbm>>
      tpu.enqueue_dma source(%dma_start3A_187 : memref<10000xi32, #tpu.memory_space<hbm>>) target(%arg10 : memref<10000xi32, #tpu.memory_space<vmem>>) target_semaphore(%run_scoped3A : memref<!tpu.dma_semaphore, #tpu.memory_space<semaphore_mem>>)
      %dma_wait3A_188 = tpu.memref_slice %arg4[%mul3A_2] : memref<320000xi32, #tpu.memory_space<hbm>> -> memref<10000xi32, #tpu.memory_space<hbm>>
      %dma_wait3A_189 = tpu.memref_slice %arg4[%mul3A_2] : memref<320000xi32, #tpu.memory_space<hbm>> -> memref<10000xi32, #tpu.memory_space<hbm>>
      tpu.wait_dma2 semaphore(%run_scoped3A : memref<!tpu.dma_semaphore, #tpu.memory_space<semaphore_mem>>) src(%dma_wait3A_189 : memref<10000xi32, #tpu.memory_space<hbm>>) dst(%arg10 : memref<10000xi32, #tpu.memory_space<vmem>>)
      tpu.yield
    }) : () -> ()
    %barrier3A = arith.constant 0 : index
    tpu.barrier barrier_id(%barrier3A)
    %multiple_of3A = arith.constant 0 : i32
    %multiple_of3A_5 = tpu.assume_multiple %multiple_of3A, 80 : i32
    %add3A_6 = arith.constant 0 : i32
    %add3A_7 = arith.addi %multiple_of3A_5, %add3A_6 : i32
    %get3A = arith.index_cast %add3A_7 : i32 to index
    %get3A_8 = tpu.vector_load %arg10[%get3A] {strides = array<i32>} : memref<10000xi32, #tpu.memory_space<vmem>>, vector<16xi32>,
    %mul3A_9 = arith.constant 10000 : i32
    %mul3A_10 = vector.broadcast %mul3A_9 : i32 to vector<16xi32>
    %mul3A_11 = arith.muli %get3A_8, %mul3A_10 : vector<16xi32>
    %get3A_12 = arith.index_cast %add3A_7 : i32 to index
    %get3A_13 = tpu.vector_load %arg8[%get3A_12] {strides = array<i32>} : memref<10000xi32, #tpu.memory_space<vmem>>, vector<16xi32>,
    %add3A_14 = arith.addi %mul3A_11, %get3A_13 : vector<16xi32>
    %swap3A = arith.constant 0 : index
    %swap3A_15 = tpu.vector_load %arg11[%swap3A] {strides = array<i32>} : memref<80xi32, #tpu.memory_space<vmem>>, vector<16xi32>,
    tpu.vector_store %arg11[%swap3A], %add3A_14 {strides = array<i32>} : memref<80xi32, #tpu.memory_space<vmem>>, vector<16xi32>,
    %add3A_16 = arith.constant 16 : i32
    %add3A_17 = arith.addi %multiple_of3A_5, %add3A_16 : i32
    %get3A_18 = arith.index_cast %add3A_17 : i32 to index
    %get3A_19 = tpu.vector_load %arg10[%get3A_18] {strides = array<i32>} : memref<10000xi32, #tpu.memory_space<vmem>>, vector<16xi32>,
    %mul3A_20 = arith.constant 10000 : i32
    %mul3A_21 = vector.broadcast %mul3A_20 : i32 to vector<16xi32>
    %mul3A_22 = arith.muli %get3A_19, %mul3A_21 : vector<16xi32>
    %get3A_23 = arith.index_cast %add3A_17 : i32 to index
    %get3A_24 = tpu.vector_load %arg8[%get3A_23] {strides = array<i32>} : memref<10000xi32, #tpu.memory_space<vmem>>, vector<16xi32>,
    %add3A_25 = arith.addi %mul3A_22, %get3A_24 : vector<16xi32>
    %swap3A_26 = arith.constant 16 : index
    %swap3A_27 = tpu.vector_load %arg11[%swap3A_26] {strides = array<i32>} : memref<80xi32, #tpu.memory_space<vmem>>, vector<16xi32>,
    tpu.vector_store %arg11[%swap3A_26], %add3A_25 {strides = array<i32>} : memref<80xi32, #tpu.memory_space<vmem>>, vector<16xi32>,
    %add3A_28 = arith.constant 32 : i32
    %add3A_29 = arith.addi %multiple_of3A_5, %add3A_28 : i32
    %get3A_30 = arith.index_cast %add3A_29 : i32 to index
    %get3A_31 = tpu.vector_load %arg10[%get3A_30] {strides = array<i32>} : memref<10000xi32, #tpu.memory_space<vmem>>, vector<16xi32>,
    %mul3A_32 = arith.constant 10000 : i32
    %mul3A_33 = vector.broadcast %mul3A_32 : i32 to vector<16xi32>
    %mul3A_34 = arith.muli %get3A_31, %mul3A_33 : vector<16xi32>
    %get3A_35 = arith.index_cast %add3A_29 : i32 to index
    %get3A_36 = tpu.vector_load %arg8[%get3A_35] {strides = array<i32>} : memref<10000xi32, #tpu.memory_space<vmem>>, vector<16xi32>,
    %add3A_37 = arith.addi %mul3A_34, %get3A_36 : vector<16xi32>
    %swap3A_38 = arith.constant 32 : index
    %swap3A_39 = tpu.vector_load %arg11[%swap3A_38] {strides = array<i32>} : memref<80xi32, #tpu.memory_space<vmem>>, vector<16xi32>,
    tpu.vector_store %arg11[%swap3A_38], %add3A_37 {strides = array<i32>} : memref<80xi32, #tpu.memory_space<vmem>>, vector<16xi32>,
    %add3A_40 = arith.constant 48 : i32
    %add3A_41 = arith.addi %multiple_of3A_5, %add3A_40 : i32
    %get3A_42 = arith.index_cast %add3A_41 : i32 to index
    %get3A_43 = tpu.vector_load %arg10[%get3A_42] {strides = array<i32>} : memref<10000xi32, #tpu.memory_space<vmem>>, vector<16xi32>,
    %mul3A_44 = arith.constant 10000 : i32
    %mul3A_45 = vector.broadcast %mul3A_44 : i32 to vector<16xi32>
    %mul3A_46 = arith.muli %get3A_43, %mul3A_45 : vector<16xi32>
    %get3A_47 = arith.index_cast %add3A_41 : i32 to index
    %get3A_48 = tpu.vector_load %arg8[%get3A_47] {strides = array<i32>} : memref<10000xi32, #tpu.memory_space<vmem>>, vector<16xi32>,
    %add3A_49 = arith.addi %mul3A_46, %get3A_48 : vector<16xi32>
    %swap3A_50 = arith.constant 48 : index
    %swap3A_51 = tpu.vector_load %arg11[%swap3A_50] {strides = array<i32>} : memref<80xi32, #tpu.memory_space<vmem>>, vector<16xi32>,
    tpu.vector_store %arg11[%swap3A_50], %add3A_49 {strides = array<i32>} : memref<80xi32, #tpu.memory_space<vmem>>, vector<16xi32>,
    %add3A_52 = arith.constant 64 : i32
    %add3A_53 = arith.addi %multiple_of3A_5, %add3A_52 : i32
    %get3A_54 = arith.index_cast %add3A_53 : i32 to index
    %get3A_55 = tpu.vector_load %arg10[%get3A_54] {strides = array<i32>} : memref<10000xi32, #tpu.memory_space<vmem>>, vector<16xi32>,
    %mul3A_56 = arith.constant 10000 : i32
    %mul3A_57 = vector.broadcast %mul3A_56 : i32 to vector<16xi32>
    %mul3A_58 = arith.muli %get3A_55, %mul3A_57 : vector<16xi32>
    %get3A_59 = arith.index_cast %add3A_53 : i32 to index
    %get3A_60 = tpu.vector_load %arg8[%get3A_59] {strides = array<i32>} : memref<10000xi32, #tpu.memory_space<vmem>>, vector<16xi32>,
    %add3A_61 = arith.addi %mul3A_58, %get3A_60 : vector<16xi32>
    %swap3A_62 = arith.constant 64 : index
    %swap3A_63 = tpu.vector_load %arg11[%swap3A_62] {strides = array<i32>} : memref<80xi32, #tpu.memory_space<vmem>>, vector<16xi32>,
    tpu.vector_store %arg11[%swap3A_62], %add3A_61 {strides = array<i32>} : memref<80xi32, #tpu.memory_space<vmem>>, vector<16xi32>,
    %dma_start3A = arith.constant 0 : i32
    %dma_start3A_64 = arith.constant 0 : i32
    %dma_start3A_65 = tpu.memref_slice %arg5[%dma_start3A, %dma_start3A_64] : memref<90000x16xf32, #tpu.memory_space<hbm>> -> memref<90000x16xf32, #tpu.memory_space<hbm>>
    tpu.enqueue_indirect_dma source(%dma_start3A_65 : memref<90000x16xf32, #tpu.memory_space<hbm>>) target(%arg12 : memref<80x16xf32, #tpu.memory_space<vmem>>) offsets(%arg11 : memref<80xi32, #tpu.memory_space<vmem>>) semaphore(%arg16 : memref<!tpu.dma_semaphore, #tpu.memory_space<semaphore_mem>>)
    %scan3A = arith.constant 0 : i32
    %scan3A_66 = arith.constant 0 : i32
    %scan3A_67 = arith.constant 62 : i32
    %scan3A_68 = arith.addi %scan3A_66, %scan3A_67 : i32
    %scan3A_69 = arith.constant 1 : i32
    scf.for %scan3A_186 = %scan3A_66 to %scan3A_68 step %scan3A_69  : i32 {
      %mul3A_187 = arith.constant 2 : i32
      %mul3A_188 = arith.muli %scan3A_186, %mul3A_187 : i32
      %add3A_189 = arith.constant 1 : i32
      %add3A_190 = arith.addi %mul3A_188, %add3A_189 : i32
      %mul3A_191 = arith.constant 80 : i32
      %mul3A_192 = arith.muli %add3A_190, %mul3A_191 : i32
      %multiple_of3A_193 = tpu.assume_multiple %mul3A_192, 80 : i32
      %add3A_194 = arith.constant 0 : i32
      %add3A_195 = arith.addi %multiple_of3A_193, %add3A_194 : i32
      %get3A_196 = arith.index_cast %add3A_195 : i32 to index
      %get3A_197 = tpu.vector_load %arg10[%get3A_196] {strides = array<i32>} : memref<10000xi32, #tpu.memory_space<vmem>>, vector<16xi32>,
      %mul3A_198 = arith.constant 10000 : i32
      %mul3A_199 = vector.broadcast %mul3A_198 : i32 to vector<16xi32>
      %mul3A_200 = arith.muli %get3A_197, %mul3A_199 : vector<16xi32>
      %get3A_201 = arith.index_cast %add3A_195 : i32 to index
      %get3A_202 = tpu.vector_load %arg8[%get3A_201] {strides = array<i32>} : memref<10000xi32, #tpu.memory_space<vmem>>, vector<16xi32>,
      %add3A_203 = arith.addi %mul3A_200, %get3A_202 : vector<16xi32>
      %swap3A_204 = arith.constant 0 : index
      %swap3A_205 = tpu.vector_load %arg13[%swap3A_204] {strides = array<i32>} : memref<80xi32, #tpu.memory_space<vmem>>, vector<16xi32>,
      tpu.vector_store %arg13[%swap3A_204], %add3A_203 {strides = array<i32>} : memref<80xi32, #tpu.memory_space<vmem>>, vector<16xi32>,
      %add3A_206 = arith.constant 16 : i32
      %add3A_207 = arith.addi %multiple_of3A_193, %add3A_206 : i32
      %get3A_208 = arith.index_cast %add3A_207 : i32 to index
      %get3A_209 = tpu.vector_load %arg10[%get3A_208] {strides = array<i32>} : memref<10000xi32, #tpu.memory_space<vmem>>, vector<16xi32>,
      %mul3A_210 = arith.constant 10000 : i32
      %mul3A_211 = vector.broadcast %mul3A_210 : i32 to vector<16xi32>
      %mul3A_212 = arith.muli %get3A_209, %mul3A_211 : vector<16xi32>
      %get3A_213 = arith.index_cast %add3A_207 : i32 to index
      %get3A_214 = tpu.vector_load %arg8[%get3A_213] {strides = array<i32>} : memref<10000xi32, #tpu.memory_space<vmem>>, vector<16xi32>,
      %add3A_215 = arith.addi %mul3A_212, %get3A_214 : vector<16xi32>
      %swap3A_216 = arith.constant 16 : index
      %swap3A_217 = tpu.vector_load %arg13[%swap3A_216] {strides = array<i32>} : memref<80xi32, #tpu.memory_space<vmem>>, vector<16xi32>,
      tpu.vector_store %arg13[%swap3A_216], %add3A_215 {strides = array<i32>} : memref<80xi32, #tpu.memory_space<vmem>>, vector<16xi32>,
      %add3A_218 = arith.constant 32 : i32
      %add3A_219 = arith.addi %multiple_of3A_193, %add3A_218 : i32
      %get3A_220 = arith.index_cast %add3A_219 : i32 to index
      %get3A_221 = tpu.vector_load %arg10[%get3A_220] {strides = array<i32>} : memref<10000xi32, #tpu.memory_space<vmem>>, vector<16xi32>,
      %mul3A_222 = arith.constant 10000 : i32
      %mul3A_223 = vector.broadcast %mul3A_222 : i32 to vector<16xi32>
      %mul3A_224 = arith.muli %get3A_221, %mul3A_223 : vector<16xi32>
      %get3A_225 = arith.index_cast %add3A_219 : i32 to index
      %get3A_226 = tpu.vector_load %arg8[%get3A_225] {strides = array<i32>} : memref<10000xi32, #tpu.memory_space<vmem>>, vector<16xi32>,
      %add3A_227 = arith.addi %mul3A_224, %get3A_226 : vector<16xi32>
      %swap3A_228 = arith.constant 32 : index
      %swap3A_229 = tpu.vector_load %arg13[%swap3A_228] {strides = array<i32>} : memref<80xi32, #tpu.memory_space<vmem>>, vector<16xi32>,
      tpu.vector_store %arg13[%swap3A_228], %add3A_227 {strides = array<i32>} : memref<80xi32, #tpu.memory_space<vmem>>, vector<16xi32>,
      %add3A_230 = arith.constant 48 : i32
      %add3A_231 = arith.addi %multiple_of3A_193, %add3A_230 : i32
      %get3A_232 = arith.index_cast %add3A_231 : i32 to index
      %get3A_233 = tpu.vector_load %arg10[%get3A_232] {strides = array<i32>} : memref<10000xi32, #tpu.memory_space<vmem>>, vector<16xi32>,
      %mul3A_234 = arith.constant 10000 : i32
      %mul3A_235 = vector.broadcast %mul3A_234 : i32 to vector<16xi32>
      %mul3A_236 = arith.muli %get3A_233, %mul3A_235 : vector<16xi32>
      %get3A_237 = arith.index_cast %add3A_231 : i32 to index
      %get3A_238 = tpu.vector_load %arg8[%get3A_237] {strides = array<i32>} : memref<10000xi32, #tpu.memory_space<vmem>>, vector<16xi32>,
      %add3A_239 = arith.addi %mul3A_236, %get3A_238 : vector<16xi32>
      %swap3A_240 = arith.constant 48 : index
      %swap3A_241 = tpu.vector_load %arg13[%swap3A_240] {strides = array<i32>} : memref<80xi32, #tpu.memory_space<vmem>>, vector<16xi32>,
      tpu.vector_store %arg13[%swap3A_240], %add3A_239 {strides = array<i32>} : memref<80xi32, #tpu.memory_space<vmem>>, vector<16xi32>,
      %add3A_242 = arith.constant 64 : i32
      %add3A_243 = arith.addi %multiple_of3A_193, %add3A_242 : i32
      %get3A_244 = arith.index_cast %add3A_243 : i32 to index
      %get3A_245 = tpu.vector_load %arg10[%get3A_244] {strides = array<i32>} : memref<10000xi32, #tpu.memory_space<vmem>>, vector<16xi32>,
      %mul3A_246 = arith.constant 10000 : i32
      %mul3A_247 = vector.broadcast %mul3A_246 : i32 to vector<16xi32>
      %mul3A_248 = arith.muli %get3A_245, %mul3A_247 : vector<16xi32>
      %get3A_249 = arith.index_cast %add3A_243 : i32 to index
      %get3A_250 = tpu.vector_load %arg8[%get3A_249] {strides = array<i32>} : memref<10000xi32, #tpu.memory_space<vmem>>, vector<16xi32>,
      %add3A_251 = arith.addi %mul3A_248, %get3A_250 : vector<16xi32>
      %swap3A_252 = arith.constant 64 : index
      %swap3A_253 = tpu.vector_load %arg13[%swap3A_252] {strides = array<i32>} : memref<80xi32, #tpu.memory_space<vmem>>, vector<16xi32>,
      tpu.vector_store %arg13[%swap3A_252], %add3A_251 {strides = array<i32>} : memref<80xi32, #tpu.memory_space<vmem>>, vector<16xi32>,
      %dma_start3A_254 = arith.constant 0 : i32
      %dma_start3A_255 = arith.constant 0 : i32
      %dma_start3A_256 = tpu.memref_slice %arg5[%dma_start3A_254, %dma_start3A_255] : memref<90000x16xf32, #tpu.memory_space<hbm>> -> memref<90000x16xf32, #tpu.memory_space<hbm>>
      tpu.enqueue_indirect_dma source(%dma_start3A_256 : memref<90000x16xf32, #tpu.memory_space<hbm>>) target(%arg14 : memref<80x16xf32, #tpu.memory_space<vmem>>) offsets(%arg13 : memref<80xi32, #tpu.memory_space<vmem>>) semaphore(%arg17 : memref<!tpu.dma_semaphore, #tpu.memory_space<semaphore_mem>>)
      %mul3A_257 = arith.constant 80 : i32
      %mul3A_258 = arith.muli %mul3A_188, %mul3A_257 : i32
      %multiple_of3A_259 = tpu.assume_multiple %mul3A_258, 80 : i32
      %dma_wait3A_260 = arith.constant 0 : i32
      %dma_wait3A_261 = arith.constant 0 : i32
      %dma_wait3A_262 = tpu.memref_slice %arg5[%dma_wait3A_260, %dma_wait3A_261] : memref<90000x16xf32, #tpu.memory_space<hbm>> -> memref<90000x16xf32, #tpu.memory_space<hbm>>
      tpu.wait_indirect_dma semaphore(%arg16 : memref<!tpu.dma_semaphore, #tpu.memory_space<semaphore_mem>>) src(%dma_wait3A_262 : memref<90000x16xf32, #tpu.memory_space<hbm>>) dst(%arg12 : memref<80x16xf32, #tpu.memory_space<vmem>>)
      %add3A_263 = arith.constant 0 : i32
      %add3A_264 = arith.addi %multiple_of3A_259, %add3A_263 : i32
      %get3A_265 = arith.index_cast %add3A_264 : i32 to index
      %get3A_266 = tpu.vector_load %arg9[%get3A_265] {strides = array<i32>} : memref<10000xi32, #tpu.memory_space<vmem>>, vector<16xi32>,
      %mul3A_267 = arith.constant 8 : i32
      %mul3A_268 = vector.broadcast %mul3A_267 : i32 to vector<16xi32>
      %mul3A_269 = arith.muli %get3A_266, %mul3A_268 : vector<16xi32>
      %get3A_270 = arith.index_cast %add3A_264 : i32 to index
      %get3A_271 = tpu.vector_load %arg10[%get3A_270] {strides = array<i32>} : memref<10000xi32, #tpu.memory_space<vmem>>, vector<16xi32>,
      %add3A_272 = arith.addi %mul3A_269, %get3A_271 : vector<16xi32>
      %dma_start3A_273 = arith.constant 0 : i32
      %dma_start3A_274 = arith.constant 0 : i32
      %dma_start3A_275 = tpu.memref_slice %arg12[%dma_start3A_273, %dma_start3A_274] : memref<80x16xf32, #tpu.memory_space<vmem>> -> memref<16x16xf32, #tpu.memory_space<vmem>>
      %dma_start3A_276 = arith.constant 0 : i32
      %dma_start3A_277 = arith.constant 0 : i32
      %dma_start3A_278 = tpu.memref_slice %arg15[%dma_start3A_276, %dma_start3A_277] : memref<81920x16xf32, #tpu.memory_space<vmem_shared>> -> memref<81920x16xf32, #tpu.memory_space<vmem_shared>>
      tpu.enqueue_indirect_dma source(%dma_start3A_275 : memref<16x16xf32, #tpu.memory_space<vmem>>) target(%dma_start3A_278 : memref<81920x16xf32, #tpu.memory_space<vmem_shared>>) offsets(%add3A_272 : vector<16xi32>) semaphore(%arg18 : memref<!tpu.dma_semaphore, #tpu.memory_space<semaphore_mem>>) {add = true}
      %add3A_279 = arith.constant 16 : i32
      %add3A_280 = arith.addi %multiple_of3A_259, %add3A_279 : i32
      %get3A_281 = arith.index_cast %add3A_280 : i32 to index
      %get3A_282 = tpu.vector_load %arg9[%get3A_281] {strides = array<i32>} : memref<10000xi32, #tpu.memory_space<vmem>>, vector<16xi32>,
      %mul3A_283 = arith.constant 8 : i32
      %mul3A_284 = vector.broadcast %mul3A_283 : i32 to vector<16xi32>
      %mul3A_285 = arith.muli %get3A_282, %mul3A_284 : vector<16xi32>
      %get3A_286 = arith.index_cast %add3A_280 : i32 to index
      %get3A_287 = tpu.vector_load %arg10[%get3A_286] {strides = array<i32>} : memref<10000xi32, #tpu.memory_space<vmem>>, vector<16xi32>,
      %add3A_288 = arith.addi %mul3A_285, %get3A_287 : vector<16xi32>
      %dma_start3A_289 = arith.constant 16 : i32
      %dma_start3A_290 = arith.constant 0 : i32
      %dma_start3A_291 = tpu.memref_slice %arg12[%dma_start3A_289, %dma_start3A_290] : memref<80x16xf32, #tpu.memory_space<vmem>> -> memref<16x16xf32, #tpu.memory_space<vmem>>
      %dma_start3A_292 = arith.constant 0 : i32
      %dma_start3A_293 = arith.constant 0 : i32
      %dma_start3A_294 = tpu.memref_slice %arg15[%dma_start3A_292, %dma_start3A_293] : memref<81920x16xf32, #tpu.memory_space<vmem_shared>> -> memref<81920x16xf32, #tpu.memory_space<vmem_shared>>
      tpu.enqueue_indirect_dma source(%dma_start3A_291 : memref<16x16xf32, #tpu.memory_space<vmem>>) target(%dma_start3A_294 : memref<81920x16xf32, #tpu.memory_space<vmem_shared>>) offsets(%add3A_288 : vector<16xi32>) semaphore(%arg18 : memref<!tpu.dma_semaphore, #tpu.memory_space<semaphore_mem>>) {add = true}
      %add3A_295 = arith.constant 32 : i32
      %add3A_296 = arith.addi %multiple_of3A_259, %add3A_295 : i32
      %get3A_297 = arith.index_cast %add3A_296 : i32 to index
      %get3A_298 = tpu.vector_load %arg9[%get3A_297] {strides = array<i32>} : memref<10000xi32, #tpu.memory_space<vmem>>, vector<16xi32>,
      %mul3A_299 = arith.constant 8 : i32
      %mul3A_300 = vector.broadcast %mul3A_299 : i32 to vector<16xi32>
      %mul3A_301 = arith.muli %get3A_298, %mul3A_300 : vector<16xi32>
      %get3A_302 = arith.index_cast %add3A_296 : i32 to index
      %get3A_303 = tpu.vector_load %arg10[%get3A_302] {strides = array<i32>} : memref<10000xi32, #tpu.memory_space<vmem>>, vector<16xi32>,
      %add3A_304 = arith.addi %mul3A_301, %get3A_303 : vector<16xi32>
      %dma_start3A_305 = arith.constant 32 : i32
      %dma_start3A_306 = arith.constant 0 : i32
      %dma_start3A_307 = tpu.memref_slice %arg12[%dma_start3A_305, %dma_start3A_306] : memref<80x16xf32, #tpu.memory_space<vmem>> -> memref<16x16xf32, #tpu.memory_space<vmem>>
      %dma_start3A_308 = arith.constant 0 : i32
      %dma_start3A_309 = arith.constant 0 : i32
      %dma_start3A_310 = tpu.memref_slice %arg15[%dma_start3A_308, %dma_start3A_309] : memref<81920x16xf32, #tpu.memory_space<vmem_shared>> -> memref<81920x16xf32, #tpu.memory_space<vmem_shared>>
      tpu.enqueue_indirect_dma source(%dma_start3A_307 : memref<16x16xf32, #tpu.memory_space<vmem>>) target(%dma_start3A_310 : memref<81920x16xf32, #tpu.memory_space<vmem_shared>>) offsets(%add3A_304 : vector<16xi32>) semaphore(%arg18 : memref<!tpu.dma_semaphore, #tpu.memory_space<semaphore_mem>>) {add = true}
      %add3A_311 = arith.constant 48 : i32
      %add3A_312 = arith.addi %multiple_of3A_259, %add3A_311 : i32
      %get3A_313 = arith.index_cast %add3A_312 : i32 to index
      %get3A_314 = tpu.vector_load %arg9[%get3A_313] {strides = array<i32>} : memref<10000xi32, #tpu.memory_space<vmem>>, vector<16xi32>,
      %mul3A_315 = arith.constant 8 : i32
      %mul3A_316 = vector.broadcast %mul3A_315 : i32 to vector<16xi32>
      %mul3A_317 = arith.muli %get3A_314, %mul3A_316 : vector<16xi32>
      %get3A_318 = arith.index_cast %add3A_312 : i32 to index
      %get3A_319 = tpu.vector_load %arg10[%get3A_318] {strides = array<i32>} : memref<10000xi32, #tpu.memory_space<vmem>>, vector<16xi32>,
      %add3A_320 = arith.addi %mul3A_317, %get3A_319 : vector<16xi32>
      %dma_start3A_321 = arith.constant 48 : i32
      %dma_start3A_322 = arith.constant 0 : i32
      %dma_start3A_323 = tpu.memref_slice %arg12[%dma_start3A_321, %dma_start3A_322] : memref<80x16xf32, #tpu.memory_space<vmem>> -> memref<16x16xf32, #tpu.memory_space<vmem>>
      %dma_start3A_324 = arith.constant 0 : i32
      %dma_start3A_325 = arith.constant 0 : i32
      %dma_start3A_326 = tpu.memref_slice %arg15[%dma_start3A_324, %dma_start3A_325] : memref<81920x16xf32, #tpu.memory_space<vmem_shared>> -> memref<81920x16xf32, #tpu.memory_space<vmem_shared>>
      tpu.enqueue_indirect_dma source(%dma_start3A_323 : memref<16x16xf32, #tpu.memory_space<vmem>>) target(%dma_start3A_326 : memref<81920x16xf32, #tpu.memory_space<vmem_shared>>) offsets(%add3A_320 : vector<16xi32>) semaphore(%arg18 : memref<!tpu.dma_semaphore, #tpu.memory_space<semaphore_mem>>) {add = true}
      %add3A_327 = arith.constant 64 : i32
      %add3A_328 = arith.addi %multiple_of3A_259, %add3A_327 : i32
      %get3A_329 = arith.index_cast %add3A_328 : i32 to index
      %get3A_330 = tpu.vector_load %arg9[%get3A_329] {strides = array<i32>} : memref<10000xi32, #tpu.memory_space<vmem>>, vector<16xi32>,
      %mul3A_331 = arith.constant 8 : i32
      %mul3A_332 = vector.broadcast %mul3A_331 : i32 to vector<16xi32>
      %mul3A_333 = arith.muli %get3A_330, %mul3A_332 : vector<16xi32>
      %get3A_334 = arith.index_cast %add3A_328 : i32 to index
      %get3A_335 = tpu.vector_load %arg10[%get3A_334] {strides = array<i32>} : memref<10000xi32, #tpu.memory_space<vmem>>, vector<16xi32>,
      %add3A_336 = arith.addi %mul3A_333, %get3A_335 : vector<16xi32>
      %dma_start3A_337 = arith.constant 64 : i32
      %dma_start3A_338 = arith.constant 0 : i32
      %dma_start3A_339 = tpu.memref_slice %arg12[%dma_start3A_337, %dma_start3A_338] : memref<80x16xf32, #tpu.memory_space<vmem>> -> memref<16x16xf32, #tpu.memory_space<vmem>>
      %dma_start3A_340 = arith.constant 0 : i32
      %dma_start3A_341 = arith.constant 0 : i32
      %dma_start3A_342 = tpu.memref_slice %arg15[%dma_start3A_340, %dma_start3A_341] : memref<81920x16xf32, #tpu.memory_space<vmem_shared>> -> memref<81920x16xf32, #tpu.memory_space<vmem_shared>>
      tpu.enqueue_indirect_dma source(%dma_start3A_339 : memref<16x16xf32, #tpu.memory_space<vmem>>) target(%dma_start3A_342 : memref<81920x16xf32, #tpu.memory_space<vmem_shared>>) offsets(%add3A_336 : vector<16xi32>) semaphore(%arg18 : memref<!tpu.dma_semaphore, #tpu.memory_space<semaphore_mem>>) {add = true}
      %dma_wait3A_343 = arith.constant 0 : i32
      %dma_wait3A_344 = arith.constant 0 : i32
      %dma_wait3A_345 = tpu.memref_slice %arg12[%dma_wait3A_343, %dma_wait3A_344] : memref<80x16xf32, #tpu.memory_space<vmem>> -> memref<16x16xf32, #tpu.memory_space<vmem>>
      %dma_wait3A_346 = arith.constant 0 : i32
      %dma_wait3A_347 = arith.constant 0 : i32
      %dma_wait3A_348 = tpu.memref_slice %arg15[%dma_wait3A_346, %dma_wait3A_347] : memref<81920x16xf32, #tpu.memory_space<vmem_shared>> -> memref<81920x16xf32, #tpu.memory_space<vmem_shared>>
      tpu.wait_indirect_dma semaphore(%arg18 : memref<!tpu.dma_semaphore, #tpu.memory_space<semaphore_mem>>) src(%dma_wait3A_345 : memref<16x16xf32, #tpu.memory_space<vmem>>) dst(%dma_wait3A_348 : memref<81920x16xf32, #tpu.memory_space<vmem_shared>>)
      %dma_wait3A_349 = arith.constant 16 : i32
      %dma_wait3A_350 = arith.constant 0 : i32
      %dma_wait3A_351 = tpu.memref_slice %arg12[%dma_wait3A_349, %dma_wait3A_350] : memref<80x16xf32, #tpu.memory_space<vmem>> -> memref<16x16xf32, #tpu.memory_space<vmem>>
      %dma_wait3A_352 = arith.constant 0 : i32
      %dma_wait3A_353 = arith.constant 0 : i32
      %dma_wait3A_354 = tpu.memref_slice %arg15[%dma_wait3A_352, %dma_wait3A_353] : memref<81920x16xf32, #tpu.memory_space<vmem_shared>> -> memref<81920x16xf32, #tpu.memory_space<vmem_shared>>
      tpu.wait_indirect_dma semaphore(%arg18 : memref<!tpu.dma_semaphore, #tpu.memory_space<semaphore_mem>>) src(%dma_wait3A_351 : memref<16x16xf32, #tpu.memory_space<vmem>>) dst(%dma_wait3A_354 : memref<81920x16xf32, #tpu.memory_space<vmem_shared>>)
      %dma_wait3A_355 = arith.constant 32 : i32
      %dma_wait3A_356 = arith.constant 0 : i32
      %dma_wait3A_357 = tpu.memref_slice %arg12[%dma_wait3A_355, %dma_wait3A_356] : memref<80x16xf32, #tpu.memory_space<vmem>> -> memref<16x16xf32, #tpu.memory_space<vmem>>
      %dma_wait3A_358 = arith.constant 0 : i32
      %dma_wait3A_359 = arith.constant 0 : i32
      %dma_wait3A_360 = tpu.memref_slice %arg15[%dma_wait3A_358, %dma_wait3A_359] : memref<81920x16xf32, #tpu.memory_space<vmem_shared>> -> memref<81920x16xf32, #tpu.memory_space<vmem_shared>>
      tpu.wait_indirect_dma semaphore(%arg18 : memref<!tpu.dma_semaphore, #tpu.memory_space<semaphore_mem>>) src(%dma_wait3A_357 : memref<16x16xf32, #tpu.memory_space<vmem>>) dst(%dma_wait3A_360 : memref<81920x16xf32, #tpu.memory_space<vmem_shared>>)
      %dma_wait3A_361 = arith.constant 48 : i32
      %dma_wait3A_362 = arith.constant 0 : i32
      %dma_wait3A_363 = tpu.memref_slice %arg12[%dma_wait3A_361, %dma_wait3A_362] : memref<80x16xf32, #tpu.memory_space<vmem>> -> memref<16x16xf32, #tpu.memory_space<vmem>>
      %dma_wait3A_364 = arith.constant 0 : i32
      %dma_wait3A_365 = arith.constant 0 : i32
      %dma_wait3A_366 = tpu.memref_slice %arg15[%dma_wait3A_364, %dma_wait3A_365] : memref<81920x16xf32, #tpu.memory_space<vmem_shared>> -> memref<81920x16xf32, #tpu.memory_space<vmem_shared>>
      tpu.wait_indirect_dma semaphore(%arg18 : memref<!tpu.dma_semaphore, #tpu.memory_space<semaphore_mem>>) src(%dma_wait3A_363 : memref<16x16xf32, #tpu.memory_space<vmem>>) dst(%dma_wait3A_366 : memref<81920x16xf32, #tpu.memory_space<vmem_shared>>)
      %dma_wait3A_367 = arith.constant 64 : i32
      %dma_wait3A_368 = arith.constant 0 : i32
      %dma_wait3A_369 = tpu.memref_slice %arg12[%dma_wait3A_367, %dma_wait3A_368] : memref<80x16xf32, #tpu.memory_space<vmem>> -> memref<16x16xf32, #tpu.memory_space<vmem>>
      %dma_wait3A_370 = arith.constant 0 : i32
      %dma_wait3A_371 = arith.constant 0 : i32
      %dma_wait3A_372 = tpu.memref_slice %arg15[%dma_wait3A_370, %dma_wait3A_371] : memref<81920x16xf32, #tpu.memory_space<vmem_shared>> -> memref<81920x16xf32, #tpu.memory_space<vmem_shared>>
      tpu.wait_indirect_dma semaphore(%arg18 : memref<!tpu.dma_semaphore, #tpu.memory_space<semaphore_mem>>) src(%dma_wait3A_369 : memref<16x16xf32, #tpu.memory_space<vmem>>) dst(%dma_wait3A_372 : memref<81920x16xf32, #tpu.memory_space<vmem_shared>>)
      %add3A_373 = arith.constant 2 : i32
      %add3A_374 = arith.addi %mul3A_188, %add3A_373 : i32
      %mul3A_375 = arith.constant 80 : i32
      %mul3A_376 = arith.muli %add3A_374, %mul3A_375 : i32
      %multiple_of3A_377 = tpu.assume_multiple %mul3A_376, 80 : i32
      %add3A_378 = arith.constant 0 : i32
      %add3A_379 = arith.addi %multiple_of3A_377, %add3A_378 : i32
      %get3A_380 = arith.index_cast %add3A_379 : i32 to index
      %get3A_381 = tpu.vector_load %arg10[%get3A_380] {strides = array<i32>} : memref<10000xi32, #tpu.memory_space<vmem>>, vector<16xi32>,
      %mul3A_382 = arith.constant 10000 : i32
      %mul3A_383 = vector.broadcast %mul3A_382 : i32 to vector<16xi32>
      %mul3A_384 = arith.muli %get3A_381, %mul3A_383 : vector<16xi32>
      %get3A_385 = arith.index_cast %add3A_379 : i32 to index
      %get3A_386 = tpu.vector_load %arg8[%get3A_385] {strides = array<i32>} : memref<10000xi32, #tpu.memory_space<vmem>>, vector<16xi32>,
      %add3A_387 = arith.addi %mul3A_384, %get3A_386 : vector<16xi32>
      %swap3A_388 = arith.constant 0 : index
      %swap3A_389 = tpu.vector_load %arg11[%swap3A_388] {strides = array<i32>} : memref<80xi32, #tpu.memory_space<vmem>>, vector<16xi32>,
      tpu.vector_store %arg11[%swap3A_388], %add3A_387 {strides = array<i32>} : memref<80xi32, #tpu.memory_space<vmem>>, vector<16xi32>,
      %add3A_390 = arith.constant 16 : i32
      %add3A_391 = arith.addi %multiple_of3A_377, %add3A_390 : i32
      %get3A_392 = arith.index_cast %add3A_391 : i32 to index
      %get3A_393 = tpu.vector_load %arg10[%get3A_392] {strides = array<i32>} : memref<10000xi32, #tpu.memory_space<vmem>>, vector<16xi32>,
      %mul3A_394 = arith.constant 10000 : i32
      %mul3A_395 = vector.broadcast %mul3A_394 : i32 to vector<16xi32>
      %mul3A_396 = arith.muli %get3A_393, %mul3A_395 : vector<16xi32>
      %get3A_397 = arith.index_cast %add3A_391 : i32 to index
      %get3A_398 = tpu.vector_load %arg8[%get3A_397] {strides = array<i32>} : memref<10000xi32, #tpu.memory_space<vmem>>, vector<16xi32>,
      %add3A_399 = arith.addi %mul3A_396, %get3A_398 : vector<16xi32>
      %swap3A_400 = arith.constant 16 : index
      %swap3A_401 = tpu.vector_load %arg11[%swap3A_400] {strides = array<i32>} : memref<80xi32, #tpu.memory_space<vmem>>, vector<16xi32>,
      tpu.vector_store %arg11[%swap3A_400], %add3A_399 {strides = array<i32>} : memref<80xi32, #tpu.memory_space<vmem>>, vector<16xi32>,
      %add3A_402 = arith.constant 32 : i32
      %add3A_403 = arith.addi %multiple_of3A_377, %add3A_402 : i32
      %get3A_404 = arith.index_cast %add3A_403 : i32 to index
      %get3A_405 = tpu.vector_load %arg10[%get3A_404] {strides = array<i32>} : memref<10000xi32, #tpu.memory_space<vmem>>, vector<16xi32>,
      %mul3A_406 = arith.constant 10000 : i32
      %mul3A_407 = vector.broadcast %mul3A_406 : i32 to vector<16xi32>
      %mul3A_408 = arith.muli %get3A_405, %mul3A_407 : vector<16xi32>
      %get3A_409 = arith.index_cast %add3A_403 : i32 to index
      %get3A_410 = tpu.vector_load %arg8[%get3A_409] {strides = array<i32>} : memref<10000xi32, #tpu.memory_space<vmem>>, vector<16xi32>,
      %add3A_411 = arith.addi %mul3A_408, %get3A_410 : vector<16xi32>
      %swap3A_412 = arith.constant 32 : index
      %swap3A_413 = tpu.vector_load %arg11[%swap3A_412] {strides = array<i32>} : memref<80xi32, #tpu.memory_space<vmem>>, vector<16xi32>,
      tpu.vector_store %arg11[%swap3A_412], %add3A_411 {strides = array<i32>} : memref<80xi32, #tpu.memory_space<vmem>>, vector<16xi32>,
      %add3A_414 = arith.constant 48 : i32
      %add3A_415 = arith.addi %multiple_of3A_377, %add3A_414 : i32
      %get3A_416 = arith.index_cast %add3A_415 : i32 to index
      %get3A_417 = tpu.vector_load %arg10[%get3A_416] {strides = array<i32>} : memref<10000xi32, #tpu.memory_space<vmem>>, vector<16xi32>,
      %mul3A_418 = arith.constant 10000 : i32
      %mul3A_419 = vector.broadcast %mul3A_418 : i32 to vector<16xi32>
      %mul3A_420 = arith.muli %get3A_417, %mul3A_419 : vector<16xi32>
      %get3A_421 = arith.index_cast %add3A_415 : i32 to index
      %get3A_422 = tpu.vector_load %arg8[%get3A_421] {strides = array<i32>} : memref<10000xi32, #tpu.memory_space<vmem>>, vector<16xi32>,
      %add3A_423 = arith.addi %mul3A_420, %get3A_422 : vector<16xi32>
      %swap3A_424 = arith.constant 48 : index
      %swap3A_425 = tpu.vector_load %arg11[%swap3A_424] {strides = array<i32>} : memref<80xi32, #tpu.memory_space<vmem>>, vector<16xi32>,
      tpu.vector_store %arg11[%swap3A_424], %add3A_423 {strides = array<i32>} : memref<80xi32, #tpu.memory_space<vmem>>, vector<16xi32>,
      %add3A_426 = arith.constant 64 : i32
      %add3A_427 = arith.addi %multiple_of3A_377, %add3A_426 : i32
      %get3A_428 = arith.index_cast %add3A_427 : i32 to index
      %get3A_429 = tpu.vector_load %arg10[%get3A_428] {strides = array<i32>} : memref<10000xi32, #tpu.memory_space<vmem>>, vector<16xi32>,
      %mul3A_430 = arith.constant 10000 : i32
      %mul3A_431 = vector.broadcast %mul3A_430 : i32 to vector<16xi32>
      %mul3A_432 = arith.muli %get3A_429, %mul3A_431 : vector<16xi32>
      %get3A_433 = arith.index_cast %add3A_427 : i32 to index
      %get3A_434 = tpu.vector_load %arg8[%get3A_433] {strides = array<i32>} : memref<10000xi32, #tpu.memory_space<vmem>>, vector<16xi32>,
      %add3A_435 = arith.addi %mul3A_432, %get3A_434 : vector<16xi32>
      %swap3A_436 = arith.constant 64 : index
      %swap3A_437 = tpu.vector_load %arg11[%swap3A_436] {strides = array<i32>} : memref<80xi32, #tpu.memory_space<vmem>>, vector<16xi32>,
      tpu.vector_store %arg11[%swap3A_436], %add3A_435 {strides = array<i32>} : memref<80xi32, #tpu.memory_space<vmem>>, vector<16xi32>,
      %dma_start3A_438 = arith.constant 0 : i32
      %dma_start3A_439 = arith.constant 0 : i32
      %dma_start3A_440 = tpu.memref_slice %arg5[%dma_start3A_438, %dma_start3A_439] : memref<90000x16xf32, #tpu.memory_space<hbm>> -> memref<90000x16xf32, #tpu.memory_space<hbm>>
      tpu.enqueue_indirect_dma source(%dma_start3A_440 : memref<90000x16xf32, #tpu.memory_space<hbm>>) target(%arg12 : memref<80x16xf32, #tpu.memory_space<vmem>>) offsets(%arg11 : memref<80xi32, #tpu.memory_space<vmem>>) semaphore(%arg16 : memref<!tpu.dma_semaphore, #tpu.memory_space<semaphore_mem>>)
      %add3A_441 = arith.constant 1 : i32
      %add3A_442 = arith.addi %mul3A_188, %add3A_441 : i32
      %mul3A_443 = arith.constant 80 : i32
      %mul3A_444 = arith.muli %add3A_442, %mul3A_443 : i32
      %multiple_of3A_445 = tpu.assume_multiple %mul3A_444, 80 : i32
      %dma_wait3A_446 = arith.constant 0 : i32
      %dma_wait3A_447 = arith.constant 0 : i32
      %dma_wait3A_448 = tpu.memref_slice %arg5[%dma_wait3A_446, %dma_wait3A_447] : memref<90000x16xf32, #tpu.memory_space<hbm>> -> memref<90000x16xf32, #tpu.memory_space<hbm>>
      tpu.wait_indirect_dma semaphore(%arg17 : memref<!tpu.dma_semaphore, #tpu.memory_space<semaphore_mem>>) src(%dma_wait3A_448 : memref<90000x16xf32, #tpu.memory_space<hbm>>) dst(%arg14 : memref<80x16xf32, #tpu.memory_space<vmem>>)
      %add3A_449 = arith.constant 0 : i32
      %add3A_450 = arith.addi %multiple_of3A_445, %add3A_449 : i32
      %get3A_451 = arith.index_cast %add3A_450 : i32 to index
      %get3A_452 = tpu.vector_load %arg9[%get3A_451] {strides = array<i32>} : memref<10000xi32, #tpu.memory_space<vmem>>, vector<16xi32>,
      %mul3A_453 = arith.constant 8 : i32
      %mul3A_454 = vector.broadcast %mul3A_453 : i32 to vector<16xi32>
      %mul3A_455 = arith.muli %get3A_452, %mul3A_454 : vector<16xi32>
      %get3A_456 = arith.index_cast %add3A_450 : i32 to index
      %get3A_457 = tpu.vector_load %arg10[%get3A_456] {strides = array<i32>} : memref<10000xi32, #tpu.memory_space<vmem>>, vector<16xi32>,
      %add3A_458 = arith.addi %mul3A_455, %get3A_457 : vector<16xi32>
      %dma_start3A_459 = arith.constant 0 : i32
      %dma_start3A_460 = arith.constant 0 : i32
      %dma_start3A_461 = tpu.memref_slice %arg14[%dma_start3A_459, %dma_start3A_460] : memref<80x16xf32, #tpu.memory_space<vmem>> -> memref<16x16xf32, #tpu.memory_space<vmem>>
      %dma_start3A_462 = arith.constant 0 : i32
      %dma_start3A_463 = arith.constant 0 : i32
      %dma_start3A_464 = tpu.memref_slice %arg15[%dma_start3A_462, %dma_start3A_463] : memref<81920x16xf32, #tpu.memory_space<vmem_shared>> -> memref<81920x16xf32, #tpu.memory_space<vmem_shared>>
      tpu.enqueue_indirect_dma source(%dma_start3A_461 : memref<16x16xf32, #tpu.memory_space<vmem>>) target(%dma_start3A_464 : memref<81920x16xf32, #tpu.memory_space<vmem_shared>>) offsets(%add3A_458 : vector<16xi32>) semaphore(%arg18 : memref<!tpu.dma_semaphore, #tpu.memory_space<semaphore_mem>>) {add = true}
      %add3A_465 = arith.constant 16 : i32
      %add3A_466 = arith.addi %multiple_of3A_445, %add3A_465 : i32
      %get3A_467 = arith.index_cast %add3A_466 : i32 to index
      %get3A_468 = tpu.vector_load %arg9[%get3A_467] {strides = array<i32>} : memref<10000xi32, #tpu.memory_space<vmem>>, vector<16xi32>,
      %mul3A_469 = arith.constant 8 : i32
      %mul3A_470 = vector.broadcast %mul3A_469 : i32 to vector<16xi32>
      %mul3A_471 = arith.muli %get3A_468, %mul3A_470 : vector<16xi32>
      %get3A_472 = arith.index_cast %add3A_466 : i32 to index
      %get3A_473 = tpu.vector_load %arg10[%get3A_472] {strides = array<i32>} : memref<10000xi32, #tpu.memory_space<vmem>>, vector<16xi32>,
      %add3A_474 = arith.addi %mul3A_471, %get3A_473 : vector<16xi32>
      %dma_start3A_475 = arith.constant 16 : i32
      %dma_start3A_476 = arith.constant 0 : i32
      %dma_start3A_477 = tpu.memref_slice %arg14[%dma_start3A_475, %dma_start3A_476] : memref<80x16xf32, #tpu.memory_space<vmem>> -> memref<16x16xf32, #tpu.memory_space<vmem>>
      %dma_start3A_478 = arith.constant 0 : i32
      %dma_start3A_479 = arith.constant 0 : i32
      %dma_start3A_480 = tpu.memref_slice %arg15[%dma_start3A_478, %dma_start3A_479] : memref<81920x16xf32, #tpu.memory_space<vmem_shared>> -> memref<81920x16xf32, #tpu.memory_space<vmem_shared>>
      tpu.enqueue_indirect_dma source(%dma_start3A_477 : memref<16x16xf32, #tpu.memory_space<vmem>>) target(%dma_start3A_480 : memref<81920x16xf32, #tpu.memory_space<vmem_shared>>) offsets(%add3A_474 : vector<16xi32>) semaphore(%arg18 : memref<!tpu.dma_semaphore, #tpu.memory_space<semaphore_mem>>) {add = true}
      %add3A_481 = arith.constant 32 : i32
      %add3A_482 = arith.addi %multiple_of3A_445, %add3A_481 : i32
      %get3A_483 = arith.index_cast %add3A_482 : i32 to index
      %get3A_484 = tpu.vector_load %arg9[%get3A_483] {strides = array<i32>} : memref<10000xi32, #tpu.memory_space<vmem>>, vector<16xi32>,
      %mul3A_485 = arith.constant 8 : i32
      %mul3A_486 = vector.broadcast %mul3A_485 : i32 to vector<16xi32>
      %mul3A_487 = arith.muli %get3A_484, %mul3A_486 : vector<16xi32>
      %get3A_488 = arith.index_cast %add3A_482 : i32 to index
      %get3A_489 = tpu.vector_load %arg10[%get3A_488] {strides = array<i32>} : memref<10000xi32, #tpu.memory_space<vmem>>, vector<16xi32>,
      %add3A_490 = arith.addi %mul3A_487, %get3A_489 : vector<16xi32>
      %dma_start3A_491 = arith.constant 32 : i32
      %dma_start3A_492 = arith.constant 0 : i32
      %dma_start3A_493 = tpu.memref_slice %arg14[%dma_start3A_491, %dma_start3A_492] : memref<80x16xf32, #tpu.memory_space<vmem>> -> memref<16x16xf32, #tpu.memory_space<vmem>>
      %dma_start3A_494 = arith.constant 0 : i32
      %dma_start3A_495 = arith.constant 0 : i32
      %dma_start3A_496 = tpu.memref_slice %arg15[%dma_start3A_494, %dma_start3A_495] : memref<81920x16xf32, #tpu.memory_space<vmem_shared>> -> memref<81920x16xf32, #tpu.memory_space<vmem_shared>>
      tpu.enqueue_indirect_dma source(%dma_start3A_493 : memref<16x16xf32, #tpu.memory_space<vmem>>) target(%dma_start3A_496 : memref<81920x16xf32, #tpu.memory_space<vmem_shared>>) offsets(%add3A_490 : vector<16xi32>) semaphore(%arg18 : memref<!tpu.dma_semaphore, #tpu.memory_space<semaphore_mem>>) {add = true}
      %add3A_497 = arith.constant 48 : i32
      %add3A_498 = arith.addi %multiple_of3A_445, %add3A_497 : i32
      %get3A_499 = arith.index_cast %add3A_498 : i32 to index
      %get3A_500 = tpu.vector_load %arg9[%get3A_499] {strides = array<i32>} : memref<10000xi32, #tpu.memory_space<vmem>>, vector<16xi32>,
      %mul3A_501 = arith.constant 8 : i32
      %mul3A_502 = vector.broadcast %mul3A_501 : i32 to vector<16xi32>
      %mul3A_503 = arith.muli %get3A_500, %mul3A_502 : vector<16xi32>
      %get3A_504 = arith.index_cast %add3A_498 : i32 to index
      %get3A_505 = tpu.vector_load %arg10[%get3A_504] {strides = array<i32>} : memref<10000xi32, #tpu.memory_space<vmem>>, vector<16xi32>,
      %add3A_506 = arith.addi %mul3A_503, %get3A_505 : vector<16xi32>
      %dma_start3A_507 = arith.constant 48 : i32
      %dma_start3A_508 = arith.constant 0 : i32
      %dma_start3A_509 = tpu.memref_slice %arg14[%dma_start3A_507, %dma_start3A_508] : memref<80x16xf32, #tpu.memory_space<vmem>> -> memref<16x16xf32, #tpu.memory_space<vmem>>
      %dma_start3A_510 = arith.constant 0 : i32
      %dma_start3A_511 = arith.constant 0 : i32
      %dma_start3A_512 = tpu.memref_slice %arg15[%dma_start3A_510, %dma_start3A_511] : memref<81920x16xf32, #tpu.memory_space<vmem_shared>> -> memref<81920x16xf32, #tpu.memory_space<vmem_shared>>
      tpu.enqueue_indirect_dma source(%dma_start3A_509 : memref<16x16xf32, #tpu.memory_space<vmem>>) target(%dma_start3A_512 : memref<81920x16xf32, #tpu.memory_space<vmem_shared>>) offsets(%add3A_506 : vector<16xi32>) semaphore(%arg18 : memref<!tpu.dma_semaphore, #tpu.memory_space<semaphore_mem>>) {add = true}
      %add3A_513 = arith.constant 64 : i32
      %add3A_514 = arith.addi %multiple_of3A_445, %add3A_513 : i32
      %get3A_515 = arith.index_cast %add3A_514 : i32 to index
      %get3A_516 = tpu.vector_load %arg9[%get3A_515] {strides = array<i32>} : memref<10000xi32, #tpu.memory_space<vmem>>, vector<16xi32>,
      %mul3A_517 = arith.constant 8 : i32
      %mul3A_518 = vector.broadcast %mul3A_517 : i32 to vector<16xi32>
      %mul3A_519 = arith.muli %get3A_516, %mul3A_518 : vector<16xi32>
      %get3A_520 = arith.index_cast %add3A_514 : i32 to index
      %get3A_521 = tpu.vector_load %arg10[%get3A_520] {strides = array<i32>} : memref<10000xi32, #tpu.memory_space<vmem>>, vector<16xi32>,
      %add3A_522 = arith.addi %mul3A_519, %get3A_521 : vector<16xi32>
      %dma_start3A_523 = arith.constant 64 : i32
      %dma_start3A_524 = arith.constant 0 : i32
      %dma_start3A_525 = tpu.memref_slice %arg14[%dma_start3A_523, %dma_start3A_524] : memref<80x16xf32, #tpu.memory_space<vmem>> -> memref<16x16xf32, #tpu.memory_space<vmem>>
      %dma_start3A_526 = arith.constant 0 : i32
      %dma_start3A_527 = arith.constant 0 : i32
      %dma_start3A_528 = tpu.memref_slice %arg15[%dma_start3A_526, %dma_start3A_527] : memref<81920x16xf32, #tpu.memory_space<vmem_shared>> -> memref<81920x16xf32, #tpu.memory_space<vmem_shared>>
      tpu.enqueue_indirect_dma source(%dma_start3A_525 : memref<16x16xf32, #tpu.memory_space<vmem>>) target(%dma_start3A_528 : memref<81920x16xf32, #tpu.memory_space<vmem_shared>>) offsets(%add3A_522 : vector<16xi32>) semaphore(%arg18 : memref<!tpu.dma_semaphore, #tpu.memory_space<semaphore_mem>>) {add = true}
      %dma_wait3A_529 = arith.constant 0 : i32
      %dma_wait3A_530 = arith.constant 0 : i32
      %dma_wait3A_531 = tpu.memref_slice %arg14[%dma_wait3A_529, %dma_wait3A_530] : memref<80x16xf32, #tpu.memory_space<vmem>> -> memref<16x16xf32, #tpu.memory_space<vmem>>
      %dma_wait3A_532 = arith.constant 0 : i32
      %dma_wait3A_533 = arith.constant 0 : i32
      %dma_wait3A_534 = tpu.memref_slice %arg15[%dma_wait3A_532, %dma_wait3A_533] : memref<81920x16xf32, #tpu.memory_space<vmem_shared>> -> memref<81920x16xf32, #tpu.memory_space<vmem_shared>>
      tpu.wait_indirect_dma semaphore(%arg18 : memref<!tpu.dma_semaphore, #tpu.memory_space<semaphore_mem>>) src(%dma_wait3A_531 : memref<16x16xf32, #tpu.memory_space<vmem>>) dst(%dma_wait3A_534 : memref<81920x16xf32, #tpu.memory_space<vmem_shared>>)
      %dma_wait3A_535 = arith.constant 16 : i32
      %dma_wait3A_536 = arith.constant 0 : i32
      %dma_wait3A_537 = tpu.memref_slice %arg14[%dma_wait3A_535, %dma_wait3A_536] : memref<80x16xf32, #tpu.memory_space<vmem>> -> memref<16x16xf32, #tpu.memory_space<vmem>>
      %dma_wait3A_538 = arith.constant 0 : i32
      %dma_wait3A_539 = arith.constant 0 : i32
      %dma_wait3A_540 = tpu.memref_slice %arg15[%dma_wait3A_538, %dma_wait3A_539] : memref<81920x16xf32, #tpu.memory_space<vmem_shared>> -> memref<81920x16xf32, #tpu.memory_space<vmem_shared>>
      tpu.wait_indirect_dma semaphore(%arg18 : memref<!tpu.dma_semaphore, #tpu.memory_space<semaphore_mem>>) src(%dma_wait3A_537 : memref<16x16xf32, #tpu.memory_space<vmem>>) dst(%dma_wait3A_540 : memref<81920x16xf32, #tpu.memory_space<vmem_shared>>)
      %dma_wait3A_541 = arith.constant 32 : i32
      %dma_wait3A_542 = arith.constant 0 : i32
      %dma_wait3A_543 = tpu.memref_slice %arg14[%dma_wait3A_541, %dma_wait3A_542] : memref<80x16xf32, #tpu.memory_space<vmem>> -> memref<16x16xf32, #tpu.memory_space<vmem>>
      %dma_wait3A_544 = arith.constant 0 : i32
      %dma_wait3A_545 = arith.constant 0 : i32
      %dma_wait3A_546 = tpu.memref_slice %arg15[%dma_wait3A_544, %dma_wait3A_545] : memref<81920x16xf32, #tpu.memory_space<vmem_shared>> -> memref<81920x16xf32, #tpu.memory_space<vmem_shared>>
      tpu.wait_indirect_dma semaphore(%arg18 : memref<!tpu.dma_semaphore, #tpu.memory_space<semaphore_mem>>) src(%dma_wait3A_543 : memref<16x16xf32, #tpu.memory_space<vmem>>) dst(%dma_wait3A_546 : memref<81920x16xf32, #tpu.memory_space<vmem_shared>>)
      %dma_wait3A_547 = arith.constant 48 : i32
      %dma_wait3A_548 = arith.constant 0 : i32
      %dma_wait3A_549 = tpu.memref_slice %arg14[%dma_wait3A_547, %dma_wait3A_548] : memref<80x16xf32, #tpu.memory_space<vmem>> -> memref<16x16xf32, #tpu.memory_space<vmem>>
      %dma_wait3A_550 = arith.constant 0 : i32
      %dma_wait3A_551 = arith.constant 0 : i32
      %dma_wait3A_552 = tpu.memref_slice %arg15[%dma_wait3A_550, %dma_wait3A_551] : memref<81920x16xf32, #tpu.memory_space<vmem_shared>> -> memref<81920x16xf32, #tpu.memory_space<vmem_shared>>
      tpu.wait_indirect_dma semaphore(%arg18 : memref<!tpu.dma_semaphore, #tpu.memory_space<semaphore_mem>>) src(%dma_wait3A_549 : memref<16x16xf32, #tpu.memory_space<vmem>>) dst(%dma_wait3A_552 : memref<81920x16xf32, #tpu.memory_space<vmem_shared>>)
      %dma_wait3A_553 = arith.constant 64 : i32
      %dma_wait3A_554 = arith.constant 0 : i32
      %dma_wait3A_555 = tpu.memref_slice %arg14[%dma_wait3A_553, %dma_wait3A_554] : memref<80x16xf32, #tpu.memory_space<vmem>> -> memref<16x16xf32, #tpu.memory_space<vmem>>
      %dma_wait3A_556 = arith.constant 0 : i32
      %dma_wait3A_557 = arith.constant 0 : i32
      %dma_wait3A_558 = tpu.memref_slice %arg15[%dma_wait3A_556, %dma_wait3A_557] : memref<81920x16xf32, #tpu.memory_space<vmem_shared>> -> memref<81920x16xf32, #tpu.memory_space<vmem_shared>>
      tpu.wait_indirect_dma semaphore(%arg18 : memref<!tpu.dma_semaphore, #tpu.memory_space<semaphore_mem>>) src(%dma_wait3A_555 : memref<16x16xf32, #tpu.memory_space<vmem>>) dst(%dma_wait3A_558 : memref<81920x16xf32, #tpu.memory_space<vmem_shared>>)
    }
    %scan3A_70 = arith.constant 62 : i32
    %multiple_of3A_71 = arith.constant 9920 : i32
    %multiple_of3A_72 = tpu.assume_multiple %multiple_of3A_71, 80 : i32
    %dma_wait3A = arith.constant 0 : i32
    %dma_wait3A_73 = arith.constant 0 : i32
    %dma_wait3A_74 = tpu.memref_slice %arg5[%dma_wait3A, %dma_wait3A_73] : memref<90000x16xf32, #tpu.memory_space<hbm>> -> memref<90000x16xf32, #tpu.memory_space<hbm>>
    tpu.wait_indirect_dma semaphore(%arg16 : memref<!tpu.dma_semaphore, #tpu.memory_space<semaphore_mem>>) src(%dma_wait3A_74 : memref<90000x16xf32, #tpu.memory_space<hbm>>) dst(%arg12 : memref<80x16xf32, #tpu.memory_space<vmem>>)
    %add3A_75 = arith.constant 0 : i32
    %add3A_76 = arith.addi %multiple_of3A_72, %add3A_75 : i32
    %get3A_77 = arith.index_cast %add3A_76 : i32 to index
    %get3A_78 = tpu.vector_load %arg9[%get3A_77] {strides = array<i32>} : memref<10000xi32, #tpu.memory_space<vmem>>, vector<16xi32>,
    %mul3A_79 = arith.constant 8 : i32
    %mul3A_80 = vector.broadcast %mul3A_79 : i32 to vector<16xi32>
    %mul3A_81 = arith.muli %get3A_78, %mul3A_80 : vector<16xi32>
    %get3A_82 = arith.index_cast %add3A_76 : i32 to index
    %get3A_83 = tpu.vector_load %arg10[%get3A_82] {strides = array<i32>} : memref<10000xi32, #tpu.memory_space<vmem>>, vector<16xi32>,
    %add3A_84 = arith.addi %mul3A_81, %get3A_83 : vector<16xi32>
    %dma_start3A_85 = arith.constant 0 : i32
    %dma_start3A_86 = arith.constant 0 : i32
    %dma_start3A_87 = tpu.memref_slice %arg12[%dma_start3A_85, %dma_start3A_86] : memref<80x16xf32, #tpu.memory_space<vmem>> -> memref<16x16xf32, #tpu.memory_space<vmem>>
    %dma_start3A_88 = arith.constant 0 : i32
    %dma_start3A_89 = arith.constant 0 : i32
    %dma_start3A_90 = tpu.memref_slice %arg15[%dma_start3A_88, %dma_start3A_89] : memref<81920x16xf32, #tpu.memory_space<vmem_shared>> -> memref<81920x16xf32, #tpu.memory_space<vmem_shared>>
    tpu.enqueue_indirect_dma source(%dma_start3A_87 : memref<16x16xf32, #tpu.memory_space<vmem>>) target(%dma_start3A_90 : memref<81920x16xf32, #tpu.memory_space<vmem_shared>>) offsets(%add3A_84 : vector<16xi32>) semaphore(%arg18 : memref<!tpu.dma_semaphore, #tpu.memory_space<semaphore_mem>>) {add = true}
    %add3A_91 = arith.constant 16 : i32
    %add3A_92 = arith.addi %multiple_of3A_72, %add3A_91 : i32
    %get3A_93 = arith.index_cast %add3A_92 : i32 to index
    %get3A_94 = tpu.vector_load %arg9[%get3A_93] {strides = array<i32>} : memref<10000xi32, #tpu.memory_space<vmem>>, vector<16xi32>,
    %mul3A_95 = arith.constant 8 : i32
    %mul3A_96 = vector.broadcast %mul3A_95 : i32 to vector<16xi32>
    %mul3A_97 = arith.muli %get3A_94, %mul3A_96 : vector<16xi32>
    %get3A_98 = arith.index_cast %add3A_92 : i32 to index
    %get3A_99 = tpu.vector_load %arg10[%get3A_98] {strides = array<i32>} : memref<10000xi32, #tpu.memory_space<vmem>>, vector<16xi32>,
    %add3A_100 = arith.addi %mul3A_97, %get3A_99 : vector<16xi32>
    %dma_start3A_101 = arith.constant 16 : i32
    %dma_start3A_102 = arith.constant 0 : i32
    %dma_start3A_103 = tpu.memref_slice %arg12[%dma_start3A_101, %dma_start3A_102] : memref<80x16xf32, #tpu.memory_space<vmem>> -> memref<16x16xf32, #tpu.memory_space<vmem>>
    %dma_start3A_104 = arith.constant 0 : i32
    %dma_start3A_105 = arith.constant 0 : i32
    %dma_start3A_106 = tpu.memref_slice %arg15[%dma_start3A_104, %dma_start3A_105] : memref<81920x16xf32, #tpu.memory_space<vmem_shared>> -> memref<81920x16xf32, #tpu.memory_space<vmem_shared>>
    tpu.enqueue_indirect_dma source(%dma_start3A_103 : memref<16x16xf32, #tpu.memory_space<vmem>>) target(%dma_start3A_106 : memref<81920x16xf32, #tpu.memory_space<vmem_shared>>) offsets(%add3A_100 : vector<16xi32>) semaphore(%arg18 : memref<!tpu.dma_semaphore, #tpu.memory_space<semaphore_mem>>) {add = true}
    %add3A_107 = arith.constant 32 : i32
    %add3A_108 = arith.addi %multiple_of3A_72, %add3A_107 : i32
    %get3A_109 = arith.index_cast %add3A_108 : i32 to index
    %get3A_110 = tpu.vector_load %arg9[%get3A_109] {strides = array<i32>} : memref<10000xi32, #tpu.memory_space<vmem>>, vector<16xi32>,
    %mul3A_111 = arith.constant 8 : i32
    %mul3A_112 = vector.broadcast %mul3A_111 : i32 to vector<16xi32>
    %mul3A_113 = arith.muli %get3A_110, %mul3A_112 : vector<16xi32>
    %get3A_114 = arith.index_cast %add3A_108 : i32 to index
    %get3A_115 = tpu.vector_load %arg10[%get3A_114] {strides = array<i32>} : memref<10000xi32, #tpu.memory_space<vmem>>, vector<16xi32>,
    %add3A_116 = arith.addi %mul3A_113, %get3A_115 : vector<16xi32>
    %dma_start3A_117 = arith.constant 32 : i32
    %dma_start3A_118 = arith.constant 0 : i32
    %dma_start3A_119 = tpu.memref_slice %arg12[%dma_start3A_117, %dma_start3A_118] : memref<80x16xf32, #tpu.memory_space<vmem>> -> memref<16x16xf32, #tpu.memory_space<vmem>>
    %dma_start3A_120 = arith.constant 0 : i32
    %dma_start3A_121 = arith.constant 0 : i32
    %dma_start3A_122 = tpu.memref_slice %arg15[%dma_start3A_120, %dma_start3A_121] : memref<81920x16xf32, #tpu.memory_space<vmem_shared>> -> memref<81920x16xf32, #tpu.memory_space<vmem_shared>>
    tpu.enqueue_indirect_dma source(%dma_start3A_119 : memref<16x16xf32, #tpu.memory_space<vmem>>) target(%dma_start3A_122 : memref<81920x16xf32, #tpu.memory_space<vmem_shared>>) offsets(%add3A_116 : vector<16xi32>) semaphore(%arg18 : memref<!tpu.dma_semaphore, #tpu.memory_space<semaphore_mem>>) {add = true}
    %add3A_123 = arith.constant 48 : i32
    %add3A_124 = arith.addi %multiple_of3A_72, %add3A_123 : i32
    %get3A_125 = arith.index_cast %add3A_124 : i32 to index
    %get3A_126 = tpu.vector_load %arg9[%get3A_125] {strides = array<i32>} : memref<10000xi32, #tpu.memory_space<vmem>>, vector<16xi32>,
    %mul3A_127 = arith.constant 8 : i32
    %mul3A_128 = vector.broadcast %mul3A_127 : i32 to vector<16xi32>
    %mul3A_129 = arith.muli %get3A_126, %mul3A_128 : vector<16xi32>
    %get3A_130 = arith.index_cast %add3A_124 : i32 to index
    %get3A_131 = tpu.vector_load %arg10[%get3A_130] {strides = array<i32>} : memref<10000xi32, #tpu.memory_space<vmem>>, vector<16xi32>,
    %add3A_132 = arith.addi %mul3A_129, %get3A_131 : vector<16xi32>
    %dma_start3A_133 = arith.constant 48 : i32
    %dma_start3A_134 = arith.constant 0 : i32
    %dma_start3A_135 = tpu.memref_slice %arg12[%dma_start3A_133, %dma_start3A_134] : memref<80x16xf32, #tpu.memory_space<vmem>> -> memref<16x16xf32, #tpu.memory_space<vmem>>
    %dma_start3A_136 = arith.constant 0 : i32
    %dma_start3A_137 = arith.constant 0 : i32
    %dma_start3A_138 = tpu.memref_slice %arg15[%dma_start3A_136, %dma_start3A_137] : memref<81920x16xf32, #tpu.memory_space<vmem_shared>> -> memref<81920x16xf32, #tpu.memory_space<vmem_shared>>
    tpu.enqueue_indirect_dma source(%dma_start3A_135 : memref<16x16xf32, #tpu.memory_space<vmem>>) target(%dma_start3A_138 : memref<81920x16xf32, #tpu.memory_space<vmem_shared>>) offsets(%add3A_132 : vector<16xi32>) semaphore(%arg18 : memref<!tpu.dma_semaphore, #tpu.memory_space<semaphore_mem>>) {add = true}
    %add3A_139 = arith.constant 64 : i32
    %add3A_140 = arith.addi %multiple_of3A_72, %add3A_139 : i32
    %get3A_141 = arith.index_cast %add3A_140 : i32 to index
    %get3A_142 = tpu.vector_load %arg9[%get3A_141] {strides = array<i32>} : memref<10000xi32, #tpu.memory_space<vmem>>, vector<16xi32>,
    %mul3A_143 = arith.constant 8 : i32
    %mul3A_144 = vector.broadcast %mul3A_143 : i32 to vector<16xi32>
    %mul3A_145 = arith.muli %get3A_142, %mul3A_144 : vector<16xi32>
    %get3A_146 = arith.index_cast %add3A_140 : i32 to index
    %get3A_147 = tpu.vector_load %arg10[%get3A_146] {strides = array<i32>} : memref<10000xi32, #tpu.memory_space<vmem>>, vector<16xi32>,
    %add3A_148 = arith.addi %mul3A_145, %get3A_147 : vector<16xi32>
    %dma_start3A_149 = arith.constant 64 : i32
    %dma_start3A_150 = arith.constant 0 : i32
    %dma_start3A_151 = tpu.memref_slice %arg12[%dma_start3A_149, %dma_start3A_150] : memref<80x16xf32, #tpu.memory_space<vmem>> -> memref<16x16xf32, #tpu.memory_space<vmem>>
    %dma_start3A_152 = arith.constant 0 : i32
    %dma_start3A_153 = arith.constant 0 : i32
    %dma_start3A_154 = tpu.memref_slice %arg15[%dma_start3A_152, %dma_start3A_153] : memref<81920x16xf32, #tpu.memory_space<vmem_shared>> -> memref<81920x16xf32, #tpu.memory_space<vmem_shared>>
    tpu.enqueue_indirect_dma source(%dma_start3A_151 : memref<16x16xf32, #tpu.memory_space<vmem>>) target(%dma_start3A_154 : memref<81920x16xf32, #tpu.memory_space<vmem_shared>>) offsets(%add3A_148 : vector<16xi32>) semaphore(%arg18 : memref<!tpu.dma_semaphore, #tpu.memory_space<semaphore_mem>>) {add = true}
    %dma_wait3A_155 = arith.constant 0 : i32
    %dma_wait3A_156 = arith.constant 0 : i32
    %dma_wait3A_157 = tpu.memref_slice %arg12[%dma_wait3A_155, %dma_wait3A_156] : memref<80x16xf32, #tpu.memory_space<vmem>> -> memref<16x16xf32, #tpu.memory_space<vmem>>
    %dma_wait3A_158 = arith.constant 0 : i32
    %dma_wait3A_159 = arith.constant 0 : i32
    %dma_wait3A_160 = tpu.memref_slice %arg15[%dma_wait3A_158, %dma_wait3A_159] : memref<81920x16xf32, #tpu.memory_space<vmem_shared>> -> memref<81920x16xf32, #tpu.memory_space<vmem_shared>>
    tpu.wait_indirect_dma semaphore(%arg18 : memref<!tpu.dma_semaphore, #tpu.memory_space<semaphore_mem>>) src(%dma_wait3A_157 : memref<16x16xf32, #tpu.memory_space<vmem>>) dst(%dma_wait3A_160 : memref<81920x16xf32, #tpu.memory_space<vmem_shared>>)
    %dma_wait3A_161 = arith.constant 16 : i32
    %dma_wait3A_162 = arith.constant 0 : i32
    %dma_wait3A_163 = tpu.memref_slice %arg12[%dma_wait3A_161, %dma_wait3A_162] : memref<80x16xf32, #tpu.memory_space<vmem>> -> memref<16x16xf32, #tpu.memory_space<vmem>>
    %dma_wait3A_164 = arith.constant 0 : i32
    %dma_wait3A_165 = arith.constant 0 : i32
    %dma_wait3A_166 = tpu.memref_slice %arg15[%dma_wait3A_164, %dma_wait3A_165] : memref<81920x16xf32, #tpu.memory_space<vmem_shared>> -> memref<81920x16xf32, #tpu.memory_space<vmem_shared>>
    tpu.wait_indirect_dma semaphore(%arg18 : memref<!tpu.dma_semaphore, #tpu.memory_space<semaphore_mem>>) src(%dma_wait3A_163 : memref<16x16xf32, #tpu.memory_space<vmem>>) dst(%dma_wait3A_166 : memref<81920x16xf32, #tpu.memory_space<vmem_shared>>)
    %dma_wait3A_167 = arith.constant 32 : i32
    %dma_wait3A_168 = arith.constant 0 : i32
    %dma_wait3A_169 = tpu.memref_slice %arg12[%dma_wait3A_167, %dma_wait3A_168] : memref<80x16xf32, #tpu.memory_space<vmem>> -> memref<16x16xf32, #tpu.memory_space<vmem>>
    %dma_wait3A_170 = arith.constant 0 : i32
    %dma_wait3A_171 = arith.constant 0 : i32
    %dma_wait3A_172 = tpu.memref_slice %arg15[%dma_wait3A_170, %dma_wait3A_171] : memref<81920x16xf32, #tpu.memory_space<vmem_shared>> -> memref<81920x16xf32, #tpu.memory_space<vmem_shared>>
    tpu.wait_indirect_dma semaphore(%arg18 : memref<!tpu.dma_semaphore, #tpu.memory_space<semaphore_mem>>) src(%dma_wait3A_169 : memref<16x16xf32, #tpu.memory_space<vmem>>) dst(%dma_wait3A_172 : memref<81920x16xf32, #tpu.memory_space<vmem_shared>>)
    %dma_wait3A_173 = arith.constant 48 : i32
    %dma_wait3A_174 = arith.constant 0 : i32
    %dma_wait3A_175 = tpu.memref_slice %arg12[%dma_wait3A_173, %dma_wait3A_174] : memref<80x16xf32, #tpu.memory_space<vmem>> -> memref<16x16xf32, #tpu.memory_space<vmem>>
    %dma_wait3A_176 = arith.constant 0 : i32
    %dma_wait3A_177 = arith.constant 0 : i32
    %dma_wait3A_178 = tpu.memref_slice %arg15[%dma_wait3A_176, %dma_wait3A_177] : memref<81920x16xf32, #tpu.memory_space<vmem_shared>> -> memref<81920x16xf32, #tpu.memory_space<vmem_shared>>
    tpu.wait_indirect_dma semaphore(%arg18 : memref<!tpu.dma_semaphore, #tpu.memory_space<semaphore_mem>>) src(%dma_wait3A_175 : memref<16x16xf32, #tpu.memory_space<vmem>>) dst(%dma_wait3A_178 : memref<81920x16xf32, #tpu.memory_space<vmem_shared>>)
    %dma_wait3A_179 = arith.constant 64 : i32
    %dma_wait3A_180 = arith.constant 0 : i32
    %dma_wait3A_181 = tpu.memref_slice %arg12[%dma_wait3A_179, %dma_wait3A_180] : memref<80x16xf32, #tpu.memory_space<vmem>> -> memref<16x16xf32, #tpu.memory_space<vmem>>
    %dma_wait3A_182 = arith.constant 0 : i32
    %dma_wait3A_183 = arith.constant 0 : i32
    %dma_wait3A_184 = tpu.memref_slice %arg15[%dma_wait3A_182, %dma_wait3A_183] : memref<81920x16xf32, #tpu.memory_space<vmem_shared>> -> memref<81920x16xf32, #tpu.memory_space<vmem_shared>>
    tpu.wait_indirect_dma semaphore(%arg18 : memref<!tpu.dma_semaphore, #tpu.memory_space<semaphore_mem>>) src(%dma_wait3A_181 : memref<16x16xf32, #tpu.memory_space<vmem>>) dst(%dma_wait3A_184 : memref<81920x16xf32, #tpu.memory_space<vmem_shared>>)
    %barrier3A_185 = arith.constant 0 : index
    tpu.barrier barrier_id(%barrier3A_185)
    "tpu.region"() ({
      %run_scoped3A = tpu.sem_alloc : memref<!tpu.dma_semaphore, #tpu.memory_space<semaphore_mem>>
      %dma_start3A_186 = arith.constant 0 : i32
      %dma_start3A_187 = arith.constant 0 : i32
      %dma_start3A_188 = tpu.memref_slice %arg7[%arg0, %dma_start3A_186, %dma_start3A_187] : memref<2x81920x16xf32, #tpu.memory_space<hbm>> -> memref<1x81920x16xf32, #tpu.memory_space<hbm>>
      %dma_start3A_189 = tpu.memref_squeeze %dma_start3A_188 : memref<1x81920x16xf32, #tpu.memory_space<hbm>> -> memref<81920x16xf32, #tpu.memory_space<hbm>>
      %dma_start3A_190 = arith.constant 0 : i32
      %dma_start3A_191 = tpu.memref_slice %dma_start3A_189[%mul3A_4, %dma_start3A_190] : memref<81920x16xf32, #tpu.memory_space<hbm>> -> memref<5120x16xf32, #tpu.memory_space<hbm>>
      %dma_start3A_192 = arith.constant 0 : i32
      %dma_start3A_193 = tpu.memref_slice %arg15[%mul3A_4, %dma_start3A_192] : memref<81920x16xf32, #tpu.memory_space<vmem_shared>> -> memref<5120x16xf32, #tpu.memory_space<vmem_shared>>
      tpu.enqueue_dma source(%dma_start3A_193 : memref<5120x16xf32, #tpu.memory_space<vmem_shared>>) target(%dma_start3A_191 : memref<5120x16xf32, #tpu.memory_space<hbm>>) target_semaphore(%run_scoped3A : memref<!tpu.dma_semaphore, #tpu.memory_space<semaphore_mem>>)
      %dma_wait3A_194 = arith.constant 0 : i32
      %dma_wait3A_195 = arith.constant 0 : i32
      %dma_wait3A_196 = tpu.memref_slice %arg7[%arg0, %dma_wait3A_194, %dma_wait3A_195] : memref<2x81920x16xf32, #tpu.memory_space<hbm>> -> memref<1x81920x16xf32, #tpu.memory_space<hbm>>
      %dma_wait3A_197 = tpu.memref_squeeze %dma_wait3A_196 : memref<1x81920x16xf32, #tpu.memory_space<hbm>> -> memref<81920x16xf32, #tpu.memory_space<hbm>>
      %dma_wait3A_198 = arith.constant 0 : i32
      %dma_wait3A_199 = tpu.memref_slice %dma_wait3A_197[%mul3A_4, %dma_wait3A_198] : memref<81920x16xf32, #tpu.memory_space<hbm>> -> memref<5120x16xf32, #tpu.memory_space<hbm>>
      %dma_wait3A_200 = arith.constant 0 : i32
      %dma_wait3A_201 = tpu.memref_slice %arg15[%mul3A_4, %dma_wait3A_200] : memref<81920x16xf32, #tpu.memory_space<vmem_shared>> -> memref<5120x16xf32, #tpu.memory_space<vmem_shared>>
      tpu.wait_dma2 semaphore(%run_scoped3A : memref<!tpu.dma_semaphore, #tpu.memory_space<semaphore_mem>>) src(%dma_wait3A_201 : memref<5120x16xf32, #tpu.memory_space<vmem_shared>>) dst(%dma_wait3A_199 : memref<5120x16xf32, #tpu.memory_space<hbm>>)
      tpu.yield
    }) : () -> ()
    return
  }
}

#map = affine_map<(d0, d1) -> (0)>
#map1 = affine_map<(d0, d1) -> (0, 0)>
#map2 = affine_map<(d0, d1) -> (0, 0, 0)>
module attributes {stable_mosaic.version = 14 : i64} {
  func.func @k(%arg0: i32, %arg1: i32, %arg2: memref<320000xi32, #tpu.memory_space<hbm>>, %arg3: memref<320000xi32, #tpu.memory_space<hbm>>, %arg4: memref<16x16xf32, #tpu.memory_space<hbm>>, %arg5: memref<10240x16xf32, #tpu.memory_space<hbm>>, %arg6: memref<2x10240x16xf32, #tpu.memory_space<hbm>>, %arg7: memref<10000xi32, #tpu.memory_space<vmem>>, %arg8: memref<10000xi32, #tpu.memory_space<vmem>>, %arg9: memref<80x16xf32, #tpu.memory_space<vmem>>, %arg10: memref<10240x16xf32, #tpu.memory_space<vmem_shared>>, %arg11: memref<!tpu.dma_semaphore, #tpu.memory_space<semaphore_mem>>, %arg12: memref<!tpu.dma_semaphore, #tpu.memory_space<semaphore_mem>>) attributes {dimension_semantics = [#tpu.dimension_semantics<core_parallel>, #tpu.dimension_semantics<subcore_parallel>], iteration_bounds = array<i64: 2, 16>, scalar_prefetch = 0 : i64, scratch_operands = 6 : i64, tpu.core_type = #tpu.core_type<sc_vector_subcore>, window_params = [{transform_indices = #map}, {transform_indices = #map}, {transform_indices = #map1}, {transform_indices = #map1}, {transform_indices = #map2}]} {
    %mul3A = arith.constant 16 : i32
    %mul3A_0 = arith.muli %arg0, %mul3A : i32
    %add3A = arith.addi %mul3A_0, %arg1 : i32
    %mul3A_1 = arith.constant 10000 : i32
    %mul3A_2 = arith.muli %add3A, %mul3A_1 : i32
    %mul3A_3 = arith.constant 640 : i32
    %mul3A_4 = arith.muli %arg1, %mul3A_3 : i32
    "tpu.region"() ({
      %run_scoped3A = tpu.sem_alloc : memref<!tpu.dma_semaphore, #tpu.memory_space<semaphore_mem>>
      %dma_start3A = arith.constant 0 : i32
      %dma_start3A_11 = tpu.memref_slice %arg10[%mul3A_4, %dma_start3A] : memref<10240x16xf32, #tpu.memory_space<vmem_shared>> -> memref<640x16xf32, #tpu.memory_space<vmem_shared>>
      %dma_start3A_12 = arith.constant 0 : i32
      %dma_start3A_13 = tpu.memref_slice %arg5[%mul3A_4, %dma_start3A_12] : memref<10240x16xf32, #tpu.memory_space<hbm>> -> memref<640x16xf32, #tpu.memory_space<hbm>>
      tpu.enqueue_dma source(%dma_start3A_13 : memref<640x16xf32, #tpu.memory_space<hbm>>) target(%dma_start3A_11 : memref<640x16xf32, #tpu.memory_space<vmem_shared>>) target_semaphore(%run_scoped3A : memref<!tpu.dma_semaphore, #tpu.memory_space<semaphore_mem>>)
      %dma_wait3A = arith.constant 0 : i32
      %dma_wait3A_14 = tpu.memref_slice %arg10[%mul3A_4, %dma_wait3A] : memref<10240x16xf32, #tpu.memory_space<vmem_shared>> -> memref<640x16xf32, #tpu.memory_space<vmem_shared>>
      %dma_wait3A_15 = arith.constant 0 : i32
      %dma_wait3A_16 = tpu.memref_slice %arg5[%mul3A_4, %dma_wait3A_15] : memref<10240x16xf32, #tpu.memory_space<hbm>> -> memref<640x16xf32, #tpu.memory_space<hbm>>
      tpu.wait_dma2 semaphore(%run_scoped3A : memref<!tpu.dma_semaphore, #tpu.memory_space<semaphore_mem>>) src(%dma_wait3A_16 : memref<640x16xf32, #tpu.memory_space<hbm>>) dst(%dma_wait3A_14 : memref<640x16xf32, #tpu.memory_space<vmem_shared>>)
      tpu.yield
    }) : () -> ()
    "tpu.region"() ({
      %run_scoped3A = tpu.sem_alloc : memref<!tpu.dma_semaphore, #tpu.memory_space<semaphore_mem>>
      %dma_start3A = tpu.memref_slice %arg2[%mul3A_2] : memref<320000xi32, #tpu.memory_space<hbm>> -> memref<10000xi32, #tpu.memory_space<hbm>>
      %dma_start3A_11 = tpu.memref_slice %arg2[%mul3A_2] : memref<320000xi32, #tpu.memory_space<hbm>> -> memref<10000xi32, #tpu.memory_space<hbm>>
      tpu.enqueue_dma source(%dma_start3A_11 : memref<10000xi32, #tpu.memory_space<hbm>>) target(%arg7 : memref<10000xi32, #tpu.memory_space<vmem>>) target_semaphore(%run_scoped3A : memref<!tpu.dma_semaphore, #tpu.memory_space<semaphore_mem>>)
      %dma_wait3A = tpu.memref_slice %arg2[%mul3A_2] : memref<320000xi32, #tpu.memory_space<hbm>> -> memref<10000xi32, #tpu.memory_space<hbm>>
      %dma_wait3A_12 = tpu.memref_slice %arg2[%mul3A_2] : memref<320000xi32, #tpu.memory_space<hbm>> -> memref<10000xi32, #tpu.memory_space<hbm>>
      tpu.wait_dma2 semaphore(%run_scoped3A : memref<!tpu.dma_semaphore, #tpu.memory_space<semaphore_mem>>) src(%dma_wait3A_12 : memref<10000xi32, #tpu.memory_space<hbm>>) dst(%arg7 : memref<10000xi32, #tpu.memory_space<vmem>>)
      tpu.yield
    }) : () -> ()
    "tpu.region"() ({
      %run_scoped3A = tpu.sem_alloc : memref<!tpu.dma_semaphore, #tpu.memory_space<semaphore_mem>>
      %dma_start3A = tpu.memref_slice %arg3[%mul3A_2] : memref<320000xi32, #tpu.memory_space<hbm>> -> memref<10000xi32, #tpu.memory_space<hbm>>
      %dma_start3A_11 = tpu.memref_slice %arg3[%mul3A_2] : memref<320000xi32, #tpu.memory_space<hbm>> -> memref<10000xi32, #tpu.memory_space<hbm>>
      tpu.enqueue_dma source(%dma_start3A_11 : memref<10000xi32, #tpu.memory_space<hbm>>) target(%arg8 : memref<10000xi32, #tpu.memory_space<vmem>>) target_semaphore(%run_scoped3A : memref<!tpu.dma_semaphore, #tpu.memory_space<semaphore_mem>>)
      %dma_wait3A = tpu.memref_slice %arg3[%mul3A_2] : memref<320000xi32, #tpu.memory_space<hbm>> -> memref<10000xi32, #tpu.memory_space<hbm>>
      %dma_wait3A_12 = tpu.memref_slice %arg3[%mul3A_2] : memref<320000xi32, #tpu.memory_space<hbm>> -> memref<10000xi32, #tpu.memory_space<hbm>>
      tpu.wait_dma2 semaphore(%run_scoped3A : memref<!tpu.dma_semaphore, #tpu.memory_space<semaphore_mem>>) src(%dma_wait3A_12 : memref<10000xi32, #tpu.memory_space<hbm>>) dst(%arg8 : memref<10000xi32, #tpu.memory_space<vmem>>)
      tpu.yield
    }) : () -> ()
    %barrier3A = arith.constant 0 : index
    tpu.barrier barrier_id(%barrier3A)
    %scan3A = arith.constant 0 : i32
    %scan3A_5 = arith.constant 0 : i32
    %scan3A_6 = arith.constant 125 : i32
    %scan3A_7 = arith.addi %scan3A_5, %scan3A_6 : i32
    %scan3A_8 = arith.constant 1 : i32
    scf.for %scan3A_11 = %scan3A_5 to %scan3A_7 step %scan3A_8  : i32 {
      %mul3A_12 = arith.constant 80 : i32
      %mul3A_13 = arith.muli %scan3A_11, %mul3A_12 : i32
      %multiple_of3A = tpu.assume_multiple %mul3A_13, 80 : i32
      %add3A_14 = arith.constant 0 : i32
      %add3A_15 = arith.addi %multiple_of3A, %add3A_14 : i32
      %get3A = arith.index_cast %add3A_15 : i32 to index
      %get3A_16 = tpu.vector_load %arg8[%get3A] {strides = array<i32>} : memref<10000xi32, #tpu.memory_space<vmem>>, vector<16xi32>,
      %dma_start3A = arith.constant 0 : i32
      %dma_start3A_17 = arith.constant 0 : i32
      %dma_start3A_18 = tpu.memref_slice %arg9[%dma_start3A, %dma_start3A_17] : memref<80x16xf32, #tpu.memory_space<vmem>> -> memref<16x16xf32, #tpu.memory_space<vmem>>
      %dma_start3A_19 = arith.constant 0 : i32
      %dma_start3A_20 = arith.constant 0 : i32
      %dma_start3A_21 = tpu.memref_slice %arg4[%dma_start3A_19, %dma_start3A_20] : memref<16x16xf32, #tpu.memory_space<hbm>> -> memref<16x16xf32, #tpu.memory_space<hbm>>
      tpu.enqueue_indirect_dma source(%dma_start3A_21 : memref<16x16xf32, #tpu.memory_space<hbm>>) target(%dma_start3A_18 : memref<16x16xf32, #tpu.memory_space<vmem>>) offsets(%get3A_16 : vector<16xi32>) semaphore(%arg11 : memref<!tpu.dma_semaphore, #tpu.memory_space<semaphore_mem>>)
      %add3A_22 = arith.constant 16 : i32
      %add3A_23 = arith.addi %multiple_of3A, %add3A_22 : i32
      %get3A_24 = arith.index_cast %add3A_23 : i32 to index
      %get3A_25 = tpu.vector_load %arg8[%get3A_24] {strides = array<i32>} : memref<10000xi32, #tpu.memory_space<vmem>>, vector<16xi32>,
      %dma_start3A_26 = arith.constant 16 : i32
      %dma_start3A_27 = arith.constant 0 : i32
      %dma_start3A_28 = tpu.memref_slice %arg9[%dma_start3A_26, %dma_start3A_27] : memref<80x16xf32, #tpu.memory_space<vmem>> -> memref<16x16xf32, #tpu.memory_space<vmem>>
      %dma_start3A_29 = arith.constant 0 : i32
      %dma_start3A_30 = arith.constant 0 : i32
      %dma_start3A_31 = tpu.memref_slice %arg4[%dma_start3A_29, %dma_start3A_30] : memref<16x16xf32, #tpu.memory_space<hbm>> -> memref<16x16xf32, #tpu.memory_space<hbm>>
      tpu.enqueue_indirect_dma source(%dma_start3A_31 : memref<16x16xf32, #tpu.memory_space<hbm>>) target(%dma_start3A_28 : memref<16x16xf32, #tpu.memory_space<vmem>>) offsets(%get3A_25 : vector<16xi32>) semaphore(%arg11 : memref<!tpu.dma_semaphore, #tpu.memory_space<semaphore_mem>>)
      %add3A_32 = arith.constant 32 : i32
      %add3A_33 = arith.addi %multiple_of3A, %add3A_32 : i32
      %get3A_34 = arith.index_cast %add3A_33 : i32 to index
      %get3A_35 = tpu.vector_load %arg8[%get3A_34] {strides = array<i32>} : memref<10000xi32, #tpu.memory_space<vmem>>, vector<16xi32>,
      %dma_start3A_36 = arith.constant 32 : i32
      %dma_start3A_37 = arith.constant 0 : i32
      %dma_start3A_38 = tpu.memref_slice %arg9[%dma_start3A_36, %dma_start3A_37] : memref<80x16xf32, #tpu.memory_space<vmem>> -> memref<16x16xf32, #tpu.memory_space<vmem>>
      %dma_start3A_39 = arith.constant 0 : i32
      %dma_start3A_40 = arith.constant 0 : i32
      %dma_start3A_41 = tpu.memref_slice %arg4[%dma_start3A_39, %dma_start3A_40] : memref<16x16xf32, #tpu.memory_space<hbm>> -> memref<16x16xf32, #tpu.memory_space<hbm>>
      tpu.enqueue_indirect_dma source(%dma_start3A_41 : memref<16x16xf32, #tpu.memory_space<hbm>>) target(%dma_start3A_38 : memref<16x16xf32, #tpu.memory_space<vmem>>) offsets(%get3A_35 : vector<16xi32>) semaphore(%arg11 : memref<!tpu.dma_semaphore, #tpu.memory_space<semaphore_mem>>)
      %add3A_42 = arith.constant 48 : i32
      %add3A_43 = arith.addi %multiple_of3A, %add3A_42 : i32
      %get3A_44 = arith.index_cast %add3A_43 : i32 to index
      %get3A_45 = tpu.vector_load %arg8[%get3A_44] {strides = array<i32>} : memref<10000xi32, #tpu.memory_space<vmem>>, vector<16xi32>,
      %dma_start3A_46 = arith.constant 48 : i32
      %dma_start3A_47 = arith.constant 0 : i32
      %dma_start3A_48 = tpu.memref_slice %arg9[%dma_start3A_46, %dma_start3A_47] : memref<80x16xf32, #tpu.memory_space<vmem>> -> memref<16x16xf32, #tpu.memory_space<vmem>>
      %dma_start3A_49 = arith.constant 0 : i32
      %dma_start3A_50 = arith.constant 0 : i32
      %dma_start3A_51 = tpu.memref_slice %arg4[%dma_start3A_49, %dma_start3A_50] : memref<16x16xf32, #tpu.memory_space<hbm>> -> memref<16x16xf32, #tpu.memory_space<hbm>>
      tpu.enqueue_indirect_dma source(%dma_start3A_51 : memref<16x16xf32, #tpu.memory_space<hbm>>) target(%dma_start3A_48 : memref<16x16xf32, #tpu.memory_space<vmem>>) offsets(%get3A_45 : vector<16xi32>) semaphore(%arg11 : memref<!tpu.dma_semaphore, #tpu.memory_space<semaphore_mem>>)
      %add3A_52 = arith.constant 64 : i32
      %add3A_53 = arith.addi %multiple_of3A, %add3A_52 : i32
      %get3A_54 = arith.index_cast %add3A_53 : i32 to index
      %get3A_55 = tpu.vector_load %arg8[%get3A_54] {strides = array<i32>} : memref<10000xi32, #tpu.memory_space<vmem>>, vector<16xi32>,
      %dma_start3A_56 = arith.constant 64 : i32
      %dma_start3A_57 = arith.constant 0 : i32
      %dma_start3A_58 = tpu.memref_slice %arg9[%dma_start3A_56, %dma_start3A_57] : memref<80x16xf32, #tpu.memory_space<vmem>> -> memref<16x16xf32, #tpu.memory_space<vmem>>
      %dma_start3A_59 = arith.constant 0 : i32
      %dma_start3A_60 = arith.constant 0 : i32
      %dma_start3A_61 = tpu.memref_slice %arg4[%dma_start3A_59, %dma_start3A_60] : memref<16x16xf32, #tpu.memory_space<hbm>> -> memref<16x16xf32, #tpu.memory_space<hbm>>
      tpu.enqueue_indirect_dma source(%dma_start3A_61 : memref<16x16xf32, #tpu.memory_space<hbm>>) target(%dma_start3A_58 : memref<16x16xf32, #tpu.memory_space<vmem>>) offsets(%get3A_55 : vector<16xi32>) semaphore(%arg11 : memref<!tpu.dma_semaphore, #tpu.memory_space<semaphore_mem>>)
      %dma_wait3A = arith.constant 0 : i32
      %dma_wait3A_62 = arith.constant 0 : i32
      %dma_wait3A_63 = tpu.memref_slice %arg9[%dma_wait3A, %dma_wait3A_62] : memref<80x16xf32, #tpu.memory_space<vmem>> -> memref<16x16xf32, #tpu.memory_space<vmem>>
      %dma_wait3A_64 = arith.constant 0 : i32
      %dma_wait3A_65 = arith.constant 0 : i32
      %dma_wait3A_66 = tpu.memref_slice %arg4[%dma_wait3A_64, %dma_wait3A_65] : memref<16x16xf32, #tpu.memory_space<hbm>> -> memref<16x16xf32, #tpu.memory_space<hbm>>
      tpu.wait_indirect_dma semaphore(%arg11 : memref<!tpu.dma_semaphore, #tpu.memory_space<semaphore_mem>>) src(%dma_wait3A_66 : memref<16x16xf32, #tpu.memory_space<hbm>>) dst(%dma_wait3A_63 : memref<16x16xf32, #tpu.memory_space<vmem>>)
      %dma_wait3A_67 = arith.constant 16 : i32
      %dma_wait3A_68 = arith.constant 0 : i32
      %dma_wait3A_69 = tpu.memref_slice %arg9[%dma_wait3A_67, %dma_wait3A_68] : memref<80x16xf32, #tpu.memory_space<vmem>> -> memref<16x16xf32, #tpu.memory_space<vmem>>
      %dma_wait3A_70 = arith.constant 0 : i32
      %dma_wait3A_71 = arith.constant 0 : i32
      %dma_wait3A_72 = tpu.memref_slice %arg4[%dma_wait3A_70, %dma_wait3A_71] : memref<16x16xf32, #tpu.memory_space<hbm>> -> memref<16x16xf32, #tpu.memory_space<hbm>>
      tpu.wait_indirect_dma semaphore(%arg11 : memref<!tpu.dma_semaphore, #tpu.memory_space<semaphore_mem>>) src(%dma_wait3A_72 : memref<16x16xf32, #tpu.memory_space<hbm>>) dst(%dma_wait3A_69 : memref<16x16xf32, #tpu.memory_space<vmem>>)
      %dma_wait3A_73 = arith.constant 32 : i32
      %dma_wait3A_74 = arith.constant 0 : i32
      %dma_wait3A_75 = tpu.memref_slice %arg9[%dma_wait3A_73, %dma_wait3A_74] : memref<80x16xf32, #tpu.memory_space<vmem>> -> memref<16x16xf32, #tpu.memory_space<vmem>>
      %dma_wait3A_76 = arith.constant 0 : i32
      %dma_wait3A_77 = arith.constant 0 : i32
      %dma_wait3A_78 = tpu.memref_slice %arg4[%dma_wait3A_76, %dma_wait3A_77] : memref<16x16xf32, #tpu.memory_space<hbm>> -> memref<16x16xf32, #tpu.memory_space<hbm>>
      tpu.wait_indirect_dma semaphore(%arg11 : memref<!tpu.dma_semaphore, #tpu.memory_space<semaphore_mem>>) src(%dma_wait3A_78 : memref<16x16xf32, #tpu.memory_space<hbm>>) dst(%dma_wait3A_75 : memref<16x16xf32, #tpu.memory_space<vmem>>)
      %dma_wait3A_79 = arith.constant 48 : i32
      %dma_wait3A_80 = arith.constant 0 : i32
      %dma_wait3A_81 = tpu.memref_slice %arg9[%dma_wait3A_79, %dma_wait3A_80] : memref<80x16xf32, #tpu.memory_space<vmem>> -> memref<16x16xf32, #tpu.memory_space<vmem>>
      %dma_wait3A_82 = arith.constant 0 : i32
      %dma_wait3A_83 = arith.constant 0 : i32
      %dma_wait3A_84 = tpu.memref_slice %arg4[%dma_wait3A_82, %dma_wait3A_83] : memref<16x16xf32, #tpu.memory_space<hbm>> -> memref<16x16xf32, #tpu.memory_space<hbm>>
      tpu.wait_indirect_dma semaphore(%arg11 : memref<!tpu.dma_semaphore, #tpu.memory_space<semaphore_mem>>) src(%dma_wait3A_84 : memref<16x16xf32, #tpu.memory_space<hbm>>) dst(%dma_wait3A_81 : memref<16x16xf32, #tpu.memory_space<vmem>>)
      %dma_wait3A_85 = arith.constant 64 : i32
      %dma_wait3A_86 = arith.constant 0 : i32
      %dma_wait3A_87 = tpu.memref_slice %arg9[%dma_wait3A_85, %dma_wait3A_86] : memref<80x16xf32, #tpu.memory_space<vmem>> -> memref<16x16xf32, #tpu.memory_space<vmem>>
      %dma_wait3A_88 = arith.constant 0 : i32
      %dma_wait3A_89 = arith.constant 0 : i32
      %dma_wait3A_90 = tpu.memref_slice %arg4[%dma_wait3A_88, %dma_wait3A_89] : memref<16x16xf32, #tpu.memory_space<hbm>> -> memref<16x16xf32, #tpu.memory_space<hbm>>
      tpu.wait_indirect_dma semaphore(%arg11 : memref<!tpu.dma_semaphore, #tpu.memory_space<semaphore_mem>>) src(%dma_wait3A_90 : memref<16x16xf32, #tpu.memory_space<hbm>>) dst(%dma_wait3A_87 : memref<16x16xf32, #tpu.memory_space<vmem>>)
      %add3A_91 = arith.constant 0 : i32
      %add3A_92 = arith.addi %multiple_of3A, %add3A_91 : i32
      %get3A_93 = arith.index_cast %add3A_92 : i32 to index
      %get3A_94 = tpu.vector_load %arg7[%get3A_93] {strides = array<i32>} : memref<10000xi32, #tpu.memory_space<vmem>>, vector<16xi32>,
      %dma_start3A_95 = arith.constant 0 : i32
      %dma_start3A_96 = arith.constant 0 : i32
      %dma_start3A_97 = tpu.memref_slice %arg9[%dma_start3A_95, %dma_start3A_96] : memref<80x16xf32, #tpu.memory_space<vmem>> -> memref<16x16xf32, #tpu.memory_space<vmem>>
      %dma_start3A_98 = arith.constant 0 : i32
      %dma_start3A_99 = arith.constant 0 : i32
      %dma_start3A_100 = tpu.memref_slice %arg10[%dma_start3A_98, %dma_start3A_99] : memref<10240x16xf32, #tpu.memory_space<vmem_shared>> -> memref<10240x16xf32, #tpu.memory_space<vmem_shared>>
      tpu.enqueue_indirect_dma source(%dma_start3A_97 : memref<16x16xf32, #tpu.memory_space<vmem>>) target(%dma_start3A_100 : memref<10240x16xf32, #tpu.memory_space<vmem_shared>>) offsets(%get3A_94 : vector<16xi32>) semaphore(%arg12 : memref<!tpu.dma_semaphore, #tpu.memory_space<semaphore_mem>>) {add = true}
      %add3A_101 = arith.constant 16 : i32
      %add3A_102 = arith.addi %multiple_of3A, %add3A_101 : i32
      %get3A_103 = arith.index_cast %add3A_102 : i32 to index
      %get3A_104 = tpu.vector_load %arg7[%get3A_103] {strides = array<i32>} : memref<10000xi32, #tpu.memory_space<vmem>>, vector<16xi32>,
      %dma_start3A_105 = arith.constant 16 : i32
      %dma_start3A_106 = arith.constant 0 : i32
      %dma_start3A_107 = tpu.memref_slice %arg9[%dma_start3A_105, %dma_start3A_106] : memref<80x16xf32, #tpu.memory_space<vmem>> -> memref<16x16xf32, #tpu.memory_space<vmem>>
      %dma_start3A_108 = arith.constant 0 : i32
      %dma_start3A_109 = arith.constant 0 : i32
      %dma_start3A_110 = tpu.memref_slice %arg10[%dma_start3A_108, %dma_start3A_109] : memref<10240x16xf32, #tpu.memory_space<vmem_shared>> -> memref<10240x16xf32, #tpu.memory_space<vmem_shared>>
      tpu.enqueue_indirect_dma source(%dma_start3A_107 : memref<16x16xf32, #tpu.memory_space<vmem>>) target(%dma_start3A_110 : memref<10240x16xf32, #tpu.memory_space<vmem_shared>>) offsets(%get3A_104 : vector<16xi32>) semaphore(%arg12 : memref<!tpu.dma_semaphore, #tpu.memory_space<semaphore_mem>>) {add = true}
      %add3A_111 = arith.constant 32 : i32
      %add3A_112 = arith.addi %multiple_of3A, %add3A_111 : i32
      %get3A_113 = arith.index_cast %add3A_112 : i32 to index
      %get3A_114 = tpu.vector_load %arg7[%get3A_113] {strides = array<i32>} : memref<10000xi32, #tpu.memory_space<vmem>>, vector<16xi32>,
      %dma_start3A_115 = arith.constant 32 : i32
      %dma_start3A_116 = arith.constant 0 : i32
      %dma_start3A_117 = tpu.memref_slice %arg9[%dma_start3A_115, %dma_start3A_116] : memref<80x16xf32, #tpu.memory_space<vmem>> -> memref<16x16xf32, #tpu.memory_space<vmem>>
      %dma_start3A_118 = arith.constant 0 : i32
      %dma_start3A_119 = arith.constant 0 : i32
      %dma_start3A_120 = tpu.memref_slice %arg10[%dma_start3A_118, %dma_start3A_119] : memref<10240x16xf32, #tpu.memory_space<vmem_shared>> -> memref<10240x16xf32, #tpu.memory_space<vmem_shared>>
      tpu.enqueue_indirect_dma source(%dma_start3A_117 : memref<16x16xf32, #tpu.memory_space<vmem>>) target(%dma_start3A_120 : memref<10240x16xf32, #tpu.memory_space<vmem_shared>>) offsets(%get3A_114 : vector<16xi32>) semaphore(%arg12 : memref<!tpu.dma_semaphore, #tpu.memory_space<semaphore_mem>>) {add = true}
      %add3A_121 = arith.constant 48 : i32
      %add3A_122 = arith.addi %multiple_of3A, %add3A_121 : i32
      %get3A_123 = arith.index_cast %add3A_122 : i32 to index
      %get3A_124 = tpu.vector_load %arg7[%get3A_123] {strides = array<i32>} : memref<10000xi32, #tpu.memory_space<vmem>>, vector<16xi32>,
      %dma_start3A_125 = arith.constant 48 : i32
      %dma_start3A_126 = arith.constant 0 : i32
      %dma_start3A_127 = tpu.memref_slice %arg9[%dma_start3A_125, %dma_start3A_126] : memref<80x16xf32, #tpu.memory_space<vmem>> -> memref<16x16xf32, #tpu.memory_space<vmem>>
      %dma_start3A_128 = arith.constant 0 : i32
      %dma_start3A_129 = arith.constant 0 : i32
      %dma_start3A_130 = tpu.memref_slice %arg10[%dma_start3A_128, %dma_start3A_129] : memref<10240x16xf32, #tpu.memory_space<vmem_shared>> -> memref<10240x16xf32, #tpu.memory_space<vmem_shared>>
      tpu.enqueue_indirect_dma source(%dma_start3A_127 : memref<16x16xf32, #tpu.memory_space<vmem>>) target(%dma_start3A_130 : memref<10240x16xf32, #tpu.memory_space<vmem_shared>>) offsets(%get3A_124 : vector<16xi32>) semaphore(%arg12 : memref<!tpu.dma_semaphore, #tpu.memory_space<semaphore_mem>>) {add = true}
      %add3A_131 = arith.constant 64 : i32
      %add3A_132 = arith.addi %multiple_of3A, %add3A_131 : i32
      %get3A_133 = arith.index_cast %add3A_132 : i32 to index
      %get3A_134 = tpu.vector_load %arg7[%get3A_133] {strides = array<i32>} : memref<10000xi32, #tpu.memory_space<vmem>>, vector<16xi32>,
      %dma_start3A_135 = arith.constant 64 : i32
      %dma_start3A_136 = arith.constant 0 : i32
      %dma_start3A_137 = tpu.memref_slice %arg9[%dma_start3A_135, %dma_start3A_136] : memref<80x16xf32, #tpu.memory_space<vmem>> -> memref<16x16xf32, #tpu.memory_space<vmem>>
      %dma_start3A_138 = arith.constant 0 : i32
      %dma_start3A_139 = arith.constant 0 : i32
      %dma_start3A_140 = tpu.memref_slice %arg10[%dma_start3A_138, %dma_start3A_139] : memref<10240x16xf32, #tpu.memory_space<vmem_shared>> -> memref<10240x16xf32, #tpu.memory_space<vmem_shared>>
      tpu.enqueue_indirect_dma source(%dma_start3A_137 : memref<16x16xf32, #tpu.memory_space<vmem>>) target(%dma_start3A_140 : memref<10240x16xf32, #tpu.memory_space<vmem_shared>>) offsets(%get3A_134 : vector<16xi32>) semaphore(%arg12 : memref<!tpu.dma_semaphore, #tpu.memory_space<semaphore_mem>>) {add = true}
      %dma_wait3A_141 = arith.constant 0 : i32
      %dma_wait3A_142 = arith.constant 0 : i32
      %dma_wait3A_143 = tpu.memref_slice %arg9[%dma_wait3A_141, %dma_wait3A_142] : memref<80x16xf32, #tpu.memory_space<vmem>> -> memref<16x16xf32, #tpu.memory_space<vmem>>
      %dma_wait3A_144 = arith.constant 0 : i32
      %dma_wait3A_145 = arith.constant 0 : i32
      %dma_wait3A_146 = tpu.memref_slice %arg10[%dma_wait3A_144, %dma_wait3A_145] : memref<10240x16xf32, #tpu.memory_space<vmem_shared>> -> memref<10240x16xf32, #tpu.memory_space<vmem_shared>>
      tpu.wait_indirect_dma semaphore(%arg12 : memref<!tpu.dma_semaphore, #tpu.memory_space<semaphore_mem>>) src(%dma_wait3A_143 : memref<16x16xf32, #tpu.memory_space<vmem>>) dst(%dma_wait3A_146 : memref<10240x16xf32, #tpu.memory_space<vmem_shared>>)
      %dma_wait3A_147 = arith.constant 16 : i32
      %dma_wait3A_148 = arith.constant 0 : i32
      %dma_wait3A_149 = tpu.memref_slice %arg9[%dma_wait3A_147, %dma_wait3A_148] : memref<80x16xf32, #tpu.memory_space<vmem>> -> memref<16x16xf32, #tpu.memory_space<vmem>>
      %dma_wait3A_150 = arith.constant 0 : i32
      %dma_wait3A_151 = arith.constant 0 : i32
      %dma_wait3A_152 = tpu.memref_slice %arg10[%dma_wait3A_150, %dma_wait3A_151] : memref<10240x16xf32, #tpu.memory_space<vmem_shared>> -> memref<10240x16xf32, #tpu.memory_space<vmem_shared>>
      tpu.wait_indirect_dma semaphore(%arg12 : memref<!tpu.dma_semaphore, #tpu.memory_space<semaphore_mem>>) src(%dma_wait3A_149 : memref<16x16xf32, #tpu.memory_space<vmem>>) dst(%dma_wait3A_152 : memref<10240x16xf32, #tpu.memory_space<vmem_shared>>)
      %dma_wait3A_153 = arith.constant 32 : i32
      %dma_wait3A_154 = arith.constant 0 : i32
      %dma_wait3A_155 = tpu.memref_slice %arg9[%dma_wait3A_153, %dma_wait3A_154] : memref<80x16xf32, #tpu.memory_space<vmem>> -> memref<16x16xf32, #tpu.memory_space<vmem>>
      %dma_wait3A_156 = arith.constant 0 : i32
      %dma_wait3A_157 = arith.constant 0 : i32
      %dma_wait3A_158 = tpu.memref_slice %arg10[%dma_wait3A_156, %dma_wait3A_157] : memref<10240x16xf32, #tpu.memory_space<vmem_shared>> -> memref<10240x16xf32, #tpu.memory_space<vmem_shared>>
      tpu.wait_indirect_dma semaphore(%arg12 : memref<!tpu.dma_semaphore, #tpu.memory_space<semaphore_mem>>) src(%dma_wait3A_155 : memref<16x16xf32, #tpu.memory_space<vmem>>) dst(%dma_wait3A_158 : memref<10240x16xf32, #tpu.memory_space<vmem_shared>>)
      %dma_wait3A_159 = arith.constant 48 : i32
      %dma_wait3A_160 = arith.constant 0 : i32
      %dma_wait3A_161 = tpu.memref_slice %arg9[%dma_wait3A_159, %dma_wait3A_160] : memref<80x16xf32, #tpu.memory_space<vmem>> -> memref<16x16xf32, #tpu.memory_space<vmem>>
      %dma_wait3A_162 = arith.constant 0 : i32
      %dma_wait3A_163 = arith.constant 0 : i32
      %dma_wait3A_164 = tpu.memref_slice %arg10[%dma_wait3A_162, %dma_wait3A_163] : memref<10240x16xf32, #tpu.memory_space<vmem_shared>> -> memref<10240x16xf32, #tpu.memory_space<vmem_shared>>
      tpu.wait_indirect_dma semaphore(%arg12 : memref<!tpu.dma_semaphore, #tpu.memory_space<semaphore_mem>>) src(%dma_wait3A_161 : memref<16x16xf32, #tpu.memory_space<vmem>>) dst(%dma_wait3A_164 : memref<10240x16xf32, #tpu.memory_space<vmem_shared>>)
      %dma_wait3A_165 = arith.constant 64 : i32
      %dma_wait3A_166 = arith.constant 0 : i32
      %dma_wait3A_167 = tpu.memref_slice %arg9[%dma_wait3A_165, %dma_wait3A_166] : memref<80x16xf32, #tpu.memory_space<vmem>> -> memref<16x16xf32, #tpu.memory_space<vmem>>
      %dma_wait3A_168 = arith.constant 0 : i32
      %dma_wait3A_169 = arith.constant 0 : i32
      %dma_wait3A_170 = tpu.memref_slice %arg10[%dma_wait3A_168, %dma_wait3A_169] : memref<10240x16xf32, #tpu.memory_space<vmem_shared>> -> memref<10240x16xf32, #tpu.memory_space<vmem_shared>>
      tpu.wait_indirect_dma semaphore(%arg12 : memref<!tpu.dma_semaphore, #tpu.memory_space<semaphore_mem>>) src(%dma_wait3A_167 : memref<16x16xf32, #tpu.memory_space<vmem>>) dst(%dma_wait3A_170 : memref<10240x16xf32, #tpu.memory_space<vmem_shared>>)
    }
    %scan3A_9 = arith.constant 125 : i32
    %barrier3A_10 = arith.constant 0 : index
    tpu.barrier barrier_id(%barrier3A_10)
    "tpu.region"() ({
      %run_scoped3A = tpu.sem_alloc : memref<!tpu.dma_semaphore, #tpu.memory_space<semaphore_mem>>
      %dma_start3A = arith.constant 0 : i32
      %dma_start3A_11 = arith.constant 0 : i32
      %dma_start3A_12 = tpu.memref_slice %arg6[%arg0, %dma_start3A, %dma_start3A_11] : memref<2x10240x16xf32, #tpu.memory_space<hbm>> -> memref<1x10240x16xf32, #tpu.memory_space<hbm>>
      %dma_start3A_13 = tpu.memref_squeeze %dma_start3A_12 : memref<1x10240x16xf32, #tpu.memory_space<hbm>> -> memref<10240x16xf32, #tpu.memory_space<hbm>>
      %dma_start3A_14 = arith.constant 0 : i32
      %dma_start3A_15 = tpu.memref_slice %dma_start3A_13[%mul3A_4, %dma_start3A_14] : memref<10240x16xf32, #tpu.memory_space<hbm>> -> memref<640x16xf32, #tpu.memory_space<hbm>>
      %dma_start3A_16 = arith.constant 0 : i32
      %dma_start3A_17 = tpu.memref_slice %arg10[%mul3A_4, %dma_start3A_16] : memref<10240x16xf32, #tpu.memory_space<vmem_shared>> -> memref<640x16xf32, #tpu.memory_space<vmem_shared>>
      tpu.enqueue_dma source(%dma_start3A_17 : memref<640x16xf32, #tpu.memory_space<vmem_shared>>) target(%dma_start3A_15 : memref<640x16xf32, #tpu.memory_space<hbm>>) target_semaphore(%run_scoped3A : memref<!tpu.dma_semaphore, #tpu.memory_space<semaphore_mem>>)
      %dma_wait3A = arith.constant 0 : i32
      %dma_wait3A_18 = arith.constant 0 : i32
      %dma_wait3A_19 = tpu.memref_slice %arg6[%arg0, %dma_wait3A, %dma_wait3A_18] : memref<2x10240x16xf32, #tpu.memory_space<hbm>> -> memref<1x10240x16xf32, #tpu.memory_space<hbm>>
      %dma_wait3A_20 = tpu.memref_squeeze %dma_wait3A_19 : memref<1x10240x16xf32, #tpu.memory_space<hbm>> -> memref<10240x16xf32, #tpu.memory_space<hbm>>
      %dma_wait3A_21 = arith.constant 0 : i32
      %dma_wait3A_22 = tpu.memref_slice %dma_wait3A_20[%mul3A_4, %dma_wait3A_21] : memref<10240x16xf32, #tpu.memory_space<hbm>> -> memref<640x16xf32, #tpu.memory_space<hbm>>
      %dma_wait3A_23 = arith.constant 0 : i32
      %dma_wait3A_24 = tpu.memref_slice %arg10[%mul3A_4, %dma_wait3A_23] : memref<10240x16xf32, #tpu.memory_space<vmem_shared>> -> memref<640x16xf32, #tpu.memory_space<vmem_shared>>
      tpu.wait_dma2 semaphore(%run_scoped3A : memref<!tpu.dma_semaphore, #tpu.memory_space<semaphore_mem>>) src(%dma_wait3A_24 : memref<640x16xf32, #tpu.memory_space<vmem_shared>>) dst(%dma_wait3A_22 : memref<640x16xf32, #tpu.memory_space<hbm>>)
      tpu.yield
    }) : () -> ()
    return
  }
}

module attributes {stable_mosaic.version = 14 : i64} {
  func.func @body(%arg0: i32, %arg1: i32, %arg2: memref<1000x128xf32, #tpu.memory_space<vmem>>, %arg3: memref<1x128x128xf32, #tpu.memory_space<vmem>>, %arg4: memref<1x1000x128xf32, #tpu.memory_space<vmem>>) attributes {dimension_semantics = [#tpu.dimension_semantics<arbitrary>, #tpu.dimension_semantics<arbitrary>], iteration_bounds = array<i64: 9, 10>, scalar_prefetch = 0 : i64, scratch_operands = 0 : i64, tpu.core_type = #tpu.core_type<tc>, window_params = [{transform_indices = @transform_0, window_bounds = array<i64: 1000, 128>}, {transform_indices = @transform_1, window_bounds = array<i64: 1, 128, 128>}, {transform_indices = @transform_2, window_bounds = array<i64: 1, 1000, 128>}]} {
    %get3A = arith.constant 0 : index
    %get3A_0 = arith.constant 0 : index
    %get3A_1 = vector.load %arg2[%get3A, %get3A_0] : memref<1000x128xf32, #tpu.memory_space<vmem>>, vector<1000x128xf32>
    %get3A_2 = arith.constant 0 : index
    %get3A_3 = arith.constant 0 : index
    %get3A_4 = arith.constant 0 : index
    %get3A_5 = vector.load %arg3[%get3A_2, %get3A_3, %get3A_4] : memref<1x128x128xf32, #tpu.memory_space<vmem>>, vector<1x128x128xf32>
    %get3A_6 = vector.shape_cast %get3A_5 : vector<1x128x128xf32> to vector<128x128xf32>
    %dot_general3A = arith.constant dense<0.000000e+00> : vector<1000x128xf32>
    %dot_general3A_7 = tpu.matmul %get3A_1, %get3A_6, %dot_general3A {dimension_numbers = #tpu.dot_dimension_numbers<[1], [0], [0], [1], [0, 0, 1, 1], [], []>, transpose_lhs_hint = false} : vector<1000x128xf32>, vector<128x128xf32>, vector<1000x128xf32> -> vector<1000x128xf32>
    %swap3A = arith.constant 0 : index
    %swap3A_8 = arith.constant 0 : index
    %swap3A_9 = arith.constant 0 : index
    %swap3A_10 = vector.load %arg4[%swap3A, %swap3A_8, %swap3A_9] : memref<1x1000x128xf32, #tpu.memory_space<vmem>>, vector<1x1000x128xf32>
    %swap3A_11 = vector.shape_cast %swap3A_10 : vector<1x1000x128xf32> to vector<1000x128xf32>
    %swap3A_12 = vector.shape_cast %dot_general3A_7 : vector<1000x128xf32> to vector<1x1000x128xf32>
    tpu.vector_store %arg4[%swap3A, %swap3A_8, %swap3A_9], %swap3A_12 {strides = array<i32>} : memref<1x1000x128xf32, #tpu.memory_space<vmem>>, vector<1x1000x128xf32>,
    return
  }
  func.func @transform_0(%arg0: i32, %arg1: i32) -> (i32, i32) {
    %c0_i32 = arith.constant 0 : i32
    %c0_i32_0 = arith.constant 0 : i32
    return %arg1, %c0_i32 : i32, i32
  }
  func.func @transform_1(%arg0: i32, %arg1: i32) -> (i32, i32, i32) {
    %c0_i32 = arith.constant 0 : i32
    %c0_i32_0 = arith.constant 0 : i32
    %c0_i32_1 = arith.constant 0 : i32
    return %arg0, %c0_i32, %c0_i32_0 : i32, i32, i32
  }
  func.func @transform_2(%arg0: i32, %arg1: i32) -> (i32, i32, i32) {
    %c0_i32 = arith.constant 0 : i32
    %c0_i32_0 = arith.constant 0 : i32
    return %arg0, %arg1, %c0_i32 : i32, i32, i32
  }
}

module attributes {stable_mosaic.version = 14 : i64} {
  func.func @body(%arg0: i32, %arg1: memref<2x1000x16xf32, #tpu.memory_space<vmem>>, %arg2: memref<1000x16xf32, #tpu.memory_space<vmem>>) attributes {dimension_semantics = [#tpu.dimension_semantics<arbitrary>], iteration_bounds = array<i64: 10>, scalar_prefetch = 0 : i64, scratch_operands = 0 : i64, tpu.core_type = #tpu.core_type<tc>, window_params = [{transform_indices = @transform_0, window_bounds = array<i64: 2, 1000, 16>}, {transform_indices = @transform_1, window_bounds = array<i64: 1000, 16>}]} {
    %get3A = arith.constant 0 : index
    %get3A_0 = arith.constant 0 : index
    %get3A_1 = arith.constant 0 : index
    %get3A_2 = vector.load %arg1[%get3A, %get3A_0, %get3A_1] : memref<2x1000x16xf32, #tpu.memory_space<vmem>>, vector<1x1000x16xf32>
    %get3A_3 = vector.shape_cast %get3A_2 : vector<1x1000x16xf32> to vector<1000x16xf32>
    %get3A_4 = arith.constant 1 : index
    %get3A_5 = arith.constant 0 : index
    %get3A_6 = arith.constant 0 : index
    %get3A_7 = vector.load %arg1[%get3A_4, %get3A_5, %get3A_6] : memref<2x1000x16xf32, #tpu.memory_space<vmem>>, vector<1x1000x16xf32>
    %get3A_8 = vector.shape_cast %get3A_7 : vector<1x1000x16xf32> to vector<1000x16xf32>
    %add3A = arith.addf %get3A_3, %get3A_8 : vector<1000x16xf32>
    %max3A = arith.constant 1.000000e+00 : f32
    %max3A_9 = vector.broadcast %max3A : f32 to vector<1000x16xf32>
    %max3A_10 = arith.maximumf %add3A, %max3A_9 : vector<1000x16xf32>
    %div3A = arith.constant 1.000000e+00 : f32
    %div3A_11 = vector.broadcast %div3A : f32 to vector<1000x16xf32>
    %div3A_12 = arith.divf %div3A_11, %max3A_10 : vector<1000x16xf32>
    %swap3A = arith.constant 0 : index
    %swap3A_13 = arith.constant 0 : index
    %swap3A_14 = vector.load %arg2[%swap3A, %swap3A_13] : memref<1000x16xf32, #tpu.memory_space<vmem>>, vector<1000x16xf32>
    tpu.vector_store %arg2[%swap3A, %swap3A_13], %div3A_12 {strides = array<i32>} : memref<1000x16xf32, #tpu.memory_space<vmem>>, vector<1000x16xf32>,
    return
  }
  func.func @transform_0(%arg0: i32) -> (i32, i32, i32) {
    %c0_i32 = arith.constant 0 : i32
    %c0_i32_0 = arith.constant 0 : i32
    %c0_i32_1 = arith.constant 0 : i32
    return %c0_i32, %arg0, %c0_i32_0 : i32, i32, i32
  }
  func.func @transform_1(%arg0: i32) -> (i32, i32) {
    %c0_i32 = arith.constant 0 : i32
    %c0_i32_0 = arith.constant 0 : i32
    return %arg0, %c0_i32 : i32, i32
  }
}

module attributes {stable_mosaic.version = 14 : i64} {
  func.func @body(%arg0: i32, %arg1: i32, %arg2: memref<1000x128xf32, #tpu.memory_space<vmem>>, %arg3: memref<1x128xf32, #tpu.memory_space<vmem>>, %arg4: memref<2x1000x128xf32, #tpu.memory_space<vmem>>, %arg5: memref<1x128x16xf32, #tpu.memory_space<vmem>>, %arg6: memref<1x1000x16xf32, #tpu.memory_space<vmem>>) attributes {dimension_semantics = [#tpu.dimension_semantics<arbitrary>, #tpu.dimension_semantics<arbitrary>], iteration_bounds = array<i64: 9, 10>, scalar_prefetch = 0 : i64, scratch_operands = 0 : i64, tpu.core_type = #tpu.core_type<tc>, window_params = [{transform_indices = @transform_0, window_bounds = array<i64: 1000, 128>}, {pipeline_mode = #tpu.pipeline_mode<synchronous>, transform_indices = @transform_1, window_bounds = array<i64: 1, 128>}, {transform_indices = @transform_2, window_bounds = array<i64: 2, 1000, 128>}, {transform_indices = @transform_3, window_bounds = array<i64: 1, 128, 16>}, {transform_indices = @transform_4, window_bounds = array<i64: 1, 1000, 16>}]} {
    %get3A = arith.constant 0 : index
    %get3A_0 = arith.constant 0 : index
    %get3A_1 = vector.load %arg2[%get3A, %get3A_0] : memref<1000x128xf32, #tpu.memory_space<vmem>>, vector<1000x128xf32>
    %get3A_2 = arith.constant 0 : index
    %get3A_3 = arith.constant 0 : index
    %get3A_4 = vector.load %arg3[%get3A_2, %get3A_3] : memref<1x128xf32, #tpu.memory_space<vmem>>, vector<1x128xf32>
    %get3A_5 = vector.shape_cast %get3A_4 : vector<1x128xf32> to vector<128xf32>
    %broadcast_in_dim3A = vector.shape_cast %get3A_5 : vector<128xf32> to vector<1x128xf32>
    %add3A = vector.broadcast %broadcast_in_dim3A : vector<1x128xf32> to vector<1000x128xf32>
    %add3A_6 = arith.addf %get3A_1, %add3A : vector<1000x128xf32>
    %get3A_7 = arith.constant 0 : index
    %get3A_8 = arith.constant 0 : index
    %get3A_9 = arith.constant 0 : index
    %get3A_10 = vector.load %arg4[%get3A_7, %get3A_8, %get3A_9] : memref<2x1000x128xf32, #tpu.memory_space<vmem>>, vector<1x1000x128xf32>
    %get3A_11 = vector.shape_cast %get3A_10 : vector<1x1000x128xf32> to vector<1000x128xf32>
    %add3A_12 = arith.addf %add3A_6, %get3A_11 : vector<1000x128xf32>
    %get3A_13 = arith.constant 1 : index
    %get3A_14 = arith.constant 0 : index
    %get3A_15 = arith.constant 0 : index
    %get3A_16 = vector.load %arg4[%get3A_13, %get3A_14, %get3A_15] : memref<2x1000x128xf32, #tpu.memory_space<vmem>>, vector<1x1000x128xf32>
    %get3A_17 = vector.shape_cast %get3A_16 : vector<1x1000x128xf32> to vector<1000x128xf32>
    %add3A_18 = arith.addf %add3A_12, %get3A_17 : vector<1000x128xf32>
    %max3A = arith.constant 0.000000e+00 : f32
    %max3A_19 = vector.broadcast %max3A : f32 to vector<1000x128xf32>
    %max3A_20 = arith.maximumf %add3A_18, %max3A_19 : vector<1000x128xf32>
    %get3A_21 = arith.constant 0 : index
    %get3A_22 = arith.constant 0 : index
    %get3A_23 = arith.constant 0 : index
    %get3A_24 = vector.load %arg5[%get3A_21, %get3A_22, %get3A_23] : memref<1x128x16xf32, #tpu.memory_space<vmem>>, vector<1x128x16xf32>
    %get3A_25 = vector.shape_cast %get3A_24 : vector<1x128x16xf32> to vector<128x16xf32>
    %dot_general3A = arith.constant dense<0.000000e+00> : vector<1000x16xf32>
    %dot_general3A_26 = tpu.matmul %max3A_20, %get3A_25, %dot_general3A {dimension_numbers = #tpu.dot_dimension_numbers<[1], [0], [0], [1], [0, 0, 1, 1], [], []>, transpose_lhs_hint = false} : vector<1000x128xf32>, vector<128x16xf32>, vector<1000x16xf32> -> vector<1000x16xf32>
    %swap3A = arith.constant 0 : index
    %swap3A_27 = arith.constant 0 : index
    %swap3A_28 = arith.constant 0 : index
    %swap3A_29 = vector.load %arg6[%swap3A, %swap3A_27, %swap3A_28] : memref<1x1000x16xf32, #tpu.memory_space<vmem>>, vector<1x1000x16xf32>
    %swap3A_30 = vector.shape_cast %swap3A_29 : vector<1x1000x16xf32> to vector<1000x16xf32>
    %swap3A_31 = vector.shape_cast %dot_general3A_26 : vector<1000x16xf32> to vector<1x1000x16xf32>
    tpu.vector_store %arg6[%swap3A, %swap3A_27, %swap3A_28], %swap3A_31 {strides = array<i32>} : memref<1x1000x16xf32, #tpu.memory_space<vmem>>, vector<1x1000x16xf32>,
    return
  }
  func.func @transform_0(%arg0: i32, %arg1: i32) -> (i32, i32) {
    %c0_i32 = arith.constant 0 : i32
    %c0_i32_0 = arith.constant 0 : i32
    return %arg1, %c0_i32 : i32, i32
  }
  func.func @transform_1(%arg0: i32, %arg1: i32) -> (i32, i32) {
    %c0_i32 = arith.constant 0 : i32
    %c0_i32_0 = arith.constant 0 : i32
    %c0_i32_1 = arith.constant 0 : i32
    return %c0_i32, %c0_i32_0 : i32, i32
  }
  func.func @transform_2(%arg0: i32, %arg1: i32) -> (i32, i32, i32) {
    %c0_i32 = arith.constant 0 : i32
    %c0_i32_0 = arith.constant 0 : i32
    %c0_i32_1 = arith.constant 0 : i32
    return %c0_i32, %arg1, %c0_i32_0 : i32, i32, i32
  }
  func.func @transform_3(%arg0: i32, %arg1: i32) -> (i32, i32, i32) {
    %c0_i32 = arith.constant 0 : i32
    %c0_i32_0 = arith.constant 0 : i32
    %c0_i32_1 = arith.constant 0 : i32
    return %arg0, %c0_i32, %c0_i32_0 : i32, i32, i32
  }
  func.func @transform_4(%arg0: i32, %arg1: i32) -> (i32, i32, i32) {
    %c0_i32 = arith.constant 0 : i32
    %c0_i32_0 = arith.constant 0 : i32
    return %arg0, %arg1, %c0_i32 : i32, i32, i32
  }
}

module attributes {stable_mosaic.version = 14 : i64} {
  func.func @body(%arg0: i32, %arg1: memref<1000x16xf32, #tpu.memory_space<vmem>>, %arg2: memref<1x16xf32, #tpu.memory_space<vmem>>, %arg3: memref<2x1000x128xf32, #tpu.memory_space<vmem>>, %arg4: memref<2x1000x16xf32, #tpu.memory_space<vmem>>, %arg5: memref<1000x16xf32, #tpu.memory_space<vmem>>) attributes {dimension_semantics = [#tpu.dimension_semantics<arbitrary>], iteration_bounds = array<i64: 10>, scalar_prefetch = 0 : i64, scratch_operands = 0 : i64, tpu.core_type = #tpu.core_type<tc>, window_params = [{transform_indices = @transform_0, window_bounds = array<i64: 1000, 16>}, {pipeline_mode = #tpu.pipeline_mode<synchronous>, transform_indices = @transform_1, window_bounds = array<i64: 1, 16>}, {transform_indices = @transform_2, window_bounds = array<i64: 2, 1000, 128>}, {transform_indices = @transform_3, window_bounds = array<i64: 2, 1000, 16>}, {transform_indices = @transform_4, window_bounds = array<i64: 1000, 16>}]} {
    %get3A = arith.constant 0 : index
    %get3A_0 = arith.constant 0 : index
    %get3A_1 = arith.constant 0 : index
    %get3A_2 = vector.load %arg3[%get3A, %get3A_0, %get3A_1] : memref<2x1000x128xf32, #tpu.memory_space<vmem>>, vector<1x1000x128xf32>
    %get3A_3 = vector.shape_cast %get3A_2 : vector<1x1000x128xf32> to vector<1000x128xf32>
    %get3A_4 = arith.constant 1 : index
    %get3A_5 = arith.constant 0 : index
    %get3A_6 = arith.constant 0 : index
    %get3A_7 = vector.load %arg3[%get3A_4, %get3A_5, %get3A_6] : memref<2x1000x128xf32, #tpu.memory_space<vmem>>, vector<1x1000x128xf32>
    %get3A_8 = vector.shape_cast %get3A_7 : vector<1x1000x128xf32> to vector<1000x128xf32>
    %add3A = arith.addf %get3A_3, %get3A_8 : vector<1000x128xf32>
    %get3A_9 = arith.constant 0 : index
    %get3A_10 = arith.constant 0 : index
    %get3A_11 = arith.constant 0 : index
    %get3A_12 = vector.load %arg4[%get3A_9, %get3A_10, %get3A_11] : memref<2x1000x16xf32, #tpu.memory_space<vmem>>, vector<1x1000x16xf32>
    %get3A_13 = vector.shape_cast %get3A_12 : vector<1x1000x16xf32> to vector<1000x16xf32>
    %get3A_14 = arith.constant 1 : index
    %get3A_15 = arith.constant 0 : index
    %get3A_16 = arith.constant 0 : index
    %get3A_17 = vector.load %arg4[%get3A_14, %get3A_15, %get3A_16] : memref<2x1000x16xf32, #tpu.memory_space<vmem>>, vector<1x1000x16xf32>
    %get3A_18 = vector.shape_cast %get3A_17 : vector<1x1000x16xf32> to vector<1000x16xf32>
    %add3A_19 = arith.addf %get3A_13, %get3A_18 : vector<1000x16xf32>
    %max3A = arith.constant 1.000000e+00 : f32
    %max3A_20 = vector.broadcast %max3A : f32 to vector<1000x16xf32>
    %max3A_21 = arith.maximumf %add3A_19, %max3A_20 : vector<1000x16xf32>
    %div3A = arith.constant 1.000000e+00 : f32
    %div3A_22 = vector.broadcast %div3A : f32 to vector<1000x16xf32>
    %div3A_23 = arith.divf %div3A_22, %max3A_21 : vector<1000x16xf32>
    %get3A_24 = arith.constant 0 : index
    %get3A_25 = arith.constant 0 : index
    %get3A_26 = vector.load %arg1[%get3A_24, %get3A_25] : memref<1000x16xf32, #tpu.memory_space<vmem>>, vector<1000x16xf32>
    %get3A_27 = arith.constant 0 : index
    %get3A_28 = arith.constant 0 : index
    %get3A_29 = vector.load %arg2[%get3A_27, %get3A_28] : memref<1x16xf32, #tpu.memory_space<vmem>>, vector<1x16xf32>
    %get3A_30 = vector.shape_cast %get3A_29 : vector<1x16xf32> to vector<16xf32>
    %broadcast_in_dim3A = vector.shape_cast %get3A_30 : vector<16xf32> to vector<1x16xf32>
    %add3A_31 = vector.broadcast %broadcast_in_dim3A : vector<1x16xf32> to vector<1000x16xf32>
    %add3A_32 = arith.addf %get3A_26, %add3A_31 : vector<1000x16xf32>
    %slice3A = vector.extract_strided_slice %add3A {offsets = [0, 0], sizes = [1000, 16], strides = [1, 1]} : vector<1000x128xf32> to vector<1000x16xf32>
    %slice3A_33 = vector.extract_strided_slice %div3A_23 {offsets = [0, 0], sizes = [1000, 1], strides = [1, 1]} : vector<1000x16xf32> to vector<1000x1xf32>
    %mul3A = vector.broadcast %slice3A_33 : vector<1000x1xf32> to vector<1000x16xf32>
    %mul3A_34 = arith.mulf %slice3A, %mul3A : vector<1000x16xf32>
    %add3A_35 = arith.addf %add3A_32, %mul3A_34 : vector<1000x16xf32>
    %slice3A_36 = vector.extract_strided_slice %add3A {offsets = [0, 16], sizes = [1000, 16], strides = [1, 1]} : vector<1000x128xf32> to vector<1000x16xf32>
    %slice3A_37 = vector.extract_strided_slice %div3A_23 {offsets = [0, 1], sizes = [1000, 1], strides = [1, 1]} : vector<1000x16xf32> to vector<1000x1xf32>
    %mul3A_38 = vector.broadcast %slice3A_37 : vector<1000x1xf32> to vector<1000x16xf32>
    %mul3A_39 = arith.mulf %slice3A_36, %mul3A_38 : vector<1000x16xf32>
    %add3A_40 = arith.addf %add3A_35, %mul3A_39 : vector<1000x16xf32>
    %slice3A_41 = vector.extract_strided_slice %add3A {offsets = [0, 32], sizes = [1000, 16], strides = [1, 1]} : vector<1000x128xf32> to vector<1000x16xf32>
    %slice3A_42 = vector.extract_strided_slice %div3A_23 {offsets = [0, 2], sizes = [1000, 1], strides = [1, 1]} : vector<1000x16xf32> to vector<1000x1xf32>
    %mul3A_43 = vector.broadcast %slice3A_42 : vector<1000x1xf32> to vector<1000x16xf32>
    %mul3A_44 = arith.mulf %slice3A_41, %mul3A_43 : vector<1000x16xf32>
    %add3A_45 = arith.addf %add3A_40, %mul3A_44 : vector<1000x16xf32>
    %slice3A_46 = vector.extract_strided_slice %add3A {offsets = [0, 48], sizes = [1000, 16], strides = [1, 1]} : vector<1000x128xf32> to vector<1000x16xf32>
    %slice3A_47 = vector.extract_strided_slice %div3A_23 {offsets = [0, 3], sizes = [1000, 1], strides = [1, 1]} : vector<1000x16xf32> to vector<1000x1xf32>
    %mul3A_48 = vector.broadcast %slice3A_47 : vector<1000x1xf32> to vector<1000x16xf32>
    %mul3A_49 = arith.mulf %slice3A_46, %mul3A_48 : vector<1000x16xf32>
    %add3A_50 = arith.addf %add3A_45, %mul3A_49 : vector<1000x16xf32>
    %slice3A_51 = vector.extract_strided_slice %add3A {offsets = [0, 64], sizes = [1000, 16], strides = [1, 1]} : vector<1000x128xf32> to vector<1000x16xf32>
    %slice3A_52 = vector.extract_strided_slice %div3A_23 {offsets = [0, 4], sizes = [1000, 1], strides = [1, 1]} : vector<1000x16xf32> to vector<1000x1xf32>
    %mul3A_53 = vector.broadcast %slice3A_52 : vector<1000x1xf32> to vector<1000x16xf32>
    %mul3A_54 = arith.mulf %slice3A_51, %mul3A_53 : vector<1000x16xf32>
    %add3A_55 = arith.addf %add3A_50, %mul3A_54 : vector<1000x16xf32>
    %slice3A_56 = vector.extract_strided_slice %add3A {offsets = [0, 80], sizes = [1000, 16], strides = [1, 1]} : vector<1000x128xf32> to vector<1000x16xf32>
    %slice3A_57 = vector.extract_strided_slice %div3A_23 {offsets = [0, 5], sizes = [1000, 1], strides = [1, 1]} : vector<1000x16xf32> to vector<1000x1xf32>
    %mul3A_58 = vector.broadcast %slice3A_57 : vector<1000x1xf32> to vector<1000x16xf32>
    %mul3A_59 = arith.mulf %slice3A_56, %mul3A_58 : vector<1000x16xf32>
    %add3A_60 = arith.addf %add3A_55, %mul3A_59 : vector<1000x16xf32>
    %slice3A_61 = vector.extract_strided_slice %add3A {offsets = [0, 96], sizes = [1000, 16], strides = [1, 1]} : vector<1000x128xf32> to vector<1000x16xf32>
    %slice3A_62 = vector.extract_strided_slice %div3A_23 {offsets = [0, 6], sizes = [1000, 1], strides = [1, 1]} : vector<1000x16xf32> to vector<1000x1xf32>
    %mul3A_63 = vector.broadcast %slice3A_62 : vector<1000x1xf32> to vector<1000x16xf32>
    %mul3A_64 = arith.mulf %slice3A_61, %mul3A_63 : vector<1000x16xf32>
    %add3A_65 = arith.addf %add3A_60, %mul3A_64 : vector<1000x16xf32>
    %slice3A_66 = vector.extract_strided_slice %add3A {offsets = [0, 112], sizes = [1000, 16], strides = [1, 1]} : vector<1000x128xf32> to vector<1000x16xf32>
    %slice3A_67 = vector.extract_strided_slice %div3A_23 {offsets = [0, 7], sizes = [1000, 1], strides = [1, 1]} : vector<1000x16xf32> to vector<1000x1xf32>
    %mul3A_68 = vector.broadcast %slice3A_67 : vector<1000x1xf32> to vector<1000x16xf32>
    %mul3A_69 = arith.mulf %slice3A_66, %mul3A_68 : vector<1000x16xf32>
    %add3A_70 = arith.addf %add3A_65, %mul3A_69 : vector<1000x16xf32>
    %logistic3A = arith.negf %add3A_70 : vector<1000x16xf32>
    %logistic3A_71 = math.exp %logistic3A : vector<1000x16xf32>
    %logistic3A_72 = arith.constant 1.000000e+00 : f32
    %logistic3A_73 = vector.broadcast %logistic3A_72 : f32 to vector<1000x16xf32>
    %logistic3A_74 = arith.addf %logistic3A_73, %logistic3A_71 : vector<1000x16xf32>
    %logistic3A_75 = arith.divf %logistic3A_73, %logistic3A_74 : vector<1000x16xf32>
    %swap3A = arith.constant 0 : index
    %swap3A_76 = arith.constant 0 : index
    %swap3A_77 = vector.load %arg5[%swap3A, %swap3A_76] : memref<1000x16xf32, #tpu.memory_space<vmem>>, vector<1000x16xf32>
    tpu.vector_store %arg5[%swap3A, %swap3A_76], %logistic3A_75 {strides = array<i32>} : memref<1000x16xf32, #tpu.memory_space<vmem>>, vector<1000x16xf32>,
    return
  }
  func.func @transform_0(%arg0: i32) -> (i32, i32) {
    %c0_i32 = arith.constant 0 : i32
    %c0_i32_0 = arith.constant 0 : i32
    return %arg0, %c0_i32 : i32, i32
  }
  func.func @transform_1(%arg0: i32) -> (i32, i32) {
    %c0_i32 = arith.constant 0 : i32
    %c0_i32_0 = arith.constant 0 : i32
    %c0_i32_1 = arith.constant 0 : i32
    return %c0_i32, %c0_i32_0 : i32, i32
  }
  func.func @transform_2(%arg0: i32) -> (i32, i32, i32) {
    %c0_i32 = arith.constant 0 : i32
    %c0_i32_0 = arith.constant 0 : i32
    %c0_i32_1 = arith.constant 0 : i32
    return %c0_i32, %arg0, %c0_i32_0 : i32, i32, i32
  }
  func.func @transform_3(%arg0: i32) -> (i32, i32, i32) {
    %c0_i32 = arith.constant 0 : i32
    %c0_i32_0 = arith.constant 0 : i32
    %c0_i32_1 = arith.constant 0 : i32
    return %c0_i32, %arg0, %c0_i32_0 : i32, i32, i32
  }
  func.func @transform_4(%arg0: i32) -> (i32, i32) {
    %c0_i32 = arith.constant 0 : i32
    %c0_i32_0 = arith.constant 0 : i32
    return %arg0, %c0_i32 : i32, i32
  }
}

</mosaic_0001>

<sc_bundles>
// kernel: kernel.12.cloned.1.call-start
scs
__scs_entry_jumppad:
0x0: {  	(pc) =	sbr.rel $0x88, $3  }
0x1: {  	(tag) =	ssettag $0x0;
	lr =	simm.s32 $0x1  }
0x2: {  	[smem:$0x3F98] =	sst lr;
	_ =	strace $0xD0000000  }
0x3: {  	_ = 	snop  }
0x4: {  	_ = 	snop  }
0x5: {  	_ = 	snop  }
0x6: {  	_ = 	snop  }
0x7: {  	_ = 	snop  }
__scs_overlays_trampoline_lowered:
0x8: {  	[smem:$0x3FA7] =	sst s0  }
0x9: {  	[smem:$0x3FA8] =	sst s1  }
0xa: {  	[smem:$0x3FA9] =	sst s2  }
0xb: {  	[smem:$0x3FAA] =	sst s3  }
0xc: {  	[smem:$0x3FAB] =	sst s4  }
0xd: {  	[smem:$0x3FAC] =	sst s5  }
0xe: {  	[smem:$0x3FAD] =	sst s6  }
0xf: {  	[smem:$0x3FAE] =	sst s7  }
0x10: {  	[smem:$0x3FAF] =	sst s8  }
0x11: {  	[smem:$0x3FB0] =	sst s9;
	s0 =	simm.s32 @!p0 $0x0  }
0x12: {  	s1 =	sld [smem:$0x3F96];
	s0 =	simm.s32 @p0 $0x1  }
0x13: {  	[smem:$0x3FB1] =	sst s0;
	s0 =	simm.s32 @!p1 $0x0  }
0x14: {  	s2 =	sld [smem:$0x3F95];
	s0 =	simm.s32 @p1 $0x1  }
0x15: {  	[smem:$0x3FB2] =	sst s0;
	s0 =	simm.s32 @!p2 $0x0  }
0x16: {  	s3 =	sld [smem:$0x3FDB];
	s0 =	simm.s32 @p2 $0x1  }
0x17: {  	s4 =	simm.s32 $0x1BF5;
	[smem:$0x3FB4] =	sst s0  }
0x18: {  	s0 =	sld [smem:$0x3F97];
	_ =	swait.ge [sflag:s4], $0x0  }
0x19: {  	s7 =	sld [smem:$0x3F98]  }
0x1a: {  	s8 =	sadd.s32 $0xFFFFE003, lr  }
0x1b: {  	s9 =	sadd.s32 $0xFFFFFEF7, lr;
	s5 =	simm.s32 $0xFFFFFFFF;
	p2 =	slt.u32 s8, $0xFFFFF086  }
0x1c: {  	p1 =	slt.u32 s9, $0xF7A;
	s5 =	simm.s32 @!p2 $0x0  }
0x1d: {  	s5 =	simm.s32 @p1 $0x1;
	p0 =	seq.s32 s7, s2  }
0x1e: {  	s7 =	smul.u32 @!p0 $0xF7A, s2;
	p2 =	seq.s32 @!p0 s5, $0x0  }
0x1f: {  	s9 =	smul.u32 $0xF7A, s1;
	s8 =	simm.s32 @!p0 $0x1BF5;
	p2 =	por !p2, p0  }
0x20: {  	[sflag:s8] =	ssyncset.s32 @!p0 $0xFFFFF086;
	s6 =	sadd.s32 @!p0 s3, s7;
	s7 =	simm.s32 @!p0 $0x108  }
0x21: {  	s3 =	sadd.s32 s3, s9;
	s6 =	sadd.s32 @!p0 $0x88, s6;
	s7 =	simm.s32 @p2 $0x1082  }
0x22: {  	[simem:s7], [sflag:s8] =	dma.local @!p0 [hbm:s6], $0xF7A  }
0x23: {  	s9 =	sor.u32 $0xD0000000, s2;
	s6 =	simm.s32 $0x108;
	_ =	swait.ge @!p0 [sflag:s8], $0x0  }
0x24: {  	s3 =	sadd.s32 $0x88, s3;
	s6 =	simm.s32 @!p1 $0x1082;
	[sflag:s4] =	ssyncset.s32 $0xFFFFF086  }
0x25: {  	[simem:s6], [sflag:s4] =	dma.local [hbm:s3], $0xF7A  }
0x26: {  	[smem:$0x3F98] =	sst s1;
	(tag) =	ssettag s2;
	_ =	strace s9  }
0x27: {  	s1 =	sld [smem:$0x3FA8]  }
0x28: {  	s2 =	sld [smem:$0x3FA9]  }
0x29: {  	s4 =	sld [smem:$0x3FAB]  }
0x2a: {  	p0 =	seq.s32 s5, $0x0;
	s5 =	sld [smem:$0x3FAC]  }
0x2b: {  	s6 =	sld [smem:$0x3FAD]  }
0x2c: {  	s7 =	sld [smem:$0x3FAE]  }
0x2d: {  	s3 =	simm.s32 $0x108;
	s8 =	sld [smem:$0x3FAF]  }
0x2e: {  	s3 =	simm.s32 @!p0 $0x1082;
	s9 =	sld [smem:$0x3FB0]  }
0x2f: {  	lr =	sadd.s32 s0, s3;
	s0 =	sld [smem:$0x3FA7]  }
0x30: {  	s3 =	sld [smem:$0x3FAA]  }
0x31: {  	[smem:$0x3FB3] =	sst s10  }
0x32: {  	s10 =	sld [smem:$0x3FB1];
	_ =	sdelay $0x3  }
0x33: {  	p0 =	seq.s32 s10, $0x1;
	s10 =	sld [smem:$0x3FB3];
	_ =	sdelay $0x3  }
0x34: {  	[smem:$0x3FB3] =	sst s10  }
0x35: {  	s10 =	sld [smem:$0x3FB2];
	_ =	sdelay $0x3  }
0x36: {  	p1 =	seq.s32 s10, $0x1;
	s10 =	sld [smem:$0x3FB3];
	_ =	sdelay $0x3  }
0x37: {  	[smem:$0x3FB3] =	sst s10  }
0x38: {  	s10 =	sld [smem:$0x3FB4]  }
0x39: {  	_ = 	snop;
	(pc) =	sbr.ind lr, $3  }
0x3a: {  	_ = 	snop  }
0x3b: {  	_ = 	snop  }
0x3c: {  	p2 =	seq.s32 s10, $0x1;
	s10 =	sld [smem:$0x3FB3]  }
0x3d: {  	_ =	shalt  }
0x3e: {  	_ =	shalt  }
0x3f: {  	_ =	shalt  }
0x40: {  	_ =	shalt  }
0x41: {  	_ =	shalt  }
0x42: {  	_ =	shalt  }
0x43: {  	_ =	shalt  }
0x44: {  	_ =	shalt  }
0x45: {  	_ =	shalt  }
0x46: {  	_ =	shalt  }
0x47: {  	_ =	shalt  }
0x48: {  	_ =	shalt  }
0x49: {  	_ =	shalt  }
0x4a: {  	_ =	shalt  }
0x4b: {  	_ =	shalt  }
0x4c: {  	_ =	shalt  }
0x4d: {  	_ =	shalt  }
0x4e: {  	_ =	shalt  }
0x4f: {  	_ =	shalt  }
0x50: {  	_ =	shalt  }
0x51: {  	_ =	shalt  }
0x52: {  	_ =	shalt  }
0x53: {  	_ =	shalt  }
0x54: {  	_ =	shalt  }
0x55: {  	_ =	shalt  }
0x56: {  	_ =	shalt  }
0x57: {  	_ =	shalt  }
0x58: {  	_ =	shalt  }
0x59: {  	_ =	shalt  }
0x5a: {  	_ =	shalt  }
0x5b: {  	_ =	shalt  }
0x5c: {  	_ =	shalt  }
0x5d: {  	_ =	shalt  }
0x5e: {  	_ =	shalt  }
0x5f: {  	_ =	shalt  }
0x60: {  	_ =	shalt  }
0x61: {  	_ =	shalt  }
0x62: {  	_ =	shalt  }
0x63: {  	_ =	shalt  }
0x64: {  	_ =	shalt  }
0x65: {  	_ =	shalt  }
0x66: {  	_ =	shalt  }
0x67: {  	_ =	shalt  }
0x68: {  	_ =	shalt  }
0x69: {  	_ =	shalt  }
0x6a: {  	_ =	shalt  }
0x6b: {  	_ =	shalt  }
0x6c: {  	_ =	shalt  }
0x6d: {  	_ =	shalt  }
0x6e: {  	_ =	shalt  }
0x6f: {  	_ =	shalt  }
0x70: {  	_ =	shalt  }
0x71: {  	_ =	shalt  }
0x72: {  	_ =	shalt  }
0x73: {  	_ =	shalt  }
0x74: {  	_ =	shalt  }
0x75: {  	_ =	shalt  }
0x76: {  	_ =	shalt  }
0x77: {  	_ =	shalt  }
0x78: {  	_ =	shalt  }
0x79: {  	_ =	shalt  }
0x7a: {  	_ =	shalt  }
0x7b: {  	_ =	shalt  }
0x7c: {  	_ =	shalt  }
0x7d: {  	_ =	shalt  }
0x7e: {  	_ =	shalt  }
0x7f: {  	_ =	shalt  }
0x80: {  	_ =	shalt  }
0x81: {  	_ =	shalt  }
0x82: {  	_ =	shalt  }
0x83: {  	_ =	shalt  }
0x84: {  	_ =	shalt  }
0x85: {  	_ =	shalt  }
0x86: {  	_ =	shalt  }
0x87: {  	_ =	shalt  }
.Lfunc_end0:
.L_simem_size_0:
called_computation.1_lowered:
.L_overlay_start_0:
0x88: {  	s2 =	sld [smem:$0x3FD9]  }
0x89: {  	s3 =	sld [smem:$0x3FFE];
	_ =	sdelay $0x1  }
0x8a: {  	s1 =	srdreg.scid  }
0x8b: {  	s0 =	sand.u32 $0x1, s1  }
0x8c: {  	s17 =	sshll.u32 s0, $0xA;
	s2 =	sadd.s32 s3, s2  }
0x8d: {  	s2 =	sadd.s32 s2, s17  }
0x8e: {  	[smem:$0x3FBF] =	sst s2  }
0x8f: {  	_ = 	snop  }
0x90: {  	s2 =	sld [smem:$0x3FC8]  }
0x91: {  	s18 =	sld [smem:$0x3FD0];
	(tm) =	ssettm $0x1  }
0x92: {  	s4 =	sld [smem:$0x3FFB];
	_ =	sdelay $0x3  }
0x93: {  	_ =	strace s4  }
0x94: {  	s4 =	sld [smem:$0x3FFC];
	_ =	sdelay $0x3  }
0x95: {  	_ =	strace s4  }
0x96: {  	s4 =	sld [smem:$0x3FFD];
	_ =	sdelay $0x3  }
0x97: {  	_ =	strace s4  }
0x98: {  	_ =	strace $0x8FFFFFFF  }
0x99: {  	s19 =	sld [smem:$0x3FDB];
	_ =	sdelay $0x1  }
0x9a: {  	s5 =	simm.s32 $_scs_section_size  }
0x9b: {  	s6 =	simm.s32 $_size__tile_overlayer_lowered;
	s7 =	simm.s32 $_tile_overlayer_lowered  }
0x9c: {  	s22 =	simm.s32 $0x1BFF;
	s21 =	sshll.u32 s7, $0x1;
	s4 =	sadd.s32 s5, s19  }
0x9d: {  	s8 =	simm.s32 $0x0;
	s20 =	sshll.u32 s6, $0x1;
	s6 =	sadd.s32 s21, s4  }
0x9e: {  	[timem:s8], [sflag:s22] =	dma.local [hbm:s6], s20  }
0x9f: {  	_ =	swait.ge [sflag:s22], s20  }
0xa0: {  	s5 =	ssub.s32 $0x0, s20;
	[sflag:s22] =	ssyncset.done $0x0  }
0xa1: {  	[sflag:s22] =	ssyncadd.s32 s5;
	_ =	sdelay $0x1  }
0xa2: {  	s23 =	simm.s32 $0x1B8B  }
0xa3: {  	_ =	swait.ge [sflag:s23], $0x1  }
0xa4: {  	[sflag:s23] =	ssyncset.done $0x0  }
0xa5: {  	s25 =	simm.s32 $0x1B8E;
	s24 =	sld [smem:$0x3FFE];
	[sflag:s23] =	ssyncadd.s32 $0xFFFFFFFF  }
0xa6: {  	s26 =	simm.s32 $execute0_lowered;
	[smem:$0x3FD2] =	sst s25  }
0xa7: {  	s6 =	sshll.u32 s26, $0x1;
	_ =	strace $0x80000049;
	[dreg:$0x1] =	wrdreg $0xFFFFFFFF  }
0xa8: {  	s28 =	simm.s32 $_size_execute0_lowered;
	s4 =	sadd.s32 s4, s6;
	[dreg:$0x0] =	wrdreg $0x0  }
0xa9: {  	s6 =	sshll.u32 s28, $0x1;
	[dreg:$0x2] =	wrdreg s4  }
0xaa: {  	[dreg:$0x3] =	wrdreg s6  }
0xab: {  	[dreg:$0x4] =	wrdreg $0xC0  }
0xac: {  	_ =	task [dreg:s8], $0x5FFFF  }
0xad: {  	[dreg:$0x1] =	wrdreg $0xFFFFFFFF  }
0xae: {  	[dreg:$0x0] =	wrdreg $0x60  }
0xaf: {  	[dreg:$0x2] =	wrdreg s24  }
0xb0: {  	[dreg:$0x3] =	wrdreg s2  }
0xb1: {  	[dreg:$0x4] =	wrdreg s18  }
0xb2: {  	[dreg:$0x5] =	wrdreg $0x69500  }
0xb3: {  	[dreg:$0x6] =	wrdreg $0x9  }
0xb4: {  	_ =	task.clear_ibuf [dreg:s8], $0x7FFFF;
	_ =	strace $0x90000049  }
0xb5: {  	s29 =	simm.s32 $0x9;
	_ =	strace $0x8000004B  }
0xb6: {  	_ =	swait.ge [sflag:s29], $0x1  }
0xb7: {  	[sflag:s29] =	ssyncadd.s32 $0xFFFFFFFF  }
0xb8: {  	_ =	strace $0x9000004B  }
0xb9: {  	_ =	sfence  }
0xba: {  	s30 =	sld [smem:$0x0];
	_ =	sdelay $0x2  }
0xbb: {  	s31 =	sshll.u32 s1, $0xD;
	s1 =	sshrl.u32 s1, $0x2  }
0xbc: {  	s3 =	sand.u32 $0x4000, s31;
	s1 =	sadd.s32 s1, s30  }
0xbd: {  	s0 =	sor.u32 s3, s0;
	s1 =	sshll.u32 s1, $0x11  }
0xbe: {  	s0 =	sor.u32 s1, s0  }
0xbf: {  	s0 =	sadd.s32 $0x8F2B, s0  }
0xc0: {  	[sflag:s0] =	ssyncadd.remote.s32 $0x1  }
0xc1: {  	_ =	sfence.sel $0xFFFF  }
0xc2: {  	[dreg:$0x0] =	wrdreg $0xFFFFFFFF;
	(pc) =	sbr.abs _section_cstart, $3  }
0xc3: {  	[dreg:$0x1] =	wrdreg $0xFFFFFFFF  }
0xc4: {  	_ =	task.clear_ibuf [dreg:s8], $0x2FFFF;
	_ =	strace $0x9FFFFFFF  }
0xc5: {  	(tm) =	ssettm $0x7FFFFFFF  }
tec
execute0_lowered:
.L_overlay_start_1:
0x0: {  	(tag) =	ssettag $0x1  }
0x1: {  	s0 =	rddreg [dreg:$0x0]  }
0x2: {  	s2 =	rddreg [dreg:$0x2]  }
0x3: {  	s4 =	rddreg [dreg:$0x3];
	s12 =	simm.s32 $0x0;
	s10 =	stileid.u32  }
0x4: {  	s3 =	srdreg.scid;
	s17 =	simm.s32 $0x50;
	s18 =	simm.s32 $0x1770  }
0x5: {  	s19 =	simm.s32 $0x1860;
	s20 =	simm.s32 $0x17C0;
	s23 =	simm.s32 $0x4150  }
0x6: {  	s28 =	simm.s32 $0x1;
	s29 =	simm.s32 $0x2060;
	s30 =	simm.s32 $0x2860  }
0x7: {  	s31 =	simm.s32 $0x3060;
	s11 =	simm.s32 $0x6150;
	s13 =	simm.s32 $0x3  }
0x8: {  	[smem:$0x7FF] =	sst s12;
	s1 =	smul.u32 $0x14000, s10;
	s5 =	sadd.s32 $0xBC00, s0  }
0x9: {  	s21 =	sadd.s32 $0x1E00, s0;
	s3 =	sand.u32 $0x1, s3;
	s8 =	sadd.s32 $0x24A00, s0  }
0xa: {  	s25 =	sshll.u32 s10, $0x6;
	_ =	strace $0x8000004A;
	[dreg:$0x6] =	wrdreg s5  }
0xb: {  	s6 =	smul.u32 $0x28000, s3;
	s9 =	ssub.s32 $0x2, s3;
	s3 =	sshll.u32 s3, $0x4  }
0xc: {  	[dreg:$0x7] =	wrdreg s21;
	s21 =	simm.s32 $0x1810;
	s3 =	sor.u32 s10, s3  }
0xd: {  	s22 =	sshrl.u32 s1, $0x3;
	s24 =	sshrl.u32 s9, $0x1;
	s3 =	smul.u32 $0x2710, s3  }
0xe: {  	s1 =	sadd.s32 s1, s4;
	s7 =	sadd.s32 s22, s0;
	s0 =	sadd.s32 s6, s0  }
0xf: {  	s6 =	ssub.s32 s9, s24;
	s7 =	sadd.s32 $0x1D4400, s7;
	[dreg:$0x8] =	wrdreg s3  }
0x10: {  	s9 =	simm.s32 $0x4;
	s26 =	smax.u32 s6, $0x1;
	[dreg:$0x9] =	wrdreg s7  }
0x11: {  	s0 =	sadd.s32 $0x1FC400, s0;
	s6 =	sshrl.u32 s1, $0x3;
	[dreg:$0xb] =	wrdreg s26  }
0x12: {  	s24 =	simm.s32 $0x5950;
	s0 =	sadd.s32 s22, s0;
	[dreg:$0xc] =	wrdreg s6  }
0x13: {  	s7 =	sor.u32 $0x1C04, s25;
	s26 =	simm.s32 $0x4100;
	[dreg:$0xd] =	wrdreg s0  }
0x14: {  	vm0 =	vmmov $0xffff;
	s3 =	simm.s32 $0x2;
	s0 =	simm.s32 $0x3860;
	[dreg:$0xa] =	wrdreg s7  }
.LBB2_1:
0x15: {  	[dreg:$0x5] =	wrdreg s12  }
0x16: {  	s1 =	rddreg [dreg:$0x9]  }
0x17: {  	[spmem:s6], [sflag:s7] =	dma.local [hbm:s1], $0x2800  }
0x18: {  	_ =	swait.ge [sflag:s9], $0x2800  }
0x19: {  	[sflag:s9] =	ssyncset.done $0x0  }
0x1a: {  	[sflag:s9] =	ssyncadd.s32 $0xFFFFD800  }
0x1b: {  	s1 =	simm.s32 $0x0;
	[bflag:$0x0] =	sbarrier.arrive $0xFFFF  }
.LBB2_2:
0x1c: {  	s14 =	smul.u32 $0x7D0, s1  }
0x1d: {  	s5 =	rddreg [dreg:$0x8]  }
0x1e: {  	[dreg:$0xe] =	wrdreg s1;
	s1 =	sadd.s32 s5, s14  }
0x1f: {  	s15 =	rddreg [dreg:$0x6];
	s5 =	sshrl.u32 s1, $0x3  }
0x20: {  	s1 =	simm.s32 $0x0;
	s6 =	sadd.s32 s15, s5  }
0x21: {  	[tilespmem:s1], [sflag:$0x4] =	stream.linear.gather [hbm4b:s6+s1], $0x7D0, $0x38;
	[tilespmem:$0x1A950] =	vst v63  }
0x22: {  	_ =	swait.ge [sflag:s9], $0x7D0  }
0x23: {  	[sflag:s9] =	ssyncset.done $0x0;
	s16 =	rddreg [dreg:$0x7]  }
0x24: {  	s7 =	simm.s32 $0x7D0;
	[sflag:s9] =	ssyncadd.s32 $0xFFFFF830;
	s6 =	sadd.s32 s16, s5  }
0x25: {  	[tilespmem:s7], [sflag:$0x4] =	stream.linear.gather [hbm4b:s6+s1], $0x7D0, $0x38;
	[tilespmem:$0x1A950] =	vst v63  }
0x26: {  	_ =	swait.ge [sflag:s9], $0x7D0  }
0x27: {  	[sflag:s9] =	ssyncset.done $0x0  }
0x28: {  	[sflag:s9] =	ssyncadd.s32 $0xFFFFF830  }
0x29: {  	s22 =	rddreg [dreg:$0x1]  }
0x2a: {  	s25 =	simm.s32 $0xFA0;
	s5 =	sadd.s32 s22, s5  }
0x2b: {  	[tilespmem:s25], [sflag:$0x4] =	stream.linear.gather [hbm4b:s5+s1], $0x7D0, $0x38;
	[tilespmem:$0x1A950] =	vst v63  }
0x2c: {  	_ =	swait.ge [sflag:s9], $0x7D0  }
0x2d: {  	[sflag:s9] =	ssyncset.done $0x0  }
0x2e: {  	[sflag:s9] =	ssyncadd.s32 $0xFFFFF830  }
0x2f: {  	v0 =	vld [tilespmem:$0xFA0]  }
0x30: {  	v1 =	vld [tilespmem:$0x0]  }
0x31: {  	v2 =	vld [tilespmem:$0x7D0]  }
0x32: {  	v3 =	vld [tilespmem:$0xFB0]  }
0x33: {  	v4 =	vld [tilespmem:$0x10]  }
0x34: {  	v5 =	vld [tilespmem:$0x7E0]  }
0x35: {  	v6 =	vld [tilespmem:$0xFC0]  }
0x36: {  	v8 =	vld [tilespmem:$0x7F0]  }
0x37: {  	v12 =	vld [tilespmem:$0x800]  }
0x38: {  	v10 =	vld [tilespmem:$0xFD0]  }
0x39: {  	v7 =	vld [tilespmem:$0x20];
	v2 =	vshll.u32 v2, $0x4  }
0x3a: {  	v11 =	vld [tilespmem:$0x30];
	v9 =	vmul.u32 $0x2710, v0;
	v49 =	vshll.u32 v5, $0x4;
	v0 =	vadd.s32 v0, v2  }
0x3b: {  	v47 =	vld [tilespmem:$0xFE0];
	v55 =	vshll.u32 v8, $0x4;
	v52 =	vadd.s32 v3, v49;
	[tilespmem:$0x17C0] =	vst v0  }
0x3c: {  	v51 =	vld [tilespmem:$0x40];
	v59 =	vshll.u32 v12, $0x4;
	v57 =	vadd.s32 v6, v55;
	[tilespmem:$0x17D0] =	vst v52  }
0x3d: {  	v53 =	vld [tilespmem:$0x810];
	v46 =	vmul.u32 $0x2710, v3;
	v61 =	vadd.s32 v10, v59;
	[tilespmem:$0x17E0] =	vst v57  }
0x3e: {  	v50 =	vmul.u32 $0x2710, v6;
	v1 =	vadd.s32 v1, v9;
	[tilespmem:$0x17F0] =	vst v61  }
0x3f: {  	v56 =	vmul.u32 $0x2710, v10;
	v48 =	vadd.s32 v4, v46;
	[tilespmem:$0x1770] =	vst v1  }
0x40: {  	v60 =	vmul.u32 $0x2710, v47;
	v54 =	vadd.s32 v7, v50;
	[tilespmem:$0x1780] =	vst v48  }
0x41: {  	v58 =	vadd.s32 v11, v56;
	[tilespmem:$0x1790] =	vst v54  }
0x42: {  	v2 =	vshll.u32 v53, $0x4;
	v62 =	vadd.s32 v51, v60;
	[tilespmem:$0x17A0] =	vst v58  }
0x43: {  	v63 =	vadd.s32 v47, v2;
	[tilespmem:$0x17B0] =	vst v62  }
0x44: {  	[tilespmem:$0x1800] =	vst v63  }
0x45: {  	[tilespmem:s19], [sflag:$0x1] =	stream.indirect.gather [hbm4b:s8+s17], $0x80, s18, s17, $0xb8;
	[tilespmem:$0x1A950] =	vst v63  }
0x46: {  	_ = 	snop  }
0x47: {  	[tilespmem:s21], [sflag:$0x1] =	stream.indirect.gather [hbm4b:s2+s17], $0x1, s20, s17, $0xb8;
	[tilespmem:$0x1A950] =	vst v63  }
.LBB2_3:
0x48: {  	s14 =	smul.u32 $0xA0, s1;
	_ =	sdelay $0x1  }
0x49: {  	v0 =	vld [tilespmem:s14+$0xFF0];
	_ =	sdelay $0x1  }
0x4a: {  	v1 =	vld [tilespmem:s14+$0x50];
	_ =	sdelay $0x2  }
0x4b: {  	v2 =	vmul.u32 $0x2710, v0;
	_ =	sdelay $0x1  }
0x4c: {  	v1 =	vadd.s32 v1, v2  }
0x4d: {  	[tilespmem:$0x4060] =	vst v1  }
0x4e: {  	v1 =	vld [tilespmem:s14+$0x820];
	_ =	sdelay $0x4  }
0x4f: {  	v1 =	vshll.u32 v1, $0x4  }
0x50: {  	v0 =	vadd.s32 v0, v1  }
0x51: {  	[tilespmem:$0x40B0] =	vst v0  }
0x52: {  	v0 =	vld [tilespmem:s14+$0x1000];
	_ =	sdelay $0x1  }
0x53: {  	v1 =	vld [tilespmem:s14+$0x60];
	_ =	sdelay $0x2  }
0x54: {  	v2 =	vmul.u32 $0x2710, v0;
	_ =	sdelay $0x1  }
0x55: {  	v1 =	vadd.s32 v1, v2  }
0x56: {  	[tilespmem:$0x4070] =	vst v1  }
0x57: {  	v1 =	vld [tilespmem:s14+$0x830];
	_ =	sdelay $0x4  }
0x58: {  	v1 =	vshll.u32 v1, $0x4  }
0x59: {  	v0 =	vadd.s32 v0, v1  }
0x5a: {  	[tilespmem:$0x40C0] =	vst v0  }
0x5b: {  	v0 =	vld [tilespmem:s14+$0x1010];
	_ =	sdelay $0x1  }
0x5c: {  	v1 =	vld [tilespmem:s14+$0x70];
	_ =	sdelay $0x2  }
0x5d: {  	v2 =	vmul.u32 $0x2710, v0;
	_ =	sdelay $0x1  }
0x5e: {  	v1 =	vadd.s32 v1, v2  }
0x5f: {  	[tilespmem:$0x4080] =	vst v1  }
0x60: {  	v1 =	vld [tilespmem:s14+$0x840];
	_ =	sdelay $0x4  }
0x61: {  	v1 =	vshll.u32 v1, $0x4  }
0x62: {  	v0 =	vadd.s32 v0, v1  }
0x63: {  	[tilespmem:$0x40D0] =	vst v0  }
0x64: {  	v0 =	vld [tilespmem:s14+$0x1020];
	_ =	sdelay $0x1  }
0x65: {  	v1 =	vld [tilespmem:s14+$0x80];
	_ =	sdelay $0x2  }
0x66: {  	v2 =	vmul.u32 $0x2710, v0;
	_ =	sdelay $0x1  }
0x67: {  	v1 =	vadd.s32 v1, v2  }
0x68: {  	[tilespmem:$0x4090] =	vst v1  }
0x69: {  	v1 =	vld [tilespmem:s14+$0x850];
	_ =	sdelay $0x4  }
0x6a: {  	v1 =	vshll.u32 v1, $0x4  }
0x6b: {  	v0 =	vadd.s32 v0, v1  }
0x6c: {  	[tilespmem:$0x40E0] =	vst v0  }
0x6d: {  	v0 =	vld [tilespmem:s14+$0x1030];
	_ =	sdelay $0x1  }
0x6e: {  	v1 =	vld [tilespmem:s14+$0x90];
	_ =	sdelay $0x2  }
0x6f: {  	v2 =	vmul.u32 $0x2710, v0;
	_ =	sdelay $0x1  }
0x70: {  	v1 =	vadd.s32 v1, v2  }
0x71: {  	[tilespmem:$0x40A0] =	vst v1  }
0x72: {  	v1 =	vld [tilespmem:s14+$0x860];
	_ =	sdelay $0x4  }
0x73: {  	v1 =	vshll.u32 v1, $0x4  }
0x74: {  	v0 =	vadd.s32 v0, v1  }
0x75: {  	s5 =	simm.s32 $0x4060;
	[tilespmem:$0x40F0] =	vst v0  }
0x76: {  	[tilespmem:s23], [sflag:$0x2] =	stream.indirect.gather [hbm4b:s8+s17], $0x80, s5, s17, $0xb8;
	[tilespmem:$0x1A950] =	vst v63  }
0x77: {  	s16 =	simm.s32 $0x40B0;
	s22 =	simm.s32 $0x0  }
0x78: {  	v0 =	vmov s22;
	[tilespmem:s26], [sflag:$0x2] =	stream.indirect.gather [hbm4b:s2+s17], $0x1, s16, s17, $0xb8;
	[tilespmem:$0x1A950] =	vst v63  }
0x79: {  	v0 =	vand.u32 $0xFFFFFFFC, v0;
	_ =	swait.ge [sflag:s28], $0x2800  }
0x7a: {  	v0 =	vbroadcast v0, $0x0;
	[sflag:s28] =	ssyncset.done $0x0  }
0x7b: {  	[sflag:s28] =	ssyncadd.s32 $0xFFFFD800  }
0x7c: {  	_ =	swait.ge [sflag:s28], $0x50  }
0x7d: {  	[sflag:s28] =	ssyncset.done $0x0  }
0x7e: {  	s5 =	simm.s32 $0x1960;
	[sflag:s28] =	ssyncadd.s32 $0xFFFFFFB0  }
0x7f: {  	v2 =	vld [tilespmem:s5+$0xFFFFFF70]  }
0x80: {  	v0 =	vld.idx.msk [tilespmem:v0+s21+$0x0], $0xffff  }
0x81: {  	v3 =	vld [tilespmem:s5+$0xFFFFFF00]  }
0x82: {  	v4 =	vld [tilespmem:s5+$0xFFFFFF20]  }
0x83: {  	v5 =	vld [tilespmem:s5+$0xFFFFFF30]  }
0x84: {  	v1 =	vld [tilespmem:s5+$0xFFFFFF50]  }
0x85: {  	v7 =	vld [tilespmem:s5+$0xFFFFFF10];
	v2 =	vmul.f32 v2, v0  }
0x86: {  	s6 =	simm.s32 $0x1;
	v6 =	vld [tilespmem:s5+$0xFFFFFF60];
	v3 =	vmul.f32 v3, v0  }
0x87: {  	v8 =	vld [tilespmem:s5+$0xFFFFFF40];
	v4 =	vmul.f32 v4, v0;
	[tilespmem:s5+$0xFFFFFF70] =	vst v2;
	v2 =	vmov s6  }
0x88: {  	v5 =	vmul.f32 v5, v0;
	[tilespmem:s5+$0xFFFFFF00] =	vst v3;
	v2 =	vand.u32 $0xFFFFFFFD, v2  }
0x89: {  	v1 =	vmul.f32 v1, v0;
	[tilespmem:s5+$0xFFFFFF20] =	vst v4;
	v2 =	vbroadcast v2, $0x0  }
0x8a: {  	v3 =	vmul.f32 v7, v0;
	[tilespmem:s5+$0xFFFFFF30] =	vst v5  }
0x8b: {  	v4 =	vmul.f32 v6, v0;
	[tilespmem:s5+$0xFFFFFF50] =	vst v1  }
0x8c: {  	v0 =	vmul.f32 v8, v0;
	[tilespmem:s5+$0xFFFFFF10] =	vst v3  }
0x8d: {  	[tilespmem:s5+$0xFFFFFF60] =	vst v4  }
0x8e: {  	[tilespmem:s5+$0xFFFFFF40] =	vst v0;
	v0 =	vld [tilespmem:s5+$0xFFFFFF80]  }
0x8f: {  	v2 =	vld.idx.msk [tilespmem:v2+s21+$0x0], $0xffff  }
0x90: {  	v1 =	vld [tilespmem:s5+$0xFFFFFFA0]  }
0x91: {  	v3 =	vld [tilespmem:s5+$0xFFFFFF90]  }
0x92: {  	v4 =	vld [tilespmem:s5+$0xFFFFFFD0]  }
0x93: {  	v5 =	vld [tilespmem:s5+$0xFFFFFFE0]  }
0x94: {  	v6 =	vld [tilespmem:s5+$0xFFFFFFF0];
	v0 =	vmul.f32 v0, v2  }
0x95: {  	s25 =	simm.s32 $0x2;
	v7 =	vld [tilespmem:s5+$0xFFFFFFB0];
	v1 =	vmul.f32 v1, v2  }
0x96: {  	v8 =	vld [tilespmem:s5+$0xFFFFFFC0];
	v3 =	vmul.f32 v3, v2;
	[tilespmem:s5+$0xFFFFFF80] =	vst v0;
	v0 =	vmov s25  }
0x97: {  	v4 =	vmul.f32 v4, v2;
	[tilespmem:s5+$0xFFFFFFA0] =	vst v1;
	v0 =	vand.u32 $0xFFFFFFFE, v0  }
0x98: {  	v1 =	vmul.f32 v5, v2;
	[tilespmem:s5+$0xFFFFFF90] =	vst v3;
	v5 =	vld [tilespmem:s5+$0x0];
	v9 =	vbroadcast v0, $0x0  }
0x99: {  	v3 =	vmul.f32 v6, v2;
	[tilespmem:s5+$0xFFFFFFD0] =	vst v4;
	v6 =	vld [tilespmem:s5+$0x30]  }
0x9a: {  	v4 =	vmul.f32 v7, v2;
	v0 =	vld [tilespmem:s5+$0x40];
	[tilespmem:s5+$0xFFFFFFE0] =	vst v1  }
0x9b: {  	v2 =	vmul.f32 v8, v2;
	v1 =	vld [tilespmem:s5+$0x70];
	[tilespmem:s5+$0xFFFFFFF0] =	vst v3  }
0x9c: {  	s10 =	simm.s32 $0x1960;
	s9 =	sadd.s32 $0x50, s14;
	[tilespmem:s5+$0xFFFFFFB0] =	vst v4;
	v3 =	vld [tilespmem:s5+$0x20]  }
0x9d: {  	s7 =	sadd.s32 $0x70, s14;
	s15 =	sadd.s32 $0x90, s14;
	s22 =	simm.s32 $0x3;
	[tilespmem:s5+$0xFFFFFFC0] =	vst v2;
	v4 =	vld [tilespmem:s5+$0x10]  }
0x9e: {  	s16 =	sadd.s32 $0x80, s14;
	s6 =	sadd.s32 $0x60, s14;
	s25 =	simm.s32 $0x7;
	v2 =	vld.idx.msk [tilespmem:v9+s21+$0x0], $0xffff  }
.LBB2_4:
0x9f: {  	p0 =	sne.s32 s25, $0x4F  }
0xa0: {  	v7 =	vld [tilespmem:s5+$0x50];
	s10 =	sadd.s32 $0x200, s10;
	s12 =	smov.u32 s25;
	s25 =	sadd.s32 $0x4, s25  }
0xa1: {  	v8 =	vld [tilespmem:s5+$0x60];
	_ =	sdelay $0x1  }
0xa2: {  	v5 =	vmul.f32 v5, v2;
	v4 =	vmul.f32 v4, v2  }
0xa3: {  	v3 =	vmul.f32 v3, v2;
	v6 =	vmul.f32 v6, v2  }
0xa4: {  	v0 =	vmul.f32 v0, v2;
	v1 =	vmul.f32 v1, v2;
	[tilespmem:s5+$0x0] =	vst v5  }
0xa5: {  	[tilespmem:s5+$0x20] =	vst v3;
	v3 =	vmul.f32 v7, v2;
	v2 =	vmul.f32 v8, v2  }
0xa6: {  	[tilespmem:s5+$0x30] =	vst v6;
	v5 =	vld [tilespmem:s5+$0x80]  }
0xa7: {  	[tilespmem:s5+$0x60] =	vst v2;
	v2 =	vmov s22;
	v6 =	vld [tilespmem:s5+$0xD0];
	s22 =	smov.u32 s12  }
0xa8: {  	[tilespmem:s5+$0x50] =	vst v3;
	v3 =	vld [tilespmem:s5+$0xE0]  }
0xa9: {  	[tilespmem:s5+$0x40] =	vst v0;
	v7 =	vld [tilespmem:s5+$0xB0]  }
0xaa: {  	v0 =	vld [tilespmem:s10+$0x40];
	[tilespmem:s5+$0x70] =	vst v1  }
0xab: {  	v1 =	vld [tilespmem:s10+$0x70];
	[tilespmem:s5+$0x10] =	vst v4  }
0xac: {  	v2 =	vld.idx.msk [tilespmem:v2+s21+$0x0], $0xffff  }
0xad: {  	v4 =	vld [tilespmem:s5+$0x90]  }
0xae: {  	v8 =	vld [tilespmem:s5+$0xA0]  }
0xaf: {  	v9 =	vld [tilespmem:s5+$0xC0]  }
0xb0: {  	v10 =	vld [tilespmem:s5+$0xF0];
	_ =	sdelay $0x1  }
0xb1: {  	v5 =	vmul.f32 v5, v2;
	v4 =	vmul.f32 v4, v2  }
0xb2: {  	s12 =	sadd.s32 $0xFFFFFFFD, s22;
	v7 =	vmul.f32 v7, v2;
	v8 =	vmul.f32 v8, v2  }
0xb3: {  	v11 =	vmov s12;
	v6 =	vmul.f32 v6, v2;
	[tilespmem:s5+$0x80] =	vst v5;
	v5 =	vmul.f32 v9, v2  }
0xb4: {  	v3 =	vmul.f32 v3, v2;
	v9 =	vand.u32 $0xFFFFFFFC, v11;
	[tilespmem:s5+$0x90] =	vst v4;
	v2 =	vmul.f32 v10, v2  }
0xb5: {  	v4 =	vbroadcast v9, $0x0;
	[tilespmem:s5+$0xA0] =	vst v8  }
0xb6: {  	[tilespmem:s5+$0xD0] =	vst v6  }
0xb7: {  	v6 =	vld [tilespmem:s10+$0xFFFFFF50];
	[tilespmem:s5+$0xB0] =	vst v7  }
0xb8: {  	v7 =	vld [tilespmem:s10+$0xFFFFFF30];
	[tilespmem:s5+$0xC0] =	vst v5  }
0xb9: {  	v5 =	vld [tilespmem:s10+$0xFFFFFF60];
	[tilespmem:s5+$0xE0] =	vst v3  }
0xba: {  	v3 =	vld [tilespmem:s10+$0xFFFFFF70];
	[tilespmem:s5+$0xF0] =	vst v2;
	s5 =	smov.u32 s10  }
0xbb: {  	v2 =	vld.idx.msk [tilespmem:v4+s21+$0x0], $0xffff  }
0xbc: {  	v4 =	vld [tilespmem:s10+$0xFFFFFF00]  }
0xbd: {  	v8 =	vld [tilespmem:s10+$0xFFFFFF20]  }
0xbe: {  	v9 =	vld [tilespmem:s10+$0xFFFFFF10]  }
0xbf: {  	v10 =	vld [tilespmem:s10+$0xFFFFFF40];
	_ =	sdelay $0x1  }
0xc0: {  	v3 =	vmul.f32 v3, v2;
	v4 =	vmul.f32 v4, v2  }
0xc1: {  	s12 =	sadd.s32 $0xFFFFFFFE, s22;
	v5 =	vmul.f32 v5, v2;
	v8 =	vmul.f32 v8, v2  }
0xc2: {  	v7 =	vmul.f32 v7, v2;
	v9 =	vmul.f32 v9, v2;
	[tilespmem:s10+$0xFFFFFF70] =	vst v3;
	v3 =	vmov s12  }
0xc3: {  	[tilespmem:s10+$0xFFFFFF00] =	vst v4;
	v4 =	vmul.f32 v10, v2;
	v2 =	vmul.f32 v6, v2;
	v3 =	vand.u32 $0xFFFFFFFD, v3  }
0xc4: {  	[tilespmem:s10+$0xFFFFFF20] =	vst v8;
	v3 =	vbroadcast v3, $0x0  }
0xc5: {  	[tilespmem:s10+$0xFFFFFF30] =	vst v7  }
0xc6: {  	[tilespmem:s10+$0xFFFFFF50] =	vst v2;
	v2 =	vld [tilespmem:s10+$0xFFFFFFF0]  }
0xc7: {  	[tilespmem:s10+$0xFFFFFF10] =	vst v9;
	v6 =	vld [tilespmem:s10+$0xFFFFFFD0]  }
0xc8: {  	[tilespmem:s10+$0xFFFFFF60] =	vst v5;
	v5 =	vld [tilespmem:s10+$0xFFFFFFB0]  }
0xc9: {  	[tilespmem:s10+$0xFFFFFF40] =	vst v4;
	v4 =	vld [tilespmem:s10+$0xFFFFFF90]  }
0xca: {  	v3 =	vld.idx.msk [tilespmem:v3+s21+$0x0], $0xffff  }
0xcb: {  	v7 =	vld [tilespmem:s10+$0xFFFFFF80]  }
0xcc: {  	v8 =	vld [tilespmem:s10+$0xFFFFFFA0]  }
0xcd: {  	v9 =	vld [tilespmem:s10+$0xFFFFFFC0]  }
0xce: {  	v10 =	vld [tilespmem:s10+$0xFFFFFFE0];
	_ =	sdelay $0x1  }
0xcf: {  	v4 =	vmul.f32 v4, v3;
	v7 =	vmul.f32 v7, v3  }
0xd0: {  	s12 =	sadd.s32 $0xFFFFFFFF, s22;
	v5 =	vmul.f32 v5, v3;
	v8 =	vmul.f32 v8, v3  }
0xd1: {  	v6 =	vmul.f32 v6, v3;
	[tilespmem:s10+$0xFFFFFF80] =	vst v7;
	v7 =	vmul.f32 v9, v3;
	v9 =	vmov s12  }
0xd2: {  	v2 =	vmul.f32 v2, v3;
	[tilespmem:s10+$0xFFFFFFA0] =	vst v8;
	v8 =	vmul.f32 v10, v3;
	v3 =	vand.u32 $0xFFFFFFFE, v9  }
0xd3: {  	[tilespmem:s10+$0xFFFFFF90] =	vst v4;
	v4 =	vbroadcast v3, $0x0  }
0xd4: {  	[tilespmem:s10+$0xFFFFFFD0] =	vst v6  }
0xd5: {  	[tilespmem:s10+$0xFFFFFFE0] =	vst v8  }
0xd6: {  	[tilespmem:s10+$0xFFFFFFB0] =	vst v5  }
.Ltmp0:
0xd7: {  	[tilespmem:s10+$0xFFFFFFF0] =	vst v2;
	v3 =	vld [tilespmem:s10+$0x20];
	(pc) =	sbr.rel @p0 .LBB2_4-.Ltmp0, $4  }
0xd8: {  	[tilespmem:s10+$0xFFFFFFC0] =	vst v7;
	v5 =	vld [tilespmem:s10+$0x0]  }
0xd9: {  	v2 =	vld.idx.msk [tilespmem:v4+s21+$0x0], $0xffff  }
0xda: {  	v4 =	vld [tilespmem:s10+$0x10]  }
0xdb: {  	v6 =	vld [tilespmem:s10+$0x30]  }
0xdc: {  	v7 =	vld [tilespmem:s5+$0x60];
	_ =	sdelay $0x1  }
0xdd: {  	v5 =	vmul.f32 v5, v2  }
0xde: {  	v8 =	vld [tilespmem:s5+$0x50];
	v3 =	vmul.f32 v3, v2  }
0xdf: {  	v0 =	vmul.f32 v0, v2;
	[tilespmem:s5+$0x0] =	vst v5  }
0xe0: {  	[tilespmem:s5+$0x20] =	vst v3;
	v3 =	vmul.f32 v7, v2  }
0xe1: {  	v1 =	vmul.f32 v1, v2;
	[tilespmem:s5+$0x40] =	vst v0  }
0xe2: {  	v6 =	vmul.f32 v6, v2;
	[tilespmem:s5+$0x60] =	vst v3;
	v3 =	vmov s22  }
0xe3: {  	[tilespmem:s5+$0x70] =	vst v1;
	v5 =	vmul.f32 v8, v2  }
0xe4: {  	v2 =	vmul.f32 v4, v2;
	[tilespmem:s5+$0x30] =	vst v6  }
0xe5: {  	[tilespmem:s5+$0x50] =	vst v5  }
0xe6: {  	v6 =	vld [tilespmem:s5+$0x80];
	[tilespmem:s5+$0x10] =	vst v2  }
0xe7: {  	v0 =	vld.idx.msk [tilespmem:v3+s21+$0x0], $0xffff  }
0xe8: {  	v1 =	vld [tilespmem:s5+$0x90]  }
0xe9: {  	v2 =	vld [tilespmem:s5+$0xA0]  }
0xea: {  	v3 =	vld [tilespmem:s5+$0xD0]  }
0xeb: {  	v4 =	vld [tilespmem:s5+$0xB0]  }
0xec: {  	v5 =	vld [tilespmem:s5+$0xC0];
	v6 =	vmul.f32 v6, v0  }
0xed: {  	v7 =	vld [tilespmem:s5+$0xE0];
	v1 =	vmul.f32 v1, v0  }
0xee: {  	v8 =	vld [tilespmem:s5+$0xF0];
	v2 =	vmul.f32 v2, v0;
	[tilespmem:s5+$0x80] =	vst v6  }
0xef: {  	v3 =	vmul.f32 v3, v0;
	[tilespmem:s5+$0x90] =	vst v1  }
0xf0: {  	v1 =	vmul.f32 v4, v0;
	[tilespmem:s5+$0xA0] =	vst v2  }
0xf1: {  	v2 =	vmul.f32 v5, v0;
	[tilespmem:s5+$0xD0] =	vst v3  }
0xf2: {  	v3 =	vmul.f32 v7, v0;
	[tilespmem:s5+$0xB0] =	vst v1  }
0xf3: {  	v0 =	vmul.f32 v8, v0;
	[tilespmem:s5+$0xC0] =	vst v2  }
0xf4: {  	[tilespmem:s5+$0xE0] =	vst v3  }
0xf5: {  	[tilespmem:s5+$0xF0] =	vst v0  }
0xf6: {  	v0 =	vld [tilespmem:s14+$0x7D0];
	_ =	sdelay $0x7  }
0xf7: {  	[spmem:s4] =	stream.indirect_vreg.scatter.add.f32 [tilespmem:s19], [sflag:$0x3], $0x80, v0, vm0, $0xb8;
	[tilespmem:$0x1A950] =	vst v63  }
0xf8: {  	v0 =	vld [tilespmem:s14+$0x7E0];
	_ =	sdelay $0x7  }
0xf9: {  	[spmem:s4] =	stream.indirect_vreg.scatter.add.f32 [tilespmem:s29], [sflag:$0x3], $0x80, v0, vm0, $0xb8;
	[tilespmem:$0x1A950] =	vst v63  }
0xfa: {  	v0 =	vld [tilespmem:s14+$0x7F0];
	_ =	sdelay $0x7  }
0xfb: {  	[spmem:s4] =	stream.indirect_vreg.scatter.add.f32 [tilespmem:s30], [sflag:$0x3], $0x80, v0, vm0, $0xb8;
	[tilespmem:$0x1A950] =	vst v63  }
0xfc: {  	v0 =	vld [tilespmem:s14+$0x800];
	_ =	sdelay $0x7  }
0xfd: {  	[spmem:s4] =	stream.indirect_vreg.scatter.add.f32 [tilespmem:s31], [sflag:$0x3], $0x80, v0, vm0, $0xb8;
	[tilespmem:$0x1A950] =	vst v63  }
0xfe: {  	v0 =	vld [tilespmem:s14+$0x810];
	_ =	sdelay $0x6  }
0xff: {  	s5 =	simm.s32 $0x3  }
0x100: {  	[spmem:s4] =	stream.indirect_vreg.scatter.add.f32 [tilespmem:s0], [sflag:$0x3], $0x80, v0, vm0, $0xb8;
	[tilespmem:$0x1A950] =	vst v63  }
0x101: {  	_ =	swait.ge [sflag:s5], $0x800  }
0x102: {  	[sflag:s5] =	ssyncset.done $0x0  }
0x103: {  	[sflag:s5] =	ssyncadd.s32 $0xFFFFF800  }
0x104: {  	_ =	swait.ge [sflag:s5], $0x800  }
0x105: {  	[sflag:s5] =	ssyncset.done $0x0  }
0x106: {  	[sflag:s5] =	ssyncadd.s32 $0xFFFFF800  }
0x107: {  	_ =	swait.ge [sflag:s5], $0x800  }
0x108: {  	[sflag:s5] =	ssyncset.done $0x0  }
0x109: {  	[sflag:s5] =	ssyncadd.s32 $0xFFFFF800  }
0x10a: {  	_ =	swait.ge [sflag:s5], $0x800  }
0x10b: {  	[sflag:s5] =	ssyncset.done $0x0  }
0x10c: {  	[sflag:s5] =	ssyncadd.s32 $0xFFFFF800  }
0x10d: {  	_ =	swait.ge [sflag:s5], $0x800  }
0x10e: {  	[sflag:s5] =	ssyncset.done $0x0  }
0x10f: {  	[sflag:s5] =	ssyncadd.s32 $0xFFFFF800  }
0x110: {  	v0 =	vld [tilespmem:s14+$0x1040];
	_ =	sdelay $0x1  }
0x111: {  	v1 =	vld [tilespmem:s14+$0xA0];
	_ =	sdelay $0x2  }
0x112: {  	v2 =	vmul.u32 $0x2710, v0;
	_ =	sdelay $0x1  }
0x113: {  	v1 =	vadd.s32 v1, v2  }
0x114: {  	[tilespmem:$0x1770] =	vst v1  }
0x115: {  	v1 =	vld [tilespmem:s14+$0x870];
	_ =	sdelay $0x4  }
0x116: {  	v1 =	vshll.u32 v1, $0x4  }
0x117: {  	v0 =	vadd.s32 v0, v1  }
0x118: {  	[tilespmem:$0x17C0] =	vst v0  }
0x119: {  	v0 =	vld [tilespmem:s14+$0x1050];
	_ =	sdelay $0x1  }
0x11a: {  	v1 =	vld [tilespmem:s14+$0xB0];
	_ =	sdelay $0x2  }
0x11b: {  	v2 =	vmul.u32 $0x2710, v0;
	_ =	sdelay $0x1  }
0x11c: {  	v1 =	vadd.s32 v1, v2  }
0x11d: {  	[tilespmem:$0x1780] =	vst v1  }
0x11e: {  	v1 =	vld [tilespmem:s14+$0x880];
	_ =	sdelay $0x4  }
0x11f: {  	v1 =	vshll.u32 v1, $0x4  }
0x120: {  	v0 =	vadd.s32 v0, v1  }
0x121: {  	[tilespmem:$0x17D0] =	vst v0  }
0x122: {  	v0 =	vld [tilespmem:s14+$0x1060];
	_ =	sdelay $0x1  }
0x123: {  	v1 =	vld [tilespmem:s14+$0xC0];
	_ =	sdelay $0x2  }
0x124: {  	v2 =	vmul.u32 $0x2710, v0;
	_ =	sdelay $0x1  }
0x125: {  	v1 =	vadd.s32 v1, v2  }
0x126: {  	[tilespmem:$0x1790] =	vst v1  }
0x127: {  	v1 =	vld [tilespmem:s14+$0x890];
	_ =	sdelay $0x4  }
0x128: {  	v1 =	vshll.u32 v1, $0x4  }
0x129: {  	v0 =	vadd.s32 v0, v1  }
0x12a: {  	[tilespmem:$0x17E0] =	vst v0  }
0x12b: {  	v0 =	vld [tilespmem:s14+$0x1070];
	_ =	sdelay $0x1  }
0x12c: {  	v1 =	vld [tilespmem:s14+$0xD0];
	_ =	sdelay $0x2  }
0x12d: {  	v2 =	vmul.u32 $0x2710, v0;
	_ =	sdelay $0x1  }
0x12e: {  	v1 =	vadd.s32 v1, v2  }
0x12f: {  	[tilespmem:$0x17A0] =	vst v1  }
0x130: {  	v1 =	vld [tilespmem:s14+$0x8A0];
	_ =	sdelay $0x4  }
0x131: {  	v1 =	vshll.u32 v1, $0x4  }
0x132: {  	v0 =	vadd.s32 v0, v1  }
0x133: {  	[tilespmem:$0x17F0] =	vst v0  }
0x134: {  	v0 =	vld [tilespmem:s14+$0x1080];
	_ =	sdelay $0x1  }
0x135: {  	v1 =	vld [tilespmem:s14+$0xE0];
	_ =	sdelay $0x2  }
0x136: {  	v2 =	vmul.u32 $0x2710, v0;
	_ =	sdelay $0x1  }
0x137: {  	v1 =	vadd.s32 v1, v2  }
0x138: {  	[tilespmem:$0x17B0] =	vst v1  }
0x139: {  	v1 =	vld [tilespmem:s14+$0x8B0];
	_ =	sdelay $0x4  }
0x13a: {  	v1 =	vshll.u32 v1, $0x4  }
0x13b: {  	v0 =	vadd.s32 v0, v1  }
0x13c: {  	[tilespmem:$0x1800] =	vst v0  }
0x13d: {  	[tilespmem:s19], [sflag:$0x1] =	stream.indirect.gather [hbm4b:s8+s17], $0x80, s18, s17, $0xb8;
	[tilespmem:$0x1A950] =	vst v63  }
0x13e: {  	s10 =	simm.s32 $0x0  }
0x13f: {  	v0 =	vmov s10;
	[tilespmem:s21], [sflag:$0x1] =	stream.indirect.gather [hbm4b:s2+s17], $0x1, s20, s17, $0xb8;
	[tilespmem:$0x1A950] =	vst v63  }
0x140: {  	v0 =	vand.u32 $0xFFFFFFFC, v0;
	_ =	swait.ge [sflag:s3], $0x2800  }
0x141: {  	v0 =	vbroadcast v0, $0x0;
	[sflag:s3] =	ssyncset.done $0x0  }
0x142: {  	[sflag:s3] =	ssyncadd.s32 $0xFFFFD800  }
0x143: {  	_ =	swait.ge [sflag:s3], $0x50  }
0x144: {  	[sflag:s3] =	ssyncset.done $0x0  }
0x145: {  	s14 =	simm.s32 $0x4250;
	[sflag:s3] =	ssyncadd.s32 $0xFFFFFFB0  }
0x146: {  	v2 =	vld [tilespmem:s14+$0xFFFFFF70]  }
0x147: {  	v0 =	vld.idx.msk [tilespmem:v0+s26+$0x0], $0xffff  }
0x148: {  	v3 =	vld [tilespmem:s14+$0xFFFFFF00]  }
0x149: {  	v4 =	vld [tilespmem:s14+$0xFFFFFF20]  }
0x14a: {  	v5 =	vld [tilespmem:s14+$0xFFFFFF30]  }
0x14b: {  	v1 =	vld [tilespmem:s14+$0xFFFFFF50]  }
0x14c: {  	v7 =	vld [tilespmem:s14+$0xFFFFFF10];
	v2 =	vmul.f32 v2, v0  }
0x14d: {  	s22 =	simm.s32 $0x1;
	v6 =	vld [tilespmem:s14+$0xFFFFFF60];
	v3 =	vmul.f32 v3, v0  }
0x14e: {  	v8 =	vld [tilespmem:s14+$0xFFFFFF40];
	v4 =	vmul.f32 v4, v0;
	[tilespmem:s14+$0xFFFFFF70] =	vst v2;
	v2 =	vmov s22  }
0x14f: {  	v5 =	vmul.f32 v5, v0;
	[tilespmem:s14+$0xFFFFFF00] =	vst v3;
	v2 =	vand.u32 $0xFFFFFFFD, v2  }
0x150: {  	v1 =	vmul.f32 v1, v0;
	[tilespmem:s14+$0xFFFFFF20] =	vst v4;
	v2 =	vbroadcast v2, $0x0  }
0x151: {  	v3 =	vmul.f32 v7, v0;
	[tilespmem:s14+$0xFFFFFF30] =	vst v5  }
0x152: {  	v4 =	vmul.f32 v6, v0;
	[tilespmem:s14+$0xFFFFFF50] =	vst v1  }
0x153: {  	v0 =	vmul.f32 v8, v0;
	[tilespmem:s14+$0xFFFFFF10] =	vst v3  }
0x154: {  	[tilespmem:s14+$0xFFFFFF60] =	vst v4  }
0x155: {  	[tilespmem:s14+$0xFFFFFF40] =	vst v0;
	v0 =	vld [tilespmem:s14+$0xFFFFFF80]  }
0x156: {  	v2 =	vld.idx.msk [tilespmem:v2+s26+$0x0], $0xffff  }
0x157: {  	v1 =	vld [tilespmem:s14+$0xFFFFFFA0]  }
0x158: {  	v3 =	vld [tilespmem:s14+$0xFFFFFF90]  }
0x159: {  	v4 =	vld [tilespmem:s14+$0xFFFFFFD0]  }
0x15a: {  	v5 =	vld [tilespmem:s14+$0xFFFFFFE0]  }
0x15b: {  	v6 =	vld [tilespmem:s14+$0xFFFFFFF0];
	v0 =	vmul.f32 v0, v2  }
0x15c: {  	s25 =	simm.s32 $0x2;
	v7 =	vld [tilespmem:s14+$0xFFFFFFB0];
	v1 =	vmul.f32 v1, v2  }
0x15d: {  	v8 =	vld [tilespmem:s14+$0xFFFFFFC0];
	v3 =	vmul.f32 v3, v2;
	[tilespmem:s14+$0xFFFFFF80] =	vst v0;
	v0 =	vmov s25  }
0x15e: {  	v4 =	vmul.f32 v4, v2;
	[tilespmem:s14+$0xFFFFFFA0] =	vst v1;
	v0 =	vand.u32 $0xFFFFFFFE, v0  }
0x15f: {  	v1 =	vmul.f32 v5, v2;
	[tilespmem:s14+$0xFFFFFF90] =	vst v3;
	v3 =	vbroadcast v0, $0x0  }
0x160: {  	v5 =	vmul.f32 v6, v2;
	[tilespmem:s14+$0xFFFFFFD0] =	vst v4;
	v6 =	vld [tilespmem:s14+$0x30]  }
0x161: {  	v4 =	vmul.f32 v7, v2;
	v0 =	vld [tilespmem:s14+$0x40];
	[tilespmem:s14+$0xFFFFFFE0] =	vst v1  }
0x162: {  	v2 =	vmul.f32 v8, v2;
	v1 =	vld [tilespmem:s14+$0x70];
	[tilespmem:s14+$0xFFFFFFF0] =	vst v5  }
0x163: {  	[tilespmem:s14+$0xFFFFFFB0] =	vst v4;
	v4 =	vld [tilespmem:s14+$0x20]  }
0x164: {  	[tilespmem:s14+$0xFFFFFFC0] =	vst v2;
	v5 =	vld [tilespmem:s14+$0x0]  }
0x165: {  	v2 =	vld.idx.msk [tilespmem:v3+s26+$0x0], $0xffff  }
0x166: {  	s10 =	simm.s32 $0x4250;
	s22 =	simm.s32 $0x7;
	v3 =	vld [tilespmem:s14+$0x10]  }
.LBB2_6:
0x167: {  	p0 =	sne.s32 s22, $0x4F  }
0x168: {  	v7 =	vld [tilespmem:s14+$0x50];
	s10 =	sadd.s32 $0x200, s10;
	s12 =	smov.u32 s22;
	s22 =	sadd.s32 $0x4, s22  }
0x169: {  	v8 =	vld [tilespmem:s14+$0x60];
	_ =	sdelay $0x1  }
0x16a: {  	v5 =	vmul.f32 v5, v2;
	v3 =	vmul.f32 v3, v2  }
0x16b: {  	v4 =	vmul.f32 v4, v2;
	v6 =	vmul.f32 v6, v2  }
0x16c: {  	v0 =	vmul.f32 v0, v2;
	v1 =	vmul.f32 v1, v2;
	[tilespmem:s14+$0x0] =	vst v5  }
0x16d: {  	[tilespmem:s14+$0x20] =	vst v4;
	v4 =	vmul.f32 v7, v2;
	v2 =	vmul.f32 v8, v2  }
0x16e: {  	[tilespmem:s14+$0x30] =	vst v6;
	v5 =	vld [tilespmem:s14+$0x80]  }
0x16f: {  	[tilespmem:s14+$0x60] =	vst v2;
	v2 =	vmov s5;
	v6 =	vld [tilespmem:s14+$0xD0];
	s5 =	smov.u32 s12  }
0x170: {  	[tilespmem:s14+$0x50] =	vst v4;
	v4 =	vld [tilespmem:s14+$0xE0]  }
0x171: {  	[tilespmem:s14+$0x40] =	vst v0;
	v7 =	vld [tilespmem:s14+$0xB0]  }
0x172: {  	v0 =	vld [tilespmem:s10+$0x40];
	[tilespmem:s14+$0x70] =	vst v1  }
0x173: {  	v1 =	vld [tilespmem:s10+$0x70];
	[tilespmem:s14+$0x10] =	vst v3  }
0x174: {  	v2 =	vld.idx.msk [tilespmem:v2+s26+$0x0], $0xffff  }
0x175: {  	v3 =	vld [tilespmem:s14+$0x90]  }
0x176: {  	v8 =	vld [tilespmem:s14+$0xA0]  }
0x177: {  	v9 =	vld [tilespmem:s14+$0xC0]  }
0x178: {  	v10 =	vld [tilespmem:s14+$0xF0];
	_ =	sdelay $0x1  }
0x179: {  	v5 =	vmul.f32 v5, v2;
	v3 =	vmul.f32 v3, v2  }
0x17a: {  	s12 =	sadd.s32 $0xFFFFFFFD, s5;
	v7 =	vmul.f32 v7, v2;
	v8 =	vmul.f32 v8, v2  }
0x17b: {  	v11 =	vmov s12;
	v6 =	vmul.f32 v6, v2;
	[tilespmem:s14+$0x80] =	vst v5;
	v5 =	vmul.f32 v9, v2  }
0x17c: {  	v9 =	vand.u32 $0xFFFFFFFC, v11;
	[tilespmem:s14+$0x90] =	vst v3;
	v3 =	vmul.f32 v4, v2;
	v2 =	vmul.f32 v10, v2  }
0x17d: {  	v4 =	vbroadcast v9, $0x0;
	[tilespmem:s14+$0xA0] =	vst v8  }
0x17e: {  	[tilespmem:s14+$0xD0] =	vst v6  }
0x17f: {  	v6 =	vld [tilespmem:s10+$0xFFFFFF50];
	[tilespmem:s14+$0xB0] =	vst v7  }
0x180: {  	v7 =	vld [tilespmem:s10+$0xFFFFFF30];
	[tilespmem:s14+$0xC0] =	vst v5  }
0x181: {  	v5 =	vld [tilespmem:s10+$0xFFFFFF60];
	[tilespmem:s14+$0xE0] =	vst v3  }
0x182: {  	v3 =	vld [tilespmem:s10+$0xFFFFFF70];
	[tilespmem:s14+$0xF0] =	vst v2;
	s14 =	smov.u32 s10  }
0x183: {  	v2 =	vld.idx.msk [tilespmem:v4+s26+$0x0], $0xffff  }
0x184: {  	v4 =	vld [tilespmem:s10+$0xFFFFFF00]  }
0x185: {  	v8 =	vld [tilespmem:s10+$0xFFFFFF20]  }
0x186: {  	v9 =	vld [tilespmem:s10+$0xFFFFFF10]  }
0x187: {  	v10 =	vld [tilespmem:s10+$0xFFFFFF40];
	_ =	sdelay $0x1  }
0x188: {  	v3 =	vmul.f32 v3, v2;
	v4 =	vmul.f32 v4, v2  }
0x189: {  	s12 =	sadd.s32 $0xFFFFFFFE, s5;
	v5 =	vmul.f32 v5, v2;
	v8 =	vmul.f32 v8, v2  }
0x18a: {  	v7 =	vmul.f32 v7, v2;
	v9 =	vmul.f32 v9, v2;
	[tilespmem:s10+$0xFFFFFF70] =	vst v3;
	v3 =	vmov s12  }
0x18b: {  	[tilespmem:s10+$0xFFFFFF00] =	vst v4;
	v4 =	vmul.f32 v10, v2;
	v2 =	vmul.f32 v6, v2;
	v3 =	vand.u32 $0xFFFFFFFD, v3  }
0x18c: {  	[tilespmem:s10+$0xFFFFFF20] =	vst v8;
	v3 =	vbroadcast v3, $0x0  }
0x18d: {  	[tilespmem:s10+$0xFFFFFF30] =	vst v7  }
0x18e: {  	[tilespmem:s10+$0xFFFFFF50] =	vst v2;
	v2 =	vld [tilespmem:s10+$0xFFFFFFF0]  }
0x18f: {  	[tilespmem:s10+$0xFFFFFF10] =	vst v9;
	v6 =	vld [tilespmem:s10+$0xFFFFFFD0]  }
0x190: {  	[tilespmem:s10+$0xFFFFFF60] =	vst v5;
	v5 =	vld [tilespmem:s10+$0xFFFFFFB0]  }
0x191: {  	[tilespmem:s10+$0xFFFFFF40] =	vst v4;
	v4 =	vld [tilespmem:s10+$0xFFFFFF90]  }
0x192: {  	v3 =	vld.idx.msk [tilespmem:v3+s26+$0x0], $0xffff  }
0x193: {  	v7 =	vld [tilespmem:s10+$0xFFFFFF80]  }
0x194: {  	v8 =	vld [tilespmem:s10+$0xFFFFFFA0]  }
0x195: {  	v9 =	vld [tilespmem:s10+$0xFFFFFFC0]  }
0x196: {  	v10 =	vld [tilespmem:s10+$0xFFFFFFE0];
	_ =	sdelay $0x1  }
0x197: {  	v4 =	vmul.f32 v4, v3;
	v7 =	vmul.f32 v7, v3  }
0x198: {  	s12 =	sadd.s32 $0xFFFFFFFF, s5;
	v5 =	vmul.f32 v5, v3;
	v8 =	vmul.f32 v8, v3  }
0x199: {  	v6 =	vmul.f32 v6, v3;
	[tilespmem:s10+$0xFFFFFF80] =	vst v7;
	v7 =	vmul.f32 v9, v3;
	v9 =	vmov s12  }
0x19a: {  	v2 =	vmul.f32 v2, v3;
	[tilespmem:s10+$0xFFFFFFA0] =	vst v8;
	v8 =	vmul.f32 v10, v3;
	v3 =	vand.u32 $0xFFFFFFFE, v9  }
0x19b: {  	[tilespmem:s10+$0xFFFFFF90] =	vst v4;
	v3 =	vbroadcast v3, $0x0  }
0x19c: {  	[tilespmem:s10+$0xFFFFFFD0] =	vst v6  }
0x19d: {  	[tilespmem:s10+$0xFFFFFFE0] =	vst v8  }
0x19e: {  	[tilespmem:s10+$0xFFFFFFB0] =	vst v5  }
.Ltmp1:
0x19f: {  	[tilespmem:s10+$0xFFFFFFF0] =	vst v2;
	v4 =	vld [tilespmem:s10+$0x20];
	(pc) =	sbr.rel @p0 .LBB2_6-.Ltmp1, $4  }
0x1a0: {  	[tilespmem:s10+$0xFFFFFFC0] =	vst v7;
	v5 =	vld [tilespmem:s10+$0x0]  }
0x1a1: {  	v2 =	vld.idx.msk [tilespmem:v3+s26+$0x0], $0xffff  }
0x1a2: {  	v3 =	vld [tilespmem:s10+$0x10]  }
0x1a3: {  	v6 =	vld [tilespmem:s10+$0x30]  }
0x1a4: {  	_ =	sdelay $0x1  }
0x1a5: {  	v5 =	vmul.f32 v5, v2  }
0x1a6: {  	v7 =	vld [tilespmem:s14+$0x60];
	v4 =	vmul.f32 v4, v2  }
0x1a7: {  	v8 =	vld [tilespmem:s14+$0x50];
	v0 =	vmul.f32 v0, v2;
	[tilespmem:s14+$0x0] =	vst v5  }
0x1a8: {  	v1 =	vmul.f32 v1, v2;
	[tilespmem:s14+$0x20] =	vst v4  }
0x1a9: {  	v53 =	vmul.f32 v3, v2;
	[tilespmem:s14+$0x40] =	vst v0  }
0x1aa: {  	v52 =	vmov s5;
	v6 =	vmul.f32 v6, v2;
	[tilespmem:s14+$0x70] =	vst v1  }
0x1ab: {  	v49 =	vmul.f32 v7, v2;
	[tilespmem:s14+$0x10] =	vst v53  }
0x1ac: {  	v50 =	vmul.f32 v8, v2;
	[tilespmem:s14+$0x30] =	vst v6  }
0x1ad: {  	[tilespmem:s14+$0x60] =	vst v49  }
0x1ae: {  	v51 =	vld [tilespmem:s14+$0x80];
	[tilespmem:s14+$0x50] =	vst v50  }
0x1af: {  	v0 =	vld.idx.msk [tilespmem:v52+s26+$0x0], $0xffff  }
0x1b0: {  	v54 =	vld [tilespmem:s14+$0x90]  }
0x1b1: {  	v55 =	vld [tilespmem:s14+$0xA0]  }
0x1b2: {  	v56 =	vld [tilespmem:s14+$0xD0]  }
0x1b3: {  	v57 =	vld [tilespmem:s14+$0xB0]  }
0x1b4: {  	v58 =	vld [tilespmem:s14+$0xC0];
	v6 =	vmul.f32 v51, v0  }
0x1b5: {  	v59 =	vld [tilespmem:s14+$0xE0];
	v1 =	vmul.f32 v54, v0  }
0x1b6: {  	v60 =	vld [tilespmem:s14+$0xF0];
	v2 =	vmul.f32 v55, v0;
	[tilespmem:s14+$0x80] =	vst v6  }
0x1b7: {  	v3 =	vmul.f32 v56, v0;
	[tilespmem:s14+$0x90] =	vst v1  }
0x1b8: {  	v61 =	vmul.f32 v57, v0;
	[tilespmem:s14+$0xA0] =	vst v2  }
0x1b9: {  	v62 =	vmul.f32 v58, v0;
	[tilespmem:s14+$0xD0] =	vst v3  }
0x1ba: {  	v63 =	vmul.f32 v59, v0;
	[tilespmem:s14+$0xB0] =	vst v61  }
0x1bb: {  	v0 =	vmul.f32 v60, v0;
	[tilespmem:s14+$0xC0] =	vst v62  }
0x1bc: {  	[tilespmem:s14+$0xE0] =	vst v63  }
0x1bd: {  	[tilespmem:s14+$0xF0] =	vst v0  }
0x1be: {  	v0 =	vld [tilespmem:s9+$0x7D0];
	_ =	sdelay $0x7  }
0x1bf: {  	[spmem:s4] =	stream.indirect_vreg.scatter.add.f32 [tilespmem:s23], [sflag:$0x3], $0x80, v0, vm0, $0xb8;
	[tilespmem:$0x1A950] =	vst v63  }
0x1c0: {  	v0 =	vld [tilespmem:s6+$0x7D0];
	_ =	sdelay $0x6  }
0x1c1: {  	s22 =	simm.s32 $0x4950  }
0x1c2: {  	[spmem:s4] =	stream.indirect_vreg.scatter.add.f32 [tilespmem:s22], [sflag:$0x3], $0x80, v0, vm0, $0xb8;
	[tilespmem:$0x1A950] =	vst v63  }
0x1c3: {  	v0 =	vld [tilespmem:s7+$0x7D0];
	_ =	sdelay $0x6  }
0x1c4: {  	s25 =	simm.s32 $0x5150  }
0x1c5: {  	[spmem:s4] =	stream.indirect_vreg.scatter.add.f32 [tilespmem:s25], [sflag:$0x3], $0x80, v0, vm0, $0xb8;
	[tilespmem:$0x1A950] =	vst v63  }
0x1c6: {  	v0 =	vld [tilespmem:s16+$0x7D0];
	_ =	sdelay $0x7  }
0x1c7: {  	[spmem:s4] =	stream.indirect_vreg.scatter.add.f32 [tilespmem:s24], [sflag:$0x3], $0x80, v0, vm0, $0xb8;
	[tilespmem:$0x1A950] =	vst v63  }
0x1c8: {  	v0 =	vld [tilespmem:s15+$0x7D0];
	_ =	sdelay $0x7  }
0x1c9: {  	[spmem:s4] =	stream.indirect_vreg.scatter.add.f32 [tilespmem:s11], [sflag:$0x3], $0x80, v0, vm0, $0xb8;
	[tilespmem:$0x1A950] =	vst v63  }
0x1ca: {  	_ =	swait.ge [sflag:s13], $0x800  }
0x1cb: {  	[sflag:s13] =	ssyncset.done $0x0  }
0x1cc: {  	[sflag:s13] =	ssyncadd.s32 $0xFFFFF800  }
0x1cd: {  	_ =	swait.ge [sflag:s13], $0x800  }
0x1ce: {  	[sflag:s13] =	ssyncset.done $0x0  }
0x1cf: {  	[sflag:s13] =	ssyncadd.s32 $0xFFFFF800  }
0x1d0: {  	_ =	swait.ge [sflag:s13], $0x800  }
0x1d1: {  	[sflag:s13] =	ssyncset.done $0x0  }
0x1d2: {  	s1 =	sadd.s32 $0x1, s1;
	[sflag:s13] =	ssyncadd.s32 $0xFFFFF800  }
0x1d3: {  	p0 =	sne.s32 s1, $0xC;
	_ =	swait.ge [sflag:s13], $0x800  }
.Ltmp2:
0x1d4: {  	[sflag:s13] =	ssyncset.done $0x0;
	(pc) =	sbr.rel @p0 .LBB2_3-.Ltmp2, $4  }
0x1d5: {  	[sflag:s13] =	ssyncadd.s32 $0xFFFFF800  }
0x1d6: {  	_ =	swait.ge [sflag:s13], $0x800  }
0x1d7: {  	[sflag:s13] =	ssyncset.done $0x0  }
0x1d8: {  	[sflag:s13] =	ssyncadd.s32 $0xFFFFF800  }
0x1d9: {  	s1 =	simm.s32 $0x0  }
0x1da: {  	v0 =	vmov s1  }
0x1db: {  	_ =	swait.ge [sflag:s28], $0x2800;
	v0 =	vand.u32 $0xFFFFFFFC, v0  }
0x1dc: {  	[sflag:s28] =	ssyncset.done $0x0;
	v0 =	vbroadcast v0, $0x0  }
0x1dd: {  	[sflag:s28] =	ssyncadd.s32 $0xFFFFD800  }
0x1de: {  	_ =	swait.ge [sflag:s28], $0x50  }
0x1df: {  	[sflag:s28] =	ssyncset.done $0x0  }
0x1e0: {  	s1 =	simm.s32 $0x1960;
	[sflag:s28] =	ssyncadd.s32 $0xFFFFFFB0  }
0x1e1: {  	v2 =	vld [tilespmem:s1+$0xFFFFFF70]  }
0x1e2: {  	v0 =	vld.idx.msk [tilespmem:v0+s21+$0x0], $0xffff  }
0x1e3: {  	v3 =	vld [tilespmem:s1+$0xFFFFFF00]  }
0x1e4: {  	v4 =	vld [tilespmem:s1+$0xFFFFFF20]  }
0x1e5: {  	v5 =	vld [tilespmem:s1+$0xFFFFFF30]  }
0x1e6: {  	v1 =	vld [tilespmem:s1+$0xFFFFFF50]  }
0x1e7: {  	v7 =	vld [tilespmem:s1+$0xFFFFFF10];
	v2 =	vmul.f32 v2, v0  }
0x1e8: {  	s5 =	simm.s32 $0x1;
	v6 =	vld [tilespmem:s1+$0xFFFFFF60];
	v3 =	vmul.f32 v3, v0  }
0x1e9: {  	v8 =	vld [tilespmem:s1+$0xFFFFFF40];
	v4 =	vmul.f32 v4, v0;
	[tilespmem:s1+$0xFFFFFF70] =	vst v2;
	v2 =	vmov s5  }
0x1ea: {  	v5 =	vmul.f32 v5, v0;
	[tilespmem:s1+$0xFFFFFF00] =	vst v3;
	v2 =	vand.u32 $0xFFFFFFFD, v2  }
0x1eb: {  	v1 =	vmul.f32 v1, v0;
	[tilespmem:s1+$0xFFFFFF20] =	vst v4;
	v2 =	vbroadcast v2, $0x0  }
0x1ec: {  	v3 =	vmul.f32 v7, v0;
	[tilespmem:s1+$0xFFFFFF30] =	vst v5  }
0x1ed: {  	v4 =	vmul.f32 v6, v0;
	[tilespmem:s1+$0xFFFFFF50] =	vst v1  }
0x1ee: {  	v0 =	vmul.f32 v8, v0;
	[tilespmem:s1+$0xFFFFFF10] =	vst v3  }
0x1ef: {  	[tilespmem:s1+$0xFFFFFF60] =	vst v4  }
0x1f0: {  	[tilespmem:s1+$0xFFFFFF40] =	vst v0;
	v0 =	vld [tilespmem:s1+$0xFFFFFF80]  }
0x1f1: {  	v2 =	vld.idx.msk [tilespmem:v2+s21+$0x0], $0xffff  }
0x1f2: {  	v1 =	vld [tilespmem:s1+$0xFFFFFFA0]  }
0x1f3: {  	v3 =	vld [tilespmem:s1+$0xFFFFFF90]  }
0x1f4: {  	v4 =	vld [tilespmem:s1+$0xFFFFFFD0]  }
0x1f5: {  	v5 =	vld [tilespmem:s1+$0xFFFFFFE0]  }
0x1f6: {  	v6 =	vld [tilespmem:s1+$0xFFFFFFF0];
	v0 =	vmul.f32 v0, v2  }
0x1f7: {  	s25 =	simm.s32 $0x2;
	v7 =	vld [tilespmem:s1+$0xFFFFFFB0];
	v1 =	vmul.f32 v1, v2  }
0x1f8: {  	v8 =	vld [tilespmem:s1+$0xFFFFFFC0];
	v3 =	vmul.f32 v3, v2;
	[tilespmem:s1+$0xFFFFFF80] =	vst v0;
	v0 =	vmov s25  }
0x1f9: {  	v4 =	vmul.f32 v4, v2;
	[tilespmem:s1+$0xFFFFFFA0] =	vst v1;
	v0 =	vand.u32 $0xFFFFFFFE, v0  }
0x1fa: {  	v1 =	vmul.f32 v5, v2;
	[tilespmem:s1+$0xFFFFFF90] =	vst v3;
	v3 =	vbroadcast v0, $0x0  }
0x1fb: {  	v5 =	vmul.f32 v6, v2;
	[tilespmem:s1+$0xFFFFFFD0] =	vst v4;
	v6 =	vld [tilespmem:s1+$0x30]  }
0x1fc: {  	v4 =	vmul.f32 v7, v2;
	v0 =	vld [tilespmem:s1+$0x40];
	[tilespmem:s1+$0xFFFFFFE0] =	vst v1  }
0x1fd: {  	v2 =	vmul.f32 v8, v2;
	v1 =	vld [tilespmem:s1+$0x70];
	[tilespmem:s1+$0xFFFFFFF0] =	vst v5  }
0x1fe: {  	[tilespmem:s1+$0xFFFFFFB0] =	vst v4;
	v4 =	vld [tilespmem:s1+$0x20]  }
0x1ff: {  	[tilespmem:s1+$0xFFFFFFC0] =	vst v2;
	v5 =	vld [tilespmem:s1+$0x0]  }
0x200: {  	v2 =	vld.idx.msk [tilespmem:v3+s21+$0x0], $0xffff  }
0x201: {  	s6 =	simm.s32 $0x7;
	s7 =	simm.s32 $0x1960;
	s5 =	simm.s32 $0x3;
	v3 =	vld [tilespmem:s1+$0x10]  }
.LBB2_9:
0x202: {  	p0 =	sne.s32 s6, $0x4F  }
0x203: {  	v7 =	vld [tilespmem:s1+$0x50];
	s7 =	sadd.s32 $0x200, s7;
	s9 =	smov.u32 s6;
	s6 =	sadd.s32 $0x4, s6  }
0x204: {  	v8 =	vld [tilespmem:s1+$0x60];
	_ =	sdelay $0x1  }
0x205: {  	v5 =	vmul.f32 v5, v2;
	v3 =	vmul.f32 v3, v2  }
0x206: {  	v4 =	vmul.f32 v4, v2;
	v6 =	vmul.f32 v6, v2  }
0x207: {  	v0 =	vmul.f32 v0, v2;
	v1 =	vmul.f32 v1, v2;
	[tilespmem:s1+$0x0] =	vst v5  }
0x208: {  	[tilespmem:s1+$0x20] =	vst v4;
	v4 =	vmul.f32 v7, v2;
	v2 =	vmul.f32 v8, v2  }
0x209: {  	[tilespmem:s1+$0x30] =	vst v6;
	v5 =	vld [tilespmem:s1+$0x80]  }
0x20a: {  	[tilespmem:s1+$0x60] =	vst v2;
	v2 =	vmov s5;
	v6 =	vld [tilespmem:s1+$0xD0];
	s5 =	smov.u32 s9  }
0x20b: {  	[tilespmem:s1+$0x50] =	vst v4;
	v4 =	vld [tilespmem:s1+$0xE0]  }
0x20c: {  	[tilespmem:s1+$0x40] =	vst v0;
	v7 =	vld [tilespmem:s1+$0xB0]  }
0x20d: {  	v0 =	vld [tilespmem:s7+$0x40];
	[tilespmem:s1+$0x70] =	vst v1  }
0x20e: {  	v1 =	vld [tilespmem:s7+$0x70];
	[tilespmem:s1+$0x10] =	vst v3  }
0x20f: {  	v2 =	vld.idx.msk [tilespmem:v2+s21+$0x0], $0xffff  }
0x210: {  	v3 =	vld [tilespmem:s1+$0x90]  }
0x211: {  	v8 =	vld [tilespmem:s1+$0xA0]  }
0x212: {  	v9 =	vld [tilespmem:s1+$0xC0]  }
0x213: {  	v10 =	vld [tilespmem:s1+$0xF0];
	_ =	sdelay $0x1  }
0x214: {  	v5 =	vmul.f32 v5, v2;
	v3 =	vmul.f32 v3, v2  }
0x215: {  	s9 =	sadd.s32 $0xFFFFFFFD, s5;
	v7 =	vmul.f32 v7, v2;
	v8 =	vmul.f32 v8, v2  }
0x216: {  	v11 =	vmov s9;
	v6 =	vmul.f32 v6, v2;
	[tilespmem:s1+$0x80] =	vst v5;
	v5 =	vmul.f32 v9, v2  }
0x217: {  	v9 =	vand.u32 $0xFFFFFFFC, v11;
	[tilespmem:s1+$0x90] =	vst v3;
	v3 =	vmul.f32 v4, v2;
	v2 =	vmul.f32 v10, v2  }
0x218: {  	v4 =	vbroadcast v9, $0x0;
	[tilespmem:s1+$0xA0] =	vst v8  }
0x219: {  	[tilespmem:s1+$0xD0] =	vst v6  }
0x21a: {  	v6 =	vld [tilespmem:s7+$0xFFFFFF50];
	[tilespmem:s1+$0xB0] =	vst v7  }
0x21b: {  	v7 =	vld [tilespmem:s7+$0xFFFFFF30];
	[tilespmem:s1+$0xC0] =	vst v5  }
0x21c: {  	v5 =	vld [tilespmem:s7+$0xFFFFFF60];
	[tilespmem:s1+$0xE0] =	vst v3  }
0x21d: {  	v3 =	vld [tilespmem:s7+$0xFFFFFF70];
	[tilespmem:s1+$0xF0] =	vst v2;
	s1 =	smov.u32 s7  }
0x21e: {  	v2 =	vld.idx.msk [tilespmem:v4+s21+$0x0], $0xffff  }
0x21f: {  	v4 =	vld [tilespmem:s7+$0xFFFFFF00]  }
0x220: {  	v8 =	vld [tilespmem:s7+$0xFFFFFF20]  }
0x221: {  	v9 =	vld [tilespmem:s7+$0xFFFFFF10]  }
0x222: {  	v10 =	vld [tilespmem:s7+$0xFFFFFF40];
	_ =	sdelay $0x1  }
0x223: {  	v3 =	vmul.f32 v3, v2;
	v4 =	vmul.f32 v4, v2  }
0x224: {  	s9 =	sadd.s32 $0xFFFFFFFE, s5;
	v5 =	vmul.f32 v5, v2;
	v8 =	vmul.f32 v8, v2  }
0x225: {  	v7 =	vmul.f32 v7, v2;
	v9 =	vmul.f32 v9, v2;
	[tilespmem:s7+$0xFFFFFF70] =	vst v3;
	v3 =	vmov s9  }
0x226: {  	[tilespmem:s7+$0xFFFFFF00] =	vst v4;
	v4 =	vmul.f32 v10, v2;
	v2 =	vmul.f32 v6, v2;
	v3 =	vand.u32 $0xFFFFFFFD, v3  }
0x227: {  	[tilespmem:s7+$0xFFFFFF20] =	vst v8;
	v3 =	vbroadcast v3, $0x0  }
0x228: {  	[tilespmem:s7+$0xFFFFFF30] =	vst v7  }
0x229: {  	[tilespmem:s7+$0xFFFFFF50] =	vst v2;
	v2 =	vld [tilespmem:s7+$0xFFFFFFF0]  }
0x22a: {  	[tilespmem:s7+$0xFFFFFF10] =	vst v9;
	v6 =	vld [tilespmem:s7+$0xFFFFFFD0]  }
0x22b: {  	[tilespmem:s7+$0xFFFFFF60] =	vst v5;
	v5 =	vld [tilespmem:s7+$0xFFFFFFB0]  }
0x22c: {  	[tilespmem:s7+$0xFFFFFF40] =	vst v4;
	v4 =	vld [tilespmem:s7+$0xFFFFFF90]  }
0x22d: {  	v3 =	vld.idx.msk [tilespmem:v3+s21+$0x0], $0xffff  }
0x22e: {  	v7 =	vld [tilespmem:s7+$0xFFFFFF80]  }
0x22f: {  	v8 =	vld [tilespmem:s7+$0xFFFFFFA0]  }
0x230: {  	v9 =	vld [tilespmem:s7+$0xFFFFFFC0]  }
0x231: {  	v10 =	vld [tilespmem:s7+$0xFFFFFFE0];
	_ =	sdelay $0x1  }
0x232: {  	v4 =	vmul.f32 v4, v3;
	v7 =	vmul.f32 v7, v3  }
0x233: {  	s9 =	sadd.s32 $0xFFFFFFFF, s5;
	v5 =	vmul.f32 v5, v3;
	v8 =	vmul.f32 v8, v3  }
0x234: {  	v6 =	vmul.f32 v6, v3;
	[tilespmem:s7+$0xFFFFFF80] =	vst v7;
	v7 =	vmul.f32 v9, v3;
	v9 =	vmov s9  }
0x235: {  	v2 =	vmul.f32 v2, v3;
	[tilespmem:s7+$0xFFFFFFA0] =	vst v8;
	v8 =	vmul.f32 v10, v3;
	v3 =	vand.u32 $0xFFFFFFFE, v9  }
0x236: {  	[tilespmem:s7+$0xFFFFFF90] =	vst v4;
	v3 =	vbroadcast v3, $0x0  }
0x237: {  	[tilespmem:s7+$0xFFFFFFD0] =	vst v6  }
0x238: {  	[tilespmem:s7+$0xFFFFFFE0] =	vst v8  }
0x239: {  	[tilespmem:s7+$0xFFFFFFB0] =	vst v5  }
.Ltmp3:
0x23a: {  	[tilespmem:s7+$0xFFFFFFF0] =	vst v2;
	v4 =	vld [tilespmem:s7+$0x20];
	(pc) =	sbr.rel @p0 .LBB2_9-.Ltmp3, $4  }
0x23b: {  	[tilespmem:s7+$0xFFFFFFC0] =	vst v7;
	v5 =	vld [tilespmem:s7+$0x0]  }
0x23c: {  	v2 =	vld.idx.msk [tilespmem:v3+s21+$0x0], $0xffff  }
0x23d: {  	v3 =	vld [tilespmem:s7+$0x10]  }
0x23e: {  	v6 =	vld [tilespmem:s7+$0x30]  }
0x23f: {  	_ =	sdelay $0x1  }
0x240: {  	v5 =	vmul.f32 v5, v2  }
0x241: {  	v7 =	vld [tilespmem:s1+$0x60];
	v4 =	vmul.f32 v4, v2  }
0x242: {  	v8 =	vld [tilespmem:s1+$0x50];
	v0 =	vmul.f32 v0, v2;
	[tilespmem:s1+$0x0] =	vst v5  }
0x243: {  	v1 =	vmul.f32 v1, v2;
	[tilespmem:s1+$0x20] =	vst v4  }
0x244: {  	v53 =	vmul.f32 v3, v2;
	[tilespmem:s1+$0x40] =	vst v0  }
0x245: {  	v52 =	vmov s5;
	v6 =	vmul.f32 v6, v2;
	[tilespmem:s1+$0x70] =	vst v1  }
0x246: {  	v49 =	vmul.f32 v7, v2;
	[tilespmem:s1+$0x10] =	vst v53  }
0x247: {  	v50 =	vmul.f32 v8, v2;
	[tilespmem:s1+$0x30] =	vst v6  }
0x248: {  	[tilespmem:s1+$0x60] =	vst v49  }
0x249: {  	v51 =	vld [tilespmem:s1+$0x80];
	[tilespmem:s1+$0x50] =	vst v50  }
0x24a: {  	v0 =	vld.idx.msk [tilespmem:v52+s21+$0x0], $0xffff  }
0x24b: {  	v54 =	vld [tilespmem:s1+$0x90]  }
0x24c: {  	v55 =	vld [tilespmem:s1+$0xA0]  }
0x24d: {  	v56 =	vld [tilespmem:s1+$0xD0]  }
0x24e: {  	v57 =	vld [tilespmem:s1+$0xB0]  }
0x24f: {  	v58 =	vld [tilespmem:s1+$0xC0];
	v6 =	vmul.f32 v51, v0  }
0x250: {  	v59 =	vld [tilespmem:s1+$0xE0];
	v1 =	vmul.f32 v54, v0  }
0x251: {  	v60 =	vld [tilespmem:s1+$0xF0];
	v2 =	vmul.f32 v55, v0;
	[tilespmem:s1+$0x80] =	vst v6  }
0x252: {  	v3 =	vmul.f32 v56, v0;
	[tilespmem:s1+$0x90] =	vst v1  }
0x253: {  	v61 =	vmul.f32 v57, v0;
	[tilespmem:s1+$0xA0] =	vst v2  }
0x254: {  	v62 =	vmul.f32 v58, v0;
	[tilespmem:s1+$0xD0] =	vst v3  }
0x255: {  	v63 =	vmul.f32 v59, v0;
	[tilespmem:s1+$0xB0] =	vst v61  }
0x256: {  	v0 =	vmul.f32 v60, v0;
	[tilespmem:s1+$0xC0] =	vst v62  }
0x257: {  	[tilespmem:s1+$0xE0] =	vst v63  }
0x258: {  	[tilespmem:s1+$0xF0] =	vst v0  }
0x259: {  	v0 =	vld [tilespmem:$0xF50];
	_ =	sdelay $0x7  }
0x25a: {  	[spmem:s4] =	stream.indirect_vreg.scatter.add.f32 [tilespmem:s19], [sflag:$0x3], $0x80, v0, vm0, $0xb8;
	[tilespmem:$0x1A950] =	vst v63  }
0x25b: {  	v0 =	vld [tilespmem:$0xF60];
	_ =	sdelay $0x7  }
0x25c: {  	[spmem:s4] =	stream.indirect_vreg.scatter.add.f32 [tilespmem:s29], [sflag:$0x3], $0x80, v0, vm0, $0xb8;
	[tilespmem:$0x1A950] =	vst v63  }
0x25d: {  	v0 =	vld [tilespmem:$0xF70];
	_ =	sdelay $0x7  }
0x25e: {  	[spmem:s4] =	stream.indirect_vreg.scatter.add.f32 [tilespmem:s30], [sflag:$0x3], $0x80, v0, vm0, $0xb8;
	[tilespmem:$0x1A950] =	vst v63  }
0x25f: {  	v0 =	vld [tilespmem:$0xF80];
	_ =	sdelay $0x7  }
0x260: {  	[spmem:s4] =	stream.indirect_vreg.scatter.add.f32 [tilespmem:s31], [sflag:$0x3], $0x80, v0, vm0, $0xb8;
	[tilespmem:$0x1A950] =	vst v63  }
0x261: {  	v0 =	vld [tilespmem:$0xF90];
	_ =	sdelay $0x7  }
0x262: {  	[spmem:s4] =	stream.indirect_vreg.scatter.add.f32 [tilespmem:s0], [sflag:$0x3], $0x80, v0, vm0, $0xb8;
	[tilespmem:$0x1A950] =	vst v63  }
0x263: {  	_ =	swait.ge [sflag:s13], $0x800  }
0x264: {  	[sflag:s13] =	ssyncset.done $0x0  }
0x265: {  	[sflag:s13] =	ssyncadd.s32 $0xFFFFF800  }
0x266: {  	_ =	swait.ge [sflag:s13], $0x800  }
0x267: {  	[sflag:s13] =	ssyncset.done $0x0  }
0x268: {  	[sflag:s13] =	ssyncadd.s32 $0xFFFFF800  }
0x269: {  	_ =	swait.ge [sflag:s13], $0x800  }
0x26a: {  	[sflag:s13] =	ssyncset.done $0x0  }
0x26b: {  	[sflag:s13] =	ssyncadd.s32 $0xFFFFF800  }
0x26c: {  	_ =	swait.ge [sflag:s13], $0x800  }
0x26d: {  	[sflag:s13] =	ssyncset.done $0x0  }
0x26e: {  	[sflag:s13] =	ssyncadd.s32 $0xFFFFF800  }
0x26f: {  	_ =	swait.ge [sflag:s13], $0x800  }
0x270: {  	s25 =	rddreg [dreg:$0xe]  }
0x271: {  	s1 =	sadd.s32 $0x1, s25  }
0x272: {  	p0 =	sne.s32 s1, $0x5  }
.Ltmp4:
0x273: {  	_ = 	snop;
	(pc) =	sbr.rel @p0 .LBB2_2-.Ltmp4, $3  }
0x274: {  	_ =	sdelay $0x1  }
0x275: {  	[sflag:s13] =	ssyncset.done $0x0  }
0x276: {  	s9 =	simm.s32 $0x4;
	[sflag:s13] =	ssyncadd.s32 $0xFFFFF800  }
0x277: {  	[bflag:$0x0] =	sbarrier.arrive $0xFFFF  }
0x278: {  	s7 =	rddreg [dreg:$0xa]  }
0x279: {  	s6 =	rddreg [dreg:$0xc]  }
0x27a: {  	s1 =	rddreg [dreg:$0xd]  }
0x27b: {  	[hbm:s1], [sflag:s7] =	dma.local [spmem:s6], $0x2800  }
0x27c: {  	_ =	swait.ge [sflag:s9], $0x2800  }
0x27d: {  	s12 =	rddreg [dreg:$0x5]  }
0x27e: {  	s25 =	rddreg [dreg:$0xb];
	s12 =	sadd.s32 $0x1, s12  }
0x27f: {  	p0 =	sne.s32 s12, s25  }
.Ltmp5:
0x280: {  	_ = 	snop;
	(pc) =	sbr.rel @p0 .LBB2_1-.Ltmp5, $3  }
0x281: {  	_ =	sdelay $0x1  }
0x282: {  	[sflag:s9] =	ssyncset.done $0x0  }
0x283: {  	[sflag:s9] =	ssyncadd.s32 $0xFFFFD800  }
0x284: {  	_ =	sfence.sel $0x180000  }
0x285: {  	[bflag:$0x0] =	sbarrier.arrive $0xFFFF  }
0x286: {  	_ =	strace $0x9000004A  }
0x287: {  	s0 =	stileid.u32;
	[bflag:$0x2] =	sbarrier.arrive $0xFFFF  }
0x288: {  	p0 =	sne.s32 s0, $0x0;
	s0 =	rddreg [dreg:$0x4]  }
0x289: {  	s0 =	sadd.s32 @!p0 $0x100000, s0  }
0x28a: {  	[sflag:s0] =	ssyncadd.tile.s32 @!p0 $0x1;
	_ =	shalt  }
.Lfunc_end2:
_tile_overlayer_lowered:
.L_overlay_start_2:
0x28b: {  	(tag) =	ssettag $0x2  }
0x28c: {  	s0 =	rddreg [dreg:$0x0];
	s2 =	stileid.u32  }
0x28d: {  	s1 =	rddreg [dreg:$0x1];
	p0 =	sne.s32 s2, $0x0  }
0x28e: {  	s3 =	rddreg [dreg:$0x2];
	[bflag:$0x3] =	sbarrier.arrive $0xFFFF;
	s2 =	simm.s32 @!p0 $0x1C04  }
0x28f: {  	[timem:s3], [sflag:s2] =	dma.local @!p0 [hbm:s0], s1  }
0x290: {  	s0 =	simm.s32 @!p0 $0x4  }
0x291: {  	_ =	swait.ge @!p0 [sflag:s0], s1  }
0x292: {  	s1 =	ssub.s32 @!p0 $0x0, s1;
	[sflag:s0] =	ssyncset.done @!p0 $0x0  }
0x293: {  	[sflag:s0] =	ssyncadd.s32 @!p0 s1  }
0x294: {  	[bflag:$0x3] =	sbarrier.arrive $0xFFFF  }
0x295: {  	_ =	shalt  }

// kernel: kernel.15.cloned.1.call-start
scs
__scs_entry_jumppad:
0x0: {  	(pc) =	sbr.rel $0x88, $3  }
0x1: {  	(tag) =	ssettag $0x0;
	lr =	simm.s32 $0x1  }
0x2: {  	[smem:$0x3F98] =	sst lr;
	_ =	strace $0xD0000000  }
0x3: {  	_ = 	snop  }
0x4: {  	_ = 	snop  }
0x5: {  	_ = 	snop  }
0x6: {  	_ = 	snop  }
0x7: {  	_ = 	snop  }
__scs_overlays_trampoline_lowered:
0x8: {  	[smem:$0x3FA7] =	sst s0  }
0x9: {  	[smem:$0x3FA8] =	sst s1  }
0xa: {  	[smem:$0x3FA9] =	sst s2  }
0xb: {  	[smem:$0x3FAA] =	sst s3  }
0xc: {  	[smem:$0x3FAB] =	sst s4  }
0xd: {  	[smem:$0x3FAC] =	sst s5  }
0xe: {  	[smem:$0x3FAD] =	sst s6  }
0xf: {  	[smem:$0x3FAE] =	sst s7  }
0x10: {  	[smem:$0x3FAF] =	sst s8  }
0x11: {  	[smem:$0x3FB0] =	sst s9;
	s0 =	simm.s32 @!p0 $0x0  }
0x12: {  	s1 =	sld [smem:$0x3F96];
	s0 =	simm.s32 @p0 $0x1  }
0x13: {  	[smem:$0x3FB1] =	sst s0;
	s0 =	simm.s32 @!p1 $0x0  }
0x14: {  	s2 =	sld [smem:$0x3F95];
	s0 =	simm.s32 @p1 $0x1  }
0x15: {  	[smem:$0x3FB2] =	sst s0;
	s0 =	simm.s32 @!p2 $0x0  }
0x16: {  	s3 =	sld [smem:$0x3FDB];
	s0 =	simm.s32 @p2 $0x1  }
0x17: {  	s4 =	simm.s32 $0x1BF5;
	[smem:$0x3FB4] =	sst s0  }
0x18: {  	s0 =	sld [smem:$0x3F97];
	_ =	swait.ge [sflag:s4], $0x0  }
0x19: {  	s7 =	sld [smem:$0x3F98]  }
0x1a: {  	s8 =	sadd.s32 $0xFFFFE003, lr  }
0x1b: {  	s9 =	sadd.s32 $0xFFFFFEF7, lr;
	s5 =	simm.s32 $0xFFFFFFFF;
	p2 =	slt.u32 s8, $0xFFFFF086  }
0x1c: {  	p1 =	slt.u32 s9, $0xF7A;
	s5 =	simm.s32 @!p2 $0x0  }
0x1d: {  	s5 =	simm.s32 @p1 $0x1;
	p0 =	seq.s32 s7, s2  }
0x1e: {  	s7 =	smul.u32 @!p0 $0xF7A, s2;
	p2 =	seq.s32 @!p0 s5, $0x0  }
0x1f: {  	s9 =	smul.u32 $0xF7A, s1;
	s8 =	simm.s32 @!p0 $0x1BF5;
	p2 =	por !p2, p0  }
0x20: {  	[sflag:s8] =	ssyncset.s32 @!p0 $0xFFFFF086;
	s6 =	sadd.s32 @!p0 s3, s7;
	s7 =	simm.s32 @!p0 $0x108  }
0x21: {  	s3 =	sadd.s32 s3, s9;
	s6 =	sadd.s32 @!p0 $0x88, s6;
	s7 =	simm.s32 @p2 $0x1082  }
0x22: {  	[simem:s7], [sflag:s8] =	dma.local @!p0 [hbm:s6], $0xF7A  }
0x23: {  	s9 =	sor.u32 $0xD0000000, s2;
	s6 =	simm.s32 $0x108;
	_ =	swait.ge @!p0 [sflag:s8], $0x0  }
0x24: {  	s3 =	sadd.s32 $0x88, s3;
	s6 =	simm.s32 @!p1 $0x1082;
	[sflag:s4] =	ssyncset.s32 $0xFFFFF086  }
0x25: {  	[simem:s6], [sflag:s4] =	dma.local [hbm:s3], $0xF7A  }
0x26: {  	[smem:$0x3F98] =	sst s1;
	(tag) =	ssettag s2;
	_ =	strace s9  }
0x27: {  	s1 =	sld [smem:$0x3FA8]  }
0x28: {  	s2 =	sld [smem:$0x3FA9]  }
0x29: {  	s4 =	sld [smem:$0x3FAB]  }
0x2a: {  	p0 =	seq.s32 s5, $0x0;
	s5 =	sld [smem:$0x3FAC]  }
0x2b: {  	s6 =	sld [smem:$0x3FAD]  }
0x2c: {  	s7 =	sld [smem:$0x3FAE]  }
0x2d: {  	s3 =	simm.s32 $0x108;
	s8 =	sld [smem:$0x3FAF]  }
0x2e: {  	s3 =	simm.s32 @!p0 $0x1082;
	s9 =	sld [smem:$0x3FB0]  }
0x2f: {  	lr =	sadd.s32 s0, s3;
	s0 =	sld [smem:$0x3FA7]  }
0x30: {  	s3 =	sld [smem:$0x3FAA]  }
0x31: {  	[smem:$0x3FB3] =	sst s10  }
0x32: {  	s10 =	sld [smem:$0x3FB1];
	_ =	sdelay $0x3  }
0x33: {  	p0 =	seq.s32 s10, $0x1;
	s10 =	sld [smem:$0x3FB3];
	_ =	sdelay $0x3  }
0x34: {  	[smem:$0x3FB3] =	sst s10  }
0x35: {  	s10 =	sld [smem:$0x3FB2];
	_ =	sdelay $0x3  }
0x36: {  	p1 =	seq.s32 s10, $0x1;
	s10 =	sld [smem:$0x3FB3];
	_ =	sdelay $0x3  }
0x37: {  	[smem:$0x3FB3] =	sst s10  }
0x38: {  	s10 =	sld [smem:$0x3FB4]  }
0x39: {  	_ = 	snop;
	(pc) =	sbr.ind lr, $3  }
0x3a: {  	_ = 	snop  }
0x3b: {  	_ = 	snop  }
0x3c: {  	p2 =	seq.s32 s10, $0x1;
	s10 =	sld [smem:$0x3FB3]  }
0x3d: {  	_ =	shalt  }
0x3e: {  	_ =	shalt  }
0x3f: {  	_ =	shalt  }
0x40: {  	_ =	shalt  }
0x41: {  	_ =	shalt  }
0x42: {  	_ =	shalt  }
0x43: {  	_ =	shalt  }
0x44: {  	_ =	shalt  }
0x45: {  	_ =	shalt  }
0x46: {  	_ =	shalt  }
0x47: {  	_ =	shalt  }
0x48: {  	_ =	shalt  }
0x49: {  	_ =	shalt  }
0x4a: {  	_ =	shalt  }
0x4b: {  	_ =	shalt  }
0x4c: {  	_ =	shalt  }
0x4d: {  	_ =	shalt  }
0x4e: {  	_ =	shalt  }
0x4f: {  	_ =	shalt  }
0x50: {  	_ =	shalt  }
0x51: {  	_ =	shalt  }
0x52: {  	_ =	shalt  }
0x53: {  	_ =	shalt  }
0x54: {  	_ =	shalt  }
0x55: {  	_ =	shalt  }
0x56: {  	_ =	shalt  }
0x57: {  	_ =	shalt  }
0x58: {  	_ =	shalt  }
0x59: {  	_ =	shalt  }
0x5a: {  	_ =	shalt  }
0x5b: {  	_ =	shalt  }
0x5c: {  	_ =	shalt  }
0x5d: {  	_ =	shalt  }
0x5e: {  	_ =	shalt  }
0x5f: {  	_ =	shalt  }
0x60: {  	_ =	shalt  }
0x61: {  	_ =	shalt  }
0x62: {  	_ =	shalt  }
0x63: {  	_ =	shalt  }
0x64: {  	_ =	shalt  }
0x65: {  	_ =	shalt  }
0x66: {  	_ =	shalt  }
0x67: {  	_ =	shalt  }
0x68: {  	_ =	shalt  }
0x69: {  	_ =	shalt  }
0x6a: {  	_ =	shalt  }
0x6b: {  	_ =	shalt  }
0x6c: {  	_ =	shalt  }
0x6d: {  	_ =	shalt  }
0x6e: {  	_ =	shalt  }
0x6f: {  	_ =	shalt  }
0x70: {  	_ =	shalt  }
0x71: {  	_ =	shalt  }
0x72: {  	_ =	shalt  }
0x73: {  	_ =	shalt  }
0x74: {  	_ =	shalt  }
0x75: {  	_ =	shalt  }
0x76: {  	_ =	shalt  }
0x77: {  	_ =	shalt  }
0x78: {  	_ =	shalt  }
0x79: {  	_ =	shalt  }
0x7a: {  	_ =	shalt  }
0x7b: {  	_ =	shalt  }
0x7c: {  	_ =	shalt  }
0x7d: {  	_ =	shalt  }
0x7e: {  	_ =	shalt  }
0x7f: {  	_ =	shalt  }
0x80: {  	_ =	shalt  }
0x81: {  	_ =	shalt  }
0x82: {  	_ =	shalt  }
0x83: {  	_ =	shalt  }
0x84: {  	_ =	shalt  }
0x85: {  	_ =	shalt  }
0x86: {  	_ =	shalt  }
0x87: {  	_ =	shalt  }
.Lfunc_end0:
.L_simem_size_0:
called_computation.2_lowered:
.L_overlay_start_0:
0x88: {  	s2 =	sld [smem:$0x3FD9]  }
0x89: {  	s3 =	sld [smem:$0x3FFE];
	_ =	sdelay $0x1  }
0x8a: {  	s1 =	srdreg.scid  }
0x8b: {  	s0 =	sand.u32 $0x1, s1  }
0x8c: {  	s17 =	sshll.u32 s0, $0xA;
	s2 =	sadd.s32 s3, s2  }
0x8d: {  	s2 =	sadd.s32 s2, s17  }
0x8e: {  	[smem:$0x3FBF] =	sst s2  }
0x8f: {  	_ = 	snop  }
0x90: {  	s2 =	sld [smem:$0x3FC8];
	(tm) =	ssettm $0x1  }
0x91: {  	s18 =	sld [smem:$0x3FFB];
	_ =	sdelay $0x3  }
0x92: {  	_ =	strace s18  }
0x93: {  	s3 =	sld [smem:$0x3FFC];
	_ =	sdelay $0x3  }
0x94: {  	_ =	strace s3  }
0x95: {  	s3 =	sld [smem:$0x3FFD];
	_ =	sdelay $0x3  }
0x96: {  	_ =	strace s3  }
0x97: {  	_ =	strace $0x8FFFFFFF  }
0x98: {  	s19 =	sld [smem:$0x3FDB];
	_ =	sdelay $0x1  }
0x99: {  	s4 =	simm.s32 $_scs_section_size  }
0x9a: {  	s5 =	simm.s32 $_size__tile_overlayer_lowered;
	s6 =	simm.s32 $_tile_overlayer_lowered  }
0x9b: {  	s22 =	simm.s32 $0x1BFF;
	s21 =	sshll.u32 s6, $0x1;
	s3 =	sadd.s32 s4, s19  }
0x9c: {  	s7 =	simm.s32 $0x0;
	s20 =	sshll.u32 s5, $0x1;
	s5 =	sadd.s32 s21, s3  }
0x9d: {  	[timem:s7], [sflag:s22] =	dma.local [hbm:s5], s20  }
0x9e: {  	_ =	swait.ge [sflag:s22], s20  }
0x9f: {  	s4 =	ssub.s32 $0x0, s20;
	[sflag:s22] =	ssyncset.done $0x0  }
0xa0: {  	[sflag:s22] =	ssyncadd.s32 s4;
	_ =	sdelay $0x1  }
0xa1: {  	s23 =	simm.s32 $0x1B8B  }
0xa2: {  	_ =	swait.ge [sflag:s23], $0x1  }
0xa3: {  	[sflag:s23] =	ssyncset.done $0x0  }
0xa4: {  	s25 =	simm.s32 $0x1B8E;
	s24 =	sld [smem:$0x3FFE];
	[sflag:s23] =	ssyncadd.s32 $0xFFFFFFFF  }
0xa5: {  	s26 =	simm.s32 $execute0_lowered;
	[smem:$0x3FD2] =	sst s25  }
0xa6: {  	s5 =	sshll.u32 s26, $0x1;
	_ =	strace $0x8000004C;
	[dreg:$0x1] =	wrdreg $0xFFFFFFFF  }
0xa7: {  	s28 =	simm.s32 $_size_execute0_lowered;
	s3 =	sadd.s32 s3, s5;
	[dreg:$0x0] =	wrdreg $0x0  }
0xa8: {  	s5 =	sshll.u32 s28, $0x1;
	[dreg:$0x2] =	wrdreg s3  }
0xa9: {  	[dreg:$0x3] =	wrdreg s5  }
0xaa: {  	[dreg:$0x4] =	wrdreg $0xC0  }
0xab: {  	_ =	task [dreg:s7], $0x5FFFF  }
0xac: {  	[dreg:$0x1] =	wrdreg $0xFFFFFFFF  }
0xad: {  	[dreg:$0x0] =	wrdreg $0x60  }
0xae: {  	[dreg:$0x2] =	wrdreg s24  }
0xaf: {  	[dreg:$0x3] =	wrdreg s2  }
0xb0: {  	[dreg:$0x4] =	wrdreg $0x7FD00  }
0xb1: {  	[dreg:$0x5] =	wrdreg $0x9  }
0xb2: {  	_ =	task.clear_ibuf [dreg:s7], $0x6FFFF;
	_ =	strace $0x9000004C  }
0xb3: {  	s29 =	simm.s32 $0x9;
	_ =	strace $0x8000004E  }
0xb4: {  	_ =	swait.ge [sflag:s29], $0x1  }
0xb5: {  	[sflag:s29] =	ssyncadd.s32 $0xFFFFFFFF  }
0xb6: {  	_ =	strace $0x9000004E  }
0xb7: {  	_ =	sfence  }
0xb8: {  	s30 =	sld [smem:$0x0];
	_ =	sdelay $0x2  }
0xb9: {  	s31 =	sshll.u32 s1, $0xD;
	s1 =	sshrl.u32 s1, $0x2  }
0xba: {  	s3 =	sand.u32 $0x4000, s31;
	s1 =	sadd.s32 s1, s30  }
0xbb: {  	s0 =	sor.u32 s3, s0;
	s1 =	sshll.u32 s1, $0x11  }
0xbc: {  	s0 =	sor.u32 s1, s0  }
0xbd: {  	s0 =	sadd.s32 $0x8F2B, s0  }
0xbe: {  	[sflag:s0] =	ssyncadd.remote.s32 $0x1  }
0xbf: {  	_ =	sfence.sel $0xFFFF  }
0xc0: {  	[dreg:$0x0] =	wrdreg $0xFFFFFFFF;
	(pc) =	sbr.abs _section_cstart, $3  }
0xc1: {  	[dreg:$0x1] =	wrdreg $0xFFFFFFFF  }
0xc2: {  	_ =	task.clear_ibuf [dreg:s7], $0x2FFFF;
	_ =	strace $0x9FFFFFFF  }
0xc3: {  	(tm) =	ssettm $0x7FFFFFFF  }
tec
execute0_lowered:
.L_overlay_start_1:
0x0: {  	(tag) =	ssettag $0x1  }
0x1: {  	s1 =	rddreg [dreg:$0x0]  }
0x2: {  	s0 =	srdreg.scid;
	s9 =	rddreg [dreg:$0x1]  }
0x3: {  	s12 =	stileid.u32;
	s2 =	rddreg [dreg:$0x2];
	s15 =	simm.s32 $0x50  }
0x4: {  	s16 =	simm.s32 $0x7530;
	s17 =	simm.s32 $0x7580;
	s18 =	simm.s32 $0x7A80  }
0x5: {  	s19 =	simm.s32 $0x7AD0;
	s20 =	simm.s32 $0x1;
	s21 =	simm.s32 $0x7680  }
0x6: {  	s22 =	simm.s32 $0x7780;
	s23 =	simm.s32 $0x7880;
	s28 =	simm.s32 $0x2  }
0x7: {  	s29 =	simm.s32 $0x7BD0;
	s30 =	simm.s32 $0x7CD0;
	s31 =	simm.s32 $0x7DD0  }
0x8: {  	s0 =	sand.u32 $0x1, s0;
	s5 =	smul.u32 $0x14000, s12;
	s25 =	sshll.u32 s12, $0x6  }
0x9: {  	s3 =	sshll.u32 s0, $0x4;
	s6 =	smul.u32 $0x28000, s0;
	s0 =	ssub.s32 $0x2, s0  }
0xa: {  	s4 =	sor.u32 s12, s3;
	s3 =	simm.s32 $0x0;
	s13 =	sshrl.u32 s5, $0x3  }
0xb: {  	s11 =	sshrl.u32 s0, $0x1;
	s26 =	sadd.s32 s5, s2;
	s12 =	simm.s32 $0x4  }
0xc: {  	s10 =	smul.u32 $0x4E2, s4;
	[smem:$0x7FF] =	sst s3;
	s4 =	sadd.s32 $0x1FC400, s1  }
0xd: {  	s7 =	sadd.s32 s13, s1;
	s0 =	ssub.s32 s0, s11;
	s11 =	sshrl.u32 s26, $0x3  }
0xe: {  	s26 =	simm.s32 $0x3;
	_ =	strace $0x8000004D;
	s5 =	sadd.s32 $0x1D4400, s7  }
0xf: {  	s8 =	sadd.s32 s10, s1;
	s1 =	sadd.s32 s6, s1;
	s6 =	sor.u32 $0x1C04, s25  }
0x10: {  	s9 =	sadd.s32 s9, s10;
	s10 =	smax.u32 s0, $0x1;
	s25 =	simm.s32 $0x7980  }
0x11: {  	s0 =	simm.s32 $0x0;
	s7 =	sadd.s32 $0xBC00, s8;
	s1 =	sadd.s32 $0x228400, s1  }
0x12: {  	vm0 =	vmmov $0xffff;
	s8 =	sadd.s32 $0x1E00, s8;
	s24 =	sadd.s32 s13, s1;
	s1 =	simm.s32 $0x7ED0  }
.LBB2_1:
0x13: {  	[spmem:s11], [sflag:s6] =	dma.local [hbm:s5], $0x2800  }
0x14: {  	_ =	swait.ge [sflag:s12], $0x2800  }
0x15: {  	[sflag:s12] =	ssyncset.done $0x0  }
0x16: {  	[sflag:s12] =	ssyncadd.s32 $0xFFFFD800  }
0x17: {  	[tilespmem:s3], [sflag:$0x4] =	stream.linear.gather [hbm4b:s7+s3], $0x2710, $0x38;
	[tilespmem:$0x1BFD0] =	vst v63  }
0x18: {  	_ =	swait.ge [sflag:s12], $0x2710  }
0x19: {  	[sflag:s12] =	ssyncset.done $0x0  }
0x1a: {  	s13 =	simm.s32 $0x2710;
	[sflag:s12] =	ssyncadd.s32 $0xFFFFD8F0  }
0x1b: {  	[tilespmem:s13], [sflag:$0x4] =	stream.linear.gather [hbm4b:s8+s3], $0x2710, $0x38;
	[tilespmem:$0x1BFD0] =	vst v63  }
0x1c: {  	_ =	swait.ge [sflag:s12], $0x2710  }
0x1d: {  	[sflag:s12] =	ssyncset.done $0x0  }
0x1e: {  	s14 =	simm.s32 $0x4E20;
	[sflag:s12] =	ssyncadd.s32 $0xFFFFD8F0  }
0x1f: {  	[tilespmem:s14], [sflag:$0x4] =	stream.linear.gather [hbm4b:s9+s3], $0x2710, $0x38;
	[tilespmem:$0x1BFD0] =	vst v63  }
0x20: {  	_ =	swait.ge [sflag:s12], $0x2710  }
0x21: {  	[sflag:s12] =	ssyncset.done $0x0  }
0x22: {  	[sflag:s12] =	ssyncadd.s32 $0xFFFFD8F0  }
0x23: {  	[bflag:$0x0] =	sbarrier.arrive $0xFFFF  }
0x24: {  	v0 =	vld [tilespmem:$0x4E20]  }
0x25: {  	v1 =	vld [tilespmem:$0x0]  }
0x26: {  	v2 =	vld [tilespmem:$0x4E30]  }
0x27: {  	v3 =	vld [tilespmem:$0x10]  }
0x28: {  	v4 =	vld [tilespmem:$0x4E40]  }
0x29: {  	v5 =	vld [tilespmem:$0x20]  }
0x2a: {  	v6 =	vld [tilespmem:$0x4E50]  }
0x2b: {  	v7 =	vld [tilespmem:$0x4E60]  }
0x2c: {  	v8 =	vld [tilespmem:$0x30];
	v0 =	vmul.u32 $0x2710, v0  }
0x2d: {  	v9 =	vld [tilespmem:$0x40];
	v2 =	vmul.u32 $0x2710, v2  }
0x2e: {  	v57 =	vmul.u32 $0x2710, v4;
	v0 =	vadd.s32 v1, v0  }
0x2f: {  	v59 =	vmul.u32 $0x2710, v6;
	v58 =	vadd.s32 v3, v2;
	[tilespmem:$0x7530] =	vst v0  }
0x30: {  	v61 =	vmul.u32 $0x2710, v7;
	v60 =	vadd.s32 v5, v57;
	[tilespmem:$0x7540] =	vst v58  }
0x31: {  	v62 =	vadd.s32 v8, v59;
	[tilespmem:$0x7550] =	vst v60  }
0x32: {  	v63 =	vadd.s32 v9, v61;
	[tilespmem:$0x7560] =	vst v62  }
0x33: {  	s13 =	simm.s32 $0x0;
	[tilespmem:$0x7570] =	vst v63  }
0x34: {  	[tilespmem:s17], [sflag:$0x1] =	stream.indirect.gather [hbm4b:s4+s15], $0x10, s16, s15, $0xb8;
	[tilespmem:$0x1BFD0] =	vst v63  }
.LBB2_2:
0x35: {  	s14 =	sshra.s32 s13, $0x2  }
0x36: {  	v0 =	vld [tilespmem:s14+$0x4E70];
	_ =	sdelay $0x1  }
0x37: {  	v1 =	vld [tilespmem:s14+$0x50];
	_ =	sdelay $0x2  }
0x38: {  	v0 =	vmul.u32 $0x2710, v0;
	_ =	sdelay $0x1  }
0x39: {  	v0 =	vadd.s32 v1, v0  }
0x3a: {  	[tilespmem:$0x7A80] =	vst v0  }
0x3b: {  	v0 =	vld [tilespmem:s14+$0x4E80];
	_ =	sdelay $0x1  }
0x3c: {  	v42 =	vld [tilespmem:s14+$0x60];
	_ =	sdelay $0x2  }
0x3d: {  	v0 =	vmul.u32 $0x2710, v0;
	_ =	sdelay $0x1  }
0x3e: {  	v0 =	vadd.s32 v42, v0  }
0x3f: {  	[tilespmem:$0x7A90] =	vst v0  }
0x40: {  	v0 =	vld [tilespmem:s14+$0x4E90];
	_ =	sdelay $0x1  }
0x41: {  	v43 =	vld [tilespmem:s14+$0x70];
	_ =	sdelay $0x2  }
0x42: {  	v0 =	vmul.u32 $0x2710, v0;
	_ =	sdelay $0x1  }
0x43: {  	v0 =	vadd.s32 v43, v0  }
0x44: {  	[tilespmem:$0x7AA0] =	vst v0  }
0x45: {  	v0 =	vld [tilespmem:s14+$0x4EA0];
	_ =	sdelay $0x1  }
0x46: {  	v44 =	vld [tilespmem:s14+$0x80];
	_ =	sdelay $0x2  }
0x47: {  	v0 =	vmul.u32 $0x2710, v0;
	_ =	sdelay $0x1  }
0x48: {  	v0 =	vadd.s32 v44, v0  }
0x49: {  	[tilespmem:$0x7AB0] =	vst v0  }
0x4a: {  	v0 =	vld [tilespmem:s14+$0x4EB0];
	_ =	sdelay $0x1  }
0x4b: {  	v45 =	vld [tilespmem:s14+$0x90];
	_ =	sdelay $0x2  }
0x4c: {  	v0 =	vmul.u32 $0x2710, v0;
	_ =	sdelay $0x1  }
0x4d: {  	v0 =	vadd.s32 v45, v0  }
0x4e: {  	[tilespmem:$0x7AC0] =	vst v0  }
0x4f: {  	[tilespmem:s19], [sflag:$0x2] =	stream.indirect.gather [hbm4b:s4+s15], $0x10, s18, s15, $0xb8;
	[tilespmem:$0x1BFD0] =	vst v63  }
0x50: {  	_ =	swait.ge [sflag:s20], $0x500  }
0x51: {  	[sflag:s20] =	ssyncset.done $0x0  }
0x52: {  	[sflag:s20] =	ssyncadd.s32 $0xFFFFFB00  }
0x53: {  	v46 =	vld [tilespmem:s14+$0x2710]  }
0x54: {  	v47 =	vld [tilespmem:s14+$0x4E20];
	_ =	sdelay $0x3  }
0x55: {  	v0 =	vshll.u32 v46, $0x3  }
0x56: {  	v0 =	vadd.s32 v47, v0;
	_ =	sdelay $0x4  }
0x57: {  	[spmem:s2] =	stream.indirect_vreg.scatter.add.f32 [tilespmem:s17], [sflag:$0x3], $0x10, v0, vm0, $0xb8;
	[tilespmem:$0x1BFD0] =	vst v63  }
0x58: {  	v0 =	vld [tilespmem:s14+$0x2720]  }
0x59: {  	v48 =	vld [tilespmem:s14+$0x4E30];
	_ =	sdelay $0x3  }
0x5a: {  	v0 =	vshll.u32 v0, $0x3  }
0x5b: {  	v0 =	vadd.s32 v48, v0;
	_ =	sdelay $0x4  }
0x5c: {  	[spmem:s2] =	stream.indirect_vreg.scatter.add.f32 [tilespmem:s21], [sflag:$0x3], $0x10, v0, vm0, $0xb8;
	[tilespmem:$0x1BFD0] =	vst v63  }
0x5d: {  	v0 =	vld [tilespmem:s14+$0x2730]  }
0x5e: {  	v49 =	vld [tilespmem:s14+$0x4E40];
	_ =	sdelay $0x3  }
0x5f: {  	v0 =	vshll.u32 v0, $0x3  }
0x60: {  	v0 =	vadd.s32 v49, v0;
	_ =	sdelay $0x4  }
0x61: {  	[spmem:s2] =	stream.indirect_vreg.scatter.add.f32 [tilespmem:s22], [sflag:$0x3], $0x10, v0, vm0, $0xb8;
	[tilespmem:$0x1BFD0] =	vst v63  }
0x62: {  	v0 =	vld [tilespmem:s14+$0x2740]  }
0x63: {  	v50 =	vld [tilespmem:s14+$0x4E50];
	_ =	sdelay $0x3  }
0x64: {  	v0 =	vshll.u32 v0, $0x3  }
0x65: {  	v0 =	vadd.s32 v50, v0;
	_ =	sdelay $0x4  }
0x66: {  	[spmem:s2] =	stream.indirect_vreg.scatter.add.f32 [tilespmem:s23], [sflag:$0x3], $0x10, v0, vm0, $0xb8;
	[tilespmem:$0x1BFD0] =	vst v63  }
0x67: {  	v0 =	vld [tilespmem:s14+$0x2750]  }
0x68: {  	v51 =	vld [tilespmem:s14+$0x4E60];
	_ =	sdelay $0x3  }
0x69: {  	v0 =	vshll.u32 v0, $0x3  }
0x6a: {  	v0 =	vadd.s32 v51, v0;
	_ =	sdelay $0x4  }
0x6b: {  	[spmem:s2] =	stream.indirect_vreg.scatter.add.f32 [tilespmem:s25], [sflag:$0x3], $0x10, v0, vm0, $0xb8;
	[tilespmem:$0x1BFD0] =	vst v63  }
0x6c: {  	_ =	swait.ge [sflag:s26], $0x100  }
0x6d: {  	[sflag:s26] =	ssyncset.done $0x0  }
0x6e: {  	[sflag:s26] =	ssyncadd.s32 $0xFFFFFF00  }
0x6f: {  	_ =	swait.ge [sflag:s26], $0x100  }
0x70: {  	[sflag:s26] =	ssyncset.done $0x0  }
0x71: {  	[sflag:s26] =	ssyncadd.s32 $0xFFFFFF00  }
0x72: {  	_ =	swait.ge [sflag:s26], $0x100  }
0x73: {  	[sflag:s26] =	ssyncset.done $0x0  }
0x74: {  	[sflag:s26] =	ssyncadd.s32 $0xFFFFFF00  }
0x75: {  	_ =	swait.ge [sflag:s26], $0x100  }
0x76: {  	[sflag:s26] =	ssyncset.done $0x0  }
0x77: {  	[sflag:s26] =	ssyncadd.s32 $0xFFFFFF00  }
0x78: {  	_ =	swait.ge [sflag:s26], $0x100  }
0x79: {  	[sflag:s26] =	ssyncset.done $0x0  }
0x7a: {  	[sflag:s26] =	ssyncadd.s32 $0xFFFFFF00  }
0x7b: {  	v52 =	vld [tilespmem:s14+$0x4EC0];
	_ =	sdelay $0x1  }
0x7c: {  	v53 =	vld [tilespmem:s14+$0xA0];
	_ =	sdelay $0x2  }
0x7d: {  	v0 =	vmul.u32 $0x2710, v52;
	_ =	sdelay $0x1  }
0x7e: {  	v0 =	vadd.s32 v53, v0  }
0x7f: {  	[tilespmem:$0x7530] =	vst v0  }
0x80: {  	v0 =	vld [tilespmem:s14+$0x4ED0];
	_ =	sdelay $0x1  }
0x81: {  	v54 =	vld [tilespmem:s14+$0xB0];
	_ =	sdelay $0x2  }
0x82: {  	v0 =	vmul.u32 $0x2710, v0;
	_ =	sdelay $0x1  }
0x83: {  	v0 =	vadd.s32 v54, v0  }
0x84: {  	[tilespmem:$0x7540] =	vst v0  }
0x85: {  	v0 =	vld [tilespmem:s14+$0x4EE0];
	_ =	sdelay $0x1  }
0x86: {  	v55 =	vld [tilespmem:s14+$0xC0];
	_ =	sdelay $0x2  }
0x87: {  	v0 =	vmul.u32 $0x2710, v0;
	_ =	sdelay $0x1  }
0x88: {  	v0 =	vadd.s32 v55, v0  }
0x89: {  	[tilespmem:$0x7550] =	vst v0  }
0x8a: {  	v0 =	vld [tilespmem:s14+$0x4EF0];
	_ =	sdelay $0x1  }
0x8b: {  	v56 =	vld [tilespmem:s14+$0xD0];
	_ =	sdelay $0x2  }
0x8c: {  	v0 =	vmul.u32 $0x2710, v0;
	_ =	sdelay $0x1  }
0x8d: {  	v0 =	vadd.s32 v56, v0  }
0x8e: {  	[tilespmem:$0x7560] =	vst v0  }
0x8f: {  	v0 =	vld [tilespmem:s14+$0x4F00];
	_ =	sdelay $0x1  }
0x90: {  	v57 =	vld [tilespmem:s14+$0xE0];
	_ =	sdelay $0x2  }
0x91: {  	v0 =	vmul.u32 $0x2710, v0;
	_ =	sdelay $0x1  }
0x92: {  	v0 =	vadd.s32 v57, v0  }
0x93: {  	[tilespmem:$0x7570] =	vst v0  }
0x94: {  	[tilespmem:s17], [sflag:$0x1] =	stream.indirect.gather [hbm4b:s4+s15], $0x10, s16, s15, $0xb8;
	[tilespmem:$0x1BFD0] =	vst v63  }
0x95: {  	_ =	swait.ge [sflag:s28], $0x500  }
0x96: {  	[sflag:s28] =	ssyncset.done $0x0  }
0x97: {  	[sflag:s28] =	ssyncadd.s32 $0xFFFFFB00  }
0x98: {  	v58 =	vld [tilespmem:s14+$0x2760]  }
0x99: {  	v59 =	vld [tilespmem:s14+$0x4E70];
	_ =	sdelay $0x3  }
0x9a: {  	v0 =	vshll.u32 v58, $0x3  }
0x9b: {  	v0 =	vadd.s32 v59, v0;
	_ =	sdelay $0x4  }
0x9c: {  	[spmem:s2] =	stream.indirect_vreg.scatter.add.f32 [tilespmem:s19], [sflag:$0x3], $0x10, v0, vm0, $0xb8;
	[tilespmem:$0x1BFD0] =	vst v63  }
0x9d: {  	v0 =	vld [tilespmem:s14+$0x2770]  }
0x9e: {  	v60 =	vld [tilespmem:s14+$0x4E80];
	_ =	sdelay $0x3  }
0x9f: {  	v0 =	vshll.u32 v0, $0x3  }
0xa0: {  	v0 =	vadd.s32 v60, v0;
	_ =	sdelay $0x4  }
0xa1: {  	[spmem:s2] =	stream.indirect_vreg.scatter.add.f32 [tilespmem:s29], [sflag:$0x3], $0x10, v0, vm0, $0xb8;
	[tilespmem:$0x1BFD0] =	vst v63  }
0xa2: {  	v0 =	vld [tilespmem:s14+$0x2780]  }
0xa3: {  	v61 =	vld [tilespmem:s14+$0x4E90];
	_ =	sdelay $0x3  }
0xa4: {  	v0 =	vshll.u32 v0, $0x3  }
0xa5: {  	v0 =	vadd.s32 v61, v0;
	_ =	sdelay $0x4  }
0xa6: {  	[spmem:s2] =	stream.indirect_vreg.scatter.add.f32 [tilespmem:s30], [sflag:$0x3], $0x10, v0, vm0, $0xb8;
	[tilespmem:$0x1BFD0] =	vst v63  }
0xa7: {  	v0 =	vld [tilespmem:s14+$0x2790]  }
0xa8: {  	v62 =	vld [tilespmem:s14+$0x4EA0];
	_ =	sdelay $0x3  }
0xa9: {  	v0 =	vshll.u32 v0, $0x3  }
0xaa: {  	v0 =	vadd.s32 v62, v0;
	_ =	sdelay $0x4  }
0xab: {  	[spmem:s2] =	stream.indirect_vreg.scatter.add.f32 [tilespmem:s31], [sflag:$0x3], $0x10, v0, vm0, $0xb8;
	[tilespmem:$0x1BFD0] =	vst v63  }
0xac: {  	v0 =	vld [tilespmem:s14+$0x27A0]  }
0xad: {  	v63 =	vld [tilespmem:s14+$0x4EB0];
	_ =	sdelay $0x3  }
0xae: {  	v0 =	vshll.u32 v0, $0x3  }
0xaf: {  	v0 =	vadd.s32 v63, v0;
	_ =	sdelay $0x4  }
0xb0: {  	[spmem:s2] =	stream.indirect_vreg.scatter.add.f32 [tilespmem:s1], [sflag:$0x3], $0x10, v0, vm0, $0xb8;
	[tilespmem:$0x1BFD0] =	vst v63  }
0xb1: {  	_ =	swait.ge [sflag:s26], $0x100  }
0xb2: {  	[sflag:s26] =	ssyncset.done $0x0  }
0xb3: {  	[sflag:s26] =	ssyncadd.s32 $0xFFFFFF00  }
0xb4: {  	_ =	swait.ge [sflag:s26], $0x100  }
0xb5: {  	[sflag:s26] =	ssyncset.done $0x0  }
0xb6: {  	[sflag:s26] =	ssyncadd.s32 $0xFFFFFF00  }
0xb7: {  	_ =	swait.ge [sflag:s26], $0x100  }
0xb8: {  	[sflag:s26] =	ssyncset.done $0x0  }
0xb9: {  	[sflag:s26] =	ssyncadd.s32 $0xFFFFFF00  }
0xba: {  	p0 =	sne.s32 s13, $0x9880;
	_ =	swait.ge [sflag:s26], $0x100  }
.Ltmp0:
0xbb: {  	[sflag:s26] =	ssyncset.done $0x0;
	(pc) =	sbr.rel @p0 .LBB2_2-.Ltmp0, $4  }
0xbc: {  	[sflag:s26] =	ssyncadd.s32 $0xFFFFFF00  }
0xbd: {  	_ =	swait.ge [sflag:s26], $0x100  }
0xbe: {  	[sflag:s26] =	ssyncset.done $0x0  }
0xbf: {  	s13 =	sadd.s32 $0x280, s13;
	[sflag:s26] =	ssyncadd.s32 $0xFFFFFF00  }
0xc0: {  	_ =	swait.ge [sflag:s20], $0x500  }
0xc1: {  	[sflag:s20] =	ssyncset.done $0x0  }
0xc2: {  	[sflag:s20] =	ssyncadd.s32 $0xFFFFFB00  }
0xc3: {  	v0 =	vld [tilespmem:$0x4DD0]  }
0xc4: {  	v1 =	vld [tilespmem:$0x74E0];
	_ =	sdelay $0x3  }
0xc5: {  	v0 =	vshll.u32 v0, $0x3  }
0xc6: {  	v0 =	vadd.s32 v1, v0;
	_ =	sdelay $0x4  }
0xc7: {  	[spmem:s2] =	stream.indirect_vreg.scatter.add.f32 [tilespmem:s17], [sflag:$0x3], $0x10, v0, vm0, $0xb8;
	[tilespmem:$0x1BFD0] =	vst v63  }
0xc8: {  	v0 =	vld [tilespmem:$0x4DE0]  }
0xc9: {  	v60 =	vld [tilespmem:$0x74F0];
	_ =	sdelay $0x3  }
0xca: {  	v0 =	vshll.u32 v0, $0x3  }
0xcb: {  	v0 =	vadd.s32 v60, v0;
	_ =	sdelay $0x4  }
0xcc: {  	[spmem:s2] =	stream.indirect_vreg.scatter.add.f32 [tilespmem:s21], [sflag:$0x3], $0x10, v0, vm0, $0xb8;
	[tilespmem:$0x1BFD0] =	vst v63  }
0xcd: {  	v0 =	vld [tilespmem:$0x4DF0]  }
0xce: {  	v61 =	vld [tilespmem:$0x7500];
	_ =	sdelay $0x3  }
0xcf: {  	v0 =	vshll.u32 v0, $0x3  }
0xd0: {  	v0 =	vadd.s32 v61, v0;
	_ =	sdelay $0x4  }
0xd1: {  	[spmem:s2] =	stream.indirect_vreg.scatter.add.f32 [tilespmem:s22], [sflag:$0x3], $0x10, v0, vm0, $0xb8;
	[tilespmem:$0x1BFD0] =	vst v63  }
0xd2: {  	v0 =	vld [tilespmem:$0x4E00]  }
0xd3: {  	v62 =	vld [tilespmem:$0x7510];
	_ =	sdelay $0x3  }
0xd4: {  	v0 =	vshll.u32 v0, $0x3  }
0xd5: {  	v0 =	vadd.s32 v62, v0;
	_ =	sdelay $0x4  }
0xd6: {  	[spmem:s2] =	stream.indirect_vreg.scatter.add.f32 [tilespmem:s23], [sflag:$0x3], $0x10, v0, vm0, $0xb8;
	[tilespmem:$0x1BFD0] =	vst v63  }
0xd7: {  	v0 =	vld [tilespmem:$0x4E10]  }
0xd8: {  	v63 =	vld [tilespmem:$0x7520];
	_ =	sdelay $0x3  }
0xd9: {  	v0 =	vshll.u32 v0, $0x3  }
0xda: {  	v0 =	vadd.s32 v63, v0;
	_ =	sdelay $0x4  }
0xdb: {  	[spmem:s2] =	stream.indirect_vreg.scatter.add.f32 [tilespmem:s25], [sflag:$0x3], $0x10, v0, vm0, $0xb8;
	[tilespmem:$0x1BFD0] =	vst v63  }
0xdc: {  	_ =	swait.ge [sflag:s26], $0x100  }
0xdd: {  	[sflag:s26] =	ssyncset.done $0x0  }
0xde: {  	[sflag:s26] =	ssyncadd.s32 $0xFFFFFF00  }
0xdf: {  	_ =	swait.ge [sflag:s26], $0x100  }
0xe0: {  	[sflag:s26] =	ssyncset.done $0x0  }
0xe1: {  	[sflag:s26] =	ssyncadd.s32 $0xFFFFFF00  }
0xe2: {  	_ =	swait.ge [sflag:s26], $0x100  }
0xe3: {  	[sflag:s26] =	ssyncset.done $0x0  }
0xe4: {  	[sflag:s26] =	ssyncadd.s32 $0xFFFFFF00  }
0xe5: {  	_ =	swait.ge [sflag:s26], $0x100  }
0xe6: {  	[sflag:s26] =	ssyncset.done $0x0  }
0xe7: {  	[sflag:s26] =	ssyncadd.s32 $0xFFFFFF00  }
0xe8: {  	_ =	swait.ge [sflag:s26], $0x100  }
0xe9: {  	s0 =	sadd.s32 $0x1, s0;
	[sflag:s26] =	ssyncset.done $0x0  }
0xea: {  	p0 =	sne.s32 s0, s10;
	[sflag:s26] =	ssyncadd.s32 $0xFFFFFF00  }
.Ltmp1:
0xeb: {  	[bflag:$0x0] =	sbarrier.arrive $0xFFFF;
	(pc) =	sbr.rel @p0 .LBB2_1-.Ltmp1, $4  }
0xec: {  	[hbm:s24], [sflag:s6] =	dma.local [spmem:s11], $0x2800  }
0xed: {  	_ =	swait.ge [sflag:s12], $0x2800  }
0xee: {  	[sflag:s12] =	ssyncset.done $0x0  }
0xef: {  	[sflag:s12] =	ssyncadd.s32 $0xFFFFD800  }
0xf0: {  	_ =	sfence.sel $0x180000  }
0xf1: {  	[bflag:$0x0] =	sbarrier.arrive $0xFFFF  }
0xf2: {  	_ =	strace $0x9000004D  }
0xf3: {  	s0 =	stileid.u32;
	[bflag:$0x2] =	sbarrier.arrive $0xFFFF  }
0xf4: {  	p0 =	sne.s32 s0, $0x0;
	s0 =	rddreg [dreg:$0x3]  }
0xf5: {  	s0 =	sadd.s32 @!p0 $0x100000, s0  }
0xf6: {  	[sflag:s0] =	ssyncadd.tile.s32 @!p0 $0x1;
	_ =	shalt  }
.Lfunc_end2:
_tile_overlayer_lowered:
.L_overlay_start_2:
0xf7: {  	(tag) =	ssettag $0x2  }
0xf8: {  	s0 =	rddreg [dreg:$0x0];
	s2 =	stileid.u32  }
0xf9: {  	s1 =	rddreg [dreg:$0x1];
	p0 =	sne.s32 s2, $0x0  }
0xfa: {  	s3 =	rddreg [dreg:$0x2];
	[bflag:$0x3] =	sbarrier.arrive $0xFFFF;
	s2 =	simm.s32 @!p0 $0x1C04  }
0xfb: {  	[timem:s3], [sflag:s2] =	dma.local @!p0 [hbm:s0], s1  }
0xfc: {  	s0 =	simm.s32 @!p0 $0x4  }
0xfd: {  	_ =	swait.ge @!p0 [sflag:s0], s1  }
0xfe: {  	s1 =	ssub.s32 @!p0 $0x0, s1;
	[sflag:s0] =	ssyncset.done @!p0 $0x0  }
0xff: {  	[sflag:s0] =	ssyncadd.s32 @!p0 s1  }
0x100: {  	[bflag:$0x3] =	sbarrier.arrive $0xFFFF  }
0x101: {  	_ =	shalt  }

// kernel: kernel.9.cloned.1.call-start
scs
__scs_entry_jumppad:
0x0: {  	(pc) =	sbr.rel $0x88, $3  }
0x1: {  	(tag) =	ssettag $0x0;
	lr =	simm.s32 $0x1  }
0x2: {  	[smem:$0x3F98] =	sst lr;
	_ =	strace $0xD0000000  }
0x3: {  	_ = 	snop  }
0x4: {  	_ = 	snop  }
0x5: {  	_ = 	snop  }
0x6: {  	_ = 	snop  }
0x7: {  	_ = 	snop  }
__scs_overlays_trampoline_lowered:
0x8: {  	[smem:$0x3FA7] =	sst s0  }
0x9: {  	[smem:$0x3FA8] =	sst s1  }
0xa: {  	[smem:$0x3FA9] =	sst s2  }
0xb: {  	[smem:$0x3FAA] =	sst s3  }
0xc: {  	[smem:$0x3FAB] =	sst s4  }
0xd: {  	[smem:$0x3FAC] =	sst s5  }
0xe: {  	[smem:$0x3FAD] =	sst s6  }
0xf: {  	[smem:$0x3FAE] =	sst s7  }
0x10: {  	[smem:$0x3FAF] =	sst s8  }
0x11: {  	[smem:$0x3FB0] =	sst s9;
	s0 =	simm.s32 @!p0 $0x0  }
0x12: {  	s1 =	sld [smem:$0x3F96];
	s0 =	simm.s32 @p0 $0x1  }
0x13: {  	[smem:$0x3FB1] =	sst s0;
	s0 =	simm.s32 @!p1 $0x0  }
0x14: {  	s2 =	sld [smem:$0x3F95];
	s0 =	simm.s32 @p1 $0x1  }
0x15: {  	[smem:$0x3FB2] =	sst s0;
	s0 =	simm.s32 @!p2 $0x0  }
0x16: {  	s3 =	sld [smem:$0x3FDB];
	s0 =	simm.s32 @p2 $0x1  }
0x17: {  	s4 =	simm.s32 $0x1BF5;
	[smem:$0x3FB4] =	sst s0  }
0x18: {  	s0 =	sld [smem:$0x3F97];
	_ =	swait.ge [sflag:s4], $0x0  }
0x19: {  	s7 =	sld [smem:$0x3F98]  }
0x1a: {  	s8 =	sadd.s32 $0xFFFFE003, lr  }
0x1b: {  	s9 =	sadd.s32 $0xFFFFFEF7, lr;
	s5 =	simm.s32 $0xFFFFFFFF;
	p2 =	slt.u32 s8, $0xFFFFF086  }
0x1c: {  	p1 =	slt.u32 s9, $0xF7A;
	s5 =	simm.s32 @!p2 $0x0  }
0x1d: {  	s5 =	simm.s32 @p1 $0x1;
	p0 =	seq.s32 s7, s2  }
0x1e: {  	s7 =	smul.u32 @!p0 $0xF7A, s2;
	p2 =	seq.s32 @!p0 s5, $0x0  }
0x1f: {  	s9 =	smul.u32 $0xF7A, s1;
	s8 =	simm.s32 @!p0 $0x1BF5;
	p2 =	por !p2, p0  }
0x20: {  	[sflag:s8] =	ssyncset.s32 @!p0 $0xFFFFF086;
	s6 =	sadd.s32 @!p0 s3, s7;
	s7 =	simm.s32 @!p0 $0x108  }
0x21: {  	s3 =	sadd.s32 s3, s9;
	s6 =	sadd.s32 @!p0 $0x88, s6;
	s7 =	simm.s32 @p2 $0x1082  }
0x22: {  	[simem:s7], [sflag:s8] =	dma.local @!p0 [hbm:s6], $0xF7A  }
0x23: {  	s9 =	sor.u32 $0xD0000000, s2;
	s6 =	simm.s32 $0x108;
	_ =	swait.ge @!p0 [sflag:s8], $0x0  }
0x24: {  	s3 =	sadd.s32 $0x88, s3;
	s6 =	simm.s32 @!p1 $0x1082;
	[sflag:s4] =	ssyncset.s32 $0xFFFFF086  }
0x25: {  	[simem:s6], [sflag:s4] =	dma.local [hbm:s3], $0xF7A  }
0x26: {  	[smem:$0x3F98] =	sst s1;
	(tag) =	ssettag s2;
	_ =	strace s9  }
0x27: {  	s1 =	sld [smem:$0x3FA8]  }
0x28: {  	s2 =	sld [smem:$0x3FA9]  }
0x29: {  	s4 =	sld [smem:$0x3FAB]  }
0x2a: {  	p0 =	seq.s32 s5, $0x0;
	s5 =	sld [smem:$0x3FAC]  }
0x2b: {  	s6 =	sld [smem:$0x3FAD]  }
0x2c: {  	s7 =	sld [smem:$0x3FAE]  }
0x2d: {  	s3 =	simm.s32 $0x108;
	s8 =	sld [smem:$0x3FAF]  }
0x2e: {  	s3 =	simm.s32 @!p0 $0x1082;
	s9 =	sld [smem:$0x3FB0]  }
0x2f: {  	lr =	sadd.s32 s0, s3;
	s0 =	sld [smem:$0x3FA7]  }
0x30: {  	s3 =	sld [smem:$0x3FAA]  }
0x31: {  	[smem:$0x3FB3] =	sst s10  }
0x32: {  	s10 =	sld [smem:$0x3FB1];
	_ =	sdelay $0x3  }
0x33: {  	p0 =	seq.s32 s10, $0x1;
	s10 =	sld [smem:$0x3FB3];
	_ =	sdelay $0x3  }
0x34: {  	[smem:$0x3FB3] =	sst s10  }
0x35: {  	s10 =	sld [smem:$0x3FB2];
	_ =	sdelay $0x3  }
0x36: {  	p1 =	seq.s32 s10, $0x1;
	s10 =	sld [smem:$0x3FB3];
	_ =	sdelay $0x3  }
0x37: {  	[smem:$0x3FB3] =	sst s10  }
0x38: {  	s10 =	sld [smem:$0x3FB4]  }
0x39: {  	_ = 	snop;
	(pc) =	sbr.ind lr, $3  }
0x3a: {  	_ = 	snop  }
0x3b: {  	_ = 	snop  }
0x3c: {  	p2 =	seq.s32 s10, $0x1;
	s10 =	sld [smem:$0x3FB3]  }
0x3d: {  	_ =	shalt  }
0x3e: {  	_ =	shalt  }
0x3f: {  	_ =	shalt  }
0x40: {  	_ =	shalt  }
0x41: {  	_ =	shalt  }
0x42: {  	_ =	shalt  }
0x43: {  	_ =	shalt  }
0x44: {  	_ =	shalt  }
0x45: {  	_ =	shalt  }
0x46: {  	_ =	shalt  }
0x47: {  	_ =	shalt  }
0x48: {  	_ =	shalt  }
0x49: {  	_ =	shalt  }
0x4a: {  	_ =	shalt  }
0x4b: {  	_ =	shalt  }
0x4c: {  	_ =	shalt  }
0x4d: {  	_ =	shalt  }
0x4e: {  	_ =	shalt  }
0x4f: {  	_ =	shalt  }
0x50: {  	_ =	shalt  }
0x51: {  	_ =	shalt  }
0x52: {  	_ =	shalt  }
0x53: {  	_ =	shalt  }
0x54: {  	_ =	shalt  }
0x55: {  	_ =	shalt  }
0x56: {  	_ =	shalt  }
0x57: {  	_ =	shalt  }
0x58: {  	_ =	shalt  }
0x59: {  	_ =	shalt  }
0x5a: {  	_ =	shalt  }
0x5b: {  	_ =	shalt  }
0x5c: {  	_ =	shalt  }
0x5d: {  	_ =	shalt  }
0x5e: {  	_ =	shalt  }
0x5f: {  	_ =	shalt  }
0x60: {  	_ =	shalt  }
0x61: {  	_ =	shalt  }
0x62: {  	_ =	shalt  }
0x63: {  	_ =	shalt  }
0x64: {  	_ =	shalt  }
0x65: {  	_ =	shalt  }
0x66: {  	_ =	shalt  }
0x67: {  	_ =	shalt  }
0x68: {  	_ =	shalt  }
0x69: {  	_ =	shalt  }
0x6a: {  	_ =	shalt  }
0x6b: {  	_ =	shalt  }
0x6c: {  	_ =	shalt  }
0x6d: {  	_ =	shalt  }
0x6e: {  	_ =	shalt  }
0x6f: {  	_ =	shalt  }
0x70: {  	_ =	shalt  }
0x71: {  	_ =	shalt  }
0x72: {  	_ =	shalt  }
0x73: {  	_ =	shalt  }
0x74: {  	_ =	shalt  }
0x75: {  	_ =	shalt  }
0x76: {  	_ =	shalt  }
0x77: {  	_ =	shalt  }
0x78: {  	_ =	shalt  }
0x79: {  	_ =	shalt  }
0x7a: {  	_ =	shalt  }
0x7b: {  	_ =	shalt  }
0x7c: {  	_ =	shalt  }
0x7d: {  	_ =	shalt  }
0x7e: {  	_ =	shalt  }
0x7f: {  	_ =	shalt  }
0x80: {  	_ =	shalt  }
0x81: {  	_ =	shalt  }
0x82: {  	_ =	shalt  }
0x83: {  	_ =	shalt  }
0x84: {  	_ =	shalt  }
0x85: {  	_ =	shalt  }
0x86: {  	_ =	shalt  }
0x87: {  	_ =	shalt  }
.Lfunc_end0:
.L_simem_size_0:
called_computation_lowered:
.L_overlay_start_0:
0x88: {  	s2 =	sld [smem:$0x3FD9]  }
0x89: {  	s3 =	sld [smem:$0x3FFE];
	_ =	sdelay $0x1  }
0x8a: {  	s1 =	srdreg.scid  }
0x8b: {  	s0 =	sand.u32 $0x1, s1  }
0x8c: {  	s17 =	sshll.u32 s0, $0xA;
	s2 =	sadd.s32 s3, s2  }
0x8d: {  	s2 =	sadd.s32 s2, s17  }
0x8e: {  	[smem:$0x3FBF] =	sst s2  }
0x8f: {  	_ = 	snop  }
0x90: {  	s2 =	sld [smem:$0x3FC8]  }
0x91: {  	s18 =	sld [smem:$0x3FD0];
	(tm) =	ssettm $0x1  }
0x92: {  	s4 =	sld [smem:$0x3FFB];
	_ =	sdelay $0x3  }
0x93: {  	_ =	strace s4  }
0x94: {  	s4 =	sld [smem:$0x3FFC];
	_ =	sdelay $0x3  }
0x95: {  	_ =	strace s4  }
0x96: {  	s4 =	sld [smem:$0x3FFD];
	_ =	sdelay $0x3  }
0x97: {  	_ =	strace s4  }
0x98: {  	_ =	strace $0x8FFFFFFF  }
0x99: {  	s19 =	sld [smem:$0x3FDB];
	_ =	sdelay $0x1  }
0x9a: {  	s5 =	simm.s32 $_scs_section_size  }
0x9b: {  	s6 =	simm.s32 $_size__tile_overlayer_lowered;
	s7 =	simm.s32 $_tile_overlayer_lowered  }
0x9c: {  	s22 =	simm.s32 $0x1BFF;
	s21 =	sshll.u32 s7, $0x1;
	s4 =	sadd.s32 s5, s19  }
0x9d: {  	s8 =	simm.s32 $0x0;
	s20 =	sshll.u32 s6, $0x1;
	s6 =	sadd.s32 s21, s4  }
0x9e: {  	[timem:s8], [sflag:s22] =	dma.local [hbm:s6], s20  }
0x9f: {  	_ =	swait.ge [sflag:s22], s20  }
0xa0: {  	s5 =	ssub.s32 $0x0, s20;
	[sflag:s22] =	ssyncset.done $0x0  }
0xa1: {  	[sflag:s22] =	ssyncadd.s32 s5;
	_ =	sdelay $0x1  }
0xa2: {  	s23 =	simm.s32 $0x1B8B  }
0xa3: {  	_ =	swait.ge [sflag:s23], $0x1  }
0xa4: {  	[sflag:s23] =	ssyncset.done $0x0  }
0xa5: {  	s25 =	simm.s32 $0x1B8E;
	s24 =	sld [smem:$0x3FFE];
	[sflag:s23] =	ssyncadd.s32 $0xFFFFFFFF  }
0xa6: {  	s26 =	simm.s32 $execute0_lowered;
	[smem:$0x3FD2] =	sst s25  }
0xa7: {  	s6 =	sshll.u32 s26, $0x1;
	_ =	strace $0x80000046;
	[dreg:$0x1] =	wrdreg $0xFFFFFFFF  }
0xa8: {  	s28 =	simm.s32 $_size_execute0_lowered;
	s4 =	sadd.s32 s4, s6;
	[dreg:$0x0] =	wrdreg $0x0  }
0xa9: {  	s6 =	sshll.u32 s28, $0x1;
	[dreg:$0x2] =	wrdreg s4  }
0xaa: {  	[dreg:$0x3] =	wrdreg s6  }
0xab: {  	[dreg:$0x4] =	wrdreg $0xC0  }
0xac: {  	_ =	task [dreg:s8], $0x5FFFF  }
0xad: {  	[dreg:$0x1] =	wrdreg $0xFFFFFFFF  }
0xae: {  	[dreg:$0x0] =	wrdreg $0x60  }
0xaf: {  	[dreg:$0x2] =	wrdreg s24  }
0xb0: {  	[dreg:$0x3] =	wrdreg s2  }
0xb1: {  	[dreg:$0x4] =	wrdreg s18  }
0xb2: {  	[dreg:$0x5] =	wrdreg $0x53200  }
0xb3: {  	[dreg:$0x6] =	wrdreg $0x9  }
0xb4: {  	_ =	task.clear_ibuf [dreg:s8], $0x7FFFF;
	_ =	strace $0x90000046  }
0xb5: {  	s29 =	simm.s32 $0x9;
	_ =	strace $0x80000048  }
0xb6: {  	_ =	swait.ge [sflag:s29], $0x1  }
0xb7: {  	[sflag:s29] =	ssyncadd.s32 $0xFFFFFFFF  }
0xb8: {  	_ =	strace $0x90000048  }
0xb9: {  	_ =	sfence  }
0xba: {  	s30 =	sld [smem:$0x0];
	_ =	sdelay $0x2  }
0xbb: {  	s31 =	sshll.u32 s1, $0xD;
	s1 =	sshrl.u32 s1, $0x2  }
0xbc: {  	s3 =	sand.u32 $0x4000, s31;
	s1 =	sadd.s32 s1, s30  }
0xbd: {  	s0 =	sor.u32 s3, s0;
	s1 =	sshll.u32 s1, $0x11  }
0xbe: {  	s0 =	sor.u32 s1, s0  }
0xbf: {  	s0 =	sadd.s32 $0x8F2B, s0  }
0xc0: {  	[sflag:s0] =	ssyncadd.remote.s32 $0x1  }
0xc1: {  	_ =	sfence.sel $0xFFFF  }
0xc2: {  	[dreg:$0x0] =	wrdreg $0xFFFFFFFF;
	(pc) =	sbr.abs _section_cstart, $3  }
0xc3: {  	[dreg:$0x1] =	wrdreg $0xFFFFFFFF  }
0xc4: {  	_ =	task.clear_ibuf [dreg:s8], $0x2FFFF;
	_ =	strace $0x9FFFFFFF  }
0xc5: {  	(tm) =	ssettm $0x7FFFFFFF  }
tec
execute0_lowered:
.L_overlay_start_1:
0x0: {  	(tag) =	ssettag $0x1  }
0x1: {  	s5 =	rddreg [dreg:$0x0]  }
0x2: {  	s8 =	rddreg [dreg:$0x1]  }
0x3: {  	s0 =	srdreg.scid;
	s2 =	rddreg [dreg:$0x2]  }
0x4: {  	s3 =	rddreg [dreg:$0x3];
	s4 =	simm.s32 $0x0;
	s15 =	simm.s32 $0x5020  }
0x5: {  	s16 =	simm.s32 $0x5120;
	s17 =	simm.s32 $0x5220;
	s18 =	simm.s32 $0x1  }
0x6: {  	s19 =	simm.s32 $0x2;
	s6 =	sand.u32 $0x1, s0;
	s0 =	stileid.u32  }
0x7: {  	[smem:$0x7FF] =	sst s4;
	s1 =	sshll.u32 s6, $0x4;
	s29 =	smul.u32 $0x2800, s0  }
0x8: {  	s10 =	smul.u32 $0x5000, s6;
	s6 =	ssub.s32 $0x2, s6;
	s31 =	sshll.u32 s0, $0x6  }
0x9: {  	s7 =	sor.u32 s0, s1;
	s1 =	rddreg [dreg:$0x4];
	_ =	strace $0x80000047  }
0xa: {  	s30 =	sshrl.u32 s6, $0x1;
	s9 =	smul.u32 $0x4E2, s7;
	s20 =	sshrl.u32 s29, $0x3  }
0xb: {  	s10 =	sadd.s32 s10, s5;
	s13 =	ssub.s32 s6, s30;
	s14 =	sadd.s32 s29, s3  }
0xc: {  	s6 =	sor.u32 $0x1C03, s31;
	s12 =	sadd.s32 s20, s5;
	s21 =	sadd.s32 $0x1AA00, s10  }
0xd: {  	s10 =	sshrl.u32 s14, $0x3;
	s14 =	simm.s32 $0x4F20;
	s11 =	sadd.s32 s9, s5  }
0xe: {  	s5 =	sadd.s32 $0x15A00, s12;
	s8 =	sadd.s32 s8, s9;
	s9 =	smax.u32 s13, $0x1  }
0xf: {  	s12 =	simm.s32 $0x2710;
	s13 =	simm.s32 $0x4E20;
	s20 =	sadd.s32 s20, s21  }
0x10: {  	vm0 =	vmmov $0xffff;
	s21 =	simm.s32 $0x0;
	s7 =	sadd.s32 $0x1E00, s11;
	s11 =	simm.s32 $0x3  }
.LBB2_1:
0x11: {  	[spmem:s10], [sflag:s6] =	dma.local [hbm:s5], $0x500  }
0x12: {  	_ =	swait.ge [sflag:s11], $0x500  }
0x13: {  	[sflag:s11] =	ssyncset.done $0x0  }
0x14: {  	[sflag:s11] =	ssyncadd.s32 $0xFFFFFB00  }
0x15: {  	[tilespmem:s4], [sflag:$0x3] =	stream.linear.gather [hbm4b:s7+s4], $0x2710, $0x38;
	[tilespmem:$0x7B20] =	vst v63  }
0x16: {  	_ =	swait.ge [sflag:s11], $0x2710  }
0x17: {  	[sflag:s11] =	ssyncset.done $0x0  }
0x18: {  	[sflag:s11] =	ssyncadd.s32 $0xFFFFD8F0  }
0x19: {  	[tilespmem:s12], [sflag:$0x3] =	stream.linear.gather [hbm4b:s8+s4], $0x2710, $0x38;
	[tilespmem:$0x7B20] =	vst v63  }
0x1a: {  	_ =	swait.ge [sflag:s11], $0x2710  }
0x1b: {  	[sflag:s11] =	ssyncset.done $0x0  }
0x1c: {  	[sflag:s11] =	ssyncadd.s32 $0xFFFFD8F0  }
0x1d: {  	s22 =	simm.s32 $0x0;
	[bflag:$0x0] =	sbarrier.arrive $0xFFFF  }
.LBB2_2:
0x1e: {  	s23 =	sshra.s32 s22, $0x2  }
0x1f: {  	v0 =	vld [tilespmem:s23+$0x2710];
	_ =	sdelay $0x7  }
0x20: {  	[tilespmem:s13], [sflag:$0x1] =	stream.indirect_vreg.gather [hbm4b:s2+s4], $0x10, v0, vm0, $0xb8;
	[tilespmem:$0x7B20] =	vst v63  }
0x21: {  	v0 =	vld [tilespmem:s23+$0x2720];
	_ =	sdelay $0x7  }
0x22: {  	[tilespmem:s14], [sflag:$0x1] =	stream.indirect_vreg.gather [hbm4b:s2+s4], $0x10, v0, vm0, $0xb8;
	[tilespmem:$0x7B20] =	vst v63  }
0x23: {  	v0 =	vld [tilespmem:s23+$0x2730];
	_ =	sdelay $0x7  }
0x24: {  	[tilespmem:s15], [sflag:$0x1] =	stream.indirect_vreg.gather [hbm4b:s2+s4], $0x10, v0, vm0, $0xb8;
	[tilespmem:$0x7B20] =	vst v63  }
0x25: {  	v0 =	vld [tilespmem:s23+$0x2740];
	_ =	sdelay $0x7  }
0x26: {  	[tilespmem:s16], [sflag:$0x1] =	stream.indirect_vreg.gather [hbm4b:s2+s4], $0x10, v0, vm0, $0xb8;
	[tilespmem:$0x7B20] =	vst v63  }
0x27: {  	v0 =	vld [tilespmem:s23+$0x2750];
	_ =	sdelay $0x7  }
0x28: {  	[tilespmem:s17], [sflag:$0x1] =	stream.indirect_vreg.gather [hbm4b:s2+s4], $0x10, v0, vm0, $0xb8;
	[tilespmem:$0x7B20] =	vst v63  }
0x29: {  	_ =	swait.ge [sflag:s18], $0x100  }
0x2a: {  	[sflag:s18] =	ssyncset.done $0x0  }
0x2b: {  	[sflag:s18] =	ssyncadd.s32 $0xFFFFFF00  }
0x2c: {  	_ =	swait.ge [sflag:s18], $0x100  }
0x2d: {  	[sflag:s18] =	ssyncset.done $0x0  }
0x2e: {  	[sflag:s18] =	ssyncadd.s32 $0xFFFFFF00  }
0x2f: {  	_ =	swait.ge [sflag:s18], $0x100  }
0x30: {  	[sflag:s18] =	ssyncset.done $0x0  }
0x31: {  	[sflag:s18] =	ssyncadd.s32 $0xFFFFFF00  }
0x32: {  	_ =	swait.ge [sflag:s18], $0x100  }
0x33: {  	[sflag:s18] =	ssyncset.done $0x0  }
0x34: {  	[sflag:s18] =	ssyncadd.s32 $0xFFFFFF00  }
0x35: {  	_ =	swait.ge [sflag:s18], $0x100  }
0x36: {  	[sflag:s18] =	ssyncset.done $0x0  }
0x37: {  	[sflag:s18] =	ssyncadd.s32 $0xFFFFFF00  }
0x38: {  	v63 =	vld [tilespmem:s23+$0x0];
	_ =	sdelay $0x7  }
0x39: {  	[spmem:s3] =	stream.indirect_vreg.scatter.add.f32 [tilespmem:s13], [sflag:$0x2], $0x10, v63, vm0, $0xb8;
	[tilespmem:$0x7B20] =	vst v63  }
0x3a: {  	v0 =	vld [tilespmem:s23+$0x10];
	_ =	sdelay $0x7  }
0x3b: {  	[spmem:s3] =	stream.indirect_vreg.scatter.add.f32 [tilespmem:s14], [sflag:$0x2], $0x10, v0, vm0, $0xb8;
	[tilespmem:$0x7B20] =	vst v63  }
0x3c: {  	v0 =	vld [tilespmem:s23+$0x20];
	_ =	sdelay $0x7  }
0x3d: {  	[spmem:s3] =	stream.indirect_vreg.scatter.add.f32 [tilespmem:s15], [sflag:$0x2], $0x10, v0, vm0, $0xb8;
	[tilespmem:$0x7B20] =	vst v63  }
0x3e: {  	v0 =	vld [tilespmem:s23+$0x30];
	_ =	sdelay $0x7  }
0x3f: {  	[spmem:s3] =	stream.indirect_vreg.scatter.add.f32 [tilespmem:s16], [sflag:$0x2], $0x10, v0, vm0, $0xb8;
	[tilespmem:$0x7B20] =	vst v63  }
0x40: {  	v0 =	vld [tilespmem:s23+$0x40];
	_ =	sdelay $0x7  }
0x41: {  	[spmem:s3] =	stream.indirect_vreg.scatter.add.f32 [tilespmem:s17], [sflag:$0x2], $0x10, v0, vm0, $0xb8;
	[tilespmem:$0x7B20] =	vst v63  }
0x42: {  	_ =	swait.ge [sflag:s19], $0x100  }
0x43: {  	[sflag:s19] =	ssyncset.done $0x0  }
0x44: {  	[sflag:s19] =	ssyncadd.s32 $0xFFFFFF00  }
0x45: {  	_ =	swait.ge [sflag:s19], $0x100  }
0x46: {  	[sflag:s19] =	ssyncset.done $0x0  }
0x47: {  	[sflag:s19] =	ssyncadd.s32 $0xFFFFFF00  }
0x48: {  	_ =	swait.ge [sflag:s19], $0x100  }
0x49: {  	[sflag:s19] =	ssyncset.done $0x0  }
0x4a: {  	[sflag:s19] =	ssyncadd.s32 $0xFFFFFF00  }
0x4b: {  	p0 =	sne.s32 s22, $0x9B00;
	_ =	swait.ge [sflag:s19], $0x100  }
.Ltmp0:
0x4c: {  	[sflag:s19] =	ssyncset.done $0x0;
	(pc) =	sbr.rel @p0 .LBB2_2-.Ltmp0, $4  }
0x4d: {  	[sflag:s19] =	ssyncadd.s32 $0xFFFFFF00  }
0x4e: {  	_ =	swait.ge [sflag:s19], $0x100  }
0x4f: {  	[sflag:s19] =	ssyncset.done $0x0  }
0x50: {  	s22 =	sadd.s32 $0x140, s22;
	[sflag:s19] =	ssyncadd.s32 $0xFFFFFF00  }
0x51: {  	s21 =	sadd.s32 $0x1, s21  }
0x52: {  	p0 =	sne.s32 s21, s9  }
.Ltmp1:
0x53: {  	[bflag:$0x0] =	sbarrier.arrive $0xFFFF;
	(pc) =	sbr.rel @p0 .LBB2_1-.Ltmp1, $4  }
0x54: {  	[hbm:s20], [sflag:s6] =	dma.local [spmem:s10], $0x500  }
0x55: {  	_ =	swait.ge [sflag:s11], $0x500  }
0x56: {  	[sflag:s11] =	ssyncset.done $0x0  }
0x57: {  	[sflag:s11] =	ssyncadd.s32 $0xFFFFFB00  }
0x58: {  	_ =	sfence.sel $0x180000  }
0x59: {  	[bflag:$0x0] =	sbarrier.arrive $0xFFFF  }
0x5a: {  	p0 =	sne.s32 s0, $0x0;
	_ =	strace $0x90000047  }
0x5b: {  	s0 =	sadd.s32 @!p0 $0x100000, s1;
	[bflag:$0x2] =	sbarrier.arrive $0xFFFF  }
0x5c: {  	[sflag:s0] =	ssyncadd.tile.s32 @!p0 $0x1;
	_ =	shalt  }
.Lfunc_end2:
_tile_overlayer_lowered:
.L_overlay_start_2:
0x5d: {  	(tag) =	ssettag $0x2  }
0x5e: {  	s0 =	rddreg [dreg:$0x0];
	s2 =	stileid.u32  }
0x5f: {  	s1 =	rddreg [dreg:$0x1];
	p0 =	sne.s32 s2, $0x0  }
0x60: {  	s3 =	rddreg [dreg:$0x2];
	[bflag:$0x3] =	sbarrier.arrive $0xFFFF;
	s2 =	simm.s32 @!p0 $0x1C03  }
0x61: {  	[timem:s3], [sflag:s2] =	dma.local @!p0 [hbm:s0], s1  }
0x62: {  	s0 =	simm.s32 @!p0 $0x3  }
0x63: {  	_ =	swait.ge @!p0 [sflag:s0], s1  }
0x64: {  	s1 =	ssub.s32 @!p0 $0x0, s1;
	[sflag:s0] =	ssyncset.done @!p0 $0x0  }
0x65: {  	[sflag:s0] =	ssyncadd.s32 @!p0 s1  }
0x66: {  	[bflag:$0x3] =	sbarrier.arrive $0xFFFF  }
0x67: {  	_ =	shalt  }

</sc_bundles>
